<compile_context>
chip_gen: v7x
topology: tpu7x:2x2x1
jax: 0.10.2.dev20260603
libtpu: 0.0.44.dev20260713+nightly
codegen_flags: <defaults>
</compile_context>

<pallas_src>
import functools

import jax
import jax.numpy as jnp
from jax import lax
from jax.experimental import pallas as pl
from jax.experimental.pallas import tpu as pltpu
from jax.experimental.pallas import tpu_sc as plsc

N_NODES = 10000
N_HEDGES = 10000
NNZ = 320000
D = 128
G = 8
CW = 16

NC, NS = 2, 16
NW = NC * NS
K = 128
NP = 10240
EPT = NP
NNZ_P = NW * EPT
NBLK = EPT // K
RPT = NP // NS

RB = 5000
NRB = N_NODES // RB


@functools.cache
def _make_sc_pass(with_counts):
    mesh = plsc.VectorSubcoreMesh(
        core_axis_name="c", subcore_axis_name="s", num_cores=NC, num_subcores=NS)

    if with_counts:
        out_type = (
            jax.ShapeDtypeStruct((NC, NP, D), jnp.float32),
            jax.ShapeDtypeStruct((NC, NP, CW), jnp.float32),
        )
        extra = [
            pltpu.VMEM((K, CW), jnp.float32),
            pltpu.VMEM_SHARED((NP, CW), jnp.float32),
            pltpu.SemaphoreType.DMA,
        ]
    else:
        out_type = jax.ShapeDtypeStruct((NC, NP, D), jnp.float32)
        extra = []

    @functools.partial(
        pl.kernel,
        out_type=out_type,
        mesh=mesh,
        scratch_types=[
            pltpu.VMEM((4, 2, K), jnp.int32),
            pltpu.VMEM((K, D), jnp.float32),
            pltpu.VMEM((K, D), jnp.float32),
        ] + extra + [
            pltpu.VMEM_SHARED((NP, D), jnp.float32),
            pltpu.SemaphoreType.DMA,
            pltpu.SemaphoreType.DMA,
            pltpu.SemaphoreType.DMA,
            pltpu.SemaphoreType.DMA,
            pltpu.SemaphoreType.DMA,
            pltpu.SemaphoreType.DMA,
        ],
        compiler_params=pltpu.CompilerParams(use_tc_tiling_on_sc=False),
    )
    def _sc_pass(table, idx, zeros, zeros_c, ones, *rest):
        if with_counts:
            (out, out_c, ring, rows0, rows1, ones_v, acc_c, sem_o, acc,
             sem0, sem1, si0, si1, si2, si3) = rest
        else:
            (out, ring, rows0, rows1, acc,
             sem0, sem1, si0, si1, si2, si3) = rest
        c = lax.axis_index("c")
        s = lax.axis_index("s")
        w = c * NS + s
        sis = (si0, si1, si2, si3)

        pltpu.sync_copy(idx.at[w, 0], ring.at[0])
        pltpu.sync_copy(idx.at[w, 1], ring.at[1])
        pltpu.async_copy(idx.at[w, 2], ring.at[2], si2)
        pltpu.async_copy(idx.at[w, 3], ring.at[3], si3)
        pltpu.async_copy(table.at[ring.at[0, 0]], rows0, sem0)
        pltpu.async_copy(table.at[ring.at[1, 0]], rows1, sem1)
        pltpu.sync_copy(zeros, acc.at[pl.ds(s * RPT, RPT)])
        if with_counts:
            pltpu.sync_copy(ones, ones_v)
            pltpu.sync_copy(zeros_c, acc_c.at[pl.ds(s * RPT, RPT)])
        plsc.subcore_barrier()

        def body(i, carry):
            j = i * 4
            for p in range(4):
                b = j + p
                rbuf = rows0 if p % 2 == 0 else rows1
                rsem = sem0 if p % 2 == 0 else sem1
                gslot = (p + 2) % 4
                pltpu.make_async_copy(
                    table.at[ring.at[p, 0]], rbuf, rsem).wait()
                if with_counts:
                    pltpu.async_copy(
                        ones_v, acc_c.at[ring.at[p, 1]], sem_o, add=True)
                pltpu.sync_copy(rbuf, acc.at[ring.at[p, 1]], add=True)
                if with_counts:
                    pltpu.make_async_copy(
                        ones_v, acc_c.at[ring.at[p, 1]], sem_o).wait()

                @pl.when(b + 4 < NBLK)
                def _():
                    pltpu.async_copy(idx.at[w, b + 4], ring.at[p], sis[p])

                @pl.when(b + 2 < NBLK)
                def _():
                    pltpu.make_async_copy(
                        idx.at[w, b + 2], ring.at[gslot], sis[gslot]).wait()
                    pltpu.async_copy(
                        table.at[ring.at[gslot, 0]], rbuf, rsem)

            return carry

        lax.fori_loop(0, NBLK // 4, body, 0)
        plsc.subcore_barrier()
        pltpu.sync_copy(acc.at[pl.ds(s * RPT, RPT)],
                        out.at[c, pl.ds(s * RPT, RPT)])
        if with_counts:
            pltpu.sync_copy(acc_c.at[pl.ds(s * RPT, RPT)],
                            out_c.at[c, pl.ds(s * RPT, RPT)])

    return _sc_pass


def _prep_body(x_ref, w0_ref, b0_ref, w1_ref, out_ref):
    h = jnp.maximum(
        jnp.dot(x_ref[...], w0_ref[...], preferred_element_type=jnp.float32)
        + b0_ref[...], 0.0)
    out_ref[...] = jnp.dot(h, w1_ref[...], preferred_element_type=jnp.float32)


def _safe_inv(v):
    return jnp.where(v > 0, 1.0 / jnp.where(v > 0, v, 1.0), 0.0)


def _combine_body(p_ref, pc_ref, out_ref):
    p = p_ref[0] + p_ref[1]
    cnt = (pc_ref[0] + pc_ref[1])[:, 0:1]
    out_ref[...] = p * _safe_inv(cnt)


def _post1_body(p_ref, pc_ref, bc_ref, w2_ref, batch_ref,
                y2_ref, pool_ref, cnt_ref):
    i = pl.program_id(0)
    p = p_ref[0] + p_ref[1]
    d = (pc_ref[0] + pc_ref[1])[:, 0:1]
    h = jnp.maximum(p * _safe_inv(d) + bc_ref[...], 0.0)
    y2_ref[...] = jnp.dot(h, w2_ref[...], preferred_element_type=jnp.float32)
    b = batch_ref[0]
    gi = lax.broadcasted_iota(jnp.int32, (G, RB), 0)
    oh = (gi == b).astype(jnp.float32)

    @pl.when(i == 0)
    def _():
        pool_ref[...] = jnp.zeros_like(pool_ref)
        cnt_ref[...] = jnp.zeros_like(cnt_ref)

    pool_ref[...] += jnp.dot(oh, h, preferred_element_type=jnp.float32)
    cnt_ref[...] += jnp.sum(oh, axis=1, keepdims=True)


def _post2_body(p_ref, pc_ref, bc_ref, batch_ref, p1_ref, c_ref, wl_ref,
                bl_ref, w1_ref, b1_ref, g1_ref, be1_ref, w2_ref, b2_ref,
                g2_ref, be2_ref, wo_ref, pool_ref, out_ref):
    i = pl.program_id(0)
    p = p_ref[0] + p_ref[1]
    d = (pc_ref[0] + pc_ref[1])[:, 0:1]
    h = jnp.maximum(p * _safe_inv(d) + bc_ref[...], 0.0)
    b = batch_ref[0]
    gi = lax.broadcasted_iota(jnp.int32, (G, RB), 0)
    oh = (gi == b).astype(jnp.float32)

    @pl.when(i == 0)
    def _():
        pool_ref[...] = jnp.zeros_like(pool_ref)

    pool_ref[...] += jnp.dot(oh, h, preferred_element_type=jnp.float32)

    @pl.when(i == NRB - 1)
    def _():
        cnt = jnp.maximum(c_ref[...], 1.0)
        p1 = p1_ref[...] / cnt
        p2 = pool_ref[...] / cnt
        glob = jnp.concatenate([p1, p2], axis=1)
        he = (jnp.dot(glob, wl_ref[...], preferred_element_type=jnp.float32)
              + bl_ref[...])
        s = 0.9999950000374997
        m = jnp.maximum(
            (jnp.dot(he, w1_ref[...], preferred_element_type=jnp.float32)
             + b1_ref[...]) * s * g1_ref[...] + be1_ref[...], 0.0)
        m = jnp.maximum(
            (jnp.dot(m, w2_ref[...], preferred_element_type=jnp.float32)
             + b2_ref[...]) * s * g2_ref[...] + be2_ref[...], 0.0)
        out_ref[...] = jnp.dot(m, wo_ref[...], preferred_element_type=jnp.float32)


def _full(shape):
    return pl.BlockSpec(shape, lambda i: tuple(0 for _ in shape))


_prep = pl.pallas_call(
    _prep_body,
    grid=(NRB,),
    in_specs=[
        pl.BlockSpec((RB, D), lambda i: (i, 0)),
        _full((D, D)),
        _full((1, D)),
        _full((D, D)),
    ],
    out_specs=pl.BlockSpec((RB, D), lambda i: (i, 0)),
    out_shape=jax.ShapeDtypeStruct((N_NODES, D), jnp.float32),
)

_combine = pl.pallas_call(
    _combine_body,
    grid=(NRB,),
    in_specs=[
        pl.BlockSpec((NC, RB, D), lambda i: (0, i, 0)),
        pl.BlockSpec((NC, RB, CW), lambda i: (0, i, 0)),
    ],
    out_specs=pl.BlockSpec((RB, D), lambda i: (i, 0)),
    out_shape=jax.ShapeDtypeStruct((N_NODES, D), jnp.float32),
)

_post1 = pl.pallas_call(
    _post1_body,
    grid=(NRB,),
    in_specs=[
        pl.BlockSpec((NC, RB, D), lambda i: (0, i, 0)),
        pl.BlockSpec((NC, RB, CW), lambda i: (0, i, 0)),
        _full((1, D)),
        _full((D, D)),
        pl.BlockSpec((1, 1, RB), lambda i: (i, 0, 0)),
    ],
    out_specs=(
        pl.BlockSpec((RB, D), lambda i: (i, 0)),
        pl.BlockSpec((G, D), lambda i: (0, 0)),
        pl.BlockSpec((G, 1), lambda i: (0, 0)),
    ),
    out_shape=(
        jax.ShapeDtypeStruct((N_NODES, D), jnp.float32),
        jax.ShapeDtypeStruct((G, D), jnp.float32),
        jax.ShapeDtypeStruct((G, 1), jnp.float32),
    ),
)

_post2 = pl.pallas_call(
    _post2_body,
    grid=(NRB,),
    in_specs=[
        pl.BlockSpec((NC, RB, D), lambda i: (0, i, 0)),
        pl.BlockSpec((NC, RB, CW), lambda i: (0, i, 0)),
        _full((1, D)),
        pl.BlockSpec((1, 1, RB), lambda i: (i, 0, 0)),
        _full((G, D)),
        _full((G, 1)),
        _full((256, D)),
        _full((1, D)),
        _full((D, 64)),
        _full((1, 64)),
        _full((1, 64)),
        _full((1, 64)),
        _full((64, 32)),
        _full((1, 32)),
        _full((1, 32)),
        _full((1, 32)),
        _full((32, 4)),
    ],
    out_specs=(
        pl.BlockSpec((G, D), lambda i: (0, 0)),
        pl.BlockSpec((G, 4), lambda i: (0, 0)),
    ),
    out_shape=(
        jax.ShapeDtypeStruct((G, D), jnp.float32),
        jax.ShapeDtypeStruct((G, 4), jnp.float32),
    ),
)


def kernel(x, edge_index, batch, W_first, b_first, Wc1, bc1, Wc2, bc2, W_lin,
           b_lin, Wm1, bm1, g1, be1, Wm2, bm2, g2, be2, Wout):
    f32 = jnp.float32
    node_idx = edge_index[0]
    hedge_idx = edge_index[1]

    npad = NNZ_P - NNZ
    pad_g = (jnp.arange(npad, dtype=jnp.int32) * 41) % N_NODES
    pad_s = N_HEDGES + jnp.arange(npad, dtype=jnp.int32) % (NP - N_HEDGES)
    gidx1 = jnp.concatenate([node_idx, pad_g]).reshape(NW, NBLK, K)
    sidx1 = jnp.concatenate([hedge_idx, pad_s]).reshape(NW, NBLK, K)
    gidx2 = jnp.concatenate([hedge_idx, pad_g]).reshape(NW, NBLK, K)
    sidx2 = jnp.concatenate([node_idx, pad_s]).reshape(NW, NBLK, K)
    idx1 = jnp.stack([gidx1, sidx1], axis=2)
    idx2 = jnp.stack([gidx2, sidx2], axis=2)

    zeros = jnp.zeros((RPT, D), f32)
    zeros_c = jnp.zeros((RPT, CW), f32)
    ones = jnp.ones((K, CW), f32)
    batch_r = batch.reshape(NRB, 1, RB)

    sc_c = _make_sc_pass(True)
    sc_n = _make_sc_pass(False)
    y1 = _prep(x, W_first, b_first.reshape(1, D), Wc1)
    pm1, cb = sc_c(y1, idx1, zeros, zeros_c, ones)
    m1 = _combine(pm1, cb)
    po1, cd = sc_c(m1, idx2, zeros, zeros_c, ones)
    y2, pool1, cntg = _post1(po1, cd, bc1.reshape(1, D), Wc2, batch_r)
    pm2 = sc_n(y2, idx1, zeros, zeros_c, ones)
    m2 = _combine(pm2, cb)
    po2 = sc_n(m2, idx2, zeros, zeros_c, ones)
    _pool2, out = _post2(po2, cd, bc2.reshape(1, D), batch_r, pool1, cntg,
                         W_lin, b_lin.reshape(1, D), Wm1, bm1.reshape(1, 64),
                         g1.reshape(1, 64), be1.reshape(1, 64), Wm2,
                         bm2.reshape(1, 32), g2.reshape(1, 32),
                         be2.reshape(1, 32), Wout)
    return out

# --- scband reference (transcript-rebuilt; emitter-appended) ---
"""Pipeline reference for scband-he-graph-hypergraph-surv-83494164234284 (READ-ONLY COPY).

The authoritative reference and input builder live on the scoring server;
editing this copy changes nothing except your own understanding.
"""

import jax, jax.numpy as jnp
import numpy as np

N_NODES = 10000
N_HEDGES = 10000
N_GRAPHS = 8
NNZ = 320000
D_FEAT = 128


def _hconv(x, node_idx, hedge_idx, W, b):
    # PyG HypergraphConv (no attention, unit hyperedge weights):
    # X' = D^{-1} H W B^{-1} H^T (X Theta) + bias
    x = x @ W
    ones = jnp.ones(node_idx.shape[0], dtype=x.dtype)
    D = jax.ops.segment_sum(ones, node_idx, num_segments=N_NODES)
    Dinv = jnp.where(D > 0, 1.0 / jnp.where(D > 0, D, 1.0), 0.0)
    B = jax.ops.segment_sum(ones, hedge_idx, num_segments=N_HEDGES)
    Binv = jnp.where(B > 0, 1.0 / jnp.where(B > 0, B, 1.0), 0.0)
    # node -> hyperedge (normalized by B)
    m = jax.ops.segment_sum(x[node_idx], hedge_idx, num_segments=N_HEDGES) * Binv[:, None]
    # hyperedge -> node (normalized by D)
    out = jax.ops.segment_sum(m[hedge_idx], node_idx, num_segments=N_NODES) * Dinv[:, None]
    return out + b


def _global_mean_pool(x, batch):
    s = jax.ops.segment_sum(x, batch, num_segments=N_GRAPHS)
    cnt = jax.ops.segment_sum(jnp.ones(x.shape[0], dtype=x.dtype), batch, num_segments=N_GRAPHS)
    return s / jnp.clip(cnt, 1.0, None)[:, None]


def _bn_eval(x, g, b):
    # BatchNorm1d in eval mode with fresh running stats (mean=0, var=1)
    return (x / jnp.sqrt(1.0 + 1e-5)) * g + b


def setup_inputs(seed: int = 0) -> dict:
    key = jax.random.key(seed)
    ks = jax.random.split(key, 24)
    s = 0.05
    x = jax.random.normal(ks[0], (N_NODES, D_FEAT), dtype=jnp.float32)
    edge_index = jax.random.randint(ks[1], (2, NNZ), 0, N_NODES, dtype=jnp.int32)
    batch = jnp.sort(jax.random.randint(ks[2], (N_NODES,), 0, N_GRAPHS, dtype=jnp.int32))
    inp = {
        'x': x,
        'edge_index': edge_index,
        'batch': batch,
        'W_first': jax.random.normal(ks[3], (128, 128), dtype=jnp.float32) * s,
        'b_first': jax.random.normal(ks[4], (128,), dtype=jnp.float32) * s,
        'Wc1': jax.random.normal(ks[5], (128, 128), dtype=jnp.float32) * s,
        'bc1': jax.random.normal(ks[6], (128,), dtype=jnp.float32) * s,
        'Wc2': jax.random.normal(ks[7], (128, 128), dtype=jnp.float32) * s,
        'bc2': jax.random.normal(ks[8], (128,), dtype=jnp.float32) * s,
        'W_lin': jax.random.normal(ks[9], (256, 128), dtype=jnp.float32) * s,
        'b_lin': jax.random.normal(ks[10], (128,), dtype=jnp.float32) * s,
        'Wm1': jax.random.normal(ks[11], (128, 64), dtype=jnp.float32) * s,
        'bm1': jax.random.normal(ks[12], (64,), dtype=jnp.float32) * s,
        'g1': jnp.ones((64,), dtype=jnp.float32),
        'be1': jnp.zeros((64,), dtype=jnp.float32),
        'Wm2': jax.random.normal(ks[13], (64, 32), dtype=jnp.float32) * s,
        'bm2': jax.random.normal(ks[14], (32,), dtype=jnp.float32) * s,
        'g2': jnp.ones((32,), dtype=jnp.float32),
        'be2': jnp.zeros((32,), dtype=jnp.float32),
        'Wout': jax.random.normal(ks[15], (32, 4), dtype=jnp.float32) * s,
    }
    return inp


def reference(x, edge_index, batch, W_first, b_first, Wc1, bc1, Wc2, bc2, W_lin, b_lin, Wm1, bm1, g1, be1, Wm2, bm2, g2, be2, Wout):
    node_idx = edge_index[0]
    hedge_idx = edge_index[1]
    # layer 0: Linear + ReLU
    h = jax.nn.relu(x @ W_first + b_first)
    # layer 1: HypergraphConv + ReLU, global mean pool
    h = jax.nn.relu(_hconv(h, node_idx, hedge_idx, Wc1, bc1))
    p1 = _global_mean_pool(h, batch)
    # layer 2: HypergraphConv + ReLU, global mean pool
    h = jax.nn.relu(_hconv(h, node_idx, hedge_idx, Wc2, bc2))
    p2 = _global_mean_pool(h, batch)
    glob = jnp.concatenate([p1, p2], axis=1)  # [N_GRAPHS, 256]
    he = glob @ W_lin + b_lin
    # risk prediction MLP (eval mode: dropout = identity, BN eval stats)
    m = jax.nn.relu(_bn_eval(he @ Wm1 + bm1, g1, be1))
    m = jax.nn.relu(_bn_eval(m @ Wm2 + bm2, g2, be2))
    out = m @ Wout  # [N_GRAPHS, surv_bins]
    return out

if __name__ == "__main__":
    import jax
    _d = setup_inputs()
    print(jax.jit(kernel)(*tuple(_d.values())))

</pallas_src>

<mosaic_0001>
#map = affine_map<(d0, d1) -> (0, 0)>
#map1 = affine_map<(d0, d1) -> (0, 0, 0, 0)>
#map2 = affine_map<(d0, d1) -> (0, 0, 0)>
module attributes {stable_mosaic.version = 14 : i64} {
  func.func @_sc_pass(%arg0: i32, %arg1: i32, %arg2: memref<10000x128xf32, #tpu.memory_space<hbm>>, %arg3: memref<32x80x2x128xi32, #tpu.memory_space<hbm>>, %arg4: memref<640x128xf32, #tpu.memory_space<hbm>>, %arg5: memref<640x16xf32, #tpu.memory_space<hbm>>, %arg6: memref<128x16xf32, #tpu.memory_space<hbm>>, %arg7: memref<2x10240x128xf32, #tpu.memory_space<hbm>>, %arg8: memref<2x10240x16xf32, #tpu.memory_space<hbm>>, %arg9: memref<4x2x128xi32, #tpu.memory_space<vmem>>, %arg10: memref<128x128xf32, #tpu.memory_space<vmem>>, %arg11: memref<128x128xf32, #tpu.memory_space<vmem>>, %arg12: memref<128x16xf32, #tpu.memory_space<vmem>>, %arg13: memref<10240x16xf32, #tpu.memory_space<vmem_shared>>, %arg14: memref<!tpu.dma_semaphore, #tpu.memory_space<semaphore_mem>>, %arg15: memref<10240x128xf32, #tpu.memory_space<vmem_shared>>, %arg16: memref<!tpu.dma_semaphore, #tpu.memory_space<semaphore_mem>>, %arg17: memref<!tpu.dma_semaphore, #tpu.memory_space<semaphore_mem>>, %arg18: memref<!tpu.dma_semaphore, #tpu.memory_space<semaphore_mem>>, %arg19: memref<!tpu.dma_semaphore, #tpu.memory_space<semaphore_mem>>, %arg20: memref<!tpu.dma_semaphore, #tpu.memory_space<semaphore_mem>>, %arg21: memref<!tpu.dma_semaphore, #tpu.memory_space<semaphore_mem>>) attributes {dimension_semantics = [#tpu.dimension_semantics<core_parallel>, #tpu.dimension_semantics<subcore_parallel>], iteration_bounds = array<i64: 2, 16>, scalar_prefetch = 0 : i64, scratch_operands = 13 : i64, tpu.core_type = #tpu.core_type<sc_vector_subcore>, window_params = [{transform_indices = #map}, {transform_indices = #map1}, {transform_indices = #map}, {transform_indices = #map}, {transform_indices = #map}, {transform_indices = #map2}, {transform_indices = #map2}]} {
    %mul3A = arith.constant 16 : i32
    %mul3A_0 = arith.muli %arg0, %mul3A : i32
    %add3A = arith.addi %mul3A_0, %arg1 : i32
    %run_scoped3A = arith.constant 0 : i32
    %run_scoped3A_1 = arith.constant 0 : i32
    "tpu.region"() ({
      %run_scoped3A_73 = tpu.sem_alloc : memref<!tpu.dma_semaphore, #tpu.memory_space<semaphore_mem>>
      %dma_start3A_74 = arith.constant 0 : i32
      %dma_start3A_75 = arith.constant 0 : i32
      %dma_start3A_76 = tpu.memref_slice %arg9[%run_scoped3A_1, %dma_start3A_74, %dma_start3A_75] : memref<4x2x128xi32, #tpu.memory_space<vmem>> -> memref<1x2x128xi32, #tpu.memory_space<vmem>>
      %dma_start3A_77 = tpu.memref_squeeze %dma_start3A_76 : memref<1x2x128xi32, #tpu.memory_space<vmem>> -> memref<2x128xi32, #tpu.memory_space<vmem>>
      %dma_start3A_78 = arith.constant 0 : i32
      %dma_start3A_79 = arith.constant 0 : i32
      %dma_start3A_80 = tpu.memref_slice %arg3[%add3A, %run_scoped3A, %dma_start3A_78, %dma_start3A_79] : memref<32x80x2x128xi32, #tpu.memory_space<hbm>> -> memref<1x1x2x128xi32, #tpu.memory_space<hbm>>
      %dma_start3A_81 = tpu.memref_squeeze %dma_start3A_80 : memref<1x1x2x128xi32, #tpu.memory_space<hbm>> -> memref<2x128xi32, #tpu.memory_space<hbm>>
      %dma_start3A_82 = arith.constant 0 : i32
      %dma_start3A_83 = arith.constant 0 : i32
      %dma_start3A_84 = tpu.memref_slice %arg9[%run_scoped3A_1, %dma_start3A_82, %dma_start3A_83] : memref<4x2x128xi32, #tpu.memory_space<vmem>> -> memref<1x2x128xi32, #tpu.memory_space<vmem>>
      %dma_start3A_85 = tpu.memref_squeeze %dma_start3A_84 : memref<1x2x128xi32, #tpu.memory_space<vmem>> -> memref<2x128xi32, #tpu.memory_space<vmem>>
      %dma_start3A_86 = arith.constant 0 : i32
      %dma_start3A_87 = arith.constant 0 : i32
      %dma_start3A_88 = tpu.memref_slice %arg3[%add3A, %run_scoped3A, %dma_start3A_86, %dma_start3A_87] : memref<32x80x2x128xi32, #tpu.memory_space<hbm>> -> memref<1x1x2x128xi32, #tpu.memory_space<hbm>>
      %dma_start3A_89 = tpu.memref_squeeze %dma_start3A_88 : memref<1x1x2x128xi32, #tpu.memory_space<hbm>> -> memref<2x128xi32, #tpu.memory_space<hbm>>
      tpu.enqueue_dma source(%dma_start3A_89 : memref<2x128xi32, #tpu.memory_space<hbm>>) target(%dma_start3A_85 : memref<2x128xi32, #tpu.memory_space<vmem>>) target_semaphore(%run_scoped3A_73 : memref<!tpu.dma_semaphore, #tpu.memory_space<semaphore_mem>>)
      %dma_wait3A = arith.constant 0 : i32
      %dma_wait3A_90 = arith.constant 0 : i32
      %dma_wait3A_91 = tpu.memref_slice %arg9[%run_scoped3A_1, %dma_wait3A, %dma_wait3A_90] : memref<4x2x128xi32, #tpu.memory_space<vmem>> -> memref<1x2x128xi32, #tpu.memory_space<vmem>>
      %dma_wait3A_92 = tpu.memref_squeeze %dma_wait3A_91 : memref<1x2x128xi32, #tpu.memory_space<vmem>> -> memref<2x128xi32, #tpu.memory_space<vmem>>
      %dma_wait3A_93 = arith.constant 0 : i32
      %dma_wait3A_94 = arith.constant 0 : i32
      %dma_wait3A_95 = tpu.memref_slice %arg3[%add3A, %run_scoped3A, %dma_wait3A_93, %dma_wait3A_94] : memref<32x80x2x128xi32, #tpu.memory_space<hbm>> -> memref<1x1x2x128xi32, #tpu.memory_space<hbm>>
      %dma_wait3A_96 = tpu.memref_squeeze %dma_wait3A_95 : memref<1x1x2x128xi32, #tpu.memory_space<hbm>> -> memref<2x128xi32, #tpu.memory_space<hbm>>
      %dma_wait3A_97 = arith.constant 0 : i32
      %dma_wait3A_98 = arith.constant 0 : i32
      %dma_wait3A_99 = tpu.memref_slice %arg9[%run_scoped3A_1, %dma_wait3A_97, %dma_wait3A_98] : memref<4x2x128xi32, #tpu.memory_space<vmem>> -> memref<1x2x128xi32, #tpu.memory_space<vmem>>
      %dma_wait3A_100 = tpu.memref_squeeze %dma_wait3A_99 : memref<1x2x128xi32, #tpu.memory_space<vmem>> -> memref<2x128xi32, #tpu.memory_space<vmem>>
      %dma_wait3A_101 = arith.constant 0 : i32
      %dma_wait3A_102 = arith.constant 0 : i32
      %dma_wait3A_103 = tpu.memref_slice %arg3[%add3A, %run_scoped3A, %dma_wait3A_101, %dma_wait3A_102] : memref<32x80x2x128xi32, #tpu.memory_space<hbm>> -> memref<1x1x2x128xi32, #tpu.memory_space<hbm>>
      %dma_wait3A_104 = tpu.memref_squeeze %dma_wait3A_103 : memref<1x1x2x128xi32, #tpu.memory_space<hbm>> -> memref<2x128xi32, #tpu.memory_space<hbm>>
      tpu.wait_dma2 semaphore(%run_scoped3A_73 : memref<!tpu.dma_semaphore, #tpu.memory_space<semaphore_mem>>) src(%dma_wait3A_104 : memref<2x128xi32, #tpu.memory_space<hbm>>) dst(%dma_wait3A_100 : memref<2x128xi32, #tpu.memory_space<vmem>>)
      tpu.yield
    }) : () -> ()
    %run_scoped3A_2 = arith.constant 1 : i32
    %run_scoped3A_3 = arith.constant 1 : i32
    "tpu.region"() ({
      %run_scoped3A_73 = tpu.sem_alloc : memref<!tpu.dma_semaphore, #tpu.memory_space<semaphore_mem>>
      %dma_start3A_74 = arith.constant 0 : i32
      %dma_start3A_75 = arith.constant 0 : i32
      %dma_start3A_76 = tpu.memref_slice %arg9[%run_scoped3A_3, %dma_start3A_74, %dma_start3A_75] : memref<4x2x128xi32, #tpu.memory_space<vmem>> -> memref<1x2x128xi32, #tpu.memory_space<vmem>>
      %dma_start3A_77 = tpu.memref_squeeze %dma_start3A_76 : memref<1x2x128xi32, #tpu.memory_space<vmem>> -> memref<2x128xi32, #tpu.memory_space<vmem>>
      %dma_start3A_78 = arith.constant 0 : i32
      %dma_start3A_79 = arith.constant 0 : i32
      %dma_start3A_80 = tpu.memref_slice %arg3[%add3A, %run_scoped3A_2, %dma_start3A_78, %dma_start3A_79] : memref<32x80x2x128xi32, #tpu.memory_space<hbm>> -> memref<1x1x2x128xi32, #tpu.memory_space<hbm>>
      %dma_start3A_81 = tpu.memref_squeeze %dma_start3A_80 : memref<1x1x2x128xi32, #tpu.memory_space<hbm>> -> memref<2x128xi32, #tpu.memory_space<hbm>>
      %dma_start3A_82 = arith.constant 0 : i32
      %dma_start3A_83 = arith.constant 0 : i32
      %dma_start3A_84 = tpu.memref_slice %arg9[%run_scoped3A_3, %dma_start3A_82, %dma_start3A_83] : memref<4x2x128xi32, #tpu.memory_space<vmem>> -> memref<1x2x128xi32, #tpu.memory_space<vmem>>
      %dma_start3A_85 = tpu.memref_squeeze %dma_start3A_84 : memref<1x2x128xi32, #tpu.memory_space<vmem>> -> memref<2x128xi32, #tpu.memory_space<vmem>>
      %dma_start3A_86 = arith.constant 0 : i32
      %dma_start3A_87 = arith.constant 0 : i32
      %dma_start3A_88 = tpu.memref_slice %arg3[%add3A, %run_scoped3A_2, %dma_start3A_86, %dma_start3A_87] : memref<32x80x2x128xi32, #tpu.memory_space<hbm>> -> memref<1x1x2x128xi32, #tpu.memory_space<hbm>>
      %dma_start3A_89 = tpu.memref_squeeze %dma_start3A_88 : memref<1x1x2x128xi32, #tpu.memory_space<hbm>> -> memref<2x128xi32, #tpu.memory_space<hbm>>
      tpu.enqueue_dma source(%dma_start3A_89 : memref<2x128xi32, #tpu.memory_space<hbm>>) target(%dma_start3A_85 : memref<2x128xi32, #tpu.memory_space<vmem>>) target_semaphore(%run_scoped3A_73 : memref<!tpu.dma_semaphore, #tpu.memory_space<semaphore_mem>>)
      %dma_wait3A = arith.constant 0 : i32
      %dma_wait3A_90 = arith.constant 0 : i32
      %dma_wait3A_91 = tpu.memref_slice %arg9[%run_scoped3A_3, %dma_wait3A, %dma_wait3A_90] : memref<4x2x128xi32, #tpu.memory_space<vmem>> -> memref<1x2x128xi32, #tpu.memory_space<vmem>>
      %dma_wait3A_92 = tpu.memref_squeeze %dma_wait3A_91 : memref<1x2x128xi32, #tpu.memory_space<vmem>> -> memref<2x128xi32, #tpu.memory_space<vmem>>
      %dma_wait3A_93 = arith.constant 0 : i32
      %dma_wait3A_94 = arith.constant 0 : i32
      %dma_wait3A_95 = tpu.memref_slice %arg3[%add3A, %run_scoped3A_2, %dma_wait3A_93, %dma_wait3A_94] : memref<32x80x2x128xi32, #tpu.memory_space<hbm>> -> memref<1x1x2x128xi32, #tpu.memory_space<hbm>>
      %dma_wait3A_96 = tpu.memref_squeeze %dma_wait3A_95 : memref<1x1x2x128xi32, #tpu.memory_space<hbm>> -> memref<2x128xi32, #tpu.memory_space<hbm>>
      %dma_wait3A_97 = arith.constant 0 : i32
      %dma_wait3A_98 = arith.constant 0 : i32
      %dma_wait3A_99 = tpu.memref_slice %arg9[%run_scoped3A_3, %dma_wait3A_97, %dma_wait3A_98] : memref<4x2x128xi32, #tpu.memory_space<vmem>> -> memref<1x2x128xi32, #tpu.memory_space<vmem>>
      %dma_wait3A_100 = tpu.memref_squeeze %dma_wait3A_99 : memref<1x2x128xi32, #tpu.memory_space<vmem>> -> memref<2x128xi32, #tpu.memory_space<vmem>>
      %dma_wait3A_101 = arith.constant 0 : i32
      %dma_wait3A_102 = arith.constant 0 : i32
      %dma_wait3A_103 = tpu.memref_slice %arg3[%add3A, %run_scoped3A_2, %dma_wait3A_101, %dma_wait3A_102] : memref<32x80x2x128xi32, #tpu.memory_space<hbm>> -> memref<1x1x2x128xi32, #tpu.memory_space<hbm>>
      %dma_wait3A_104 = tpu.memref_squeeze %dma_wait3A_103 : memref<1x1x2x128xi32, #tpu.memory_space<hbm>> -> memref<2x128xi32, #tpu.memory_space<hbm>>
      tpu.wait_dma2 semaphore(%run_scoped3A_73 : memref<!tpu.dma_semaphore, #tpu.memory_space<semaphore_mem>>) src(%dma_wait3A_104 : memref<2x128xi32, #tpu.memory_space<hbm>>) dst(%dma_wait3A_100 : memref<2x128xi32, #tpu.memory_space<vmem>>)
      tpu.yield
    }) : () -> ()
    %dma_start3A = arith.constant 2 : i32
    %dma_start3A_4 = arith.constant 2 : i32
    %dma_start3A_5 = arith.constant 0 : i32
    %dma_start3A_6 = arith.constant 0 : i32
    %dma_start3A_7 = tpu.memref_slice %arg9[%dma_start3A_4, %dma_start3A_5, %dma_start3A_6] : memref<4x2x128xi32, #tpu.memory_space<vmem>> -> memref<1x2x128xi32, #tpu.memory_space<vmem>>
    %dma_start3A_8 = tpu.memref_squeeze %dma_start3A_7 : memref<1x2x128xi32, #tpu.memory_space<vmem>> -> memref<2x128xi32, #tpu.memory_space<vmem>>
    %dma_start3A_9 = arith.constant 0 : i32
    %dma_start3A_10 = arith.constant 0 : i32
    %dma_start3A_11 = tpu.memref_slice %arg3[%add3A, %dma_start3A, %dma_start3A_9, %dma_start3A_10] : memref<32x80x2x128xi32, #tpu.memory_space<hbm>> -> memref<1x1x2x128xi32, #tpu.memory_space<hbm>>
    %dma_start3A_12 = tpu.memref_squeeze %dma_start3A_11 : memref<1x1x2x128xi32, #tpu.memory_space<hbm>> -> memref<2x128xi32, #tpu.memory_space<hbm>>
    %dma_start3A_13 = arith.constant 0 : i32
    %dma_start3A_14 = arith.constant 0 : i32
    %dma_start3A_15 = tpu.memref_slice %arg9[%dma_start3A_4, %dma_start3A_13, %dma_start3A_14] : memref<4x2x128xi32, #tpu.memory_space<vmem>> -> memref<1x2x128xi32, #tpu.memory_space<vmem>>
    %dma_start3A_16 = tpu.memref_squeeze %dma_start3A_15 : memref<1x2x128xi32, #tpu.memory_space<vmem>> -> memref<2x128xi32, #tpu.memory_space<vmem>>
    %dma_start3A_17 = arith.constant 0 : i32
    %dma_start3A_18 = arith.constant 0 : i32
    %dma_start3A_19 = tpu.memref_slice %arg3[%add3A, %dma_start3A, %dma_start3A_17, %dma_start3A_18] : memref<32x80x2x128xi32, #tpu.memory_space<hbm>> -> memref<1x1x2x128xi32, #tpu.memory_space<hbm>>
    %dma_start3A_20 = tpu.memref_squeeze %dma_start3A_19 : memref<1x1x2x128xi32, #tpu.memory_space<hbm>> -> memref<2x128xi32, #tpu.memory_space<hbm>>
    tpu.enqueue_dma source(%dma_start3A_20 : memref<2x128xi32, #tpu.memory_space<hbm>>) target(%dma_start3A_16 : memref<2x128xi32, #tpu.memory_space<vmem>>) target_semaphore(%arg20 : memref<!tpu.dma_semaphore, #tpu.memory_space<semaphore_mem>>)
    %dma_start3A_21 = arith.constant 3 : i32
    %dma_start3A_22 = arith.constant 3 : i32
    %dma_start3A_23 = arith.constant 0 : i32
    %dma_start3A_24 = arith.constant 0 : i32
    %dma_start3A_25 = tpu.memref_slice %arg9[%dma_start3A_22, %dma_start3A_23, %dma_start3A_24] : memref<4x2x128xi32, #tpu.memory_space<vmem>> -> memref<1x2x128xi32, #tpu.memory_space<vmem>>
    %dma_start3A_26 = tpu.memref_squeeze %dma_start3A_25 : memref<1x2x128xi32, #tpu.memory_space<vmem>> -> memref<2x128xi32, #tpu.memory_space<vmem>>
    %dma_start3A_27 = arith.constant 0 : i32
    %dma_start3A_28 = arith.constant 0 : i32
    %dma_start3A_29 = tpu.memref_slice %arg3[%add3A, %dma_start3A_21, %dma_start3A_27, %dma_start3A_28] : memref<32x80x2x128xi32, #tpu.memory_space<hbm>> -> memref<1x1x2x128xi32, #tpu.memory_space<hbm>>
    %dma_start3A_30 = tpu.memref_squeeze %dma_start3A_29 : memref<1x1x2x128xi32, #tpu.memory_space<hbm>> -> memref<2x128xi32, #tpu.memory_space<hbm>>
    %dma_start3A_31 = arith.constant 0 : i32
    %dma_start3A_32 = arith.constant 0 : i32
    %dma_start3A_33 = tpu.memref_slice %arg9[%dma_start3A_22, %dma_start3A_31, %dma_start3A_32] : memref<4x2x128xi32, #tpu.memory_space<vmem>> -> memref<1x2x128xi32, #tpu.memory_space<vmem>>
    %dma_start3A_34 = tpu.memref_squeeze %dma_start3A_33 : memref<1x2x128xi32, #tpu.memory_space<vmem>> -> memref<2x128xi32, #tpu.memory_space<vmem>>
    %dma_start3A_35 = arith.constant 0 : i32
    %dma_start3A_36 = arith.constant 0 : i32
    %dma_start3A_37 = tpu.memref_slice %arg3[%add3A, %dma_start3A_21, %dma_start3A_35, %dma_start3A_36] : memref<32x80x2x128xi32, #tpu.memory_space<hbm>> -> memref<1x1x2x128xi32, #tpu.memory_space<hbm>>
    %dma_start3A_38 = tpu.memref_squeeze %dma_start3A_37 : memref<1x1x2x128xi32, #tpu.memory_space<hbm>> -> memref<2x128xi32, #tpu.memory_space<hbm>>
    tpu.enqueue_dma source(%dma_start3A_38 : memref<2x128xi32, #tpu.memory_space<hbm>>) target(%dma_start3A_34 : memref<2x128xi32, #tpu.memory_space<vmem>>) target_semaphore(%arg21 : memref<!tpu.dma_semaphore, #tpu.memory_space<semaphore_mem>>)
    %dma_start3A_39 = arith.constant 0 : i32
    %dma_start3A_40 = arith.constant 0 : i32
    %dma_start3A_41 = arith.constant 0 : i32
    %dma_start3A_42 = tpu.memref_slice %arg9[%dma_start3A_39, %dma_start3A_40, %dma_start3A_41] : memref<4x2x128xi32, #tpu.memory_space<vmem>> -> memref<1x1x128xi32, #tpu.memory_space<vmem>>
    %dma_start3A_43 = tpu.memref_squeeze %dma_start3A_42 : memref<1x1x128xi32, #tpu.memory_space<vmem>> -> memref<128xi32, #tpu.memory_space<vmem>>
    %dma_start3A_44 = arith.constant 0 : i32
    %dma_start3A_45 = arith.constant 0 : i32
    %dma_start3A_46 = tpu.memref_slice %arg2[%dma_start3A_44, %dma_start3A_45] : memref<10000x128xf32, #tpu.memory_space<hbm>> -> memref<10000x128xf32, #tpu.memory_space<hbm>>
    tpu.enqueue_indirect_dma source(%dma_start3A_46 : memref<10000x128xf32, #tpu.memory_space<hbm>>) target(%arg10 : memref<128x128xf32, #tpu.memory_space<vmem>>) offsets(%dma_start3A_43 : memref<128xi32, #tpu.memory_space<vmem>>) semaphore(%arg16 : memref<!tpu.dma_semaphore, #tpu.memory_space<semaphore_mem>>)
    %dma_start3A_47 = arith.constant 1 : i32
    %dma_start3A_48 = arith.constant 0 : i32
    %dma_start3A_49 = arith.constant 0 : i32
    %dma_start3A_50 = tpu.memref_slice %arg9[%dma_start3A_47, %dma_start3A_48, %dma_start3A_49] : memref<4x2x128xi32, #tpu.memory_space<vmem>> -> memref<1x1x128xi32, #tpu.memory_space<vmem>>
    %dma_start3A_51 = tpu.memref_squeeze %dma_start3A_50 : memref<1x1x128xi32, #tpu.memory_space<vmem>> -> memref<128xi32, #tpu.memory_space<vmem>>
    %dma_start3A_52 = arith.constant 0 : i32
    %dma_start3A_53 = arith.constant 0 : i32
    %dma_start3A_54 = tpu.memref_slice %arg2[%dma_start3A_52, %dma_start3A_53] : memref<10000x128xf32, #tpu.memory_space<hbm>> -> memref<10000x128xf32, #tpu.memory_space<hbm>>
    tpu.enqueue_indirect_dma source(%dma_start3A_54 : memref<10000x128xf32, #tpu.memory_space<hbm>>) target(%arg11 : memref<128x128xf32, #tpu.memory_space<vmem>>) offsets(%dma_start3A_51 : memref<128xi32, #tpu.memory_space<vmem>>) semaphore(%arg17 : memref<!tpu.dma_semaphore, #tpu.memory_space<semaphore_mem>>)
    %mul3A_55 = arith.constant 640 : i32
    %mul3A_56 = arith.muli %arg1, %mul3A_55 : i32
    "tpu.region"() ({
      %run_scoped3A_73 = tpu.sem_alloc : memref<!tpu.dma_semaphore, #tpu.memory_space<semaphore_mem>>
      %dma_start3A_74 = arith.constant 0 : i32
      %dma_start3A_75 = tpu.memref_slice %arg15[%mul3A_56, %dma_start3A_74] : memref<10240x128xf32, #tpu.memory_space<vmem_shared>> -> memref<640x128xf32, #tpu.memory_space<vmem_shared>>
      tpu.enqueue_dma source(%arg4 : memref<640x128xf32, #tpu.memory_space<hbm>>) target(%dma_start3A_75 : memref<640x128xf32, #tpu.memory_space<vmem_shared>>) target_semaphore(%run_scoped3A_73 : memref<!tpu.dma_semaphore, #tpu.memory_space<semaphore_mem>>)
      %dma_wait3A = arith.constant 0 : i32
      %dma_wait3A_76 = tpu.memref_slice %arg15[%mul3A_56, %dma_wait3A] : memref<10240x128xf32, #tpu.memory_space<vmem_shared>> -> memref<640x128xf32, #tpu.memory_space<vmem_shared>>
      tpu.wait_dma2 semaphore(%run_scoped3A_73 : memref<!tpu.dma_semaphore, #tpu.memory_space<semaphore_mem>>) src(%arg4 : memref<640x128xf32, #tpu.memory_space<hbm>>) dst(%dma_wait3A_76 : memref<640x128xf32, #tpu.memory_space<vmem_shared>>)
      tpu.yield
    }) : () -> ()
    "tpu.region"() ({
      %run_scoped3A_73 = tpu.sem_alloc : memref<!tpu.dma_semaphore, #tpu.memory_space<semaphore_mem>>
      tpu.enqueue_dma source(%arg6 : memref<128x16xf32, #tpu.memory_space<hbm>>) target(%arg12 : memref<128x16xf32, #tpu.memory_space<vmem>>) target_semaphore(%run_scoped3A_73 : memref<!tpu.dma_semaphore, #tpu.memory_space<semaphore_mem>>)
      tpu.wait_dma2 semaphore(%run_scoped3A_73 : memref<!tpu.dma_semaphore, #tpu.memory_space<semaphore_mem>>) src(%arg6 : memref<128x16xf32, #tpu.memory_space<hbm>>) dst(%arg12 : memref<128x16xf32, #tpu.memory_space<vmem>>)
      tpu.yield
    }) : () -> ()
    %mul3A_57 = arith.constant 640 : i32
    %mul3A_58 = arith.muli %arg1, %mul3A_57 : i32
    "tpu.region"() ({
      %run_scoped3A_73 = tpu.sem_alloc : memref<!tpu.dma_semaphore, #tpu.memory_space<semaphore_mem>>
      %dma_start3A_74 = arith.constant 0 : i32
      %dma_start3A_75 = tpu.memref_slice %arg13[%mul3A_58, %dma_start3A_74] : memref<10240x16xf32, #tpu.memory_space<vmem_shared>> -> memref<640x16xf32, #tpu.memory_space<vmem_shared>>
      tpu.enqueue_dma source(%arg5 : memref<640x16xf32, #tpu.memory_space<hbm>>) target(%dma_start3A_75 : memref<640x16xf32, #tpu.memory_space<vmem_shared>>) target_semaphore(%run_scoped3A_73 : memref<!tpu.dma_semaphore, #tpu.memory_space<semaphore_mem>>)
      %dma_wait3A = arith.constant 0 : i32
      %dma_wait3A_76 = tpu.memref_slice %arg13[%mul3A_58, %dma_wait3A] : memref<10240x16xf32, #tpu.memory_space<vmem_shared>> -> memref<640x16xf32, #tpu.memory_space<vmem_shared>>
      tpu.wait_dma2 semaphore(%run_scoped3A_73 : memref<!tpu.dma_semaphore, #tpu.memory_space<semaphore_mem>>) src(%arg5 : memref<640x16xf32, #tpu.memory_space<hbm>>) dst(%dma_wait3A_76 : memref<640x16xf32, #tpu.memory_space<vmem_shared>>)
      tpu.yield
    }) : () -> ()
    %barrier3A = arith.constant 0 : index
    tpu.barrier barrier_id(%barrier3A)
    %scan3A = arith.constant 0 : i32
    %scan3A_59 = arith.constant 0 : i32
    %scan3A_60 = arith.constant 20 : i32
    %scan3A_61 = arith.addi %scan3A_59, %scan3A_60 : i32
    %scan3A_62 = arith.constant 1 : i32
    scf.for %scan3A_73 = %scan3A_59 to %scan3A_61 step %scan3A_62  : i32 {
      %mul3A_74 = arith.constant 4 : i32
      %mul3A_75 = arith.muli %scan3A_73, %mul3A_74 : i32
      %add3A_76 = arith.constant 0 : i32
      %add3A_77 = arith.addi %mul3A_75, %add3A_76 : i32
      %dma_wait3A = arith.constant 0 : i32
      %dma_wait3A_78 = arith.constant 0 : i32
      %dma_wait3A_79 = arith.constant 0 : i32
      %dma_wait3A_80 = tpu.memref_slice %arg9[%dma_wait3A, %dma_wait3A_78, %dma_wait3A_79] : memref<4x2x128xi32, #tpu.memory_space<vmem>> -> memref<1x1x128xi32, #tpu.memory_space<vmem>>
      %dma_wait3A_81 = tpu.memref_squeeze %dma_wait3A_80 : memref<1x1x128xi32, #tpu.memory_space<vmem>> -> memref<128xi32, #tpu.memory_space<vmem>>
      %dma_wait3A_82 = arith.constant 0 : i32
      %dma_wait3A_83 = arith.constant 0 : i32
      %dma_wait3A_84 = tpu.memref_slice %arg2[%dma_wait3A_82, %dma_wait3A_83] : memref<10000x128xf32, #tpu.memory_space<hbm>> -> memref<10000x128xf32, #tpu.memory_space<hbm>>
      tpu.wait_indirect_dma semaphore(%arg16 : memref<!tpu.dma_semaphore, #tpu.memory_space<semaphore_mem>>) src(%dma_wait3A_84 : memref<10000x128xf32, #tpu.memory_space<hbm>>) dst(%arg10 : memref<128x128xf32, #tpu.memory_space<vmem>>)
      %dma_start3A_85 = arith.constant 0 : i32
      %dma_start3A_86 = arith.constant 1 : i32
      %dma_start3A_87 = arith.constant 0 : i32
      %dma_start3A_88 = tpu.memref_slice %arg9[%dma_start3A_85, %dma_start3A_86, %dma_start3A_87] : memref<4x2x128xi32, #tpu.memory_space<vmem>> -> memref<1x1x128xi32, #tpu.memory_space<vmem>>
      %dma_start3A_89 = tpu.memref_squeeze %dma_start3A_88 : memref<1x1x128xi32, #tpu.memory_space<vmem>> -> memref<128xi32, #tpu.memory_space<vmem>>
      %dma_start3A_90 = arith.constant 0 : i32
      %dma_start3A_91 = arith.constant 0 : i32
      %dma_start3A_92 = tpu.memref_slice %arg13[%dma_start3A_90, %dma_start3A_91] : memref<10240x16xf32, #tpu.memory_space<vmem_shared>> -> memref<10240x16xf32, #tpu.memory_space<vmem_shared>>
      tpu.enqueue_indirect_dma source(%arg12 : memref<128x16xf32, #tpu.memory_space<vmem>>) target(%dma_start3A_92 : memref<10240x16xf32, #tpu.memory_space<vmem_shared>>) offsets(%dma_start3A_89 : memref<128xi32, #tpu.memory_space<vmem>>) semaphore(%arg14 : memref<!tpu.dma_semaphore, #tpu.memory_space<semaphore_mem>>) {add = true}
      %run_scoped3A_93 = arith.constant 0 : i32
      %run_scoped3A_94 = arith.constant 1 : i32
      "tpu.region"() ({
        %run_scoped3A_240 = tpu.sem_alloc : memref<!tpu.dma_semaphore, #tpu.memory_space<semaphore_mem>>
        %dma_start3A_241 = arith.constant 0 : i32
        %dma_start3A_242 = tpu.memref_slice %arg9[%run_scoped3A_93, %run_scoped3A_94, %dma_start3A_241] : memref<4x2x128xi32, #tpu.memory_space<vmem>> -> memref<1x1x128xi32, #tpu.memory_space<vmem>>
        %dma_start3A_243 = tpu.memref_squeeze %dma_start3A_242 : memref<1x1x128xi32, #tpu.memory_space<vmem>> -> memref<128xi32, #tpu.memory_space<vmem>>
        %dma_start3A_244 = arith.constant 0 : i32
        %dma_start3A_245 = arith.constant 0 : i32
        %dma_start3A_246 = tpu.memref_slice %arg15[%dma_start3A_244, %dma_start3A_245] : memref<10240x128xf32, #tpu.memory_space<vmem_shared>> -> memref<10240x128xf32, #tpu.memory_space<vmem_shared>>
        tpu.enqueue_indirect_dma source(%arg10 : memref<128x128xf32, #tpu.memory_space<vmem>>) target(%dma_start3A_246 : memref<10240x128xf32, #tpu.memory_space<vmem_shared>>) offsets(%dma_start3A_243 : memref<128xi32, #tpu.memory_space<vmem>>) semaphore(%run_scoped3A_240 : memref<!tpu.dma_semaphore, #tpu.memory_space<semaphore_mem>>) {add = true}
        %dma_wait3A_247 = arith.constant 0 : i32
        %dma_wait3A_248 = tpu.memref_slice %arg9[%run_scoped3A_93, %run_scoped3A_94, %dma_wait3A_247] : memref<4x2x128xi32, #tpu.memory_space<vmem>> -> memref<1x1x128xi32, #tpu.memory_space<vmem>>
        %dma_wait3A_249 = tpu.memref_squeeze %dma_wait3A_248 : memref<1x1x128xi32, #tpu.memory_space<vmem>> -> memref<128xi32, #tpu.memory_space<vmem>>
        %dma_wait3A_250 = arith.constant 0 : i32
        %dma_wait3A_251 = arith.constant 0 : i32
        %dma_wait3A_252 = tpu.memref_slice %arg15[%dma_wait3A_250, %dma_wait3A_251] : memref<10240x128xf32, #tpu.memory_space<vmem_shared>> -> memref<10240x128xf32, #tpu.memory_space<vmem_shared>>
        tpu.wait_indirect_dma semaphore(%run_scoped3A_240 : memref<!tpu.dma_semaphore, #tpu.memory_space<semaphore_mem>>) src(%arg10 : memref<128x128xf32, #tpu.memory_space<vmem>>) dst(%dma_wait3A_252 : memref<10240x128xf32, #tpu.memory_space<vmem_shared>>)
        tpu.yield
      }) : () -> ()
      %dma_wait3A_95 = arith.constant 0 : i32
      %dma_wait3A_96 = arith.constant 1 : i32
      %dma_wait3A_97 = arith.constant 0 : i32
      %dma_wait3A_98 = tpu.memref_slice %arg9[%dma_wait3A_95, %dma_wait3A_96, %dma_wait3A_97] : memref<4x2x128xi32, #tpu.memory_space<vmem>> -> memref<1x1x128xi32, #tpu.memory_space<vmem>>
      %dma_wait3A_99 = tpu.memref_squeeze %dma_wait3A_98 : memref<1x1x128xi32, #tpu.memory_space<vmem>> -> memref<128xi32, #tpu.memory_space<vmem>>
      %dma_wait3A_100 = arith.constant 0 : i32
      %dma_wait3A_101 = arith.constant 0 : i32
      %dma_wait3A_102 = tpu.memref_slice %arg13[%dma_wait3A_100, %dma_wait3A_101] : memref<10240x16xf32, #tpu.memory_space<vmem_shared>> -> memref<10240x16xf32, #tpu.memory_space<vmem_shared>>
      tpu.wait_indirect_dma semaphore(%arg14 : memref<!tpu.dma_semaphore, #tpu.memory_space<semaphore_mem>>) src(%arg12 : memref<128x16xf32, #tpu.memory_space<vmem>>) dst(%dma_wait3A_102 : memref<10240x16xf32, #tpu.memory_space<vmem_shared>>)
      %add3A_103 = arith.constant 4 : i32
      %add3A_104 = arith.addi %add3A_77, %add3A_103 : i32
      %lt3A = arith.constant 80 : i32
      %lt3A_105 = arith.cmpi slt, %add3A_104, %lt3A : i32
      %convert_element_type3A = arith.extui %lt3A_105 : i1 to i32
      %cond3A = arith.constant 0 : i32
      %cond3A_106 = arith.cmpi ne, %convert_element_type3A, %cond3A : i32
      scf.if %cond3A_106 {
        %add3A_240 = arith.constant 4 : i32
        %add3A_241 = arith.addi %add3A_77, %add3A_240 : i32
        %dma_start3A_242 = arith.constant 0 : i32
        %dma_start3A_243 = arith.constant 0 : i32
        %dma_start3A_244 = arith.constant 0 : i32
        %dma_start3A_245 = tpu.memref_slice %arg9[%dma_start3A_242, %dma_start3A_243, %dma_start3A_244] : memref<4x2x128xi32, #tpu.memory_space<vmem>> -> memref<1x2x128xi32, #tpu.memory_space<vmem>>
        %dma_start3A_246 = tpu.memref_squeeze %dma_start3A_245 : memref<1x2x128xi32, #tpu.memory_space<vmem>> -> memref<2x128xi32, #tpu.memory_space<vmem>>
        %dma_start3A_247 = arith.constant 0 : i32
        %dma_start3A_248 = arith.constant 0 : i32
        %dma_start3A_249 = tpu.memref_slice %arg3[%add3A, %add3A_241, %dma_start3A_247, %dma_start3A_248] : memref<32x80x2x128xi32, #tpu.memory_space<hbm>> -> memref<1x1x2x128xi32, #tpu.memory_space<hbm>>
        %dma_start3A_250 = tpu.memref_squeeze %dma_start3A_249 : memref<1x1x2x128xi32, #tpu.memory_space<hbm>> -> memref<2x128xi32, #tpu.memory_space<hbm>>
        %dma_start3A_251 = arith.constant 0 : i32
        %dma_start3A_252 = arith.constant 0 : i32
        %dma_start3A_253 = tpu.memref_slice %arg9[%dma_start3A_242, %dma_start3A_251, %dma_start3A_252] : memref<4x2x128xi32, #tpu.memory_space<vmem>> -> memref<1x2x128xi32, #tpu.memory_space<vmem>>
        %dma_start3A_254 = tpu.memref_squeeze %dma_start3A_253 : memref<1x2x128xi32, #tpu.memory_space<vmem>> -> memref<2x128xi32, #tpu.memory_space<vmem>>
        %dma_start3A_255 = arith.constant 0 : i32
        %dma_start3A_256 = arith.constant 0 : i32
        %dma_start3A_257 = tpu.memref_slice %arg3[%add3A, %add3A_241, %dma_start3A_255, %dma_start3A_256] : memref<32x80x2x128xi32, #tpu.memory_space<hbm>> -> memref<1x1x2x128xi32, #tpu.memory_space<hbm>>
        %dma_start3A_258 = tpu.memref_squeeze %dma_start3A_257 : memref<1x1x2x128xi32, #tpu.memory_space<hbm>> -> memref<2x128xi32, #tpu.memory_space<hbm>>
        tpu.enqueue_dma source(%dma_start3A_258 : memref<2x128xi32, #tpu.memory_space<hbm>>) target(%dma_start3A_254 : memref<2x128xi32, #tpu.memory_space<vmem>>) target_semaphore(%arg18 : memref<!tpu.dma_semaphore, #tpu.memory_space<semaphore_mem>>)
      } else {
      }
      %add3A_107 = arith.constant 2 : i32
      %add3A_108 = arith.addi %add3A_77, %add3A_107 : i32
      %lt3A_109 = arith.constant 80 : i32
      %lt3A_110 = arith.cmpi slt, %add3A_108, %lt3A_109 : i32
      %convert_element_type3A_111 = arith.extui %lt3A_110 : i1 to i32
      %cond3A_112 = arith.constant 0 : i32
      %cond3A_113 = arith.cmpi ne, %convert_element_type3A_111, %cond3A_112 : i32
      scf.if %cond3A_113 {
        %add3A_240 = arith.constant 2 : i32
        %add3A_241 = arith.addi %add3A_77, %add3A_240 : i32
        %dma_wait3A_242 = arith.constant 2 : i32
        %dma_wait3A_243 = arith.constant 0 : i32
        %dma_wait3A_244 = arith.constant 0 : i32
        %dma_wait3A_245 = tpu.memref_slice %arg9[%dma_wait3A_242, %dma_wait3A_243, %dma_wait3A_244] : memref<4x2x128xi32, #tpu.memory_space<vmem>> -> memref<1x2x128xi32, #tpu.memory_space<vmem>>
        %dma_wait3A_246 = tpu.memref_squeeze %dma_wait3A_245 : memref<1x2x128xi32, #tpu.memory_space<vmem>> -> memref<2x128xi32, #tpu.memory_space<vmem>>
        %dma_wait3A_247 = arith.constant 0 : i32
        %dma_wait3A_248 = arith.constant 0 : i32
        %dma_wait3A_249 = tpu.memref_slice %arg3[%add3A, %add3A_241, %dma_wait3A_247, %dma_wait3A_248] : memref<32x80x2x128xi32, #tpu.memory_space<hbm>> -> memref<1x1x2x128xi32, #tpu.memory_space<hbm>>
        %dma_wait3A_250 = tpu.memref_squeeze %dma_wait3A_249 : memref<1x1x2x128xi32, #tpu.memory_space<hbm>> -> memref<2x128xi32, #tpu.memory_space<hbm>>
        %dma_wait3A_251 = arith.constant 0 : i32
        %dma_wait3A_252 = arith.constant 0 : i32
        %dma_wait3A_253 = tpu.memref_slice %arg9[%dma_wait3A_242, %dma_wait3A_251, %dma_wait3A_252] : memref<4x2x128xi32, #tpu.memory_space<vmem>> -> memref<1x2x128xi32, #tpu.memory_space<vmem>>
        %dma_wait3A_254 = tpu.memref_squeeze %dma_wait3A_253 : memref<1x2x128xi32, #tpu.memory_space<vmem>> -> memref<2x128xi32, #tpu.memory_space<vmem>>
        %dma_wait3A_255 = arith.constant 0 : i32
        %dma_wait3A_256 = arith.constant 0 : i32
        %dma_wait3A_257 = tpu.memref_slice %arg3[%add3A, %add3A_241, %dma_wait3A_255, %dma_wait3A_256] : memref<32x80x2x128xi32, #tpu.memory_space<hbm>> -> memref<1x1x2x128xi32, #tpu.memory_space<hbm>>
        %dma_wait3A_258 = tpu.memref_squeeze %dma_wait3A_257 : memref<1x1x2x128xi32, #tpu.memory_space<hbm>> -> memref<2x128xi32, #tpu.memory_space<hbm>>
        tpu.wait_dma2 semaphore(%arg20 : memref<!tpu.dma_semaphore, #tpu.memory_space<semaphore_mem>>) src(%dma_wait3A_258 : memref<2x128xi32, #tpu.memory_space<hbm>>) dst(%dma_wait3A_254 : memref<2x128xi32, #tpu.memory_space<vmem>>)
        %dma_start3A_259 = arith.constant 2 : i32
        %dma_start3A_260 = arith.constant 0 : i32
        %dma_start3A_261 = arith.constant 0 : i32
        %dma_start3A_262 = tpu.memref_slice %arg9[%dma_start3A_259, %dma_start3A_260, %dma_start3A_261] : memref<4x2x128xi32, #tpu.memory_space<vmem>> -> memref<1x1x128xi32, #tpu.memory_space<vmem>>
        %dma_start3A_263 = tpu.memref_squeeze %dma_start3A_262 : memref<1x1x128xi32, #tpu.memory_space<vmem>> -> memref<128xi32, #tpu.memory_space<vmem>>
        %dma_start3A_264 = arith.constant 0 : i32
        %dma_start3A_265 = arith.constant 0 : i32
        %dma_start3A_266 = tpu.memref_slice %arg2[%dma_start3A_264, %dma_start3A_265] : memref<10000x128xf32, #tpu.memory_space<hbm>> -> memref<10000x128xf32, #tpu.memory_space<hbm>>
        tpu.enqueue_indirect_dma source(%dma_start3A_266 : memref<10000x128xf32, #tpu.memory_space<hbm>>) target(%arg10 : memref<128x128xf32, #tpu.memory_space<vmem>>) offsets(%dma_start3A_263 : memref<128xi32, #tpu.memory_space<vmem>>) semaphore(%arg16 : memref<!tpu.dma_semaphore, #tpu.memory_space<semaphore_mem>>)
      } else {
      }
      %add3A_114 = arith.constant 1 : i32
      %add3A_115 = arith.addi %mul3A_75, %add3A_114 : i32
      %dma_wait3A_116 = arith.constant 1 : i32
      %dma_wait3A_117 = arith.constant 0 : i32
      %dma_wait3A_118 = arith.constant 0 : i32
      %dma_wait3A_119 = tpu.memref_slice %arg9[%dma_wait3A_116, %dma_wait3A_117, %dma_wait3A_118] : memref<4x2x128xi32, #tpu.memory_space<vmem>> -> memref<1x1x128xi32, #tpu.memory_space<vmem>>
      %dma_wait3A_120 = tpu.memref_squeeze %dma_wait3A_119 : memref<1x1x128xi32, #tpu.memory_space<vmem>> -> memref<128xi32, #tpu.memory_space<vmem>>
      %dma_wait3A_121 = arith.constant 0 : i32
      %dma_wait3A_122 = arith.constant 0 : i32
      %dma_wait3A_123 = tpu.memref_slice %arg2[%dma_wait3A_121, %dma_wait3A_122] : memref<10000x128xf32, #tpu.memory_space<hbm>> -> memref<10000x128xf32, #tpu.memory_space<hbm>>
      tpu.wait_indirect_dma semaphore(%arg17 : memref<!tpu.dma_semaphore, #tpu.memory_space<semaphore_mem>>) src(%dma_wait3A_123 : memref<10000x128xf32, #tpu.memory_space<hbm>>) dst(%arg11 : memref<128x128xf32, #tpu.memory_space<vmem>>)
      %dma_start3A_124 = arith.constant 1 : i32
      %dma_start3A_125 = arith.constant 1 : i32
      %dma_start3A_126 = arith.constant 0 : i32
      %dma_start3A_127 = tpu.memref_slice %arg9[%dma_start3A_124, %dma_start3A_125, %dma_start3A_126] : memref<4x2x128xi32, #tpu.memory_space<vmem>> -> memref<1x1x128xi32, #tpu.memory_space<vmem>>
      %dma_start3A_128 = tpu.memref_squeeze %dma_start3A_127 : memref<1x1x128xi32, #tpu.memory_space<vmem>> -> memref<128xi32, #tpu.memory_space<vmem>>
      %dma_start3A_129 = arith.constant 0 : i32
      %dma_start3A_130 = arith.constant 0 : i32
      %dma_start3A_131 = tpu.memref_slice %arg13[%dma_start3A_129, %dma_start3A_130] : memref<10240x16xf32, #tpu.memory_space<vmem_shared>> -> memref<10240x16xf32, #tpu.memory_space<vmem_shared>>
      tpu.enqueue_indirect_dma source(%arg12 : memref<128x16xf32, #tpu.memory_space<vmem>>) target(%dma_start3A_131 : memref<10240x16xf32, #tpu.memory_space<vmem_shared>>) offsets(%dma_start3A_128 : memref<128xi32, #tpu.memory_space<vmem>>) semaphore(%arg14 : memref<!tpu.dma_semaphore, #tpu.memory_space<semaphore_mem>>) {add = true}
      %run_scoped3A_132 = arith.constant 1 : i32
      %run_scoped3A_133 = arith.constant 1 : i32
      "tpu.region"() ({
        %run_scoped3A_240 = tpu.sem_alloc : memref<!tpu.dma_semaphore, #tpu.memory_space<semaphore_mem>>
        %dma_start3A_241 = arith.constant 0 : i32
        %dma_start3A_242 = tpu.memref_slice %arg9[%run_scoped3A_132, %run_scoped3A_133, %dma_start3A_241] : memref<4x2x128xi32, #tpu.memory_space<vmem>> -> memref<1x1x128xi32, #tpu.memory_space<vmem>>
        %dma_start3A_243 = tpu.memref_squeeze %dma_start3A_242 : memref<1x1x128xi32, #tpu.memory_space<vmem>> -> memref<128xi32, #tpu.memory_space<vmem>>
        %dma_start3A_244 = arith.constant 0 : i32
        %dma_start3A_245 = arith.constant 0 : i32
        %dma_start3A_246 = tpu.memref_slice %arg15[%dma_start3A_244, %dma_start3A_245] : memref<10240x128xf32, #tpu.memory_space<vmem_shared>> -> memref<10240x128xf32, #tpu.memory_space<vmem_shared>>
        tpu.enqueue_indirect_dma source(%arg11 : memref<128x128xf32, #tpu.memory_space<vmem>>) target(%dma_start3A_246 : memref<10240x128xf32, #tpu.memory_space<vmem_shared>>) offsets(%dma_start3A_243 : memref<128xi32, #tpu.memory_space<vmem>>) semaphore(%run_scoped3A_240 : memref<!tpu.dma_semaphore, #tpu.memory_space<semaphore_mem>>) {add = true}
        %dma_wait3A_247 = arith.constant 0 : i32
        %dma_wait3A_248 = tpu.memref_slice %arg9[%run_scoped3A_132, %run_scoped3A_133, %dma_wait3A_247] : memref<4x2x128xi32, #tpu.memory_space<vmem>> -> memref<1x1x128xi32, #tpu.memory_space<vmem>>
        %dma_wait3A_249 = tpu.memref_squeeze %dma_wait3A_248 : memref<1x1x128xi32, #tpu.memory_space<vmem>> -> memref<128xi32, #tpu.memory_space<vmem>>
        %dma_wait3A_250 = arith.constant 0 : i32
        %dma_wait3A_251 = arith.constant 0 : i32
        %dma_wait3A_252 = tpu.memref_slice %arg15[%dma_wait3A_250, %dma_wait3A_251] : memref<10240x128xf32, #tpu.memory_space<vmem_shared>> -> memref<10240x128xf32, #tpu.memory_space<vmem_shared>>
        tpu.wait_indirect_dma semaphore(%run_scoped3A_240 : memref<!tpu.dma_semaphore, #tpu.memory_space<semaphore_mem>>) src(%arg11 : memref<128x128xf32, #tpu.memory_space<vmem>>) dst(%dma_wait3A_252 : memref<10240x128xf32, #tpu.memory_space<vmem_shared>>)
        tpu.yield
      }) : () -> ()
      %dma_wait3A_134 = arith.constant 1 : i32
      %dma_wait3A_135 = arith.constant 1 : i32
      %dma_wait3A_136 = arith.constant 0 : i32
      %dma_wait3A_137 = tpu.memref_slice %arg9[%dma_wait3A_134, %dma_wait3A_135, %dma_wait3A_136] : memref<4x2x128xi32, #tpu.memory_space<vmem>> -> memref<1x1x128xi32, #tpu.memory_space<vmem>>
      %dma_wait3A_138 = tpu.memref_squeeze %dma_wait3A_137 : memref<1x1x128xi32, #tpu.memory_space<vmem>> -> memref<128xi32, #tpu.memory_space<vmem>>
      %dma_wait3A_139 = arith.constant 0 : i32
      %dma_wait3A_140 = arith.constant 0 : i32
      %dma_wait3A_141 = tpu.memref_slice %arg13[%dma_wait3A_139, %dma_wait3A_140] : memref<10240x16xf32, #tpu.memory_space<vmem_shared>> -> memref<10240x16xf32, #tpu.memory_space<vmem_shared>>
      tpu.wait_indirect_dma semaphore(%arg14 : memref<!tpu.dma_semaphore, #tpu.memory_space<semaphore_mem>>) src(%arg12 : memref<128x16xf32, #tpu.memory_space<vmem>>) dst(%dma_wait3A_141 : memref<10240x16xf32, #tpu.memory_space<vmem_shared>>)
      %add3A_142 = arith.constant 4 : i32
      %add3A_143 = arith.addi %add3A_115, %add3A_142 : i32
      %lt3A_144 = arith.constant 80 : i32
      %lt3A_145 = arith.cmpi slt, %add3A_143, %lt3A_144 : i32
      %convert_element_type3A_146 = arith.extui %lt3A_145 : i1 to i32
      %cond3A_147 = arith.constant 0 : i32
      %cond3A_148 = arith.cmpi ne, %convert_element_type3A_146, %cond3A_147 : i32
      scf.if %cond3A_148 {
        %add3A_240 = arith.constant 4 : i32
        %add3A_241 = arith.addi %add3A_115, %add3A_240 : i32
        %dma_start3A_242 = arith.constant 1 : i32
        %dma_start3A_243 = arith.constant 0 : i32
        %dma_start3A_244 = arith.constant 0 : i32
        %dma_start3A_245 = tpu.memref_slice %arg9[%dma_start3A_242, %dma_start3A_243, %dma_start3A_244] : memref<4x2x128xi32, #tpu.memory_space<vmem>> -> memref<1x2x128xi32, #tpu.memory_space<vmem>>
        %dma_start3A_246 = tpu.memref_squeeze %dma_start3A_245 : memref<1x2x128xi32, #tpu.memory_space<vmem>> -> memref<2x128xi32, #tpu.memory_space<vmem>>
        %dma_start3A_247 = arith.constant 0 : i32
        %dma_start3A_248 = arith.constant 0 : i32
        %dma_start3A_249 = tpu.memref_slice %arg3[%add3A, %add3A_241, %dma_start3A_247, %dma_start3A_248] : memref<32x80x2x128xi32, #tpu.memory_space<hbm>> -> memref<1x1x2x128xi32, #tpu.memory_space<hbm>>
        %dma_start3A_250 = tpu.memref_squeeze %dma_start3A_249 : memref<1x1x2x128xi32, #tpu.memory_space<hbm>> -> memref<2x128xi32, #tpu.memory_space<hbm>>
        %dma_start3A_251 = arith.constant 0 : i32
        %dma_start3A_252 = arith.constant 0 : i32
        %dma_start3A_253 = tpu.memref_slice %arg9[%dma_start3A_242, %dma_start3A_251, %dma_start3A_252] : memref<4x2x128xi32, #tpu.memory_space<vmem>> -> memref<1x2x128xi32, #tpu.memory_space<vmem>>
        %dma_start3A_254 = tpu.memref_squeeze %dma_start3A_253 : memref<1x2x128xi32, #tpu.memory_space<vmem>> -> memref<2x128xi32, #tpu.memory_space<vmem>>
        %dma_start3A_255 = arith.constant 0 : i32
        %dma_start3A_256 = arith.constant 0 : i32
        %dma_start3A_257 = tpu.memref_slice %arg3[%add3A, %add3A_241, %dma_start3A_255, %dma_start3A_256] : memref<32x80x2x128xi32, #tpu.memory_space<hbm>> -> memref<1x1x2x128xi32, #tpu.memory_space<hbm>>
        %dma_start3A_258 = tpu.memref_squeeze %dma_start3A_257 : memref<1x1x2x128xi32, #tpu.memory_space<hbm>> -> memref<2x128xi32, #tpu.memory_space<hbm>>
        tpu.enqueue_dma source(%dma_start3A_258 : memref<2x128xi32, #tpu.memory_space<hbm>>) target(%dma_start3A_254 : memref<2x128xi32, #tpu.memory_space<vmem>>) target_semaphore(%arg19 : memref<!tpu.dma_semaphore, #tpu.memory_space<semaphore_mem>>)
      } else {
      }
      %add3A_149 = arith.constant 2 : i32
      %add3A_150 = arith.addi %add3A_115, %add3A_149 : i32
      %lt3A_151 = arith.constant 80 : i32
      %lt3A_152 = arith.cmpi slt, %add3A_150, %lt3A_151 : i32
      %convert_element_type3A_153 = arith.extui %lt3A_152 : i1 to i32
      %cond3A_154 = arith.constant 0 : i32
      %cond3A_155 = arith.cmpi ne, %convert_element_type3A_153, %cond3A_154 : i32
      scf.if %cond3A_155 {
        %add3A_240 = arith.constant 2 : i32
        %add3A_241 = arith.addi %add3A_115, %add3A_240 : i32
        %dma_wait3A_242 = arith.constant 3 : i32
        %dma_wait3A_243 = arith.constant 0 : i32
        %dma_wait3A_244 = arith.constant 0 : i32
        %dma_wait3A_245 = tpu.memref_slice %arg9[%dma_wait3A_242, %dma_wait3A_243, %dma_wait3A_244] : memref<4x2x128xi32, #tpu.memory_space<vmem>> -> memref<1x2x128xi32, #tpu.memory_space<vmem>>
        %dma_wait3A_246 = tpu.memref_squeeze %dma_wait3A_245 : memref<1x2x128xi32, #tpu.memory_space<vmem>> -> memref<2x128xi32, #tpu.memory_space<vmem>>
        %dma_wait3A_247 = arith.constant 0 : i32
        %dma_wait3A_248 = arith.constant 0 : i32
        %dma_wait3A_249 = tpu.memref_slice %arg3[%add3A, %add3A_241, %dma_wait3A_247, %dma_wait3A_248] : memref<32x80x2x128xi32, #tpu.memory_space<hbm>> -> memref<1x1x2x128xi32, #tpu.memory_space<hbm>>
        %dma_wait3A_250 = tpu.memref_squeeze %dma_wait3A_249 : memref<1x1x2x128xi32, #tpu.memory_space<hbm>> -> memref<2x128xi32, #tpu.memory_space<hbm>>
        %dma_wait3A_251 = arith.constant 0 : i32
        %dma_wait3A_252 = arith.constant 0 : i32
        %dma_wait3A_253 = tpu.memref_slice %arg9[%dma_wait3A_242, %dma_wait3A_251, %dma_wait3A_252] : memref<4x2x128xi32, #tpu.memory_space<vmem>> -> memref<1x2x128xi32, #tpu.memory_space<vmem>>
        %dma_wait3A_254 = tpu.memref_squeeze %dma_wait3A_253 : memref<1x2x128xi32, #tpu.memory_space<vmem>> -> memref<2x128xi32, #tpu.memory_space<vmem>>
        %dma_wait3A_255 = arith.constant 0 : i32
        %dma_wait3A_256 = arith.constant 0 : i32
        %dma_wait3A_257 = tpu.memref_slice %arg3[%add3A, %add3A_241, %dma_wait3A_255, %dma_wait3A_256] : memref<32x80x2x128xi32, #tpu.memory_space<hbm>> -> memref<1x1x2x128xi32, #tpu.memory_space<hbm>>
        %dma_wait3A_258 = tpu.memref_squeeze %dma_wait3A_257 : memref<1x1x2x128xi32, #tpu.memory_space<hbm>> -> memref<2x128xi32, #tpu.memory_space<hbm>>
        tpu.wait_dma2 semaphore(%arg21 : memref<!tpu.dma_semaphore, #tpu.memory_space<semaphore_mem>>) src(%dma_wait3A_258 : memref<2x128xi32, #tpu.memory_space<hbm>>) dst(%dma_wait3A_254 : memref<2x128xi32, #tpu.memory_space<vmem>>)
        %dma_start3A_259 = arith.constant 3 : i32
        %dma_start3A_260 = arith.constant 0 : i32
        %dma_start3A_261 = arith.constant 0 : i32
        %dma_start3A_262 = tpu.memref_slice %arg9[%dma_start3A_259, %dma_start3A_260, %dma_start3A_261] : memref<4x2x128xi32, #tpu.memory_space<vmem>> -> memref<1x1x128xi32, #tpu.memory_space<vmem>>
        %dma_start3A_263 = tpu.memref_squeeze %dma_start3A_262 : memref<1x1x128xi32, #tpu.memory_space<vmem>> -> memref<128xi32, #tpu.memory_space<vmem>>
        %dma_start3A_264 = arith.constant 0 : i32
        %dma_start3A_265 = arith.constant 0 : i32
        %dma_start3A_266 = tpu.memref_slice %arg2[%dma_start3A_264, %dma_start3A_265] : memref<10000x128xf32, #tpu.memory_space<hbm>> -> memref<10000x128xf32, #tpu.memory_space<hbm>>
        tpu.enqueue_indirect_dma source(%dma_start3A_266 : memref<10000x128xf32, #tpu.memory_space<hbm>>) target(%arg11 : memref<128x128xf32, #tpu.memory_space<vmem>>) offsets(%dma_start3A_263 : memref<128xi32, #tpu.memory_space<vmem>>) semaphore(%arg17 : memref<!tpu.dma_semaphore, #tpu.memory_space<semaphore_mem>>)
      } else {
      }
      %add3A_156 = arith.constant 2 : i32
      %add3A_157 = arith.addi %mul3A_75, %add3A_156 : i32
      %dma_wait3A_158 = arith.constant 2 : i32
      %dma_wait3A_159 = arith.constant 0 : i32
      %dma_wait3A_160 = arith.constant 0 : i32
      %dma_wait3A_161 = tpu.memref_slice %arg9[%dma_wait3A_158, %dma_wait3A_159, %dma_wait3A_160] : memref<4x2x128xi32, #tpu.memory_space<vmem>> -> memref<1x1x128xi32, #tpu.memory_space<vmem>>
      %dma_wait3A_162 = tpu.memref_squeeze %dma_wait3A_161 : memref<1x1x128xi32, #tpu.memory_space<vmem>> -> memref<128xi32, #tpu.memory_space<vmem>>
      %dma_wait3A_163 = arith.constant 0 : i32
      %dma_wait3A_164 = arith.constant 0 : i32
      %dma_wait3A_165 = tpu.memref_slice %arg2[%dma_wait3A_163, %dma_wait3A_164] : memref<10000x128xf32, #tpu.memory_space<hbm>> -> memref<10000x128xf32, #tpu.memory_space<hbm>>
      tpu.wait_indirect_dma semaphore(%arg16 : memref<!tpu.dma_semaphore, #tpu.memory_space<semaphore_mem>>) src(%dma_wait3A_165 : memref<10000x128xf32, #tpu.memory_space<hbm>>) dst(%arg10 : memref<128x128xf32, #tpu.memory_space<vmem>>)
      %dma_start3A_166 = arith.constant 2 : i32
      %dma_start3A_167 = arith.constant 1 : i32
      %dma_start3A_168 = arith.constant 0 : i32
      %dma_start3A_169 = tpu.memref_slice %arg9[%dma_start3A_166, %dma_start3A_167, %dma_start3A_168] : memref<4x2x128xi32, #tpu.memory_space<vmem>> -> memref<1x1x128xi32, #tpu.memory_space<vmem>>
      %dma_start3A_170 = tpu.memref_squeeze %dma_start3A_169 : memref<1x1x128xi32, #tpu.memory_space<vmem>> -> memref<128xi32, #tpu.memory_space<vmem>>
      %dma_start3A_171 = arith.constant 0 : i32
      %dma_start3A_172 = arith.constant 0 : i32
      %dma_start3A_173 = tpu.memref_slice %arg13[%dma_start3A_171, %dma_start3A_172] : memref<10240x16xf32, #tpu.memory_space<vmem_shared>> -> memref<10240x16xf32, #tpu.memory_space<vmem_shared>>
      tpu.enqueue_indirect_dma source(%arg12 : memref<128x16xf32, #tpu.memory_space<vmem>>) target(%dma_start3A_173 : memref<10240x16xf32, #tpu.memory_space<vmem_shared>>) offsets(%dma_start3A_170 : memref<128xi32, #tpu.memory_space<vmem>>) semaphore(%arg14 : memref<!tpu.dma_semaphore, #tpu.memory_space<semaphore_mem>>) {add = true}
      %run_scoped3A_174 = arith.constant 2 : i32
      %run_scoped3A_175 = arith.constant 1 : i32
      "tpu.region"() ({
        %run_scoped3A_240 = tpu.sem_alloc : memref<!tpu.dma_semaphore, #tpu.memory_space<semaphore_mem>>
        %dma_start3A_241 = arith.constant 0 : i32
        %dma_start3A_242 = tpu.memref_slice %arg9[%run_scoped3A_174, %run_scoped3A_175, %dma_start3A_241] : memref<4x2x128xi32, #tpu.memory_space<vmem>> -> memref<1x1x128xi32, #tpu.memory_space<vmem>>
        %dma_start3A_243 = tpu.memref_squeeze %dma_start3A_242 : memref<1x1x128xi32, #tpu.memory_space<vmem>> -> memref<128xi32, #tpu.memory_space<vmem>>
        %dma_start3A_244 = arith.constant 0 : i32
        %dma_start3A_245 = arith.constant 0 : i32
        %dma_start3A_246 = tpu.memref_slice %arg15[%dma_start3A_244, %dma_start3A_245] : memref<10240x128xf32, #tpu.memory_space<vmem_shared>> -> memref<10240x128xf32, #tpu.memory_space<vmem_shared>>
        tpu.enqueue_indirect_dma source(%arg10 : memref<128x128xf32, #tpu.memory_space<vmem>>) target(%dma_start3A_246 : memref<10240x128xf32, #tpu.memory_space<vmem_shared>>) offsets(%dma_start3A_243 : memref<128xi32, #tpu.memory_space<vmem>>) semaphore(%run_scoped3A_240 : memref<!tpu.dma_semaphore, #tpu.memory_space<semaphore_mem>>) {add = true}
        %dma_wait3A_247 = arith.constant 0 : i32
        %dma_wait3A_248 = tpu.memref_slice %arg9[%run_scoped3A_174, %run_scoped3A_175, %dma_wait3A_247] : memref<4x2x128xi32, #tpu.memory_space<vmem>> -> memref<1x1x128xi32, #tpu.memory_space<vmem>>
        %dma_wait3A_249 = tpu.memref_squeeze %dma_wait3A_248 : memref<1x1x128xi32, #tpu.memory_space<vmem>> -> memref<128xi32, #tpu.memory_space<vmem>>
        %dma_wait3A_250 = arith.constant 0 : i32
        %dma_wait3A_251 = arith.constant 0 : i32
        %dma_wait3A_252 = tpu.memref_slice %arg15[%dma_wait3A_250, %dma_wait3A_251] : memref<10240x128xf32, #tpu.memory_space<vmem_shared>> -> memref<10240x128xf32, #tpu.memory_space<vmem_shared>>
        tpu.wait_indirect_dma semaphore(%run_scoped3A_240 : memref<!tpu.dma_semaphore, #tpu.memory_space<semaphore_mem>>) src(%arg10 : memref<128x128xf32, #tpu.memory_space<vmem>>) dst(%dma_wait3A_252 : memref<10240x128xf32, #tpu.memory_space<vmem_shared>>)
        tpu.yield
      }) : () -> ()
      %dma_wait3A_176 = arith.constant 2 : i32
      %dma_wait3A_177 = arith.constant 1 : i32
      %dma_wait3A_178 = arith.constant 0 : i32
      %dma_wait3A_179 = tpu.memref_slice %arg9[%dma_wait3A_176, %dma_wait3A_177, %dma_wait3A_178] : memref<4x2x128xi32, #tpu.memory_space<vmem>> -> memref<1x1x128xi32, #tpu.memory_space<vmem>>
      %dma_wait3A_180 = tpu.memref_squeeze %dma_wait3A_179 : memref<1x1x128xi32, #tpu.memory_space<vmem>> -> memref<128xi32, #tpu.memory_space<vmem>>
      %dma_wait3A_181 = arith.constant 0 : i32
      %dma_wait3A_182 = arith.constant 0 : i32
      %dma_wait3A_183 = tpu.memref_slice %arg13[%dma_wait3A_181, %dma_wait3A_182] : memref<10240x16xf32, #tpu.memory_space<vmem_shared>> -> memref<10240x16xf32, #tpu.memory_space<vmem_shared>>
      tpu.wait_indirect_dma semaphore(%arg14 : memref<!tpu.dma_semaphore, #tpu.memory_space<semaphore_mem>>) src(%arg12 : memref<128x16xf32, #tpu.memory_space<vmem>>) dst(%dma_wait3A_183 : memref<10240x16xf32, #tpu.memory_space<vmem_shared>>)
      %add3A_184 = arith.constant 4 : i32
      %add3A_185 = arith.addi %add3A_157, %add3A_184 : i32
      %lt3A_186 = arith.constant 80 : i32
      %lt3A_187 = arith.cmpi slt, %add3A_185, %lt3A_186 : i32
      %convert_element_type3A_188 = arith.extui %lt3A_187 : i1 to i32
      %cond3A_189 = arith.constant 0 : i32
      %cond3A_190 = arith.cmpi ne, %convert_element_type3A_188, %cond3A_189 : i32
      scf.if %cond3A_190 {
        %add3A_240 = arith.constant 4 : i32
        %add3A_241 = arith.addi %add3A_157, %add3A_240 : i32
        %dma_start3A_242 = arith.constant 2 : i32
        %dma_start3A_243 = arith.constant 0 : i32
        %dma_start3A_244 = arith.constant 0 : i32
        %dma_start3A_245 = tpu.memref_slice %arg9[%dma_start3A_242, %dma_start3A_243, %dma_start3A_244] : memref<4x2x128xi32, #tpu.memory_space<vmem>> -> memref<1x2x128xi32, #tpu.memory_space<vmem>>
        %dma_start3A_246 = tpu.memref_squeeze %dma_start3A_245 : memref<1x2x128xi32, #tpu.memory_space<vmem>> -> memref<2x128xi32, #tpu.memory_space<vmem>>
        %dma_start3A_247 = arith.constant 0 : i32
        %dma_start3A_248 = arith.constant 0 : i32
        %dma_start3A_249 = tpu.memref_slice %arg3[%add3A, %add3A_241, %dma_start3A_247, %dma_start3A_248] : memref<32x80x2x128xi32, #tpu.memory_space<hbm>> -> memref<1x1x2x128xi32, #tpu.memory_space<hbm>>
        %dma_start3A_250 = tpu.memref_squeeze %dma_start3A_249 : memref<1x1x2x128xi32, #tpu.memory_space<hbm>> -> memref<2x128xi32, #tpu.memory_space<hbm>>
        %dma_start3A_251 = arith.constant 0 : i32
        %dma_start3A_252 = arith.constant 0 : i32
        %dma_start3A_253 = tpu.memref_slice %arg9[%dma_start3A_242, %dma_start3A_251, %dma_start3A_252] : memref<4x2x128xi32, #tpu.memory_space<vmem>> -> memref<1x2x128xi32, #tpu.memory_space<vmem>>
        %dma_start3A_254 = tpu.memref_squeeze %dma_start3A_253 : memref<1x2x128xi32, #tpu.memory_space<vmem>> -> memref<2x128xi32, #tpu.memory_space<vmem>>
        %dma_start3A_255 = arith.constant 0 : i32
        %dma_start3A_256 = arith.constant 0 : i32
        %dma_start3A_257 = tpu.memref_slice %arg3[%add3A, %add3A_241, %dma_start3A_255, %dma_start3A_256] : memref<32x80x2x128xi32, #tpu.memory_space<hbm>> -> memref<1x1x2x128xi32, #tpu.memory_space<hbm>>
        %dma_start3A_258 = tpu.memref_squeeze %dma_start3A_257 : memref<1x1x2x128xi32, #tpu.memory_space<hbm>> -> memref<2x128xi32, #tpu.memory_space<hbm>>
        tpu.enqueue_dma source(%dma_start3A_258 : memref<2x128xi32, #tpu.memory_space<hbm>>) target(%dma_start3A_254 : memref<2x128xi32, #tpu.memory_space<vmem>>) target_semaphore(%arg20 : memref<!tpu.dma_semaphore, #tpu.memory_space<semaphore_mem>>)
      } else {
      }
      %add3A_191 = arith.constant 2 : i32
      %add3A_192 = arith.addi %add3A_157, %add3A_191 : i32
      %lt3A_193 = arith.constant 80 : i32
      %lt3A_194 = arith.cmpi slt, %add3A_192, %lt3A_193 : i32
      %convert_element_type3A_195 = arith.extui %lt3A_194 : i1 to i32
      %cond3A_196 = arith.constant 0 : i32
      %cond3A_197 = arith.cmpi ne, %convert_element_type3A_195, %cond3A_196 : i32
      scf.if %cond3A_197 {
        %add3A_240 = arith.constant 2 : i32
        %add3A_241 = arith.addi %add3A_157, %add3A_240 : i32
        %dma_wait3A_242 = arith.constant 0 : i32
        %dma_wait3A_243 = arith.constant 0 : i32
        %dma_wait3A_244 = arith.constant 0 : i32
        %dma_wait3A_245 = tpu.memref_slice %arg9[%dma_wait3A_242, %dma_wait3A_243, %dma_wait3A_244] : memref<4x2x128xi32, #tpu.memory_space<vmem>> -> memref<1x2x128xi32, #tpu.memory_space<vmem>>
        %dma_wait3A_246 = tpu.memref_squeeze %dma_wait3A_245 : memref<1x2x128xi32, #tpu.memory_space<vmem>> -> memref<2x128xi32, #tpu.memory_space<vmem>>
        %dma_wait3A_247 = arith.constant 0 : i32
        %dma_wait3A_248 = arith.constant 0 : i32
        %dma_wait3A_249 = tpu.memref_slice %arg3[%add3A, %add3A_241, %dma_wait3A_247, %dma_wait3A_248] : memref<32x80x2x128xi32, #tpu.memory_space<hbm>> -> memref<1x1x2x128xi32, #tpu.memory_space<hbm>>
        %dma_wait3A_250 = tpu.memref_squeeze %dma_wait3A_249 : memref<1x1x2x128xi32, #tpu.memory_space<hbm>> -> memref<2x128xi32, #tpu.memory_space<hbm>>
        %dma_wait3A_251 = arith.constant 0 : i32
        %dma_wait3A_252 = arith.constant 0 : i32
        %dma_wait3A_253 = tpu.memref_slice %arg9[%dma_wait3A_242, %dma_wait3A_251, %dma_wait3A_252] : memref<4x2x128xi32, #tpu.memory_space<vmem>> -> memref<1x2x128xi32, #tpu.memory_space<vmem>>
        %dma_wait3A_254 = tpu.memref_squeeze %dma_wait3A_253 : memref<1x2x128xi32, #tpu.memory_space<vmem>> -> memref<2x128xi32, #tpu.memory_space<vmem>>
        %dma_wait3A_255 = arith.constant 0 : i32
        %dma_wait3A_256 = arith.constant 0 : i32
        %dma_wait3A_257 = tpu.memref_slice %arg3[%add3A, %add3A_241, %dma_wait3A_255, %dma_wait3A_256] : memref<32x80x2x128xi32, #tpu.memory_space<hbm>> -> memref<1x1x2x128xi32, #tpu.memory_space<hbm>>
        %dma_wait3A_258 = tpu.memref_squeeze %dma_wait3A_257 : memref<1x1x2x128xi32, #tpu.memory_space<hbm>> -> memref<2x128xi32, #tpu.memory_space<hbm>>
        tpu.wait_dma2 semaphore(%arg18 : memref<!tpu.dma_semaphore, #tpu.memory_space<semaphore_mem>>) src(%dma_wait3A_258 : memref<2x128xi32, #tpu.memory_space<hbm>>) dst(%dma_wait3A_254 : memref<2x128xi32, #tpu.memory_space<vmem>>)
        %dma_start3A_259 = arith.constant 0 : i32
        %dma_start3A_260 = arith.constant 0 : i32
        %dma_start3A_261 = arith.constant 0 : i32
        %dma_start3A_262 = tpu.memref_slice %arg9[%dma_start3A_259, %dma_start3A_260, %dma_start3A_261] : memref<4x2x128xi32, #tpu.memory_space<vmem>> -> memref<1x1x128xi32, #tpu.memory_space<vmem>>
        %dma_start3A_263 = tpu.memref_squeeze %dma_start3A_262 : memref<1x1x128xi32, #tpu.memory_space<vmem>> -> memref<128xi32, #tpu.memory_space<vmem>>
        %dma_start3A_264 = arith.constant 0 : i32
        %dma_start3A_265 = arith.constant 0 : i32
        %dma_start3A_266 = tpu.memref_slice %arg2[%dma_start3A_264, %dma_start3A_265] : memref<10000x128xf32, #tpu.memory_space<hbm>> -> memref<10000x128xf32, #tpu.memory_space<hbm>>
        tpu.enqueue_indirect_dma source(%dma_start3A_266 : memref<10000x128xf32, #tpu.memory_space<hbm>>) target(%arg10 : memref<128x128xf32, #tpu.memory_space<vmem>>) offsets(%dma_start3A_263 : memref<128xi32, #tpu.memory_space<vmem>>) semaphore(%arg16 : memref<!tpu.dma_semaphore, #tpu.memory_space<semaphore_mem>>)
      } else {
      }
      %add3A_198 = arith.constant 3 : i32
      %add3A_199 = arith.addi %mul3A_75, %add3A_198 : i32
      %dma_wait3A_200 = arith.constant 3 : i32
      %dma_wait3A_201 = arith.constant 0 : i32
      %dma_wait3A_202 = arith.constant 0 : i32
      %dma_wait3A_203 = tpu.memref_slice %arg9[%dma_wait3A_200, %dma_wait3A_201, %dma_wait3A_202] : memref<4x2x128xi32, #tpu.memory_space<vmem>> -> memref<1x1x128xi32, #tpu.memory_space<vmem>>
      %dma_wait3A_204 = tpu.memref_squeeze %dma_wait3A_203 : memref<1x1x128xi32, #tpu.memory_space<vmem>> -> memref<128xi32, #tpu.memory_space<vmem>>
      %dma_wait3A_205 = arith.constant 0 : i32
      %dma_wait3A_206 = arith.constant 0 : i32
      %dma_wait3A_207 = tpu.memref_slice %arg2[%dma_wait3A_205, %dma_wait3A_206] : memref<10000x128xf32, #tpu.memory_space<hbm>> -> memref<10000x128xf32, #tpu.memory_space<hbm>>
      tpu.wait_indirect_dma semaphore(%arg17 : memref<!tpu.dma_semaphore, #tpu.memory_space<semaphore_mem>>) src(%dma_wait3A_207 : memref<10000x128xf32, #tpu.memory_space<hbm>>) dst(%arg11 : memref<128x128xf32, #tpu.memory_space<vmem>>)
      %dma_start3A_208 = arith.constant 3 : i32
      %dma_start3A_209 = arith.constant 1 : i32
      %dma_start3A_210 = arith.constant 0 : i32
      %dma_start3A_211 = tpu.memref_slice %arg9[%dma_start3A_208, %dma_start3A_209, %dma_start3A_210] : memref<4x2x128xi32, #tpu.memory_space<vmem>> -> memref<1x1x128xi32, #tpu.memory_space<vmem>>
      %dma_start3A_212 = tpu.memref_squeeze %dma_start3A_211 : memref<1x1x128xi32, #tpu.memory_space<vmem>> -> memref<128xi32, #tpu.memory_space<vmem>>
      %dma_start3A_213 = arith.constant 0 : i32
      %dma_start3A_214 = arith.constant 0 : i32
      %dma_start3A_215 = tpu.memref_slice %arg13[%dma_start3A_213, %dma_start3A_214] : memref<10240x16xf32, #tpu.memory_space<vmem_shared>> -> memref<10240x16xf32, #tpu.memory_space<vmem_shared>>
      tpu.enqueue_indirect_dma source(%arg12 : memref<128x16xf32, #tpu.memory_space<vmem>>) target(%dma_start3A_215 : memref<10240x16xf32, #tpu.memory_space<vmem_shared>>) offsets(%dma_start3A_212 : memref<128xi32, #tpu.memory_space<vmem>>) semaphore(%arg14 : memref<!tpu.dma_semaphore, #tpu.memory_space<semaphore_mem>>) {add = true}
      %run_scoped3A_216 = arith.constant 3 : i32
      %run_scoped3A_217 = arith.constant 1 : i32
      "tpu.region"() ({
        %run_scoped3A_240 = tpu.sem_alloc : memref<!tpu.dma_semaphore, #tpu.memory_space<semaphore_mem>>
        %dma_start3A_241 = arith.constant 0 : i32
        %dma_start3A_242 = tpu.memref_slice %arg9[%run_scoped3A_216, %run_scoped3A_217, %dma_start3A_241] : memref<4x2x128xi32, #tpu.memory_space<vmem>> -> memref<1x1x128xi32, #tpu.memory_space<vmem>>
        %dma_start3A_243 = tpu.memref_squeeze %dma_start3A_242 : memref<1x1x128xi32, #tpu.memory_space<vmem>> -> memref<128xi32, #tpu.memory_space<vmem>>
        %dma_start3A_244 = arith.constant 0 : i32
        %dma_start3A_245 = arith.constant 0 : i32
        %dma_start3A_246 = tpu.memref_slice %arg15[%dma_start3A_244, %dma_start3A_245] : memref<10240x128xf32, #tpu.memory_space<vmem_shared>> -> memref<10240x128xf32, #tpu.memory_space<vmem_shared>>
        tpu.enqueue_indirect_dma source(%arg11 : memref<128x128xf32, #tpu.memory_space<vmem>>) target(%dma_start3A_246 : memref<10240x128xf32, #tpu.memory_space<vmem_shared>>) offsets(%dma_start3A_243 : memref<128xi32, #tpu.memory_space<vmem>>) semaphore(%run_scoped3A_240 : memref<!tpu.dma_semaphore, #tpu.memory_space<semaphore_mem>>) {add = true}
        %dma_wait3A_247 = arith.constant 0 : i32
        %dma_wait3A_248 = tpu.memref_slice %arg9[%run_scoped3A_216, %run_scoped3A_217, %dma_wait3A_247] : memref<4x2x128xi32, #tpu.memory_space<vmem>> -> memref<1x1x128xi32, #tpu.memory_space<vmem>>
        %dma_wait3A_249 = tpu.memref_squeeze %dma_wait3A_248 : memref<1x1x128xi32, #tpu.memory_space<vmem>> -> memref<128xi32, #tpu.memory_space<vmem>>
        %dma_wait3A_250 = arith.constant 0 : i32
        %dma_wait3A_251 = arith.constant 0 : i32
        %dma_wait3A_252 = tpu.memref_slice %arg15[%dma_wait3A_250, %dma_wait3A_251] : memref<10240x128xf32, #tpu.memory_space<vmem_shared>> -> memref<10240x128xf32, #tpu.memory_space<vmem_shared>>
        tpu.wait_indirect_dma semaphore(%run_scoped3A_240 : memref<!tpu.dma_semaphore, #tpu.memory_space<semaphore_mem>>) src(%arg11 : memref<128x128xf32, #tpu.memory_space<vmem>>) dst(%dma_wait3A_252 : memref<10240x128xf32, #tpu.memory_space<vmem_shared>>)
        tpu.yield
      }) : () -> ()
      %dma_wait3A_218 = arith.constant 3 : i32
      %dma_wait3A_219 = arith.constant 1 : i32
      %dma_wait3A_220 = arith.constant 0 : i32
      %dma_wait3A_221 = tpu.memref_slice %arg9[%dma_wait3A_218, %dma_wait3A_219, %dma_wait3A_220] : memref<4x2x128xi32, #tpu.memory_space<vmem>> -> memref<1x1x128xi32, #tpu.memory_space<vmem>>
      %dma_wait3A_222 = tpu.memref_squeeze %dma_wait3A_221 : memref<1x1x128xi32, #tpu.memory_space<vmem>> -> memref<128xi32, #tpu.memory_space<vmem>>
      %dma_wait3A_223 = arith.constant 0 : i32
      %dma_wait3A_224 = arith.constant 0 : i32
      %dma_wait3A_225 = tpu.memref_slice %arg13[%dma_wait3A_223, %dma_wait3A_224] : memref<10240x16xf32, #tpu.memory_space<vmem_shared>> -> memref<10240x16xf32, #tpu.memory_space<vmem_shared>>
      tpu.wait_indirect_dma semaphore(%arg14 : memref<!tpu.dma_semaphore, #tpu.memory_space<semaphore_mem>>) src(%arg12 : memref<128x16xf32, #tpu.memory_space<vmem>>) dst(%dma_wait3A_225 : memref<10240x16xf32, #tpu.memory_space<vmem_shared>>)
      %add3A_226 = arith.constant 4 : i32
      %add3A_227 = arith.addi %add3A_199, %add3A_226 : i32
      %lt3A_228 = arith.constant 80 : i32
      %lt3A_229 = arith.cmpi slt, %add3A_227, %lt3A_228 : i32
      %convert_element_type3A_230 = arith.extui %lt3A_229 : i1 to i32
      %cond3A_231 = arith.constant 0 : i32
      %cond3A_232 = arith.cmpi ne, %convert_element_type3A_230, %cond3A_231 : i32
      scf.if %cond3A_232 {
        %add3A_240 = arith.constant 4 : i32
        %add3A_241 = arith.addi %add3A_199, %add3A_240 : i32
        %dma_start3A_242 = arith.constant 3 : i32
        %dma_start3A_243 = arith.constant 0 : i32
        %dma_start3A_244 = arith.constant 0 : i32
        %dma_start3A_245 = tpu.memref_slice %arg9[%dma_start3A_242, %dma_start3A_243, %dma_start3A_244] : memref<4x2x128xi32, #tpu.memory_space<vmem>> -> memref<1x2x128xi32, #tpu.memory_space<vmem>>
        %dma_start3A_246 = tpu.memref_squeeze %dma_start3A_245 : memref<1x2x128xi32, #tpu.memory_space<vmem>> -> memref<2x128xi32, #tpu.memory_space<vmem>>
        %dma_start3A_247 = arith.constant 0 : i32
        %dma_start3A_248 = arith.constant 0 : i32
        %dma_start3A_249 = tpu.memref_slice %arg3[%add3A, %add3A_241, %dma_start3A_247, %dma_start3A_248] : memref<32x80x2x128xi32, #tpu.memory_space<hbm>> -> memref<1x1x2x128xi32, #tpu.memory_space<hbm>>
        %dma_start3A_250 = tpu.memref_squeeze %dma_start3A_249 : memref<1x1x2x128xi32, #tpu.memory_space<hbm>> -> memref<2x128xi32, #tpu.memory_space<hbm>>
        %dma_start3A_251 = arith.constant 0 : i32
        %dma_start3A_252 = arith.constant 0 : i32
        %dma_start3A_253 = tpu.memref_slice %arg9[%dma_start3A_242, %dma_start3A_251, %dma_start3A_252] : memref<4x2x128xi32, #tpu.memory_space<vmem>> -> memref<1x2x128xi32, #tpu.memory_space<vmem>>
        %dma_start3A_254 = tpu.memref_squeeze %dma_start3A_253 : memref<1x2x128xi32, #tpu.memory_space<vmem>> -> memref<2x128xi32, #tpu.memory_space<vmem>>
        %dma_start3A_255 = arith.constant 0 : i32
        %dma_start3A_256 = arith.constant 0 : i32
        %dma_start3A_257 = tpu.memref_slice %arg3[%add3A, %add3A_241, %dma_start3A_255, %dma_start3A_256] : memref<32x80x2x128xi32, #tpu.memory_space<hbm>> -> memref<1x1x2x128xi32, #tpu.memory_space<hbm>>
        %dma_start3A_258 = tpu.memref_squeeze %dma_start3A_257 : memref<1x1x2x128xi32, #tpu.memory_space<hbm>> -> memref<2x128xi32, #tpu.memory_space<hbm>>
        tpu.enqueue_dma source(%dma_start3A_258 : memref<2x128xi32, #tpu.memory_space<hbm>>) target(%dma_start3A_254 : memref<2x128xi32, #tpu.memory_space<vmem>>) target_semaphore(%arg21 : memref<!tpu.dma_semaphore, #tpu.memory_space<semaphore_mem>>)
      } else {
      }
      %add3A_233 = arith.constant 2 : i32
      %add3A_234 = arith.addi %add3A_199, %add3A_233 : i32
      %lt3A_235 = arith.constant 80 : i32
      %lt3A_236 = arith.cmpi slt, %add3A_234, %lt3A_235 : i32
      %convert_element_type3A_237 = arith.extui %lt3A_236 : i1 to i32
      %cond3A_238 = arith.constant 0 : i32
      %cond3A_239 = arith.cmpi ne, %convert_element_type3A_237, %cond3A_238 : i32
      scf.if %cond3A_239 {
        %add3A_240 = arith.constant 2 : i32
        %add3A_241 = arith.addi %add3A_199, %add3A_240 : i32
        %dma_wait3A_242 = arith.constant 1 : i32
        %dma_wait3A_243 = arith.constant 0 : i32
        %dma_wait3A_244 = arith.constant 0 : i32
        %dma_wait3A_245 = tpu.memref_slice %arg9[%dma_wait3A_242, %dma_wait3A_243, %dma_wait3A_244] : memref<4x2x128xi32, #tpu.memory_space<vmem>> -> memref<1x2x128xi32, #tpu.memory_space<vmem>>
        %dma_wait3A_246 = tpu.memref_squeeze %dma_wait3A_245 : memref<1x2x128xi32, #tpu.memory_space<vmem>> -> memref<2x128xi32, #tpu.memory_space<vmem>>
        %dma_wait3A_247 = arith.constant 0 : i32
        %dma_wait3A_248 = arith.constant 0 : i32
        %dma_wait3A_249 = tpu.memref_slice %arg3[%add3A, %add3A_241, %dma_wait3A_247, %dma_wait3A_248] : memref<32x80x2x128xi32, #tpu.memory_space<hbm>> -> memref<1x1x2x128xi32, #tpu.memory_space<hbm>>
        %dma_wait3A_250 = tpu.memref_squeeze %dma_wait3A_249 : memref<1x1x2x128xi32, #tpu.memory_space<hbm>> -> memref<2x128xi32, #tpu.memory_space<hbm>>
        %dma_wait3A_251 = arith.constant 0 : i32
        %dma_wait3A_252 = arith.constant 0 : i32
        %dma_wait3A_253 = tpu.memref_slice %arg9[%dma_wait3A_242, %dma_wait3A_251, %dma_wait3A_252] : memref<4x2x128xi32, #tpu.memory_space<vmem>> -> memref<1x2x128xi32, #tpu.memory_space<vmem>>
        %dma_wait3A_254 = tpu.memref_squeeze %dma_wait3A_253 : memref<1x2x128xi32, #tpu.memory_space<vmem>> -> memref<2x128xi32, #tpu.memory_space<vmem>>
        %dma_wait3A_255 = arith.constant 0 : i32
        %dma_wait3A_256 = arith.constant 0 : i32
        %dma_wait3A_257 = tpu.memref_slice %arg3[%add3A, %add3A_241, %dma_wait3A_255, %dma_wait3A_256] : memref<32x80x2x128xi32, #tpu.memory_space<hbm>> -> memref<1x1x2x128xi32, #tpu.memory_space<hbm>>
        %dma_wait3A_258 = tpu.memref_squeeze %dma_wait3A_257 : memref<1x1x2x128xi32, #tpu.memory_space<hbm>> -> memref<2x128xi32, #tpu.memory_space<hbm>>
        tpu.wait_dma2 semaphore(%arg19 : memref<!tpu.dma_semaphore, #tpu.memory_space<semaphore_mem>>) src(%dma_wait3A_258 : memref<2x128xi32, #tpu.memory_space<hbm>>) dst(%dma_wait3A_254 : memref<2x128xi32, #tpu.memory_space<vmem>>)
        %dma_start3A_259 = arith.constant 1 : i32
        %dma_start3A_260 = arith.constant 0 : i32
        %dma_start3A_261 = arith.constant 0 : i32
        %dma_start3A_262 = tpu.memref_slice %arg9[%dma_start3A_259, %dma_start3A_260, %dma_start3A_261] : memref<4x2x128xi32, #tpu.memory_space<vmem>> -> memref<1x1x128xi32, #tpu.memory_space<vmem>>
        %dma_start3A_263 = tpu.memref_squeeze %dma_start3A_262 : memref<1x1x128xi32, #tpu.memory_space<vmem>> -> memref<128xi32, #tpu.memory_space<vmem>>
        %dma_start3A_264 = arith.constant 0 : i32
        %dma_start3A_265 = arith.constant 0 : i32
        %dma_start3A_266 = tpu.memref_slice %arg2[%dma_start3A_264, %dma_start3A_265] : memref<10000x128xf32, #tpu.memory_space<hbm>> -> memref<10000x128xf32, #tpu.memory_space<hbm>>
        tpu.enqueue_indirect_dma source(%dma_start3A_266 : memref<10000x128xf32, #tpu.memory_space<hbm>>) target(%arg11 : memref<128x128xf32, #tpu.memory_space<vmem>>) offsets(%dma_start3A_263 : memref<128xi32, #tpu.memory_space<vmem>>) semaphore(%arg17 : memref<!tpu.dma_semaphore, #tpu.memory_space<semaphore_mem>>)
      } else {
      }
    }
    %scan3A_63 = arith.constant 20 : i32
    %barrier3A_64 = arith.constant 0 : index
    tpu.barrier barrier_id(%barrier3A_64)
    %mul3A_65 = arith.constant 640 : i32
    %mul3A_66 = arith.muli %arg1, %mul3A_65 : i32
    %mul3A_67 = arith.constant 640 : i32
    %mul3A_68 = arith.muli %arg1, %mul3A_67 : i32
    "tpu.region"() ({
      %run_scoped3A_73 = tpu.sem_alloc : memref<!tpu.dma_semaphore, #tpu.memory_space<semaphore_mem>>
      %dma_start3A_74 = arith.constant 0 : i32
      %dma_start3A_75 = tpu.memref_slice %arg7[%arg0, %mul3A_68, %dma_start3A_74] : memref<2x10240x128xf32, #tpu.memory_space<hbm>> -> memref<1x640x128xf32, #tpu.memory_space<hbm>>
      %dma_start3A_76 = tpu.memref_squeeze %dma_start3A_75 : memref<1x640x128xf32, #tpu.memory_space<hbm>> -> memref<640x128xf32, #tpu.memory_space<hbm>>
      %dma_start3A_77 = arith.constant 0 : i32
      %dma_start3A_78 = tpu.memref_slice %arg15[%mul3A_66, %dma_start3A_77] : memref<10240x128xf32, #tpu.memory_space<vmem_shared>> -> memref<640x128xf32, #tpu.memory_space<vmem_shared>>
      tpu.enqueue_dma source(%dma_start3A_78 : memref<640x128xf32, #tpu.memory_space<vmem_shared>>) target(%dma_start3A_76 : memref<640x128xf32, #tpu.memory_space<hbm>>) target_semaphore(%run_scoped3A_73 : memref<!tpu.dma_semaphore, #tpu.memory_space<semaphore_mem>>)
      %dma_wait3A = arith.constant 0 : i32
      %dma_wait3A_79 = tpu.memref_slice %arg7[%arg0, %mul3A_68, %dma_wait3A] : memref<2x10240x128xf32, #tpu.memory_space<hbm>> -> memref<1x640x128xf32, #tpu.memory_space<hbm>>
      %dma_wait3A_80 = tpu.memref_squeeze %dma_wait3A_79 : memref<1x640x128xf32, #tpu.memory_space<hbm>> -> memref<640x128xf32, #tpu.memory_space<hbm>>
      %dma_wait3A_81 = arith.constant 0 : i32
      %dma_wait3A_82 = tpu.memref_slice %arg15[%mul3A_66, %dma_wait3A_81] : memref<10240x128xf32, #tpu.memory_space<vmem_shared>> -> memref<640x128xf32, #tpu.memory_space<vmem_shared>>
      tpu.wait_dma2 semaphore(%run_scoped3A_73 : memref<!tpu.dma_semaphore, #tpu.memory_space<semaphore_mem>>) src(%dma_wait3A_82 : memref<640x128xf32, #tpu.memory_space<vmem_shared>>) dst(%dma_wait3A_80 : memref<640x128xf32, #tpu.memory_space<hbm>>)
      tpu.yield
    }) : () -> ()
    %mul3A_69 = arith.constant 640 : i32
    %mul3A_70 = arith.muli %arg1, %mul3A_69 : i32
    %mul3A_71 = arith.constant 640 : i32
    %mul3A_72 = arith.muli %arg1, %mul3A_71 : i32
    "tpu.region"() ({
      %run_scoped3A_73 = tpu.sem_alloc : memref<!tpu.dma_semaphore, #tpu.memory_space<semaphore_mem>>
      %dma_start3A_74 = arith.constant 0 : i32
      %dma_start3A_75 = tpu.memref_slice %arg8[%arg0, %mul3A_72, %dma_start3A_74] : memref<2x10240x16xf32, #tpu.memory_space<hbm>> -> memref<1x640x16xf32, #tpu.memory_space<hbm>>
      %dma_start3A_76 = tpu.memref_squeeze %dma_start3A_75 : memref<1x640x16xf32, #tpu.memory_space<hbm>> -> memref<640x16xf32, #tpu.memory_space<hbm>>
      %dma_start3A_77 = arith.constant 0 : i32
      %dma_start3A_78 = tpu.memref_slice %arg13[%mul3A_70, %dma_start3A_77] : memref<10240x16xf32, #tpu.memory_space<vmem_shared>> -> memref<640x16xf32, #tpu.memory_space<vmem_shared>>
      tpu.enqueue_dma source(%dma_start3A_78 : memref<640x16xf32, #tpu.memory_space<vmem_shared>>) target(%dma_start3A_76 : memref<640x16xf32, #tpu.memory_space<hbm>>) target_semaphore(%run_scoped3A_73 : memref<!tpu.dma_semaphore, #tpu.memory_space<semaphore_mem>>)
      %dma_wait3A = arith.constant 0 : i32
      %dma_wait3A_79 = tpu.memref_slice %arg8[%arg0, %mul3A_72, %dma_wait3A] : memref<2x10240x16xf32, #tpu.memory_space<hbm>> -> memref<1x640x16xf32, #tpu.memory_space<hbm>>
      %dma_wait3A_80 = tpu.memref_squeeze %dma_wait3A_79 : memref<1x640x16xf32, #tpu.memory_space<hbm>> -> memref<640x16xf32, #tpu.memory_space<hbm>>
      %dma_wait3A_81 = arith.constant 0 : i32
      %dma_wait3A_82 = tpu.memref_slice %arg13[%mul3A_70, %dma_wait3A_81] : memref<10240x16xf32, #tpu.memory_space<vmem_shared>> -> memref<640x16xf32, #tpu.memory_space<vmem_shared>>
      tpu.wait_dma2 semaphore(%run_scoped3A_73 : memref<!tpu.dma_semaphore, #tpu.memory_space<semaphore_mem>>) src(%dma_wait3A_82 : memref<640x16xf32, #tpu.memory_space<vmem_shared>>) dst(%dma_wait3A_80 : memref<640x16xf32, #tpu.memory_space<hbm>>)
      tpu.yield
    }) : () -> ()
    return
  }
}

#map = affine_map<(d0, d1) -> (0, 0)>
#map1 = affine_map<(d0, d1) -> (0, 0, 0, 0)>
#map2 = affine_map<(d0, d1) -> (0, 0, 0)>
module attributes {stable_mosaic.version = 14 : i64} {
  func.func @_sc_pass(%arg0: i32, %arg1: i32, %arg2: memref<10000x128xf32, #tpu.memory_space<hbm>>, %arg3: memref<32x80x2x128xi32, #tpu.memory_space<hbm>>, %arg4: memref<640x128xf32, #tpu.memory_space<hbm>>, %arg5: memref<640x16xf32, #tpu.memory_space<hbm>>, %arg6: memref<128x16xf32, #tpu.memory_space<hbm>>, %arg7: memref<2x10240x128xf32, #tpu.memory_space<hbm>>, %arg8: memref<4x2x128xi32, #tpu.memory_space<vmem>>, %arg9: memref<128x128xf32, #tpu.memory_space<vmem>>, %arg10: memref<128x128xf32, #tpu.memory_space<vmem>>, %arg11: memref<10240x128xf32, #tpu.memory_space<vmem_shared>>, %arg12: memref<!tpu.dma_semaphore, #tpu.memory_space<semaphore_mem>>, %arg13: memref<!tpu.dma_semaphore, #tpu.memory_space<semaphore_mem>>, %arg14: memref<!tpu.dma_semaphore, #tpu.memory_space<semaphore_mem>>, %arg15: memref<!tpu.dma_semaphore, #tpu.memory_space<semaphore_mem>>, %arg16: memref<!tpu.dma_semaphore, #tpu.memory_space<semaphore_mem>>, %arg17: memref<!tpu.dma_semaphore, #tpu.memory_space<semaphore_mem>>) attributes {dimension_semantics = [#tpu.dimension_semantics<core_parallel>, #tpu.dimension_semantics<subcore_parallel>], iteration_bounds = array<i64: 2, 16>, scalar_prefetch = 0 : i64, scratch_operands = 10 : i64, tpu.core_type = #tpu.core_type<sc_vector_subcore>, window_params = [{transform_indices = #map}, {transform_indices = #map1}, {transform_indices = #map}, {transform_indices = #map}, {transform_indices = #map}, {transform_indices = #map2}]} {
    %mul3A = arith.constant 16 : i32
    %mul3A_0 = arith.muli %arg0, %mul3A : i32
    %add3A = arith.addi %mul3A_0, %arg1 : i32
    %run_scoped3A = arith.constant 0 : i32
    %run_scoped3A_1 = arith.constant 0 : i32
    "tpu.region"() ({
      %run_scoped3A_67 = tpu.sem_alloc : memref<!tpu.dma_semaphore, #tpu.memory_space<semaphore_mem>>
      %dma_start3A_68 = arith.constant 0 : i32
      %dma_start3A_69 = arith.constant 0 : i32
      %dma_start3A_70 = tpu.memref_slice %arg8[%run_scoped3A_1, %dma_start3A_68, %dma_start3A_69] : memref<4x2x128xi32, #tpu.memory_space<vmem>> -> memref<1x2x128xi32, #tpu.memory_space<vmem>>
      %dma_start3A_71 = tpu.memref_squeeze %dma_start3A_70 : memref<1x2x128xi32, #tpu.memory_space<vmem>> -> memref<2x128xi32, #tpu.memory_space<vmem>>
      %dma_start3A_72 = arith.constant 0 : i32
      %dma_start3A_73 = arith.constant 0 : i32
      %dma_start3A_74 = tpu.memref_slice %arg3[%add3A, %run_scoped3A, %dma_start3A_72, %dma_start3A_73] : memref<32x80x2x128xi32, #tpu.memory_space<hbm>> -> memref<1x1x2x128xi32, #tpu.memory_space<hbm>>
      %dma_start3A_75 = tpu.memref_squeeze %dma_start3A_74 : memref<1x1x2x128xi32, #tpu.memory_space<hbm>> -> memref<2x128xi32, #tpu.memory_space<hbm>>
      %dma_start3A_76 = arith.constant 0 : i32
      %dma_start3A_77 = arith.constant 0 : i32
      %dma_start3A_78 = tpu.memref_slice %arg8[%run_scoped3A_1, %dma_start3A_76, %dma_start3A_77] : memref<4x2x128xi32, #tpu.memory_space<vmem>> -> memref<1x2x128xi32, #tpu.memory_space<vmem>>
      %dma_start3A_79 = tpu.memref_squeeze %dma_start3A_78 : memref<1x2x128xi32, #tpu.memory_space<vmem>> -> memref<2x128xi32, #tpu.memory_space<vmem>>
      %dma_start3A_80 = arith.constant 0 : i32
      %dma_start3A_81 = arith.constant 0 : i32
      %dma_start3A_82 = tpu.memref_slice %arg3[%add3A, %run_scoped3A, %dma_start3A_80, %dma_start3A_81] : memref<32x80x2x128xi32, #tpu.memory_space<hbm>> -> memref<1x1x2x128xi32, #tpu.memory_space<hbm>>
      %dma_start3A_83 = tpu.memref_squeeze %dma_start3A_82 : memref<1x1x2x128xi32, #tpu.memory_space<hbm>> -> memref<2x128xi32, #tpu.memory_space<hbm>>
      tpu.enqueue_dma source(%dma_start3A_83 : memref<2x128xi32, #tpu.memory_space<hbm>>) target(%dma_start3A_79 : memref<2x128xi32, #tpu.memory_space<vmem>>) target_semaphore(%run_scoped3A_67 : memref<!tpu.dma_semaphore, #tpu.memory_space<semaphore_mem>>)
      %dma_wait3A = arith.constant 0 : i32
      %dma_wait3A_84 = arith.constant 0 : i32
      %dma_wait3A_85 = tpu.memref_slice %arg8[%run_scoped3A_1, %dma_wait3A, %dma_wait3A_84] : memref<4x2x128xi32, #tpu.memory_space<vmem>> -> memref<1x2x128xi32, #tpu.memory_space<vmem>>
      %dma_wait3A_86 = tpu.memref_squeeze %dma_wait3A_85 : memref<1x2x128xi32, #tpu.memory_space<vmem>> -> memref<2x128xi32, #tpu.memory_space<vmem>>
      %dma_wait3A_87 = arith.constant 0 : i32
      %dma_wait3A_88 = arith.constant 0 : i32
      %dma_wait3A_89 = tpu.memref_slice %arg3[%add3A, %run_scoped3A, %dma_wait3A_87, %dma_wait3A_88] : memref<32x80x2x128xi32, #tpu.memory_space<hbm>> -> memref<1x1x2x128xi32, #tpu.memory_space<hbm>>
      %dma_wait3A_90 = tpu.memref_squeeze %dma_wait3A_89 : memref<1x1x2x128xi32, #tpu.memory_space<hbm>> -> memref<2x128xi32, #tpu.memory_space<hbm>>
      %dma_wait3A_91 = arith.constant 0 : i32
      %dma_wait3A_92 = arith.constant 0 : i32
      %dma_wait3A_93 = tpu.memref_slice %arg8[%run_scoped3A_1, %dma_wait3A_91, %dma_wait3A_92] : memref<4x2x128xi32, #tpu.memory_space<vmem>> -> memref<1x2x128xi32, #tpu.memory_space<vmem>>
      %dma_wait3A_94 = tpu.memref_squeeze %dma_wait3A_93 : memref<1x2x128xi32, #tpu.memory_space<vmem>> -> memref<2x128xi32, #tpu.memory_space<vmem>>
      %dma_wait3A_95 = arith.constant 0 : i32
      %dma_wait3A_96 = arith.constant 0 : i32
      %dma_wait3A_97 = tpu.memref_slice %arg3[%add3A, %run_scoped3A, %dma_wait3A_95, %dma_wait3A_96] : memref<32x80x2x128xi32, #tpu.memory_space<hbm>> -> memref<1x1x2x128xi32, #tpu.memory_space<hbm>>
      %dma_wait3A_98 = tpu.memref_squeeze %dma_wait3A_97 : memref<1x1x2x128xi32, #tpu.memory_space<hbm>> -> memref<2x128xi32, #tpu.memory_space<hbm>>
      tpu.wait_dma2 semaphore(%run_scoped3A_67 : memref<!tpu.dma_semaphore, #tpu.memory_space<semaphore_mem>>) src(%dma_wait3A_98 : memref<2x128xi32, #tpu.memory_space<hbm>>) dst(%dma_wait3A_94 : memref<2x128xi32, #tpu.memory_space<vmem>>)
      tpu.yield
    }) : () -> ()
    %run_scoped3A_2 = arith.constant 1 : i32
    %run_scoped3A_3 = arith.constant 1 : i32
    "tpu.region"() ({
      %run_scoped3A_67 = tpu.sem_alloc : memref<!tpu.dma_semaphore, #tpu.memory_space<semaphore_mem>>
      %dma_start3A_68 = arith.constant 0 : i32
      %dma_start3A_69 = arith.constant 0 : i32
      %dma_start3A_70 = tpu.memref_slice %arg8[%run_scoped3A_3, %dma_start3A_68, %dma_start3A_69] : memref<4x2x128xi32, #tpu.memory_space<vmem>> -> memref<1x2x128xi32, #tpu.memory_space<vmem>>
      %dma_start3A_71 = tpu.memref_squeeze %dma_start3A_70 : memref<1x2x128xi32, #tpu.memory_space<vmem>> -> memref<2x128xi32, #tpu.memory_space<vmem>>
      %dma_start3A_72 = arith.constant 0 : i32
      %dma_start3A_73 = arith.constant 0 : i32
      %dma_start3A_74 = tpu.memref_slice %arg3[%add3A, %run_scoped3A_2, %dma_start3A_72, %dma_start3A_73] : memref<32x80x2x128xi32, #tpu.memory_space<hbm>> -> memref<1x1x2x128xi32, #tpu.memory_space<hbm>>
      %dma_start3A_75 = tpu.memref_squeeze %dma_start3A_74 : memref<1x1x2x128xi32, #tpu.memory_space<hbm>> -> memref<2x128xi32, #tpu.memory_space<hbm>>
      %dma_start3A_76 = arith.constant 0 : i32
      %dma_start3A_77 = arith.constant 0 : i32
      %dma_start3A_78 = tpu.memref_slice %arg8[%run_scoped3A_3, %dma_start3A_76, %dma_start3A_77] : memref<4x2x128xi32, #tpu.memory_space<vmem>> -> memref<1x2x128xi32, #tpu.memory_space<vmem>>
      %dma_start3A_79 = tpu.memref_squeeze %dma_start3A_78 : memref<1x2x128xi32, #tpu.memory_space<vmem>> -> memref<2x128xi32, #tpu.memory_space<vmem>>
      %dma_start3A_80 = arith.constant 0 : i32
      %dma_start3A_81 = arith.constant 0 : i32
      %dma_start3A_82 = tpu.memref_slice %arg3[%add3A, %run_scoped3A_2, %dma_start3A_80, %dma_start3A_81] : memref<32x80x2x128xi32, #tpu.memory_space<hbm>> -> memref<1x1x2x128xi32, #tpu.memory_space<hbm>>
      %dma_start3A_83 = tpu.memref_squeeze %dma_start3A_82 : memref<1x1x2x128xi32, #tpu.memory_space<hbm>> -> memref<2x128xi32, #tpu.memory_space<hbm>>
      tpu.enqueue_dma source(%dma_start3A_83 : memref<2x128xi32, #tpu.memory_space<hbm>>) target(%dma_start3A_79 : memref<2x128xi32, #tpu.memory_space<vmem>>) target_semaphore(%run_scoped3A_67 : memref<!tpu.dma_semaphore, #tpu.memory_space<semaphore_mem>>)
      %dma_wait3A = arith.constant 0 : i32
      %dma_wait3A_84 = arith.constant 0 : i32
      %dma_wait3A_85 = tpu.memref_slice %arg8[%run_scoped3A_3, %dma_wait3A, %dma_wait3A_84] : memref<4x2x128xi32, #tpu.memory_space<vmem>> -> memref<1x2x128xi32, #tpu.memory_space<vmem>>
      %dma_wait3A_86 = tpu.memref_squeeze %dma_wait3A_85 : memref<1x2x128xi32, #tpu.memory_space<vmem>> -> memref<2x128xi32, #tpu.memory_space<vmem>>
      %dma_wait3A_87 = arith.constant 0 : i32
      %dma_wait3A_88 = arith.constant 0 : i32
      %dma_wait3A_89 = tpu.memref_slice %arg3[%add3A, %run_scoped3A_2, %dma_wait3A_87, %dma_wait3A_88] : memref<32x80x2x128xi32, #tpu.memory_space<hbm>> -> memref<1x1x2x128xi32, #tpu.memory_space<hbm>>
      %dma_wait3A_90 = tpu.memref_squeeze %dma_wait3A_89 : memref<1x1x2x128xi32, #tpu.memory_space<hbm>> -> memref<2x128xi32, #tpu.memory_space<hbm>>
      %dma_wait3A_91 = arith.constant 0 : i32
      %dma_wait3A_92 = arith.constant 0 : i32
      %dma_wait3A_93 = tpu.memref_slice %arg8[%run_scoped3A_3, %dma_wait3A_91, %dma_wait3A_92] : memref<4x2x128xi32, #tpu.memory_space<vmem>> -> memref<1x2x128xi32, #tpu.memory_space<vmem>>
      %dma_wait3A_94 = tpu.memref_squeeze %dma_wait3A_93 : memref<1x2x128xi32, #tpu.memory_space<vmem>> -> memref<2x128xi32, #tpu.memory_space<vmem>>
      %dma_wait3A_95 = arith.constant 0 : i32
      %dma_wait3A_96 = arith.constant 0 : i32
      %dma_wait3A_97 = tpu.memref_slice %arg3[%add3A, %run_scoped3A_2, %dma_wait3A_95, %dma_wait3A_96] : memref<32x80x2x128xi32, #tpu.memory_space<hbm>> -> memref<1x1x2x128xi32, #tpu.memory_space<hbm>>
      %dma_wait3A_98 = tpu.memref_squeeze %dma_wait3A_97 : memref<1x1x2x128xi32, #tpu.memory_space<hbm>> -> memref<2x128xi32, #tpu.memory_space<hbm>>
      tpu.wait_dma2 semaphore(%run_scoped3A_67 : memref<!tpu.dma_semaphore, #tpu.memory_space<semaphore_mem>>) src(%dma_wait3A_98 : memref<2x128xi32, #tpu.memory_space<hbm>>) dst(%dma_wait3A_94 : memref<2x128xi32, #tpu.memory_space<vmem>>)
      tpu.yield
    }) : () -> ()
    %dma_start3A = arith.constant 2 : i32
    %dma_start3A_4 = arith.constant 2 : i32
    %dma_start3A_5 = arith.constant 0 : i32
    %dma_start3A_6 = arith.constant 0 : i32
    %dma_start3A_7 = tpu.memref_slice %arg8[%dma_start3A_4, %dma_start3A_5, %dma_start3A_6] : memref<4x2x128xi32, #tpu.memory_space<vmem>> -> memref<1x2x128xi32, #tpu.memory_space<vmem>>
    %dma_start3A_8 = tpu.memref_squeeze %dma_start3A_7 : memref<1x2x128xi32, #tpu.memory_space<vmem>> -> memref<2x128xi32, #tpu.memory_space<vmem>>
    %dma_start3A_9 = arith.constant 0 : i32
    %dma_start3A_10 = arith.constant 0 : i32
    %dma_start3A_11 = tpu.memref_slice %arg3[%add3A, %dma_start3A, %dma_start3A_9, %dma_start3A_10] : memref<32x80x2x128xi32, #tpu.memory_space<hbm>> -> memref<1x1x2x128xi32, #tpu.memory_space<hbm>>
    %dma_start3A_12 = tpu.memref_squeeze %dma_start3A_11 : memref<1x1x2x128xi32, #tpu.memory_space<hbm>> -> memref<2x128xi32, #tpu.memory_space<hbm>>
    %dma_start3A_13 = arith.constant 0 : i32
    %dma_start3A_14 = arith.constant 0 : i32
    %dma_start3A_15 = tpu.memref_slice %arg8[%dma_start3A_4, %dma_start3A_13, %dma_start3A_14] : memref<4x2x128xi32, #tpu.memory_space<vmem>> -> memref<1x2x128xi32, #tpu.memory_space<vmem>>
    %dma_start3A_16 = tpu.memref_squeeze %dma_start3A_15 : memref<1x2x128xi32, #tpu.memory_space<vmem>> -> memref<2x128xi32, #tpu.memory_space<vmem>>
    %dma_start3A_17 = arith.constant 0 : i32
    %dma_start3A_18 = arith.constant 0 : i32
    %dma_start3A_19 = tpu.memref_slice %arg3[%add3A, %dma_start3A, %dma_start3A_17, %dma_start3A_18] : memref<32x80x2x128xi32, #tpu.memory_space<hbm>> -> memref<1x1x2x128xi32, #tpu.memory_space<hbm>>
    %dma_start3A_20 = tpu.memref_squeeze %dma_start3A_19 : memref<1x1x2x128xi32, #tpu.memory_space<hbm>> -> memref<2x128xi32, #tpu.memory_space<hbm>>
    tpu.enqueue_dma source(%dma_start3A_20 : memref<2x128xi32, #tpu.memory_space<hbm>>) target(%dma_start3A_16 : memref<2x128xi32, #tpu.memory_space<vmem>>) target_semaphore(%arg16 : memref<!tpu.dma_semaphore, #tpu.memory_space<semaphore_mem>>)
    %dma_start3A_21 = arith.constant 3 : i32
    %dma_start3A_22 = arith.constant 3 : i32
    %dma_start3A_23 = arith.constant 0 : i32
    %dma_start3A_24 = arith.constant 0 : i32
    %dma_start3A_25 = tpu.memref_slice %arg8[%dma_start3A_22, %dma_start3A_23, %dma_start3A_24] : memref<4x2x128xi32, #tpu.memory_space<vmem>> -> memref<1x2x128xi32, #tpu.memory_space<vmem>>
    %dma_start3A_26 = tpu.memref_squeeze %dma_start3A_25 : memref<1x2x128xi32, #tpu.memory_space<vmem>> -> memref<2x128xi32, #tpu.memory_space<vmem>>
    %dma_start3A_27 = arith.constant 0 : i32
    %dma_start3A_28 = arith.constant 0 : i32
    %dma_start3A_29 = tpu.memref_slice %arg3[%add3A, %dma_start3A_21, %dma_start3A_27, %dma_start3A_28] : memref<32x80x2x128xi32, #tpu.memory_space<hbm>> -> memref<1x1x2x128xi32, #tpu.memory_space<hbm>>
    %dma_start3A_30 = tpu.memref_squeeze %dma_start3A_29 : memref<1x1x2x128xi32, #tpu.memory_space<hbm>> -> memref<2x128xi32, #tpu.memory_space<hbm>>
    %dma_start3A_31 = arith.constant 0 : i32
    %dma_start3A_32 = arith.constant 0 : i32
    %dma_start3A_33 = tpu.memref_slice %arg8[%dma_start3A_22, %dma_start3A_31, %dma_start3A_32] : memref<4x2x128xi32, #tpu.memory_space<vmem>> -> memref<1x2x128xi32, #tpu.memory_space<vmem>>
    %dma_start3A_34 = tpu.memref_squeeze %dma_start3A_33 : memref<1x2x128xi32, #tpu.memory_space<vmem>> -> memref<2x128xi32, #tpu.memory_space<vmem>>
    %dma_start3A_35 = arith.constant 0 : i32
    %dma_start3A_36 = arith.constant 0 : i32
    %dma_start3A_37 = tpu.memref_slice %arg3[%add3A, %dma_start3A_21, %dma_start3A_35, %dma_start3A_36] : memref<32x80x2x128xi32, #tpu.memory_space<hbm>> -> memref<1x1x2x128xi32, #tpu.memory_space<hbm>>
    %dma_start3A_38 = tpu.memref_squeeze %dma_start3A_37 : memref<1x1x2x128xi32, #tpu.memory_space<hbm>> -> memref<2x128xi32, #tpu.memory_space<hbm>>
    tpu.enqueue_dma source(%dma_start3A_38 : memref<2x128xi32, #tpu.memory_space<hbm>>) target(%dma_start3A_34 : memref<2x128xi32, #tpu.memory_space<vmem>>) target_semaphore(%arg17 : memref<!tpu.dma_semaphore, #tpu.memory_space<semaphore_mem>>)
    %dma_start3A_39 = arith.constant 0 : i32
    %dma_start3A_40 = arith.constant 0 : i32
    %dma_start3A_41 = arith.constant 0 : i32
    %dma_start3A_42 = tpu.memref_slice %arg8[%dma_start3A_39, %dma_start3A_40, %dma_start3A_41] : memref<4x2x128xi32, #tpu.memory_space<vmem>> -> memref<1x1x128xi32, #tpu.memory_space<vmem>>
    %dma_start3A_43 = tpu.memref_squeeze %dma_start3A_42 : memref<1x1x128xi32, #tpu.memory_space<vmem>> -> memref<128xi32, #tpu.memory_space<vmem>>
    %dma_start3A_44 = arith.constant 0 : i32
    %dma_start3A_45 = arith.constant 0 : i32
    %dma_start3A_46 = tpu.memref_slice %arg2[%dma_start3A_44, %dma_start3A_45] : memref<10000x128xf32, #tpu.memory_space<hbm>> -> memref<10000x128xf32, #tpu.memory_space<hbm>>
    tpu.enqueue_indirect_dma source(%dma_start3A_46 : memref<10000x128xf32, #tpu.memory_space<hbm>>) target(%arg9 : memref<128x128xf32, #tpu.memory_space<vmem>>) offsets(%dma_start3A_43 : memref<128xi32, #tpu.memory_space<vmem>>) semaphore(%arg12 : memref<!tpu.dma_semaphore, #tpu.memory_space<semaphore_mem>>)
    %dma_start3A_47 = arith.constant 1 : i32
    %dma_start3A_48 = arith.constant 0 : i32
    %dma_start3A_49 = arith.constant 0 : i32
    %dma_start3A_50 = tpu.memref_slice %arg8[%dma_start3A_47, %dma_start3A_48, %dma_start3A_49] : memref<4x2x128xi32, #tpu.memory_space<vmem>> -> memref<1x1x128xi32, #tpu.memory_space<vmem>>
    %dma_start3A_51 = tpu.memref_squeeze %dma_start3A_50 : memref<1x1x128xi32, #tpu.memory_space<vmem>> -> memref<128xi32, #tpu.memory_space<vmem>>
    %dma_start3A_52 = arith.constant 0 : i32
    %dma_start3A_53 = arith.constant 0 : i32
    %dma_start3A_54 = tpu.memref_slice %arg2[%dma_start3A_52, %dma_start3A_53] : memref<10000x128xf32, #tpu.memory_space<hbm>> -> memref<10000x128xf32, #tpu.memory_space<hbm>>
    tpu.enqueue_indirect_dma source(%dma_start3A_54 : memref<10000x128xf32, #tpu.memory_space<hbm>>) target(%arg10 : memref<128x128xf32, #tpu.memory_space<vmem>>) offsets(%dma_start3A_51 : memref<128xi32, #tpu.memory_space<vmem>>) semaphore(%arg13 : memref<!tpu.dma_semaphore, #tpu.memory_space<semaphore_mem>>)
    %mul3A_55 = arith.constant 640 : i32
    %mul3A_56 = arith.muli %arg1, %mul3A_55 : i32
    "tpu.region"() ({
      %run_scoped3A_67 = tpu.sem_alloc : memref<!tpu.dma_semaphore, #tpu.memory_space<semaphore_mem>>
      %dma_start3A_68 = arith.constant 0 : i32
      %dma_start3A_69 = tpu.memref_slice %arg11[%mul3A_56, %dma_start3A_68] : memref<10240x128xf32, #tpu.memory_space<vmem_shared>> -> memref<640x128xf32, #tpu.memory_space<vmem_shared>>
      tpu.enqueue_dma source(%arg4 : memref<640x128xf32, #tpu.memory_space<hbm>>) target(%dma_start3A_69 : memref<640x128xf32, #tpu.memory_space<vmem_shared>>) target_semaphore(%run_scoped3A_67 : memref<!tpu.dma_semaphore, #tpu.memory_space<semaphore_mem>>)
      %dma_wait3A = arith.constant 0 : i32
      %dma_wait3A_70 = tpu.memref_slice %arg11[%mul3A_56, %dma_wait3A] : memref<10240x128xf32, #tpu.memory_space<vmem_shared>> -> memref<640x128xf32, #tpu.memory_space<vmem_shared>>
      tpu.wait_dma2 semaphore(%run_scoped3A_67 : memref<!tpu.dma_semaphore, #tpu.memory_space<semaphore_mem>>) src(%arg4 : memref<640x128xf32, #tpu.memory_space<hbm>>) dst(%dma_wait3A_70 : memref<640x128xf32, #tpu.memory_space<vmem_shared>>)
      tpu.yield
    }) : () -> ()
    %barrier3A = arith.constant 0 : index
    tpu.barrier barrier_id(%barrier3A)
    %scan3A = arith.constant 0 : i32
    %scan3A_57 = arith.constant 0 : i32
    %scan3A_58 = arith.constant 20 : i32
    %scan3A_59 = arith.addi %scan3A_57, %scan3A_58 : i32
    %scan3A_60 = arith.constant 1 : i32
    scf.for %scan3A_67 = %scan3A_57 to %scan3A_59 step %scan3A_60  : i32 {
      %mul3A_68 = arith.constant 4 : i32
      %mul3A_69 = arith.muli %scan3A_67, %mul3A_68 : i32
      %add3A_70 = arith.constant 0 : i32
      %add3A_71 = arith.addi %mul3A_69, %add3A_70 : i32
      %dma_wait3A = arith.constant 0 : i32
      %dma_wait3A_72 = arith.constant 0 : i32
      %dma_wait3A_73 = arith.constant 0 : i32
      %dma_wait3A_74 = tpu.memref_slice %arg8[%dma_wait3A, %dma_wait3A_72, %dma_wait3A_73] : memref<4x2x128xi32, #tpu.memory_space<vmem>> -> memref<1x1x128xi32, #tpu.memory_space<vmem>>
      %dma_wait3A_75 = tpu.memref_squeeze %dma_wait3A_74 : memref<1x1x128xi32, #tpu.memory_space<vmem>> -> memref<128xi32, #tpu.memory_space<vmem>>
      %dma_wait3A_76 = arith.constant 0 : i32
      %dma_wait3A_77 = arith.constant 0 : i32
      %dma_wait3A_78 = tpu.memref_slice %arg2[%dma_wait3A_76, %dma_wait3A_77] : memref<10000x128xf32, #tpu.memory_space<hbm>> -> memref<10000x128xf32, #tpu.memory_space<hbm>>
      tpu.wait_indirect_dma semaphore(%arg12 : memref<!tpu.dma_semaphore, #tpu.memory_space<semaphore_mem>>) src(%dma_wait3A_78 : memref<10000x128xf32, #tpu.memory_space<hbm>>) dst(%arg9 : memref<128x128xf32, #tpu.memory_space<vmem>>)
      %run_scoped3A_79 = arith.constant 0 : i32
      %run_scoped3A_80 = arith.constant 1 : i32
      "tpu.region"() ({
        %run_scoped3A_170 = tpu.sem_alloc : memref<!tpu.dma_semaphore, #tpu.memory_space<semaphore_mem>>
        %dma_start3A_171 = arith.constant 0 : i32
        %dma_start3A_172 = tpu.memref_slice %arg8[%run_scoped3A_79, %run_scoped3A_80, %dma_start3A_171] : memref<4x2x128xi32, #tpu.memory_space<vmem>> -> memref<1x1x128xi32, #tpu.memory_space<vmem>>
        %dma_start3A_173 = tpu.memref_squeeze %dma_start3A_172 : memref<1x1x128xi32, #tpu.memory_space<vmem>> -> memref<128xi32, #tpu.memory_space<vmem>>
        %dma_start3A_174 = arith.constant 0 : i32
        %dma_start3A_175 = arith.constant 0 : i32
        %dma_start3A_176 = tpu.memref_slice %arg11[%dma_start3A_174, %dma_start3A_175] : memref<10240x128xf32, #tpu.memory_space<vmem_shared>> -> memref<10240x128xf32, #tpu.memory_space<vmem_shared>>
        tpu.enqueue_indirect_dma source(%arg9 : memref<128x128xf32, #tpu.memory_space<vmem>>) target(%dma_start3A_176 : memref<10240x128xf32, #tpu.memory_space<vmem_shared>>) offsets(%dma_start3A_173 : memref<128xi32, #tpu.memory_space<vmem>>) semaphore(%run_scoped3A_170 : memref<!tpu.dma_semaphore, #tpu.memory_space<semaphore_mem>>) {add = true}
        %dma_wait3A_177 = arith.constant 0 : i32
        %dma_wait3A_178 = tpu.memref_slice %arg8[%run_scoped3A_79, %run_scoped3A_80, %dma_wait3A_177] : memref<4x2x128xi32, #tpu.memory_space<vmem>> -> memref<1x1x128xi32, #tpu.memory_space<vmem>>
        %dma_wait3A_179 = tpu.memref_squeeze %dma_wait3A_178 : memref<1x1x128xi32, #tpu.memory_space<vmem>> -> memref<128xi32, #tpu.memory_space<vmem>>
        %dma_wait3A_180 = arith.constant 0 : i32
        %dma_wait3A_181 = arith.constant 0 : i32
        %dma_wait3A_182 = tpu.memref_slice %arg11[%dma_wait3A_180, %dma_wait3A_181] : memref<10240x128xf32, #tpu.memory_space<vmem_shared>> -> memref<10240x128xf32, #tpu.memory_space<vmem_shared>>
        tpu.wait_indirect_dma semaphore(%run_scoped3A_170 : memref<!tpu.dma_semaphore, #tpu.memory_space<semaphore_mem>>) src(%arg9 : memref<128x128xf32, #tpu.memory_space<vmem>>) dst(%dma_wait3A_182 : memref<10240x128xf32, #tpu.memory_space<vmem_shared>>)
        tpu.yield
      }) : () -> ()
      %add3A_81 = arith.constant 4 : i32
      %add3A_82 = arith.addi %add3A_71, %add3A_81 : i32
      %lt3A = arith.constant 80 : i32
      %lt3A_83 = arith.cmpi slt, %add3A_82, %lt3A : i32
      %convert_element_type3A = arith.extui %lt3A_83 : i1 to i32
      %cond3A = arith.constant 0 : i32
      %cond3A_84 = arith.cmpi ne, %convert_element_type3A, %cond3A : i32
      scf.if %cond3A_84 {
        %add3A_170 = arith.constant 4 : i32
        %add3A_171 = arith.addi %add3A_71, %add3A_170 : i32
        %dma_start3A_172 = arith.constant 0 : i32
        %dma_start3A_173 = arith.constant 0 : i32
        %dma_start3A_174 = arith.constant 0 : i32
        %dma_start3A_175 = tpu.memref_slice %arg8[%dma_start3A_172, %dma_start3A_173, %dma_start3A_174] : memref<4x2x128xi32, #tpu.memory_space<vmem>> -> memref<1x2x128xi32, #tpu.memory_space<vmem>>
        %dma_start3A_176 = tpu.memref_squeeze %dma_start3A_175 : memref<1x2x128xi32, #tpu.memory_space<vmem>> -> memref<2x128xi32, #tpu.memory_space<vmem>>
        %dma_start3A_177 = arith.constant 0 : i32
        %dma_start3A_178 = arith.constant 0 : i32
        %dma_start3A_179 = tpu.memref_slice %arg3[%add3A, %add3A_171, %dma_start3A_177, %dma_start3A_178] : memref<32x80x2x128xi32, #tpu.memory_space<hbm>> -> memref<1x1x2x128xi32, #tpu.memory_space<hbm>>
        %dma_start3A_180 = tpu.memref_squeeze %dma_start3A_179 : memref<1x1x2x128xi32, #tpu.memory_space<hbm>> -> memref<2x128xi32, #tpu.memory_space<hbm>>
        %dma_start3A_181 = arith.constant 0 : i32
        %dma_start3A_182 = arith.constant 0 : i32
        %dma_start3A_183 = tpu.memref_slice %arg8[%dma_start3A_172, %dma_start3A_181, %dma_start3A_182] : memref<4x2x128xi32, #tpu.memory_space<vmem>> -> memref<1x2x128xi32, #tpu.memory_space<vmem>>
        %dma_start3A_184 = tpu.memref_squeeze %dma_start3A_183 : memref<1x2x128xi32, #tpu.memory_space<vmem>> -> memref<2x128xi32, #tpu.memory_space<vmem>>
        %dma_start3A_185 = arith.constant 0 : i32
        %dma_start3A_186 = arith.constant 0 : i32
        %dma_start3A_187 = tpu.memref_slice %arg3[%add3A, %add3A_171, %dma_start3A_185, %dma_start3A_186] : memref<32x80x2x128xi32, #tpu.memory_space<hbm>> -> memref<1x1x2x128xi32, #tpu.memory_space<hbm>>
        %dma_start3A_188 = tpu.memref_squeeze %dma_start3A_187 : memref<1x1x2x128xi32, #tpu.memory_space<hbm>> -> memref<2x128xi32, #tpu.memory_space<hbm>>
        tpu.enqueue_dma source(%dma_start3A_188 : memref<2x128xi32, #tpu.memory_space<hbm>>) target(%dma_start3A_184 : memref<2x128xi32, #tpu.memory_space<vmem>>) target_semaphore(%arg14 : memref<!tpu.dma_semaphore, #tpu.memory_space<semaphore_mem>>)
      } else {
      }
      %add3A_85 = arith.constant 2 : i32
      %add3A_86 = arith.addi %add3A_71, %add3A_85 : i32
      %lt3A_87 = arith.constant 80 : i32
      %lt3A_88 = arith.cmpi slt, %add3A_86, %lt3A_87 : i32
      %convert_element_type3A_89 = arith.extui %lt3A_88 : i1 to i32
      %cond3A_90 = arith.constant 0 : i32
      %cond3A_91 = arith.cmpi ne, %convert_element_type3A_89, %cond3A_90 : i32
      scf.if %cond3A_91 {
        %add3A_170 = arith.constant 2 : i32
        %add3A_171 = arith.addi %add3A_71, %add3A_170 : i32
        %dma_wait3A_172 = arith.constant 2 : i32
        %dma_wait3A_173 = arith.constant 0 : i32
        %dma_wait3A_174 = arith.constant 0 : i32
        %dma_wait3A_175 = tpu.memref_slice %arg8[%dma_wait3A_172, %dma_wait3A_173, %dma_wait3A_174] : memref<4x2x128xi32, #tpu.memory_space<vmem>> -> memref<1x2x128xi32, #tpu.memory_space<vmem>>
        %dma_wait3A_176 = tpu.memref_squeeze %dma_wait3A_175 : memref<1x2x128xi32, #tpu.memory_space<vmem>> -> memref<2x128xi32, #tpu.memory_space<vmem>>
        %dma_wait3A_177 = arith.constant 0 : i32
        %dma_wait3A_178 = arith.constant 0 : i32
        %dma_wait3A_179 = tpu.memref_slice %arg3[%add3A, %add3A_171, %dma_wait3A_177, %dma_wait3A_178] : memref<32x80x2x128xi32, #tpu.memory_space<hbm>> -> memref<1x1x2x128xi32, #tpu.memory_space<hbm>>
        %dma_wait3A_180 = tpu.memref_squeeze %dma_wait3A_179 : memref<1x1x2x128xi32, #tpu.memory_space<hbm>> -> memref<2x128xi32, #tpu.memory_space<hbm>>
        %dma_wait3A_181 = arith.constant 0 : i32
        %dma_wait3A_182 = arith.constant 0 : i32
        %dma_wait3A_183 = tpu.memref_slice %arg8[%dma_wait3A_172, %dma_wait3A_181, %dma_wait3A_182] : memref<4x2x128xi32, #tpu.memory_space<vmem>> -> memref<1x2x128xi32, #tpu.memory_space<vmem>>
        %dma_wait3A_184 = tpu.memref_squeeze %dma_wait3A_183 : memref<1x2x128xi32, #tpu.memory_space<vmem>> -> memref<2x128xi32, #tpu.memory_space<vmem>>
        %dma_wait3A_185 = arith.constant 0 : i32
        %dma_wait3A_186 = arith.constant 0 : i32
        %dma_wait3A_187 = tpu.memref_slice %arg3[%add3A, %add3A_171, %dma_wait3A_185, %dma_wait3A_186] : memref<32x80x2x128xi32, #tpu.memory_space<hbm>> -> memref<1x1x2x128xi32, #tpu.memory_space<hbm>>
        %dma_wait3A_188 = tpu.memref_squeeze %dma_wait3A_187 : memref<1x1x2x128xi32, #tpu.memory_space<hbm>> -> memref<2x128xi32, #tpu.memory_space<hbm>>
        tpu.wait_dma2 semaphore(%arg16 : memref<!tpu.dma_semaphore, #tpu.memory_space<semaphore_mem>>) src(%dma_wait3A_188 : memref<2x128xi32, #tpu.memory_space<hbm>>) dst(%dma_wait3A_184 : memref<2x128xi32, #tpu.memory_space<vmem>>)
        %dma_start3A_189 = arith.constant 2 : i32
        %dma_start3A_190 = arith.constant 0 : i32
        %dma_start3A_191 = arith.constant 0 : i32
        %dma_start3A_192 = tpu.memref_slice %arg8[%dma_start3A_189, %dma_start3A_190, %dma_start3A_191] : memref<4x2x128xi32, #tpu.memory_space<vmem>> -> memref<1x1x128xi32, #tpu.memory_space<vmem>>
        %dma_start3A_193 = tpu.memref_squeeze %dma_start3A_192 : memref<1x1x128xi32, #tpu.memory_space<vmem>> -> memref<128xi32, #tpu.memory_space<vmem>>
        %dma_start3A_194 = arith.constant 0 : i32
        %dma_start3A_195 = arith.constant 0 : i32
        %dma_start3A_196 = tpu.memref_slice %arg2[%dma_start3A_194, %dma_start3A_195] : memref<10000x128xf32, #tpu.memory_space<hbm>> -> memref<10000x128xf32, #tpu.memory_space<hbm>>
        tpu.enqueue_indirect_dma source(%dma_start3A_196 : memref<10000x128xf32, #tpu.memory_space<hbm>>) target(%arg9 : memref<128x128xf32, #tpu.memory_space<vmem>>) offsets(%dma_start3A_193 : memref<128xi32, #tpu.memory_space<vmem>>) semaphore(%arg12 : memref<!tpu.dma_semaphore, #tpu.memory_space<semaphore_mem>>)
      } else {
      }
      %add3A_92 = arith.constant 1 : i32
      %add3A_93 = arith.addi %mul3A_69, %add3A_92 : i32
      %dma_wait3A_94 = arith.constant 1 : i32
      %dma_wait3A_95 = arith.constant 0 : i32
      %dma_wait3A_96 = arith.constant 0 : i32
      %dma_wait3A_97 = tpu.memref_slice %arg8[%dma_wait3A_94, %dma_wait3A_95, %dma_wait3A_96] : memref<4x2x128xi32, #tpu.memory_space<vmem>> -> memref<1x1x128xi32, #tpu.memory_space<vmem>>
      %dma_wait3A_98 = tpu.memref_squeeze %dma_wait3A_97 : memref<1x1x128xi32, #tpu.memory_space<vmem>> -> memref<128xi32, #tpu.memory_space<vmem>>
      %dma_wait3A_99 = arith.constant 0 : i32
      %dma_wait3A_100 = arith.constant 0 : i32
      %dma_wait3A_101 = tpu.memref_slice %arg2[%dma_wait3A_99, %dma_wait3A_100] : memref<10000x128xf32, #tpu.memory_space<hbm>> -> memref<10000x128xf32, #tpu.memory_space<hbm>>
      tpu.wait_indirect_dma semaphore(%arg13 : memref<!tpu.dma_semaphore, #tpu.memory_space<semaphore_mem>>) src(%dma_wait3A_101 : memref<10000x128xf32, #tpu.memory_space<hbm>>) dst(%arg10 : memref<128x128xf32, #tpu.memory_space<vmem>>)
      %run_scoped3A_102 = arith.constant 1 : i32
      %run_scoped3A_103 = arith.constant 1 : i32
      "tpu.region"() ({
        %run_scoped3A_170 = tpu.sem_alloc : memref<!tpu.dma_semaphore, #tpu.memory_space<semaphore_mem>>
        %dma_start3A_171 = arith.constant 0 : i32
        %dma_start3A_172 = tpu.memref_slice %arg8[%run_scoped3A_102, %run_scoped3A_103, %dma_start3A_171] : memref<4x2x128xi32, #tpu.memory_space<vmem>> -> memref<1x1x128xi32, #tpu.memory_space<vmem>>
        %dma_start3A_173 = tpu.memref_squeeze %dma_start3A_172 : memref<1x1x128xi32, #tpu.memory_space<vmem>> -> memref<128xi32, #tpu.memory_space<vmem>>
        %dma_start3A_174 = arith.constant 0 : i32
        %dma_start3A_175 = arith.constant 0 : i32
        %dma_start3A_176 = tpu.memref_slice %arg11[%dma_start3A_174, %dma_start3A_175] : memref<10240x128xf32, #tpu.memory_space<vmem_shared>> -> memref<10240x128xf32, #tpu.memory_space<vmem_shared>>
        tpu.enqueue_indirect_dma source(%arg10 : memref<128x128xf32, #tpu.memory_space<vmem>>) target(%dma_start3A_176 : memref<10240x128xf32, #tpu.memory_space<vmem_shared>>) offsets(%dma_start3A_173 : memref<128xi32, #tpu.memory_space<vmem>>) semaphore(%run_scoped3A_170 : memref<!tpu.dma_semaphore, #tpu.memory_space<semaphore_mem>>) {add = true}
        %dma_wait3A_177 = arith.constant 0 : i32
        %dma_wait3A_178 = tpu.memref_slice %arg8[%run_scoped3A_102, %run_scoped3A_103, %dma_wait3A_177] : memref<4x2x128xi32, #tpu.memory_space<vmem>> -> memref<1x1x128xi32, #tpu.memory_space<vmem>>
        %dma_wait3A_179 = tpu.memref_squeeze %dma_wait3A_178 : memref<1x1x128xi32, #tpu.memory_space<vmem>> -> memref<128xi32, #tpu.memory_space<vmem>>
        %dma_wait3A_180 = arith.constant 0 : i32
        %dma_wait3A_181 = arith.constant 0 : i32
        %dma_wait3A_182 = tpu.memref_slice %arg11[%dma_wait3A_180, %dma_wait3A_181] : memref<10240x128xf32, #tpu.memory_space<vmem_shared>> -> memref<10240x128xf32, #tpu.memory_space<vmem_shared>>
        tpu.wait_indirect_dma semaphore(%run_scoped3A_170 : memref<!tpu.dma_semaphore, #tpu.memory_space<semaphore_mem>>) src(%arg10 : memref<128x128xf32, #tpu.memory_space<vmem>>) dst(%dma_wait3A_182 : memref<10240x128xf32, #tpu.memory_space<vmem_shared>>)
        tpu.yield
      }) : () -> ()
      %add3A_104 = arith.constant 4 : i32
      %add3A_105 = arith.addi %add3A_93, %add3A_104 : i32
      %lt3A_106 = arith.constant 80 : i32
      %lt3A_107 = arith.cmpi slt, %add3A_105, %lt3A_106 : i32
      %convert_element_type3A_108 = arith.extui %lt3A_107 : i1 to i32
      %cond3A_109 = arith.constant 0 : i32
      %cond3A_110 = arith.cmpi ne, %convert_element_type3A_108, %cond3A_109 : i32
      scf.if %cond3A_110 {
        %add3A_170 = arith.constant 4 : i32
        %add3A_171 = arith.addi %add3A_93, %add3A_170 : i32
        %dma_start3A_172 = arith.constant 1 : i32
        %dma_start3A_173 = arith.constant 0 : i32
        %dma_start3A_174 = arith.constant 0 : i32
        %dma_start3A_175 = tpu.memref_slice %arg8[%dma_start3A_172, %dma_start3A_173, %dma_start3A_174] : memref<4x2x128xi32, #tpu.memory_space<vmem>> -> memref<1x2x128xi32, #tpu.memory_space<vmem>>
        %dma_start3A_176 = tpu.memref_squeeze %dma_start3A_175 : memref<1x2x128xi32, #tpu.memory_space<vmem>> -> memref<2x128xi32, #tpu.memory_space<vmem>>
        %dma_start3A_177 = arith.constant 0 : i32
        %dma_start3A_178 = arith.constant 0 : i32
        %dma_start3A_179 = tpu.memref_slice %arg3[%add3A, %add3A_171, %dma_start3A_177, %dma_start3A_178] : memref<32x80x2x128xi32, #tpu.memory_space<hbm>> -> memref<1x1x2x128xi32, #tpu.memory_space<hbm>>
        %dma_start3A_180 = tpu.memref_squeeze %dma_start3A_179 : memref<1x1x2x128xi32, #tpu.memory_space<hbm>> -> memref<2x128xi32, #tpu.memory_space<hbm>>
        %dma_start3A_181 = arith.constant 0 : i32
        %dma_start3A_182 = arith.constant 0 : i32
        %dma_start3A_183 = tpu.memref_slice %arg8[%dma_start3A_172, %dma_start3A_181, %dma_start3A_182] : memref<4x2x128xi32, #tpu.memory_space<vmem>> -> memref<1x2x128xi32, #tpu.memory_space<vmem>>
        %dma_start3A_184 = tpu.memref_squeeze %dma_start3A_183 : memref<1x2x128xi32, #tpu.memory_space<vmem>> -> memref<2x128xi32, #tpu.memory_space<vmem>>
        %dma_start3A_185 = arith.constant 0 : i32
        %dma_start3A_186 = arith.constant 0 : i32
        %dma_start3A_187 = tpu.memref_slice %arg3[%add3A, %add3A_171, %dma_start3A_185, %dma_start3A_186] : memref<32x80x2x128xi32, #tpu.memory_space<hbm>> -> memref<1x1x2x128xi32, #tpu.memory_space<hbm>>
        %dma_start3A_188 = tpu.memref_squeeze %dma_start3A_187 : memref<1x1x2x128xi32, #tpu.memory_space<hbm>> -> memref<2x128xi32, #tpu.memory_space<hbm>>
        tpu.enqueue_dma source(%dma_start3A_188 : memref<2x128xi32, #tpu.memory_space<hbm>>) target(%dma_start3A_184 : memref<2x128xi32, #tpu.memory_space<vmem>>) target_semaphore(%arg15 : memref<!tpu.dma_semaphore, #tpu.memory_space<semaphore_mem>>)
      } else {
      }
      %add3A_111 = arith.constant 2 : i32
      %add3A_112 = arith.addi %add3A_93, %add3A_111 : i32
      %lt3A_113 = arith.constant 80 : i32
      %lt3A_114 = arith.cmpi slt, %add3A_112, %lt3A_113 : i32
      %convert_element_type3A_115 = arith.extui %lt3A_114 : i1 to i32
      %cond3A_116 = arith.constant 0 : i32
      %cond3A_117 = arith.cmpi ne, %convert_element_type3A_115, %cond3A_116 : i32
      scf.if %cond3A_117 {
        %add3A_170 = arith.constant 2 : i32
        %add3A_171 = arith.addi %add3A_93, %add3A_170 : i32
        %dma_wait3A_172 = arith.constant 3 : i32
        %dma_wait3A_173 = arith.constant 0 : i32
        %dma_wait3A_174 = arith.constant 0 : i32
        %dma_wait3A_175 = tpu.memref_slice %arg8[%dma_wait3A_172, %dma_wait3A_173, %dma_wait3A_174] : memref<4x2x128xi32, #tpu.memory_space<vmem>> -> memref<1x2x128xi32, #tpu.memory_space<vmem>>
        %dma_wait3A_176 = tpu.memref_squeeze %dma_wait3A_175 : memref<1x2x128xi32, #tpu.memory_space<vmem>> -> memref<2x128xi32, #tpu.memory_space<vmem>>
        %dma_wait3A_177 = arith.constant 0 : i32
        %dma_wait3A_178 = arith.constant 0 : i32
        %dma_wait3A_179 = tpu.memref_slice %arg3[%add3A, %add3A_171, %dma_wait3A_177, %dma_wait3A_178] : memref<32x80x2x128xi32, #tpu.memory_space<hbm>> -> memref<1x1x2x128xi32, #tpu.memory_space<hbm>>
        %dma_wait3A_180 = tpu.memref_squeeze %dma_wait3A_179 : memref<1x1x2x128xi32, #tpu.memory_space<hbm>> -> memref<2x128xi32, #tpu.memory_space<hbm>>
        %dma_wait3A_181 = arith.constant 0 : i32
        %dma_wait3A_182 = arith.constant 0 : i32
        %dma_wait3A_183 = tpu.memref_slice %arg8[%dma_wait3A_172, %dma_wait3A_181, %dma_wait3A_182] : memref<4x2x128xi32, #tpu.memory_space<vmem>> -> memref<1x2x128xi32, #tpu.memory_space<vmem>>
        %dma_wait3A_184 = tpu.memref_squeeze %dma_wait3A_183 : memref<1x2x128xi32, #tpu.memory_space<vmem>> -> memref<2x128xi32, #tpu.memory_space<vmem>>
        %dma_wait3A_185 = arith.constant 0 : i32
        %dma_wait3A_186 = arith.constant 0 : i32
        %dma_wait3A_187 = tpu.memref_slice %arg3[%add3A, %add3A_171, %dma_wait3A_185, %dma_wait3A_186] : memref<32x80x2x128xi32, #tpu.memory_space<hbm>> -> memref<1x1x2x128xi32, #tpu.memory_space<hbm>>
        %dma_wait3A_188 = tpu.memref_squeeze %dma_wait3A_187 : memref<1x1x2x128xi32, #tpu.memory_space<hbm>> -> memref<2x128xi32, #tpu.memory_space<hbm>>
        tpu.wait_dma2 semaphore(%arg17 : memref<!tpu.dma_semaphore, #tpu.memory_space<semaphore_mem>>) src(%dma_wait3A_188 : memref<2x128xi32, #tpu.memory_space<hbm>>) dst(%dma_wait3A_184 : memref<2x128xi32, #tpu.memory_space<vmem>>)
        %dma_start3A_189 = arith.constant 3 : i32
        %dma_start3A_190 = arith.constant 0 : i32
        %dma_start3A_191 = arith.constant 0 : i32
        %dma_start3A_192 = tpu.memref_slice %arg8[%dma_start3A_189, %dma_start3A_190, %dma_start3A_191] : memref<4x2x128xi32, #tpu.memory_space<vmem>> -> memref<1x1x128xi32, #tpu.memory_space<vmem>>
        %dma_start3A_193 = tpu.memref_squeeze %dma_start3A_192 : memref<1x1x128xi32, #tpu.memory_space<vmem>> -> memref<128xi32, #tpu.memory_space<vmem>>
        %dma_start3A_194 = arith.constant 0 : i32
        %dma_start3A_195 = arith.constant 0 : i32
        %dma_start3A_196 = tpu.memref_slice %arg2[%dma_start3A_194, %dma_start3A_195] : memref<10000x128xf32, #tpu.memory_space<hbm>> -> memref<10000x128xf32, #tpu.memory_space<hbm>>
        tpu.enqueue_indirect_dma source(%dma_start3A_196 : memref<10000x128xf32, #tpu.memory_space<hbm>>) target(%arg10 : memref<128x128xf32, #tpu.memory_space<vmem>>) offsets(%dma_start3A_193 : memref<128xi32, #tpu.memory_space<vmem>>) semaphore(%arg13 : memref<!tpu.dma_semaphore, #tpu.memory_space<semaphore_mem>>)
      } else {
      }
      %add3A_118 = arith.constant 2 : i32
      %add3A_119 = arith.addi %mul3A_69, %add3A_118 : i32
      %dma_wait3A_120 = arith.constant 2 : i32
      %dma_wait3A_121 = arith.constant 0 : i32
      %dma_wait3A_122 = arith.constant 0 : i32
      %dma_wait3A_123 = tpu.memref_slice %arg8[%dma_wait3A_120, %dma_wait3A_121, %dma_wait3A_122] : memref<4x2x128xi32, #tpu.memory_space<vmem>> -> memref<1x1x128xi32, #tpu.memory_space<vmem>>
      %dma_wait3A_124 = tpu.memref_squeeze %dma_wait3A_123 : memref<1x1x128xi32, #tpu.memory_space<vmem>> -> memref<128xi32, #tpu.memory_space<vmem>>
      %dma_wait3A_125 = arith.constant 0 : i32
      %dma_wait3A_126 = arith.constant 0 : i32
      %dma_wait3A_127 = tpu.memref_slice %arg2[%dma_wait3A_125, %dma_wait3A_126] : memref<10000x128xf32, #tpu.memory_space<hbm>> -> memref<10000x128xf32, #tpu.memory_space<hbm>>
      tpu.wait_indirect_dma semaphore(%arg12 : memref<!tpu.dma_semaphore, #tpu.memory_space<semaphore_mem>>) src(%dma_wait3A_127 : memref<10000x128xf32, #tpu.memory_space<hbm>>) dst(%arg9 : memref<128x128xf32, #tpu.memory_space<vmem>>)
      %run_scoped3A_128 = arith.constant 2 : i32
      %run_scoped3A_129 = arith.constant 1 : i32
      "tpu.region"() ({
        %run_scoped3A_170 = tpu.sem_alloc : memref<!tpu.dma_semaphore, #tpu.memory_space<semaphore_mem>>
        %dma_start3A_171 = arith.constant 0 : i32
        %dma_start3A_172 = tpu.memref_slice %arg8[%run_scoped3A_128, %run_scoped3A_129, %dma_start3A_171] : memref<4x2x128xi32, #tpu.memory_space<vmem>> -> memref<1x1x128xi32, #tpu.memory_space<vmem>>
        %dma_start3A_173 = tpu.memref_squeeze %dma_start3A_172 : memref<1x1x128xi32, #tpu.memory_space<vmem>> -> memref<128xi32, #tpu.memory_space<vmem>>
        %dma_start3A_174 = arith.constant 0 : i32
        %dma_start3A_175 = arith.constant 0 : i32
        %dma_start3A_176 = tpu.memref_slice %arg11[%dma_start3A_174, %dma_start3A_175] : memref<10240x128xf32, #tpu.memory_space<vmem_shared>> -> memref<10240x128xf32, #tpu.memory_space<vmem_shared>>
        tpu.enqueue_indirect_dma source(%arg9 : memref<128x128xf32, #tpu.memory_space<vmem>>) target(%dma_start3A_176 : memref<10240x128xf32, #tpu.memory_space<vmem_shared>>) offsets(%dma_start3A_173 : memref<128xi32, #tpu.memory_space<vmem>>) semaphore(%run_scoped3A_170 : memref<!tpu.dma_semaphore, #tpu.memory_space<semaphore_mem>>) {add = true}
        %dma_wait3A_177 = arith.constant 0 : i32
        %dma_wait3A_178 = tpu.memref_slice %arg8[%run_scoped3A_128, %run_scoped3A_129, %dma_wait3A_177] : memref<4x2x128xi32, #tpu.memory_space<vmem>> -> memref<1x1x128xi32, #tpu.memory_space<vmem>>
        %dma_wait3A_179 = tpu.memref_squeeze %dma_wait3A_178 : memref<1x1x128xi32, #tpu.memory_space<vmem>> -> memref<128xi32, #tpu.memory_space<vmem>>
        %dma_wait3A_180 = arith.constant 0 : i32
        %dma_wait3A_181 = arith.constant 0 : i32
        %dma_wait3A_182 = tpu.memref_slice %arg11[%dma_wait3A_180, %dma_wait3A_181] : memref<10240x128xf32, #tpu.memory_space<vmem_shared>> -> memref<10240x128xf32, #tpu.memory_space<vmem_shared>>
        tpu.wait_indirect_dma semaphore(%run_scoped3A_170 : memref<!tpu.dma_semaphore, #tpu.memory_space<semaphore_mem>>) src(%arg9 : memref<128x128xf32, #tpu.memory_space<vmem>>) dst(%dma_wait3A_182 : memref<10240x128xf32, #tpu.memory_space<vmem_shared>>)
        tpu.yield
      }) : () -> ()
      %add3A_130 = arith.constant 4 : i32
      %add3A_131 = arith.addi %add3A_119, %add3A_130 : i32
      %lt3A_132 = arith.constant 80 : i32
      %lt3A_133 = arith.cmpi slt, %add3A_131, %lt3A_132 : i32
      %convert_element_type3A_134 = arith.extui %lt3A_133 : i1 to i32
      %cond3A_135 = arith.constant 0 : i32
      %cond3A_136 = arith.cmpi ne, %convert_element_type3A_134, %cond3A_135 : i32
      scf.if %cond3A_136 {
        %add3A_170 = arith.constant 4 : i32
        %add3A_171 = arith.addi %add3A_119, %add3A_170 : i32
        %dma_start3A_172 = arith.constant 2 : i32
        %dma_start3A_173 = arith.constant 0 : i32
        %dma_start3A_174 = arith.constant 0 : i32
        %dma_start3A_175 = tpu.memref_slice %arg8[%dma_start3A_172, %dma_start3A_173, %dma_start3A_174] : memref<4x2x128xi32, #tpu.memory_space<vmem>> -> memref<1x2x128xi32, #tpu.memory_space<vmem>>
        %dma_start3A_176 = tpu.memref_squeeze %dma_start3A_175 : memref<1x2x128xi32, #tpu.memory_space<vmem>> -> memref<2x128xi32, #tpu.memory_space<vmem>>
        %dma_start3A_177 = arith.constant 0 : i32
        %dma_start3A_178 = arith.constant 0 : i32
        %dma_start3A_179 = tpu.memref_slice %arg3[%add3A, %add3A_171, %dma_start3A_177, %dma_start3A_178] : memref<32x80x2x128xi32, #tpu.memory_space<hbm>> -> memref<1x1x2x128xi32, #tpu.memory_space<hbm>>
        %dma_start3A_180 = tpu.memref_squeeze %dma_start3A_179 : memref<1x1x2x128xi32, #tpu.memory_space<hbm>> -> memref<2x128xi32, #tpu.memory_space<hbm>>
        %dma_start3A_181 = arith.constant 0 : i32
        %dma_start3A_182 = arith.constant 0 : i32
        %dma_start3A_183 = tpu.memref_slice %arg8[%dma_start3A_172, %dma_start3A_181, %dma_start3A_182] : memref<4x2x128xi32, #tpu.memory_space<vmem>> -> memref<1x2x128xi32, #tpu.memory_space<vmem>>
        %dma_start3A_184 = tpu.memref_squeeze %dma_start3A_183 : memref<1x2x128xi32, #tpu.memory_space<vmem>> -> memref<2x128xi32, #tpu.memory_space<vmem>>
        %dma_start3A_185 = arith.constant 0 : i32
        %dma_start3A_186 = arith.constant 0 : i32
        %dma_start3A_187 = tpu.memref_slice %arg3[%add3A, %add3A_171, %dma_start3A_185, %dma_start3A_186] : memref<32x80x2x128xi32, #tpu.memory_space<hbm>> -> memref<1x1x2x128xi32, #tpu.memory_space<hbm>>
        %dma_start3A_188 = tpu.memref_squeeze %dma_start3A_187 : memref<1x1x2x128xi32, #tpu.memory_space<hbm>> -> memref<2x128xi32, #tpu.memory_space<hbm>>
        tpu.enqueue_dma source(%dma_start3A_188 : memref<2x128xi32, #tpu.memory_space<hbm>>) target(%dma_start3A_184 : memref<2x128xi32, #tpu.memory_space<vmem>>) target_semaphore(%arg16 : memref<!tpu.dma_semaphore, #tpu.memory_space<semaphore_mem>>)
      } else {
      }
      %add3A_137 = arith.constant 2 : i32
      %add3A_138 = arith.addi %add3A_119, %add3A_137 : i32
      %lt3A_139 = arith.constant 80 : i32
      %lt3A_140 = arith.cmpi slt, %add3A_138, %lt3A_139 : i32
      %convert_element_type3A_141 = arith.extui %lt3A_140 : i1 to i32
      %cond3A_142 = arith.constant 0 : i32
      %cond3A_143 = arith.cmpi ne, %convert_element_type3A_141, %cond3A_142 : i32
      scf.if %cond3A_143 {
        %add3A_170 = arith.constant 2 : i32
        %add3A_171 = arith.addi %add3A_119, %add3A_170 : i32
        %dma_wait3A_172 = arith.constant 0 : i32
        %dma_wait3A_173 = arith.constant 0 : i32
        %dma_wait3A_174 = arith.constant 0 : i32
        %dma_wait3A_175 = tpu.memref_slice %arg8[%dma_wait3A_172, %dma_wait3A_173, %dma_wait3A_174] : memref<4x2x128xi32, #tpu.memory_space<vmem>> -> memref<1x2x128xi32, #tpu.memory_space<vmem>>
        %dma_wait3A_176 = tpu.memref_squeeze %dma_wait3A_175 : memref<1x2x128xi32, #tpu.memory_space<vmem>> -> memref<2x128xi32, #tpu.memory_space<vmem>>
        %dma_wait3A_177 = arith.constant 0 : i32
        %dma_wait3A_178 = arith.constant 0 : i32
        %dma_wait3A_179 = tpu.memref_slice %arg3[%add3A, %add3A_171, %dma_wait3A_177, %dma_wait3A_178] : memref<32x80x2x128xi32, #tpu.memory_space<hbm>> -> memref<1x1x2x128xi32, #tpu.memory_space<hbm>>
        %dma_wait3A_180 = tpu.memref_squeeze %dma_wait3A_179 : memref<1x1x2x128xi32, #tpu.memory_space<hbm>> -> memref<2x128xi32, #tpu.memory_space<hbm>>
        %dma_wait3A_181 = arith.constant 0 : i32
        %dma_wait3A_182 = arith.constant 0 : i32
        %dma_wait3A_183 = tpu.memref_slice %arg8[%dma_wait3A_172, %dma_wait3A_181, %dma_wait3A_182] : memref<4x2x128xi32, #tpu.memory_space<vmem>> -> memref<1x2x128xi32, #tpu.memory_space<vmem>>
        %dma_wait3A_184 = tpu.memref_squeeze %dma_wait3A_183 : memref<1x2x128xi32, #tpu.memory_space<vmem>> -> memref<2x128xi32, #tpu.memory_space<vmem>>
        %dma_wait3A_185 = arith.constant 0 : i32
        %dma_wait3A_186 = arith.constant 0 : i32
        %dma_wait3A_187 = tpu.memref_slice %arg3[%add3A, %add3A_171, %dma_wait3A_185, %dma_wait3A_186] : memref<32x80x2x128xi32, #tpu.memory_space<hbm>> -> memref<1x1x2x128xi32, #tpu.memory_space<hbm>>
        %dma_wait3A_188 = tpu.memref_squeeze %dma_wait3A_187 : memref<1x1x2x128xi32, #tpu.memory_space<hbm>> -> memref<2x128xi32, #tpu.memory_space<hbm>>
        tpu.wait_dma2 semaphore(%arg14 : memref<!tpu.dma_semaphore, #tpu.memory_space<semaphore_mem>>) src(%dma_wait3A_188 : memref<2x128xi32, #tpu.memory_space<hbm>>) dst(%dma_wait3A_184 : memref<2x128xi32, #tpu.memory_space<vmem>>)
        %dma_start3A_189 = arith.constant 0 : i32
        %dma_start3A_190 = arith.constant 0 : i32
        %dma_start3A_191 = arith.constant 0 : i32
        %dma_start3A_192 = tpu.memref_slice %arg8[%dma_start3A_189, %dma_start3A_190, %dma_start3A_191] : memref<4x2x128xi32, #tpu.memory_space<vmem>> -> memref<1x1x128xi32, #tpu.memory_space<vmem>>
        %dma_start3A_193 = tpu.memref_squeeze %dma_start3A_192 : memref<1x1x128xi32, #tpu.memory_space<vmem>> -> memref<128xi32, #tpu.memory_space<vmem>>
        %dma_start3A_194 = arith.constant 0 : i32
        %dma_start3A_195 = arith.constant 0 : i32
        %dma_start3A_196 = tpu.memref_slice %arg2[%dma_start3A_194, %dma_start3A_195] : memref<10000x128xf32, #tpu.memory_space<hbm>> -> memref<10000x128xf32, #tpu.memory_space<hbm>>
        tpu.enqueue_indirect_dma source(%dma_start3A_196 : memref<10000x128xf32, #tpu.memory_space<hbm>>) target(%arg9 : memref<128x128xf32, #tpu.memory_space<vmem>>) offsets(%dma_start3A_193 : memref<128xi32, #tpu.memory_space<vmem>>) semaphore(%arg12 : memref<!tpu.dma_semaphore, #tpu.memory_space<semaphore_mem>>)
      } else {
      }
      %add3A_144 = arith.constant 3 : i32
      %add3A_145 = arith.addi %mul3A_69, %add3A_144 : i32
      %dma_wait3A_146 = arith.constant 3 : i32
      %dma_wait3A_147 = arith.constant 0 : i32
      %dma_wait3A_148 = arith.constant 0 : i32
      %dma_wait3A_149 = tpu.memref_slice %arg8[%dma_wait3A_146, %dma_wait3A_147, %dma_wait3A_148] : memref<4x2x128xi32, #tpu.memory_space<vmem>> -> memref<1x1x128xi32, #tpu.memory_space<vmem>>
      %dma_wait3A_150 = tpu.memref_squeeze %dma_wait3A_149 : memref<1x1x128xi32, #tpu.memory_space<vmem>> -> memref<128xi32, #tpu.memory_space<vmem>>
      %dma_wait3A_151 = arith.constant 0 : i32
      %dma_wait3A_152 = arith.constant 0 : i32
      %dma_wait3A_153 = tpu.memref_slice %arg2[%dma_wait3A_151, %dma_wait3A_152] : memref<10000x128xf32, #tpu.memory_space<hbm>> -> memref<10000x128xf32, #tpu.memory_space<hbm>>
      tpu.wait_indirect_dma semaphore(%arg13 : memref<!tpu.dma_semaphore, #tpu.memory_space<semaphore_mem>>) src(%dma_wait3A_153 : memref<10000x128xf32, #tpu.memory_space<hbm>>) dst(%arg10 : memref<128x128xf32, #tpu.memory_space<vmem>>)
      %run_scoped3A_154 = arith.constant 3 : i32
      %run_scoped3A_155 = arith.constant 1 : i32
      "tpu.region"() ({
        %run_scoped3A_170 = tpu.sem_alloc : memref<!tpu.dma_semaphore, #tpu.memory_space<semaphore_mem>>
        %dma_start3A_171 = arith.constant 0 : i32
        %dma_start3A_172 = tpu.memref_slice %arg8[%run_scoped3A_154, %run_scoped3A_155, %dma_start3A_171] : memref<4x2x128xi32, #tpu.memory_space<vmem>> -> memref<1x1x128xi32, #tpu.memory_space<vmem>>
        %dma_start3A_173 = tpu.memref_squeeze %dma_start3A_172 : memref<1x1x128xi32, #tpu.memory_space<vmem>> -> memref<128xi32, #tpu.memory_space<vmem>>
        %dma_start3A_174 = arith.constant 0 : i32
        %dma_start3A_175 = arith.constant 0 : i32
        %dma_start3A_176 = tpu.memref_slice %arg11[%dma_start3A_174, %dma_start3A_175] : memref<10240x128xf32, #tpu.memory_space<vmem_shared>> -> memref<10240x128xf32, #tpu.memory_space<vmem_shared>>
        tpu.enqueue_indirect_dma source(%arg10 : memref<128x128xf32, #tpu.memory_space<vmem>>) target(%dma_start3A_176 : memref<10240x128xf32, #tpu.memory_space<vmem_shared>>) offsets(%dma_start3A_173 : memref<128xi32, #tpu.memory_space<vmem>>) semaphore(%run_scoped3A_170 : memref<!tpu.dma_semaphore, #tpu.memory_space<semaphore_mem>>) {add = true}
        %dma_wait3A_177 = arith.constant 0 : i32
        %dma_wait3A_178 = tpu.memref_slice %arg8[%run_scoped3A_154, %run_scoped3A_155, %dma_wait3A_177] : memref<4x2x128xi32, #tpu.memory_space<vmem>> -> memref<1x1x128xi32, #tpu.memory_space<vmem>>
        %dma_wait3A_179 = tpu.memref_squeeze %dma_wait3A_178 : memref<1x1x128xi32, #tpu.memory_space<vmem>> -> memref<128xi32, #tpu.memory_space<vmem>>
        %dma_wait3A_180 = arith.constant 0 : i32
        %dma_wait3A_181 = arith.constant 0 : i32
        %dma_wait3A_182 = tpu.memref_slice %arg11[%dma_wait3A_180, %dma_wait3A_181] : memref<10240x128xf32, #tpu.memory_space<vmem_shared>> -> memref<10240x128xf32, #tpu.memory_space<vmem_shared>>
        tpu.wait_indirect_dma semaphore(%run_scoped3A_170 : memref<!tpu.dma_semaphore, #tpu.memory_space<semaphore_mem>>) src(%arg10 : memref<128x128xf32, #tpu.memory_space<vmem>>) dst(%dma_wait3A_182 : memref<10240x128xf32, #tpu.memory_space<vmem_shared>>)
        tpu.yield
      }) : () -> ()
      %add3A_156 = arith.constant 4 : i32
      %add3A_157 = arith.addi %add3A_145, %add3A_156 : i32
      %lt3A_158 = arith.constant 80 : i32
      %lt3A_159 = arith.cmpi slt, %add3A_157, %lt3A_158 : i32
      %convert_element_type3A_160 = arith.extui %lt3A_159 : i1 to i32
      %cond3A_161 = arith.constant 0 : i32
      %cond3A_162 = arith.cmpi ne, %convert_element_type3A_160, %cond3A_161 : i32
      scf.if %cond3A_162 {
        %add3A_170 = arith.constant 4 : i32
        %add3A_171 = arith.addi %add3A_145, %add3A_170 : i32
        %dma_start3A_172 = arith.constant 3 : i32
        %dma_start3A_173 = arith.constant 0 : i32
        %dma_start3A_174 = arith.constant 0 : i32
        %dma_start3A_175 = tpu.memref_slice %arg8[%dma_start3A_172, %dma_start3A_173, %dma_start3A_174] : memref<4x2x128xi32, #tpu.memory_space<vmem>> -> memref<1x2x128xi32, #tpu.memory_space<vmem>>
        %dma_start3A_176 = tpu.memref_squeeze %dma_start3A_175 : memref<1x2x128xi32, #tpu.memory_space<vmem>> -> memref<2x128xi32, #tpu.memory_space<vmem>>
        %dma_start3A_177 = arith.constant 0 : i32
        %dma_start3A_178 = arith.constant 0 : i32
        %dma_start3A_179 = tpu.memref_slice %arg3[%add3A, %add3A_171, %dma_start3A_177, %dma_start3A_178] : memref<32x80x2x128xi32, #tpu.memory_space<hbm>> -> memref<1x1x2x128xi32, #tpu.memory_space<hbm>>
        %dma_start3A_180 = tpu.memref_squeeze %dma_start3A_179 : memref<1x1x2x128xi32, #tpu.memory_space<hbm>> -> memref<2x128xi32, #tpu.memory_space<hbm>>
        %dma_start3A_181 = arith.constant 0 : i32
        %dma_start3A_182 = arith.constant 0 : i32
        %dma_start3A_183 = tpu.memref_slice %arg8[%dma_start3A_172, %dma_start3A_181, %dma_start3A_182] : memref<4x2x128xi32, #tpu.memory_space<vmem>> -> memref<1x2x128xi32, #tpu.memory_space<vmem>>
        %dma_start3A_184 = tpu.memref_squeeze %dma_start3A_183 : memref<1x2x128xi32, #tpu.memory_space<vmem>> -> memref<2x128xi32, #tpu.memory_space<vmem>>
        %dma_start3A_185 = arith.constant 0 : i32
        %dma_start3A_186 = arith.constant 0 : i32
        %dma_start3A_187 = tpu.memref_slice %arg3[%add3A, %add3A_171, %dma_start3A_185, %dma_start3A_186] : memref<32x80x2x128xi32, #tpu.memory_space<hbm>> -> memref<1x1x2x128xi32, #tpu.memory_space<hbm>>
        %dma_start3A_188 = tpu.memref_squeeze %dma_start3A_187 : memref<1x1x2x128xi32, #tpu.memory_space<hbm>> -> memref<2x128xi32, #tpu.memory_space<hbm>>
        tpu.enqueue_dma source(%dma_start3A_188 : memref<2x128xi32, #tpu.memory_space<hbm>>) target(%dma_start3A_184 : memref<2x128xi32, #tpu.memory_space<vmem>>) target_semaphore(%arg17 : memref<!tpu.dma_semaphore, #tpu.memory_space<semaphore_mem>>)
      } else {
      }
      %add3A_163 = arith.constant 2 : i32
      %add3A_164 = arith.addi %add3A_145, %add3A_163 : i32
      %lt3A_165 = arith.constant 80 : i32
      %lt3A_166 = arith.cmpi slt, %add3A_164, %lt3A_165 : i32
      %convert_element_type3A_167 = arith.extui %lt3A_166 : i1 to i32
      %cond3A_168 = arith.constant 0 : i32
      %cond3A_169 = arith.cmpi ne, %convert_element_type3A_167, %cond3A_168 : i32
      scf.if %cond3A_169 {
        %add3A_170 = arith.constant 2 : i32
        %add3A_171 = arith.addi %add3A_145, %add3A_170 : i32
        %dma_wait3A_172 = arith.constant 1 : i32
        %dma_wait3A_173 = arith.constant 0 : i32
        %dma_wait3A_174 = arith.constant 0 : i32
        %dma_wait3A_175 = tpu.memref_slice %arg8[%dma_wait3A_172, %dma_wait3A_173, %dma_wait3A_174] : memref<4x2x128xi32, #tpu.memory_space<vmem>> -> memref<1x2x128xi32, #tpu.memory_space<vmem>>
        %dma_wait3A_176 = tpu.memref_squeeze %dma_wait3A_175 : memref<1x2x128xi32, #tpu.memory_space<vmem>> -> memref<2x128xi32, #tpu.memory_space<vmem>>
        %dma_wait3A_177 = arith.constant 0 : i32
        %dma_wait3A_178 = arith.constant 0 : i32
        %dma_wait3A_179 = tpu.memref_slice %arg3[%add3A, %add3A_171, %dma_wait3A_177, %dma_wait3A_178] : memref<32x80x2x128xi32, #tpu.memory_space<hbm>> -> memref<1x1x2x128xi32, #tpu.memory_space<hbm>>
        %dma_wait3A_180 = tpu.memref_squeeze %dma_wait3A_179 : memref<1x1x2x128xi32, #tpu.memory_space<hbm>> -> memref<2x128xi32, #tpu.memory_space<hbm>>
        %dma_wait3A_181 = arith.constant 0 : i32
        %dma_wait3A_182 = arith.constant 0 : i32
        %dma_wait3A_183 = tpu.memref_slice %arg8[%dma_wait3A_172, %dma_wait3A_181, %dma_wait3A_182] : memref<4x2x128xi32, #tpu.memory_space<vmem>> -> memref<1x2x128xi32, #tpu.memory_space<vmem>>
        %dma_wait3A_184 = tpu.memref_squeeze %dma_wait3A_183 : memref<1x2x128xi32, #tpu.memory_space<vmem>> -> memref<2x128xi32, #tpu.memory_space<vmem>>
        %dma_wait3A_185 = arith.constant 0 : i32
        %dma_wait3A_186 = arith.constant 0 : i32
        %dma_wait3A_187 = tpu.memref_slice %arg3[%add3A, %add3A_171, %dma_wait3A_185, %dma_wait3A_186] : memref<32x80x2x128xi32, #tpu.memory_space<hbm>> -> memref<1x1x2x128xi32, #tpu.memory_space<hbm>>
        %dma_wait3A_188 = tpu.memref_squeeze %dma_wait3A_187 : memref<1x1x2x128xi32, #tpu.memory_space<hbm>> -> memref<2x128xi32, #tpu.memory_space<hbm>>
        tpu.wait_dma2 semaphore(%arg15 : memref<!tpu.dma_semaphore, #tpu.memory_space<semaphore_mem>>) src(%dma_wait3A_188 : memref<2x128xi32, #tpu.memory_space<hbm>>) dst(%dma_wait3A_184 : memref<2x128xi32, #tpu.memory_space<vmem>>)
        %dma_start3A_189 = arith.constant 1 : i32
        %dma_start3A_190 = arith.constant 0 : i32
        %dma_start3A_191 = arith.constant 0 : i32
        %dma_start3A_192 = tpu.memref_slice %arg8[%dma_start3A_189, %dma_start3A_190, %dma_start3A_191] : memref<4x2x128xi32, #tpu.memory_space<vmem>> -> memref<1x1x128xi32, #tpu.memory_space<vmem>>
        %dma_start3A_193 = tpu.memref_squeeze %dma_start3A_192 : memref<1x1x128xi32, #tpu.memory_space<vmem>> -> memref<128xi32, #tpu.memory_space<vmem>>
        %dma_start3A_194 = arith.constant 0 : i32
        %dma_start3A_195 = arith.constant 0 : i32
        %dma_start3A_196 = tpu.memref_slice %arg2[%dma_start3A_194, %dma_start3A_195] : memref<10000x128xf32, #tpu.memory_space<hbm>> -> memref<10000x128xf32, #tpu.memory_space<hbm>>
        tpu.enqueue_indirect_dma source(%dma_start3A_196 : memref<10000x128xf32, #tpu.memory_space<hbm>>) target(%arg10 : memref<128x128xf32, #tpu.memory_space<vmem>>) offsets(%dma_start3A_193 : memref<128xi32, #tpu.memory_space<vmem>>) semaphore(%arg13 : memref<!tpu.dma_semaphore, #tpu.memory_space<semaphore_mem>>)
      } else {
      }
    }
    %scan3A_61 = arith.constant 20 : i32
    %barrier3A_62 = arith.constant 0 : index
    tpu.barrier barrier_id(%barrier3A_62)
    %mul3A_63 = arith.constant 640 : i32
    %mul3A_64 = arith.muli %arg1, %mul3A_63 : i32
    %mul3A_65 = arith.constant 640 : i32
    %mul3A_66 = arith.muli %arg1, %mul3A_65 : i32
    "tpu.region"() ({
      %run_scoped3A_67 = tpu.sem_alloc : memref<!tpu.dma_semaphore, #tpu.memory_space<semaphore_mem>>
      %dma_start3A_68 = arith.constant 0 : i32
      %dma_start3A_69 = tpu.memref_slice %arg7[%arg0, %mul3A_66, %dma_start3A_68] : memref<2x10240x128xf32, #tpu.memory_space<hbm>> -> memref<1x640x128xf32, #tpu.memory_space<hbm>>
      %dma_start3A_70 = tpu.memref_squeeze %dma_start3A_69 : memref<1x640x128xf32, #tpu.memory_space<hbm>> -> memref<640x128xf32, #tpu.memory_space<hbm>>
      %dma_start3A_71 = arith.constant 0 : i32
      %dma_start3A_72 = tpu.memref_slice %arg11[%mul3A_64, %dma_start3A_71] : memref<10240x128xf32, #tpu.memory_space<vmem_shared>> -> memref<640x128xf32, #tpu.memory_space<vmem_shared>>
      tpu.enqueue_dma source(%dma_start3A_72 : memref<640x128xf32, #tpu.memory_space<vmem_shared>>) target(%dma_start3A_70 : memref<640x128xf32, #tpu.memory_space<hbm>>) target_semaphore(%run_scoped3A_67 : memref<!tpu.dma_semaphore, #tpu.memory_space<semaphore_mem>>)
      %dma_wait3A = arith.constant 0 : i32
      %dma_wait3A_73 = tpu.memref_slice %arg7[%arg0, %mul3A_66, %dma_wait3A] : memref<2x10240x128xf32, #tpu.memory_space<hbm>> -> memref<1x640x128xf32, #tpu.memory_space<hbm>>
      %dma_wait3A_74 = tpu.memref_squeeze %dma_wait3A_73 : memref<1x640x128xf32, #tpu.memory_space<hbm>> -> memref<640x128xf32, #tpu.memory_space<hbm>>
      %dma_wait3A_75 = arith.constant 0 : i32
      %dma_wait3A_76 = tpu.memref_slice %arg11[%mul3A_64, %dma_wait3A_75] : memref<10240x128xf32, #tpu.memory_space<vmem_shared>> -> memref<640x128xf32, #tpu.memory_space<vmem_shared>>
      tpu.wait_dma2 semaphore(%run_scoped3A_67 : memref<!tpu.dma_semaphore, #tpu.memory_space<semaphore_mem>>) src(%dma_wait3A_76 : memref<640x128xf32, #tpu.memory_space<vmem_shared>>) dst(%dma_wait3A_74 : memref<640x128xf32, #tpu.memory_space<hbm>>)
      tpu.yield
    }) : () -> ()
    return
  }
}

#map = affine_map<(d0, d1) -> (0, 0)>
#map1 = affine_map<(d0, d1) -> (0, 0, 0, 0)>
#map2 = affine_map<(d0, d1) -> (0, 0, 0)>
module attributes {stable_mosaic.version = 14 : i64} {
  func.func @_sc_pass(%arg0: i32, %arg1: i32, %arg2: memref<10000x128xf32, #tpu.memory_space<hbm>>, %arg3: memref<32x80x2x128xi32, #tpu.memory_space<hbm>>, %arg4: memref<640x128xf32, #tpu.memory_space<hbm>>, %arg5: memref<640x16xf32, #tpu.memory_space<hbm>>, %arg6: memref<128x16xf32, #tpu.memory_space<hbm>>, %arg7: memref<2x10240x128xf32, #tpu.memory_space<hbm>>, %arg8: memref<4x2x128xi32, #tpu.memory_space<vmem>>, %arg9: memref<128x128xf32, #tpu.memory_space<vmem>>, %arg10: memref<128x128xf32, #tpu.memory_space<vmem>>, %arg11: memref<10240x128xf32, #tpu.memory_space<vmem_shared>>, %arg12: memref<!tpu.dma_semaphore, #tpu.memory_space<semaphore_mem>>, %arg13: memref<!tpu.dma_semaphore, #tpu.memory_space<semaphore_mem>>, %arg14: memref<!tpu.dma_semaphore, #tpu.memory_space<semaphore_mem>>, %arg15: memref<!tpu.dma_semaphore, #tpu.memory_space<semaphore_mem>>, %arg16: memref<!tpu.dma_semaphore, #tpu.memory_space<semaphore_mem>>, %arg17: memref<!tpu.dma_semaphore, #tpu.memory_space<semaphore_mem>>) attributes {dimension_semantics = [#tpu.dimension_semantics<core_parallel>, #tpu.dimension_semantics<subcore_parallel>], iteration_bounds = array<i64: 2, 16>, scalar_prefetch = 0 : i64, scratch_operands = 10 : i64, tpu.core_type = #tpu.core_type<sc_vector_subcore>, window_params = [{transform_indices = #map}, {transform_indices = #map1}, {transform_indices = #map}, {transform_indices = #map}, {transform_indices = #map}, {transform_indices = #map2}]} {
    %mul3A = arith.constant 16 : i32
    %mul3A_0 = arith.muli %arg0, %mul3A : i32
    %add3A = arith.addi %mul3A_0, %arg1 : i32
    %run_scoped3A = arith.constant 0 : i32
    %run_scoped3A_1 = arith.constant 0 : i32
    "tpu.region"() ({
      %run_scoped3A_67 = tpu.sem_alloc : memref<!tpu.dma_semaphore, #tpu.memory_space<semaphore_mem>>
      %dma_start3A_68 = arith.constant 0 : i32
      %dma_start3A_69 = arith.constant 0 : i32
      %dma_start3A_70 = tpu.memref_slice %arg8[%run_scoped3A_1, %dma_start3A_68, %dma_start3A_69] : memref<4x2x128xi32, #tpu.memory_space<vmem>> -> memref<1x2x128xi32, #tpu.memory_space<vmem>>
      %dma_start3A_71 = tpu.memref_squeeze %dma_start3A_70 : memref<1x2x128xi32, #tpu.memory_space<vmem>> -> memref<2x128xi32, #tpu.memory_space<vmem>>
      %dma_start3A_72 = arith.constant 0 : i32
      %dma_start3A_73 = arith.constant 0 : i32
      %dma_start3A_74 = tpu.memref_slice %arg3[%add3A, %run_scoped3A, %dma_start3A_72, %dma_start3A_73] : memref<32x80x2x128xi32, #tpu.memory_space<hbm>> -> memref<1x1x2x128xi32, #tpu.memory_space<hbm>>
      %dma_start3A_75 = tpu.memref_squeeze %dma_start3A_74 : memref<1x1x2x128xi32, #tpu.memory_space<hbm>> -> memref<2x128xi32, #tpu.memory_space<hbm>>
      %dma_start3A_76 = arith.constant 0 : i32
      %dma_start3A_77 = arith.constant 0 : i32
      %dma_start3A_78 = tpu.memref_slice %arg8[%run_scoped3A_1, %dma_start3A_76, %dma_start3A_77] : memref<4x2x128xi32, #tpu.memory_space<vmem>> -> memref<1x2x128xi32, #tpu.memory_space<vmem>>
      %dma_start3A_79 = tpu.memref_squeeze %dma_start3A_78 : memref<1x2x128xi32, #tpu.memory_space<vmem>> -> memref<2x128xi32, #tpu.memory_space<vmem>>
      %dma_start3A_80 = arith.constant 0 : i32
      %dma_start3A_81 = arith.constant 0 : i32
      %dma_start3A_82 = tpu.memref_slice %arg3[%add3A, %run_scoped3A, %dma_start3A_80, %dma_start3A_81] : memref<32x80x2x128xi32, #tpu.memory_space<hbm>> -> memref<1x1x2x128xi32, #tpu.memory_space<hbm>>
      %dma_start3A_83 = tpu.memref_squeeze %dma_start3A_82 : memref<1x1x2x128xi32, #tpu.memory_space<hbm>> -> memref<2x128xi32, #tpu.memory_space<hbm>>
      tpu.enqueue_dma source(%dma_start3A_83 : memref<2x128xi32, #tpu.memory_space<hbm>>) target(%dma_start3A_79 : memref<2x128xi32, #tpu.memory_space<vmem>>) target_semaphore(%run_scoped3A_67 : memref<!tpu.dma_semaphore, #tpu.memory_space<semaphore_mem>>)
      %dma_wait3A = arith.constant 0 : i32
      %dma_wait3A_84 = arith.constant 0 : i32
      %dma_wait3A_85 = tpu.memref_slice %arg8[%run_scoped3A_1, %dma_wait3A, %dma_wait3A_84] : memref<4x2x128xi32, #tpu.memory_space<vmem>> -> memref<1x2x128xi32, #tpu.memory_space<vmem>>
      %dma_wait3A_86 = tpu.memref_squeeze %dma_wait3A_85 : memref<1x2x128xi32, #tpu.memory_space<vmem>> -> memref<2x128xi32, #tpu.memory_space<vmem>>
      %dma_wait3A_87 = arith.constant 0 : i32
      %dma_wait3A_88 = arith.constant 0 : i32
      %dma_wait3A_89 = tpu.memref_slice %arg3[%add3A, %run_scoped3A, %dma_wait3A_87, %dma_wait3A_88] : memref<32x80x2x128xi32, #tpu.memory_space<hbm>> -> memref<1x1x2x128xi32, #tpu.memory_space<hbm>>
      %dma_wait3A_90 = tpu.memref_squeeze %dma_wait3A_89 : memref<1x1x2x128xi32, #tpu.memory_space<hbm>> -> memref<2x128xi32, #tpu.memory_space<hbm>>
      %dma_wait3A_91 = arith.constant 0 : i32
      %dma_wait3A_92 = arith.constant 0 : i32
      %dma_wait3A_93 = tpu.memref_slice %arg8[%run_scoped3A_1, %dma_wait3A_91, %dma_wait3A_92] : memref<4x2x128xi32, #tpu.memory_space<vmem>> -> memref<1x2x128xi32, #tpu.memory_space<vmem>>
      %dma_wait3A_94 = tpu.memref_squeeze %dma_wait3A_93 : memref<1x2x128xi32, #tpu.memory_space<vmem>> -> memref<2x128xi32, #tpu.memory_space<vmem>>
      %dma_wait3A_95 = arith.constant 0 : i32
      %dma_wait3A_96 = arith.constant 0 : i32
      %dma_wait3A_97 = tpu.memref_slice %arg3[%add3A, %run_scoped3A, %dma_wait3A_95, %dma_wait3A_96] : memref<32x80x2x128xi32, #tpu.memory_space<hbm>> -> memref<1x1x2x128xi32, #tpu.memory_space<hbm>>
      %dma_wait3A_98 = tpu.memref_squeeze %dma_wait3A_97 : memref<1x1x2x128xi32, #tpu.memory_space<hbm>> -> memref<2x128xi32, #tpu.memory_space<hbm>>
      tpu.wait_dma2 semaphore(%run_scoped3A_67 : memref<!tpu.dma_semaphore, #tpu.memory_space<semaphore_mem>>) src(%dma_wait3A_98 : memref<2x128xi32, #tpu.memory_space<hbm>>) dst(%dma_wait3A_94 : memref<2x128xi32, #tpu.memory_space<vmem>>)
      tpu.yield
    }) : () -> ()
    %run_scoped3A_2 = arith.constant 1 : i32
    %run_scoped3A_3 = arith.constant 1 : i32
    "tpu.region"() ({
      %run_scoped3A_67 = tpu.sem_alloc : memref<!tpu.dma_semaphore, #tpu.memory_space<semaphore_mem>>
      %dma_start3A_68 = arith.constant 0 : i32
      %dma_start3A_69 = arith.constant 0 : i32
      %dma_start3A_70 = tpu.memref_slice %arg8[%run_scoped3A_3, %dma_start3A_68, %dma_start3A_69] : memref<4x2x128xi32, #tpu.memory_space<vmem>> -> memref<1x2x128xi32, #tpu.memory_space<vmem>>
      %dma_start3A_71 = tpu.memref_squeeze %dma_start3A_70 : memref<1x2x128xi32, #tpu.memory_space<vmem>> -> memref<2x128xi32, #tpu.memory_space<vmem>>
      %dma_start3A_72 = arith.constant 0 : i32
      %dma_start3A_73 = arith.constant 0 : i32
      %dma_start3A_74 = tpu.memref_slice %arg3[%add3A, %run_scoped3A_2, %dma_start3A_72, %dma_start3A_73] : memref<32x80x2x128xi32, #tpu.memory_space<hbm>> -> memref<1x1x2x128xi32, #tpu.memory_space<hbm>>
      %dma_start3A_75 = tpu.memref_squeeze %dma_start3A_74 : memref<1x1x2x128xi32, #tpu.memory_space<hbm>> -> memref<2x128xi32, #tpu.memory_space<hbm>>
      %dma_start3A_76 = arith.constant 0 : i32
      %dma_start3A_77 = arith.constant 0 : i32
      %dma_start3A_78 = tpu.memref_slice %arg8[%run_scoped3A_3, %dma_start3A_76, %dma_start3A_77] : memref<4x2x128xi32, #tpu.memory_space<vmem>> -> memref<1x2x128xi32, #tpu.memory_space<vmem>>
      %dma_start3A_79 = tpu.memref_squeeze %dma_start3A_78 : memref<1x2x128xi32, #tpu.memory_space<vmem>> -> memref<2x128xi32, #tpu.memory_space<vmem>>
      %dma_start3A_80 = arith.constant 0 : i32
      %dma_start3A_81 = arith.constant 0 : i32
      %dma_start3A_82 = tpu.memref_slice %arg3[%add3A, %run_scoped3A_2, %dma_start3A_80, %dma_start3A_81] : memref<32x80x2x128xi32, #tpu.memory_space<hbm>> -> memref<1x1x2x128xi32, #tpu.memory_space<hbm>>
      %dma_start3A_83 = tpu.memref_squeeze %dma_start3A_82 : memref<1x1x2x128xi32, #tpu.memory_space<hbm>> -> memref<2x128xi32, #tpu.memory_space<hbm>>
      tpu.enqueue_dma source(%dma_start3A_83 : memref<2x128xi32, #tpu.memory_space<hbm>>) target(%dma_start3A_79 : memref<2x128xi32, #tpu.memory_space<vmem>>) target_semaphore(%run_scoped3A_67 : memref<!tpu.dma_semaphore, #tpu.memory_space<semaphore_mem>>)
      %dma_wait3A = arith.constant 0 : i32
      %dma_wait3A_84 = arith.constant 0 : i32
      %dma_wait3A_85 = tpu.memref_slice %arg8[%run_scoped3A_3, %dma_wait3A, %dma_wait3A_84] : memref<4x2x128xi32, #tpu.memory_space<vmem>> -> memref<1x2x128xi32, #tpu.memory_space<vmem>>
      %dma_wait3A_86 = tpu.memref_squeeze %dma_wait3A_85 : memref<1x2x128xi32, #tpu.memory_space<vmem>> -> memref<2x128xi32, #tpu.memory_space<vmem>>
      %dma_wait3A_87 = arith.constant 0 : i32
      %dma_wait3A_88 = arith.constant 0 : i32
      %dma_wait3A_89 = tpu.memref_slice %arg3[%add3A, %run_scoped3A_2, %dma_wait3A_87, %dma_wait3A_88] : memref<32x80x2x128xi32, #tpu.memory_space<hbm>> -> memref<1x1x2x128xi32, #tpu.memory_space<hbm>>
      %dma_wait3A_90 = tpu.memref_squeeze %dma_wait3A_89 : memref<1x1x2x128xi32, #tpu.memory_space<hbm>> -> memref<2x128xi32, #tpu.memory_space<hbm>>
      %dma_wait3A_91 = arith.constant 0 : i32
      %dma_wait3A_92 = arith.constant 0 : i32
      %dma_wait3A_93 = tpu.memref_slice %arg8[%run_scoped3A_3, %dma_wait3A_91, %dma_wait3A_92] : memref<4x2x128xi32, #tpu.memory_space<vmem>> -> memref<1x2x128xi32, #tpu.memory_space<vmem>>
      %dma_wait3A_94 = tpu.memref_squeeze %dma_wait3A_93 : memref<1x2x128xi32, #tpu.memory_space<vmem>> -> memref<2x128xi32, #tpu.memory_space<vmem>>
      %dma_wait3A_95 = arith.constant 0 : i32
      %dma_wait3A_96 = arith.constant 0 : i32
      %dma_wait3A_97 = tpu.memref_slice %arg3[%add3A, %run_scoped3A_2, %dma_wait3A_95, %dma_wait3A_96] : memref<32x80x2x128xi32, #tpu.memory_space<hbm>> -> memref<1x1x2x128xi32, #tpu.memory_space<hbm>>
      %dma_wait3A_98 = tpu.memref_squeeze %dma_wait3A_97 : memref<1x1x2x128xi32, #tpu.memory_space<hbm>> -> memref<2x128xi32, #tpu.memory_space<hbm>>
      tpu.wait_dma2 semaphore(%run_scoped3A_67 : memref<!tpu.dma_semaphore, #tpu.memory_space<semaphore_mem>>) src(%dma_wait3A_98 : memref<2x128xi32, #tpu.memory_space<hbm>>) dst(%dma_wait3A_94 : memref<2x128xi32, #tpu.memory_space<vmem>>)
      tpu.yield
    }) : () -> ()
    %dma_start3A = arith.constant 2 : i32
    %dma_start3A_4 = arith.constant 2 : i32
    %dma_start3A_5 = arith.constant 0 : i32
    %dma_start3A_6 = arith.constant 0 : i32
    %dma_start3A_7 = tpu.memref_slice %arg8[%dma_start3A_4, %dma_start3A_5, %dma_start3A_6] : memref<4x2x128xi32, #tpu.memory_space<vmem>> -> memref<1x2x128xi32, #tpu.memory_space<vmem>>
    %dma_start3A_8 = tpu.memref_squeeze %dma_start3A_7 : memref<1x2x128xi32, #tpu.memory_space<vmem>> -> memref<2x128xi32, #tpu.memory_space<vmem>>
    %dma_start3A_9 = arith.constant 0 : i32
    %dma_start3A_10 = arith.constant 0 : i32
    %dma_start3A_11 = tpu.memref_slice %arg3[%add3A, %dma_start3A, %dma_start3A_9, %dma_start3A_10] : memref<32x80x2x128xi32, #tpu.memory_space<hbm>> -> memref<1x1x2x128xi32, #tpu.memory_space<hbm>>
    %dma_start3A_12 = tpu.memref_squeeze %dma_start3A_11 : memref<1x1x2x128xi32, #tpu.memory_space<hbm>> -> memref<2x128xi32, #tpu.memory_space<hbm>>
    %dma_start3A_13 = arith.constant 0 : i32
    %dma_start3A_14 = arith.constant 0 : i32
    %dma_start3A_15 = tpu.memref_slice %arg8[%dma_start3A_4, %dma_start3A_13, %dma_start3A_14] : memref<4x2x128xi32, #tpu.memory_space<vmem>> -> memref<1x2x128xi32, #tpu.memory_space<vmem>>
    %dma_start3A_16 = tpu.memref_squeeze %dma_start3A_15 : memref<1x2x128xi32, #tpu.memory_space<vmem>> -> memref<2x128xi32, #tpu.memory_space<vmem>>
    %dma_start3A_17 = arith.constant 0 : i32
    %dma_start3A_18 = arith.constant 0 : i32
    %dma_start3A_19 = tpu.memref_slice %arg3[%add3A, %dma_start3A, %dma_start3A_17, %dma_start3A_18] : memref<32x80x2x128xi32, #tpu.memory_space<hbm>> -> memref<1x1x2x128xi32, #tpu.memory_space<hbm>>
    %dma_start3A_20 = tpu.memref_squeeze %dma_start3A_19 : memref<1x1x2x128xi32, #tpu.memory_space<hbm>> -> memref<2x128xi32, #tpu.memory_space<hbm>>
    tpu.enqueue_dma source(%dma_start3A_20 : memref<2x128xi32, #tpu.memory_space<hbm>>) target(%dma_start3A_16 : memref<2x128xi32, #tpu.memory_space<vmem>>) target_semaphore(%arg16 : memref<!tpu.dma_semaphore, #tpu.memory_space<semaphore_mem>>)
    %dma_start3A_21 = arith.constant 3 : i32
    %dma_start3A_22 = arith.constant 3 : i32
    %dma_start3A_23 = arith.constant 0 : i32
    %dma_start3A_24 = arith.constant 0 : i32
    %dma_start3A_25 = tpu.memref_slice %arg8[%dma_start3A_22, %dma_start3A_23, %dma_start3A_24] : memref<4x2x128xi32, #tpu.memory_space<vmem>> -> memref<1x2x128xi32, #tpu.memory_space<vmem>>
    %dma_start3A_26 = tpu.memref_squeeze %dma_start3A_25 : memref<1x2x128xi32, #tpu.memory_space<vmem>> -> memref<2x128xi32, #tpu.memory_space<vmem>>
    %dma_start3A_27 = arith.constant 0 : i32
    %dma_start3A_28 = arith.constant 0 : i32
    %dma_start3A_29 = tpu.memref_slice %arg3[%add3A, %dma_start3A_21, %dma_start3A_27, %dma_start3A_28] : memref<32x80x2x128xi32, #tpu.memory_space<hbm>> -> memref<1x1x2x128xi32, #tpu.memory_space<hbm>>
    %dma_start3A_30 = tpu.memref_squeeze %dma_start3A_29 : memref<1x1x2x128xi32, #tpu.memory_space<hbm>> -> memref<2x128xi32, #tpu.memory_space<hbm>>
    %dma_start3A_31 = arith.constant 0 : i32
    %dma_start3A_32 = arith.constant 0 : i32
    %dma_start3A_33 = tpu.memref_slice %arg8[%dma_start3A_22, %dma_start3A_31, %dma_start3A_32] : memref<4x2x128xi32, #tpu.memory_space<vmem>> -> memref<1x2x128xi32, #tpu.memory_space<vmem>>
    %dma_start3A_34 = tpu.memref_squeeze %dma_start3A_33 : memref<1x2x128xi32, #tpu.memory_space<vmem>> -> memref<2x128xi32, #tpu.memory_space<vmem>>
    %dma_start3A_35 = arith.constant 0 : i32
    %dma_start3A_36 = arith.constant 0 : i32
    %dma_start3A_37 = tpu.memref_slice %arg3[%add3A, %dma_start3A_21, %dma_start3A_35, %dma_start3A_36] : memref<32x80x2x128xi32, #tpu.memory_space<hbm>> -> memref<1x1x2x128xi32, #tpu.memory_space<hbm>>
    %dma_start3A_38 = tpu.memref_squeeze %dma_start3A_37 : memref<1x1x2x128xi32, #tpu.memory_space<hbm>> -> memref<2x128xi32, #tpu.memory_space<hbm>>
    tpu.enqueue_dma source(%dma_start3A_38 : memref<2x128xi32, #tpu.memory_space<hbm>>) target(%dma_start3A_34 : memref<2x128xi32, #tpu.memory_space<vmem>>) target_semaphore(%arg17 : memref<!tpu.dma_semaphore, #tpu.memory_space<semaphore_mem>>)
    %dma_start3A_39 = arith.constant 0 : i32
    %dma_start3A_40 = arith.constant 0 : i32
    %dma_start3A_41 = arith.constant 0 : i32
    %dma_start3A_42 = tpu.memref_slice %arg8[%dma_start3A_39, %dma_start3A_40, %dma_start3A_41] : memref<4x2x128xi32, #tpu.memory_space<vmem>> -> memref<1x1x128xi32, #tpu.memory_space<vmem>>
    %dma_start3A_43 = tpu.memref_squeeze %dma_start3A_42 : memref<1x1x128xi32, #tpu.memory_space<vmem>> -> memref<128xi32, #tpu.memory_space<vmem>>
    %dma_start3A_44 = arith.constant 0 : i32
    %dma_start3A_45 = arith.constant 0 : i32
    %dma_start3A_46 = tpu.memref_slice %arg2[%dma_start3A_44, %dma_start3A_45] : memref<10000x128xf32, #tpu.memory_space<hbm>> -> memref<10000x128xf32, #tpu.memory_space<hbm>>
    tpu.enqueue_indirect_dma source(%dma_start3A_46 : memref<10000x128xf32, #tpu.memory_space<hbm>>) target(%arg9 : memref<128x128xf32, #tpu.memory_space<vmem>>) offsets(%dma_start3A_43 : memref<128xi32, #tpu.memory_space<vmem>>) semaphore(%arg12 : memref<!tpu.dma_semaphore, #tpu.memory_space<semaphore_mem>>)
    %dma_start3A_47 = arith.constant 1 : i32
    %dma_start3A_48 = arith.constant 0 : i32
    %dma_start3A_49 = arith.constant 0 : i32
    %dma_start3A_50 = tpu.memref_slice %arg8[%dma_start3A_47, %dma_start3A_48, %dma_start3A_49] : memref<4x2x128xi32, #tpu.memory_space<vmem>> -> memref<1x1x128xi32, #tpu.memory_space<vmem>>
    %dma_start3A_51 = tpu.memref_squeeze %dma_start3A_50 : memref<1x1x128xi32, #tpu.memory_space<vmem>> -> memref<128xi32, #tpu.memory_space<vmem>>
    %dma_start3A_52 = arith.constant 0 : i32
    %dma_start3A_53 = arith.constant 0 : i32
    %dma_start3A_54 = tpu.memref_slice %arg2[%dma_start3A_52, %dma_start3A_53] : memref<10000x128xf32, #tpu.memory_space<hbm>> -> memref<10000x128xf32, #tpu.memory_space<hbm>>
    tpu.enqueue_indirect_dma source(%dma_start3A_54 : memref<10000x128xf32, #tpu.memory_space<hbm>>) target(%arg10 : memref<128x128xf32, #tpu.memory_space<vmem>>) offsets(%dma_start3A_51 : memref<128xi32, #tpu.memory_space<vmem>>) semaphore(%arg13 : memref<!tpu.dma_semaphore, #tpu.memory_space<semaphore_mem>>)
    %mul3A_55 = arith.constant 640 : i32
    %mul3A_56 = arith.muli %arg1, %mul3A_55 : i32
    "tpu.region"() ({
      %run_scoped3A_67 = tpu.sem_alloc : memref<!tpu.dma_semaphore, #tpu.memory_space<semaphore_mem>>
      %dma_start3A_68 = arith.constant 0 : i32
      %dma_start3A_69 = tpu.memref_slice %arg11[%mul3A_56, %dma_start3A_68] : memref<10240x128xf32, #tpu.memory_space<vmem_shared>> -> memref<640x128xf32, #tpu.memory_space<vmem_shared>>
      tpu.enqueue_dma source(%arg4 : memref<640x128xf32, #tpu.memory_space<hbm>>) target(%dma_start3A_69 : memref<640x128xf32, #tpu.memory_space<vmem_shared>>) target_semaphore(%run_scoped3A_67 : memref<!tpu.dma_semaphore, #tpu.memory_space<semaphore_mem>>)
      %dma_wait3A = arith.constant 0 : i32
      %dma_wait3A_70 = tpu.memref_slice %arg11[%mul3A_56, %dma_wait3A] : memref<10240x128xf32, #tpu.memory_space<vmem_shared>> -> memref<640x128xf32, #tpu.memory_space<vmem_shared>>
      tpu.wait_dma2 semaphore(%run_scoped3A_67 : memref<!tpu.dma_semaphore, #tpu.memory_space<semaphore_mem>>) src(%arg4 : memref<640x128xf32, #tpu.memory_space<hbm>>) dst(%dma_wait3A_70 : memref<640x128xf32, #tpu.memory_space<vmem_shared>>)
      tpu.yield
    }) : () -> ()
    %barrier3A = arith.constant 0 : index
    tpu.barrier barrier_id(%barrier3A)
    %scan3A = arith.constant 0 : i32
    %scan3A_57 = arith.constant 0 : i32
    %scan3A_58 = arith.constant 20 : i32
    %scan3A_59 = arith.addi %scan3A_57, %scan3A_58 : i32
    %scan3A_60 = arith.constant 1 : i32
    scf.for %scan3A_67 = %scan3A_57 to %scan3A_59 step %scan3A_60  : i32 {
      %mul3A_68 = arith.constant 4 : i32
      %mul3A_69 = arith.muli %scan3A_67, %mul3A_68 : i32
      %add3A_70 = arith.constant 0 : i32
      %add3A_71 = arith.addi %mul3A_69, %add3A_70 : i32
      %dma_wait3A = arith.constant 0 : i32
      %dma_wait3A_72 = arith.constant 0 : i32
      %dma_wait3A_73 = arith.constant 0 : i32
      %dma_wait3A_74 = tpu.memref_slice %arg8[%dma_wait3A, %dma_wait3A_72, %dma_wait3A_73] : memref<4x2x128xi32, #tpu.memory_space<vmem>> -> memref<1x1x128xi32, #tpu.memory_space<vmem>>
      %dma_wait3A_75 = tpu.memref_squeeze %dma_wait3A_74 : memref<1x1x128xi32, #tpu.memory_space<vmem>> -> memref<128xi32, #tpu.memory_space<vmem>>
      %dma_wait3A_76 = arith.constant 0 : i32
      %dma_wait3A_77 = arith.constant 0 : i32
      %dma_wait3A_78 = tpu.memref_slice %arg2[%dma_wait3A_76, %dma_wait3A_77] : memref<10000x128xf32, #tpu.memory_space<hbm>> -> memref<10000x128xf32, #tpu.memory_space<hbm>>
      tpu.wait_indirect_dma semaphore(%arg12 : memref<!tpu.dma_semaphore, #tpu.memory_space<semaphore_mem>>) src(%dma_wait3A_78 : memref<10000x128xf32, #tpu.memory_space<hbm>>) dst(%arg9 : memref<128x128xf32, #tpu.memory_space<vmem>>)
      %run_scoped3A_79 = arith.constant 0 : i32
      %run_scoped3A_80 = arith.constant 1 : i32
      "tpu.region"() ({
        %run_scoped3A_170 = tpu.sem_alloc : memref<!tpu.dma_semaphore, #tpu.memory_space<semaphore_mem>>
        %dma_start3A_171 = arith.constant 0 : i32
        %dma_start3A_172 = tpu.memref_slice %arg8[%run_scoped3A_79, %run_scoped3A_80, %dma_start3A_171] : memref<4x2x128xi32, #tpu.memory_space<vmem>> -> memref<1x1x128xi32, #tpu.memory_space<vmem>>
        %dma_start3A_173 = tpu.memref_squeeze %dma_start3A_172 : memref<1x1x128xi32, #tpu.memory_space<vmem>> -> memref<128xi32, #tpu.memory_space<vmem>>
        %dma_start3A_174 = arith.constant 0 : i32
        %dma_start3A_175 = arith.constant 0 : i32
        %dma_start3A_176 = tpu.memref_slice %arg11[%dma_start3A_174, %dma_start3A_175] : memref<10240x128xf32, #tpu.memory_space<vmem_shared>> -> memref<10240x128xf32, #tpu.memory_space<vmem_shared>>
        tpu.enqueue_indirect_dma source(%arg9 : memref<128x128xf32, #tpu.memory_space<vmem>>) target(%dma_start3A_176 : memref<10240x128xf32, #tpu.memory_space<vmem_shared>>) offsets(%dma_start3A_173 : memref<128xi32, #tpu.memory_space<vmem>>) semaphore(%run_scoped3A_170 : memref<!tpu.dma_semaphore, #tpu.memory_space<semaphore_mem>>) {add = true}
        %dma_wait3A_177 = arith.constant 0 : i32
        %dma_wait3A_178 = tpu.memref_slice %arg8[%run_scoped3A_79, %run_scoped3A_80, %dma_wait3A_177] : memref<4x2x128xi32, #tpu.memory_space<vmem>> -> memref<1x1x128xi32, #tpu.memory_space<vmem>>
        %dma_wait3A_179 = tpu.memref_squeeze %dma_wait3A_178 : memref<1x1x128xi32, #tpu.memory_space<vmem>> -> memref<128xi32, #tpu.memory_space<vmem>>
        %dma_wait3A_180 = arith.constant 0 : i32
        %dma_wait3A_181 = arith.constant 0 : i32
        %dma_wait3A_182 = tpu.memref_slice %arg11[%dma_wait3A_180, %dma_wait3A_181] : memref<10240x128xf32, #tpu.memory_space<vmem_shared>> -> memref<10240x128xf32, #tpu.memory_space<vmem_shared>>
        tpu.wait_indirect_dma semaphore(%run_scoped3A_170 : memref<!tpu.dma_semaphore, #tpu.memory_space<semaphore_mem>>) src(%arg9 : memref<128x128xf32, #tpu.memory_space<vmem>>) dst(%dma_wait3A_182 : memref<10240x128xf32, #tpu.memory_space<vmem_shared>>)
        tpu.yield
      }) : () -> ()
      %add3A_81 = arith.constant 4 : i32
      %add3A_82 = arith.addi %add3A_71, %add3A_81 : i32
      %lt3A = arith.constant 80 : i32
      %lt3A_83 = arith.cmpi slt, %add3A_82, %lt3A : i32
      %convert_element_type3A = arith.extui %lt3A_83 : i1 to i32
      %cond3A = arith.constant 0 : i32
      %cond3A_84 = arith.cmpi ne, %convert_element_type3A, %cond3A : i32
      scf.if %cond3A_84 {
        %add3A_170 = arith.constant 4 : i32
        %add3A_171 = arith.addi %add3A_71, %add3A_170 : i32
        %dma_start3A_172 = arith.constant 0 : i32
        %dma_start3A_173 = arith.constant 0 : i32
        %dma_start3A_174 = arith.constant 0 : i32
        %dma_start3A_175 = tpu.memref_slice %arg8[%dma_start3A_172, %dma_start3A_173, %dma_start3A_174] : memref<4x2x128xi32, #tpu.memory_space<vmem>> -> memref<1x2x128xi32, #tpu.memory_space<vmem>>
        %dma_start3A_176 = tpu.memref_squeeze %dma_start3A_175 : memref<1x2x128xi32, #tpu.memory_space<vmem>> -> memref<2x128xi32, #tpu.memory_space<vmem>>
        %dma_start3A_177 = arith.constant 0 : i32
        %dma_start3A_178 = arith.constant 0 : i32
        %dma_start3A_179 = tpu.memref_slice %arg3[%add3A, %add3A_171, %dma_start3A_177, %dma_start3A_178] : memref<32x80x2x128xi32, #tpu.memory_space<hbm>> -> memref<1x1x2x128xi32, #tpu.memory_space<hbm>>
        %dma_start3A_180 = tpu.memref_squeeze %dma_start3A_179 : memref<1x1x2x128xi32, #tpu.memory_space<hbm>> -> memref<2x128xi32, #tpu.memory_space<hbm>>
        %dma_start3A_181 = arith.constant 0 : i32
        %dma_start3A_182 = arith.constant 0 : i32
        %dma_start3A_183 = tpu.memref_slice %arg8[%dma_start3A_172, %dma_start3A_181, %dma_start3A_182] : memref<4x2x128xi32, #tpu.memory_space<vmem>> -> memref<1x2x128xi32, #tpu.memory_space<vmem>>
        %dma_start3A_184 = tpu.memref_squeeze %dma_start3A_183 : memref<1x2x128xi32, #tpu.memory_space<vmem>> -> memref<2x128xi32, #tpu.memory_space<vmem>>
        %dma_start3A_185 = arith.constant 0 : i32
        %dma_start3A_186 = arith.constant 0 : i32
        %dma_start3A_187 = tpu.memref_slice %arg3[%add3A, %add3A_171, %dma_start3A_185, %dma_start3A_186] : memref<32x80x2x128xi32, #tpu.memory_space<hbm>> -> memref<1x1x2x128xi32, #tpu.memory_space<hbm>>
        %dma_start3A_188 = tpu.memref_squeeze %dma_start3A_187 : memref<1x1x2x128xi32, #tpu.memory_space<hbm>> -> memref<2x128xi32, #tpu.memory_space<hbm>>
        tpu.enqueue_dma source(%dma_start3A_188 : memref<2x128xi32, #tpu.memory_space<hbm>>) target(%dma_start3A_184 : memref<2x128xi32, #tpu.memory_space<vmem>>) target_semaphore(%arg14 : memref<!tpu.dma_semaphore, #tpu.memory_space<semaphore_mem>>)
      } else {
      }
      %add3A_85 = arith.constant 2 : i32
      %add3A_86 = arith.addi %add3A_71, %add3A_85 : i32
      %lt3A_87 = arith.constant 80 : i32
      %lt3A_88 = arith.cmpi slt, %add3A_86, %lt3A_87 : i32
      %convert_element_type3A_89 = arith.extui %lt3A_88 : i1 to i32
      %cond3A_90 = arith.constant 0 : i32
      %cond3A_91 = arith.cmpi ne, %convert_element_type3A_89, %cond3A_90 : i32
      scf.if %cond3A_91 {
        %add3A_170 = arith.constant 2 : i32
        %add3A_171 = arith.addi %add3A_71, %add3A_170 : i32
        %dma_wait3A_172 = arith.constant 2 : i32
        %dma_wait3A_173 = arith.constant 0 : i32
        %dma_wait3A_174 = arith.constant 0 : i32
        %dma_wait3A_175 = tpu.memref_slice %arg8[%dma_wait3A_172, %dma_wait3A_173, %dma_wait3A_174] : memref<4x2x128xi32, #tpu.memory_space<vmem>> -> memref<1x2x128xi32, #tpu.memory_space<vmem>>
        %dma_wait3A_176 = tpu.memref_squeeze %dma_wait3A_175 : memref<1x2x128xi32, #tpu.memory_space<vmem>> -> memref<2x128xi32, #tpu.memory_space<vmem>>
        %dma_wait3A_177 = arith.constant 0 : i32
        %dma_wait3A_178 = arith.constant 0 : i32
        %dma_wait3A_179 = tpu.memref_slice %arg3[%add3A, %add3A_171, %dma_wait3A_177, %dma_wait3A_178] : memref<32x80x2x128xi32, #tpu.memory_space<hbm>> -> memref<1x1x2x128xi32, #tpu.memory_space<hbm>>
        %dma_wait3A_180 = tpu.memref_squeeze %dma_wait3A_179 : memref<1x1x2x128xi32, #tpu.memory_space<hbm>> -> memref<2x128xi32, #tpu.memory_space<hbm>>
        %dma_wait3A_181 = arith.constant 0 : i32
        %dma_wait3A_182 = arith.constant 0 : i32
        %dma_wait3A_183 = tpu.memref_slice %arg8[%dma_wait3A_172, %dma_wait3A_181, %dma_wait3A_182] : memref<4x2x128xi32, #tpu.memory_space<vmem>> -> memref<1x2x128xi32, #tpu.memory_space<vmem>>
        %dma_wait3A_184 = tpu.memref_squeeze %dma_wait3A_183 : memref<1x2x128xi32, #tpu.memory_space<vmem>> -> memref<2x128xi32, #tpu.memory_space<vmem>>
        %dma_wait3A_185 = arith.constant 0 : i32
        %dma_wait3A_186 = arith.constant 0 : i32
        %dma_wait3A_187 = tpu.memref_slice %arg3[%add3A, %add3A_171, %dma_wait3A_185, %dma_wait3A_186] : memref<32x80x2x128xi32, #tpu.memory_space<hbm>> -> memref<1x1x2x128xi32, #tpu.memory_space<hbm>>
        %dma_wait3A_188 = tpu.memref_squeeze %dma_wait3A_187 : memref<1x1x2x128xi32, #tpu.memory_space<hbm>> -> memref<2x128xi32, #tpu.memory_space<hbm>>
        tpu.wait_dma2 semaphore(%arg16 : memref<!tpu.dma_semaphore, #tpu.memory_space<semaphore_mem>>) src(%dma_wait3A_188 : memref<2x128xi32, #tpu.memory_space<hbm>>) dst(%dma_wait3A_184 : memref<2x128xi32, #tpu.memory_space<vmem>>)
        %dma_start3A_189 = arith.constant 2 : i32
        %dma_start3A_190 = arith.constant 0 : i32
        %dma_start3A_191 = arith.constant 0 : i32
        %dma_start3A_192 = tpu.memref_slice %arg8[%dma_start3A_189, %dma_start3A_190, %dma_start3A_191] : memref<4x2x128xi32, #tpu.memory_space<vmem>> -> memref<1x1x128xi32, #tpu.memory_space<vmem>>
        %dma_start3A_193 = tpu.memref_squeeze %dma_start3A_192 : memref<1x1x128xi32, #tpu.memory_space<vmem>> -> memref<128xi32, #tpu.memory_space<vmem>>
        %dma_start3A_194 = arith.constant 0 : i32
        %dma_start3A_195 = arith.constant 0 : i32
        %dma_start3A_196 = tpu.memref_slice %arg2[%dma_start3A_194, %dma_start3A_195] : memref<10000x128xf32, #tpu.memory_space<hbm>> -> memref<10000x128xf32, #tpu.memory_space<hbm>>
        tpu.enqueue_indirect_dma source(%dma_start3A_196 : memref<10000x128xf32, #tpu.memory_space<hbm>>) target(%arg9 : memref<128x128xf32, #tpu.memory_space<vmem>>) offsets(%dma_start3A_193 : memref<128xi32, #tpu.memory_space<vmem>>) semaphore(%arg12 : memref<!tpu.dma_semaphore, #tpu.memory_space<semaphore_mem>>)
      } else {
      }
      %add3A_92 = arith.constant 1 : i32
      %add3A_93 = arith.addi %mul3A_69, %add3A_92 : i32
      %dma_wait3A_94 = arith.constant 1 : i32
      %dma_wait3A_95 = arith.constant 0 : i32
      %dma_wait3A_96 = arith.constant 0 : i32
      %dma_wait3A_97 = tpu.memref_slice %arg8[%dma_wait3A_94, %dma_wait3A_95, %dma_wait3A_96] : memref<4x2x128xi32, #tpu.memory_space<vmem>> -> memref<1x1x128xi32, #tpu.memory_space<vmem>>
      %dma_wait3A_98 = tpu.memref_squeeze %dma_wait3A_97 : memref<1x1x128xi32, #tpu.memory_space<vmem>> -> memref<128xi32, #tpu.memory_space<vmem>>
      %dma_wait3A_99 = arith.constant 0 : i32
      %dma_wait3A_100 = arith.constant 0 : i32
      %dma_wait3A_101 = tpu.memref_slice %arg2[%dma_wait3A_99, %dma_wait3A_100] : memref<10000x128xf32, #tpu.memory_space<hbm>> -> memref<10000x128xf32, #tpu.memory_space<hbm>>
      tpu.wait_indirect_dma semaphore(%arg13 : memref<!tpu.dma_semaphore, #tpu.memory_space<semaphore_mem>>) src(%dma_wait3A_101 : memref<10000x128xf32, #tpu.memory_space<hbm>>) dst(%arg10 : memref<128x128xf32, #tpu.memory_space<vmem>>)
      %run_scoped3A_102 = arith.constant 1 : i32
      %run_scoped3A_103 = arith.constant 1 : i32
      "tpu.region"() ({
        %run_scoped3A_170 = tpu.sem_alloc : memref<!tpu.dma_semaphore, #tpu.memory_space<semaphore_mem>>
        %dma_start3A_171 = arith.constant 0 : i32
        %dma_start3A_172 = tpu.memref_slice %arg8[%run_scoped3A_102, %run_scoped3A_103, %dma_start3A_171] : memref<4x2x128xi32, #tpu.memory_space<vmem>> -> memref<1x1x128xi32, #tpu.memory_space<vmem>>
        %dma_start3A_173 = tpu.memref_squeeze %dma_start3A_172 : memref<1x1x128xi32, #tpu.memory_space<vmem>> -> memref<128xi32, #tpu.memory_space<vmem>>
        %dma_start3A_174 = arith.constant 0 : i32
        %dma_start3A_175 = arith.constant 0 : i32
        %dma_start3A_176 = tpu.memref_slice %arg11[%dma_start3A_174, %dma_start3A_175] : memref<10240x128xf32, #tpu.memory_space<vmem_shared>> -> memref<10240x128xf32, #tpu.memory_space<vmem_shared>>
        tpu.enqueue_indirect_dma source(%arg10 : memref<128x128xf32, #tpu.memory_space<vmem>>) target(%dma_start3A_176 : memref<10240x128xf32, #tpu.memory_space<vmem_shared>>) offsets(%dma_start3A_173 : memref<128xi32, #tpu.memory_space<vmem>>) semaphore(%run_scoped3A_170 : memref<!tpu.dma_semaphore, #tpu.memory_space<semaphore_mem>>) {add = true}
        %dma_wait3A_177 = arith.constant 0 : i32
        %dma_wait3A_178 = tpu.memref_slice %arg8[%run_scoped3A_102, %run_scoped3A_103, %dma_wait3A_177] : memref<4x2x128xi32, #tpu.memory_space<vmem>> -> memref<1x1x128xi32, #tpu.memory_space<vmem>>
        %dma_wait3A_179 = tpu.memref_squeeze %dma_wait3A_178 : memref<1x1x128xi32, #tpu.memory_space<vmem>> -> memref<128xi32, #tpu.memory_space<vmem>>
        %dma_wait3A_180 = arith.constant 0 : i32
        %dma_wait3A_181 = arith.constant 0 : i32
        %dma_wait3A_182 = tpu.memref_slice %arg11[%dma_wait3A_180, %dma_wait3A_181] : memref<10240x128xf32, #tpu.memory_space<vmem_shared>> -> memref<10240x128xf32, #tpu.memory_space<vmem_shared>>
        tpu.wait_indirect_dma semaphore(%run_scoped3A_170 : memref<!tpu.dma_semaphore, #tpu.memory_space<semaphore_mem>>) src(%arg10 : memref<128x128xf32, #tpu.memory_space<vmem>>) dst(%dma_wait3A_182 : memref<10240x128xf32, #tpu.memory_space<vmem_shared>>)
        tpu.yield
      }) : () -> ()
      %add3A_104 = arith.constant 4 : i32
      %add3A_105 = arith.addi %add3A_93, %add3A_104 : i32
      %lt3A_106 = arith.constant 80 : i32
      %lt3A_107 = arith.cmpi slt, %add3A_105, %lt3A_106 : i32
      %convert_element_type3A_108 = arith.extui %lt3A_107 : i1 to i32
      %cond3A_109 = arith.constant 0 : i32
      %cond3A_110 = arith.cmpi ne, %convert_element_type3A_108, %cond3A_109 : i32
      scf.if %cond3A_110 {
        %add3A_170 = arith.constant 4 : i32
        %add3A_171 = arith.addi %add3A_93, %add3A_170 : i32
        %dma_start3A_172 = arith.constant 1 : i32
        %dma_start3A_173 = arith.constant 0 : i32
        %dma_start3A_174 = arith.constant 0 : i32
        %dma_start3A_175 = tpu.memref_slice %arg8[%dma_start3A_172, %dma_start3A_173, %dma_start3A_174] : memref<4x2x128xi32, #tpu.memory_space<vmem>> -> memref<1x2x128xi32, #tpu.memory_space<vmem>>
        %dma_start3A_176 = tpu.memref_squeeze %dma_start3A_175 : memref<1x2x128xi32, #tpu.memory_space<vmem>> -> memref<2x128xi32, #tpu.memory_space<vmem>>
        %dma_start3A_177 = arith.constant 0 : i32
        %dma_start3A_178 = arith.constant 0 : i32
        %dma_start3A_179 = tpu.memref_slice %arg3[%add3A, %add3A_171, %dma_start3A_177, %dma_start3A_178] : memref<32x80x2x128xi32, #tpu.memory_space<hbm>> -> memref<1x1x2x128xi32, #tpu.memory_space<hbm>>
        %dma_start3A_180 = tpu.memref_squeeze %dma_start3A_179 : memref<1x1x2x128xi32, #tpu.memory_space<hbm>> -> memref<2x128xi32, #tpu.memory_space<hbm>>
        %dma_start3A_181 = arith.constant 0 : i32
        %dma_start3A_182 = arith.constant 0 : i32
        %dma_start3A_183 = tpu.memref_slice %arg8[%dma_start3A_172, %dma_start3A_181, %dma_start3A_182] : memref<4x2x128xi32, #tpu.memory_space<vmem>> -> memref<1x2x128xi32, #tpu.memory_space<vmem>>
        %dma_start3A_184 = tpu.memref_squeeze %dma_start3A_183 : memref<1x2x128xi32, #tpu.memory_space<vmem>> -> memref<2x128xi32, #tpu.memory_space<vmem>>
        %dma_start3A_185 = arith.constant 0 : i32
        %dma_start3A_186 = arith.constant 0 : i32
        %dma_start3A_187 = tpu.memref_slice %arg3[%add3A, %add3A_171, %dma_start3A_185, %dma_start3A_186] : memref<32x80x2x128xi32, #tpu.memory_space<hbm>> -> memref<1x1x2x128xi32, #tpu.memory_space<hbm>>
        %dma_start3A_188 = tpu.memref_squeeze %dma_start3A_187 : memref<1x1x2x128xi32, #tpu.memory_space<hbm>> -> memref<2x128xi32, #tpu.memory_space<hbm>>
        tpu.enqueue_dma source(%dma_start3A_188 : memref<2x128xi32, #tpu.memory_space<hbm>>) target(%dma_start3A_184 : memref<2x128xi32, #tpu.memory_space<vmem>>) target_semaphore(%arg15 : memref<!tpu.dma_semaphore, #tpu.memory_space<semaphore_mem>>)
      } else {
      }
      %add3A_111 = arith.constant 2 : i32
      %add3A_112 = arith.addi %add3A_93, %add3A_111 : i32
      %lt3A_113 = arith.constant 80 : i32
      %lt3A_114 = arith.cmpi slt, %add3A_112, %lt3A_113 : i32
      %convert_element_type3A_115 = arith.extui %lt3A_114 : i1 to i32
      %cond3A_116 = arith.constant 0 : i32
      %cond3A_117 = arith.cmpi ne, %convert_element_type3A_115, %cond3A_116 : i32
      scf.if %cond3A_117 {
        %add3A_170 = arith.constant 2 : i32
        %add3A_171 = arith.addi %add3A_93, %add3A_170 : i32
        %dma_wait3A_172 = arith.constant 3 : i32
        %dma_wait3A_173 = arith.constant 0 : i32
        %dma_wait3A_174 = arith.constant 0 : i32
        %dma_wait3A_175 = tpu.memref_slice %arg8[%dma_wait3A_172, %dma_wait3A_173, %dma_wait3A_174] : memref<4x2x128xi32, #tpu.memory_space<vmem>> -> memref<1x2x128xi32, #tpu.memory_space<vmem>>
        %dma_wait3A_176 = tpu.memref_squeeze %dma_wait3A_175 : memref<1x2x128xi32, #tpu.memory_space<vmem>> -> memref<2x128xi32, #tpu.memory_space<vmem>>
        %dma_wait3A_177 = arith.constant 0 : i32
        %dma_wait3A_178 = arith.constant 0 : i32
        %dma_wait3A_179 = tpu.memref_slice %arg3[%add3A, %add3A_171, %dma_wait3A_177, %dma_wait3A_178] : memref<32x80x2x128xi32, #tpu.memory_space<hbm>> -> memref<1x1x2x128xi32, #tpu.memory_space<hbm>>
        %dma_wait3A_180 = tpu.memref_squeeze %dma_wait3A_179 : memref<1x1x2x128xi32, #tpu.memory_space<hbm>> -> memref<2x128xi32, #tpu.memory_space<hbm>>
        %dma_wait3A_181 = arith.constant 0 : i32
        %dma_wait3A_182 = arith.constant 0 : i32
        %dma_wait3A_183 = tpu.memref_slice %arg8[%dma_wait3A_172, %dma_wait3A_181, %dma_wait3A_182] : memref<4x2x128xi32, #tpu.memory_space<vmem>> -> memref<1x2x128xi32, #tpu.memory_space<vmem>>
        %dma_wait3A_184 = tpu.memref_squeeze %dma_wait3A_183 : memref<1x2x128xi32, #tpu.memory_space<vmem>> -> memref<2x128xi32, #tpu.memory_space<vmem>>
        %dma_wait3A_185 = arith.constant 0 : i32
        %dma_wait3A_186 = arith.constant 0 : i32
        %dma_wait3A_187 = tpu.memref_slice %arg3[%add3A, %add3A_171, %dma_wait3A_185, %dma_wait3A_186] : memref<32x80x2x128xi32, #tpu.memory_space<hbm>> -> memref<1x1x2x128xi32, #tpu.memory_space<hbm>>
        %dma_wait3A_188 = tpu.memref_squeeze %dma_wait3A_187 : memref<1x1x2x128xi32, #tpu.memory_space<hbm>> -> memref<2x128xi32, #tpu.memory_space<hbm>>
        tpu.wait_dma2 semaphore(%arg17 : memref<!tpu.dma_semaphore, #tpu.memory_space<semaphore_mem>>) src(%dma_wait3A_188 : memref<2x128xi32, #tpu.memory_space<hbm>>) dst(%dma_wait3A_184 : memref<2x128xi32, #tpu.memory_space<vmem>>)
        %dma_start3A_189 = arith.constant 3 : i32
        %dma_start3A_190 = arith.constant 0 : i32
        %dma_start3A_191 = arith.constant 0 : i32
        %dma_start3A_192 = tpu.memref_slice %arg8[%dma_start3A_189, %dma_start3A_190, %dma_start3A_191] : memref<4x2x128xi32, #tpu.memory_space<vmem>> -> memref<1x1x128xi32, #tpu.memory_space<vmem>>
        %dma_start3A_193 = tpu.memref_squeeze %dma_start3A_192 : memref<1x1x128xi32, #tpu.memory_space<vmem>> -> memref<128xi32, #tpu.memory_space<vmem>>
        %dma_start3A_194 = arith.constant 0 : i32
        %dma_start3A_195 = arith.constant 0 : i32
        %dma_start3A_196 = tpu.memref_slice %arg2[%dma_start3A_194, %dma_start3A_195] : memref<10000x128xf32, #tpu.memory_space<hbm>> -> memref<10000x128xf32, #tpu.memory_space<hbm>>
        tpu.enqueue_indirect_dma source(%dma_start3A_196 : memref<10000x128xf32, #tpu.memory_space<hbm>>) target(%arg10 : memref<128x128xf32, #tpu.memory_space<vmem>>) offsets(%dma_start3A_193 : memref<128xi32, #tpu.memory_space<vmem>>) semaphore(%arg13 : memref<!tpu.dma_semaphore, #tpu.memory_space<semaphore_mem>>)
      } else {
      }
      %add3A_118 = arith.constant 2 : i32
      %add3A_119 = arith.addi %mul3A_69, %add3A_118 : i32
      %dma_wait3A_120 = arith.constant 2 : i32
      %dma_wait3A_121 = arith.constant 0 : i32
      %dma_wait3A_122 = arith.constant 0 : i32
      %dma_wait3A_123 = tpu.memref_slice %arg8[%dma_wait3A_120, %dma_wait3A_121, %dma_wait3A_122] : memref<4x2x128xi32, #tpu.memory_space<vmem>> -> memref<1x1x128xi32, #tpu.memory_space<vmem>>
      %dma_wait3A_124 = tpu.memref_squeeze %dma_wait3A_123 : memref<1x1x128xi32, #tpu.memory_space<vmem>> -> memref<128xi32, #tpu.memory_space<vmem>>
      %dma_wait3A_125 = arith.constant 0 : i32
      %dma_wait3A_126 = arith.constant 0 : i32
      %dma_wait3A_127 = tpu.memref_slice %arg2[%dma_wait3A_125, %dma_wait3A_126] : memref<10000x128xf32, #tpu.memory_space<hbm>> -> memref<10000x128xf32, #tpu.memory_space<hbm>>
      tpu.wait_indirect_dma semaphore(%arg12 : memref<!tpu.dma_semaphore, #tpu.memory_space<semaphore_mem>>) src(%dma_wait3A_127 : memref<10000x128xf32, #tpu.memory_space<hbm>>) dst(%arg9 : memref<128x128xf32, #tpu.memory_space<vmem>>)
      %run_scoped3A_128 = arith.constant 2 : i32
      %run_scoped3A_129 = arith.constant 1 : i32
      "tpu.region"() ({
        %run_scoped3A_170 = tpu.sem_alloc : memref<!tpu.dma_semaphore, #tpu.memory_space<semaphore_mem>>
        %dma_start3A_171 = arith.constant 0 : i32
        %dma_start3A_172 = tpu.memref_slice %arg8[%run_scoped3A_128, %run_scoped3A_129, %dma_start3A_171] : memref<4x2x128xi32, #tpu.memory_space<vmem>> -> memref<1x1x128xi32, #tpu.memory_space<vmem>>
        %dma_start3A_173 = tpu.memref_squeeze %dma_start3A_172 : memref<1x1x128xi32, #tpu.memory_space<vmem>> -> memref<128xi32, #tpu.memory_space<vmem>>
        %dma_start3A_174 = arith.constant 0 : i32
        %dma_start3A_175 = arith.constant 0 : i32
        %dma_start3A_176 = tpu.memref_slice %arg11[%dma_start3A_174, %dma_start3A_175] : memref<10240x128xf32, #tpu.memory_space<vmem_shared>> -> memref<10240x128xf32, #tpu.memory_space<vmem_shared>>
        tpu.enqueue_indirect_dma source(%arg9 : memref<128x128xf32, #tpu.memory_space<vmem>>) target(%dma_start3A_176 : memref<10240x128xf32, #tpu.memory_space<vmem_shared>>) offsets(%dma_start3A_173 : memref<128xi32, #tpu.memory_space<vmem>>) semaphore(%run_scoped3A_170 : memref<!tpu.dma_semaphore, #tpu.memory_space<semaphore_mem>>) {add = true}
        %dma_wait3A_177 = arith.constant 0 : i32
        %dma_wait3A_178 = tpu.memref_slice %arg8[%run_scoped3A_128, %run_scoped3A_129, %dma_wait3A_177] : memref<4x2x128xi32, #tpu.memory_space<vmem>> -> memref<1x1x128xi32, #tpu.memory_space<vmem>>
        %dma_wait3A_179 = tpu.memref_squeeze %dma_wait3A_178 : memref<1x1x128xi32, #tpu.memory_space<vmem>> -> memref<128xi32, #tpu.memory_space<vmem>>
        %dma_wait3A_180 = arith.constant 0 : i32
        %dma_wait3A_181 = arith.constant 0 : i32
        %dma_wait3A_182 = tpu.memref_slice %arg11[%dma_wait3A_180, %dma_wait3A_181] : memref<10240x128xf32, #tpu.memory_space<vmem_shared>> -> memref<10240x128xf32, #tpu.memory_space<vmem_shared>>
        tpu.wait_indirect_dma semaphore(%run_scoped3A_170 : memref<!tpu.dma_semaphore, #tpu.memory_space<semaphore_mem>>) src(%arg9 : memref<128x128xf32, #tpu.memory_space<vmem>>) dst(%dma_wait3A_182 : memref<10240x128xf32, #tpu.memory_space<vmem_shared>>)
        tpu.yield
      }) : () -> ()
      %add3A_130 = arith.constant 4 : i32
      %add3A_131 = arith.addi %add3A_119, %add3A_130 : i32
      %lt3A_132 = arith.constant 80 : i32
      %lt3A_133 = arith.cmpi slt, %add3A_131, %lt3A_132 : i32
      %convert_element_type3A_134 = arith.extui %lt3A_133 : i1 to i32
      %cond3A_135 = arith.constant 0 : i32
      %cond3A_136 = arith.cmpi ne, %convert_element_type3A_134, %cond3A_135 : i32
      scf.if %cond3A_136 {
        %add3A_170 = arith.constant 4 : i32
        %add3A_171 = arith.addi %add3A_119, %add3A_170 : i32
        %dma_start3A_172 = arith.constant 2 : i32
        %dma_start3A_173 = arith.constant 0 : i32
        %dma_start3A_174 = arith.constant 0 : i32
        %dma_start3A_175 = tpu.memref_slice %arg8[%dma_start3A_172, %dma_start3A_173, %dma_start3A_174] : memref<4x2x128xi32, #tpu.memory_space<vmem>> -> memref<1x2x128xi32, #tpu.memory_space<vmem>>
        %dma_start3A_176 = tpu.memref_squeeze %dma_start3A_175 : memref<1x2x128xi32, #tpu.memory_space<vmem>> -> memref<2x128xi32, #tpu.memory_space<vmem>>
        %dma_start3A_177 = arith.constant 0 : i32
        %dma_start3A_178 = arith.constant 0 : i32
        %dma_start3A_179 = tpu.memref_slice %arg3[%add3A, %add3A_171, %dma_start3A_177, %dma_start3A_178] : memref<32x80x2x128xi32, #tpu.memory_space<hbm>> -> memref<1x1x2x128xi32, #tpu.memory_space<hbm>>
        %dma_start3A_180 = tpu.memref_squeeze %dma_start3A_179 : memref<1x1x2x128xi32, #tpu.memory_space<hbm>> -> memref<2x128xi32, #tpu.memory_space<hbm>>
        %dma_start3A_181 = arith.constant 0 : i32
        %dma_start3A_182 = arith.constant 0 : i32
        %dma_start3A_183 = tpu.memref_slice %arg8[%dma_start3A_172, %dma_start3A_181, %dma_start3A_182] : memref<4x2x128xi32, #tpu.memory_space<vmem>> -> memref<1x2x128xi32, #tpu.memory_space<vmem>>
        %dma_start3A_184 = tpu.memref_squeeze %dma_start3A_183 : memref<1x2x128xi32, #tpu.memory_space<vmem>> -> memref<2x128xi32, #tpu.memory_space<vmem>>
        %dma_start3A_185 = arith.constant 0 : i32
        %dma_start3A_186 = arith.constant 0 : i32
        %dma_start3A_187 = tpu.memref_slice %arg3[%add3A, %add3A_171, %dma_start3A_185, %dma_start3A_186] : memref<32x80x2x128xi32, #tpu.memory_space<hbm>> -> memref<1x1x2x128xi32, #tpu.memory_space<hbm>>
        %dma_start3A_188 = tpu.memref_squeeze %dma_start3A_187 : memref<1x1x2x128xi32, #tpu.memory_space<hbm>> -> memref<2x128xi32, #tpu.memory_space<hbm>>
        tpu.enqueue_dma source(%dma_start3A_188 : memref<2x128xi32, #tpu.memory_space<hbm>>) target(%dma_start3A_184 : memref<2x128xi32, #tpu.memory_space<vmem>>) target_semaphore(%arg16 : memref<!tpu.dma_semaphore, #tpu.memory_space<semaphore_mem>>)
      } else {
      }
      %add3A_137 = arith.constant 2 : i32
      %add3A_138 = arith.addi %add3A_119, %add3A_137 : i32
      %lt3A_139 = arith.constant 80 : i32
      %lt3A_140 = arith.cmpi slt, %add3A_138, %lt3A_139 : i32
      %convert_element_type3A_141 = arith.extui %lt3A_140 : i1 to i32
      %cond3A_142 = arith.constant 0 : i32
      %cond3A_143 = arith.cmpi ne, %convert_element_type3A_141, %cond3A_142 : i32
      scf.if %cond3A_143 {
        %add3A_170 = arith.constant 2 : i32
        %add3A_171 = arith.addi %add3A_119, %add3A_170 : i32
        %dma_wait3A_172 = arith.constant 0 : i32
        %dma_wait3A_173 = arith.constant 0 : i32
        %dma_wait3A_174 = arith.constant 0 : i32
        %dma_wait3A_175 = tpu.memref_slice %arg8[%dma_wait3A_172, %dma_wait3A_173, %dma_wait3A_174] : memref<4x2x128xi32, #tpu.memory_space<vmem>> -> memref<1x2x128xi32, #tpu.memory_space<vmem>>
        %dma_wait3A_176 = tpu.memref_squeeze %dma_wait3A_175 : memref<1x2x128xi32, #tpu.memory_space<vmem>> -> memref<2x128xi32, #tpu.memory_space<vmem>>
        %dma_wait3A_177 = arith.constant 0 : i32
        %dma_wait3A_178 = arith.constant 0 : i32
        %dma_wait3A_179 = tpu.memref_slice %arg3[%add3A, %add3A_171, %dma_wait3A_177, %dma_wait3A_178] : memref<32x80x2x128xi32, #tpu.memory_space<hbm>> -> memref<1x1x2x128xi32, #tpu.memory_space<hbm>>
        %dma_wait3A_180 = tpu.memref_squeeze %dma_wait3A_179 : memref<1x1x2x128xi32, #tpu.memory_space<hbm>> -> memref<2x128xi32, #tpu.memory_space<hbm>>
        %dma_wait3A_181 = arith.constant 0 : i32
        %dma_wait3A_182 = arith.constant 0 : i32
        %dma_wait3A_183 = tpu.memref_slice %arg8[%dma_wait3A_172, %dma_wait3A_181, %dma_wait3A_182] : memref<4x2x128xi32, #tpu.memory_space<vmem>> -> memref<1x2x128xi32, #tpu.memory_space<vmem>>
        %dma_wait3A_184 = tpu.memref_squeeze %dma_wait3A_183 : memref<1x2x128xi32, #tpu.memory_space<vmem>> -> memref<2x128xi32, #tpu.memory_space<vmem>>
        %dma_wait3A_185 = arith.constant 0 : i32
        %dma_wait3A_186 = arith.constant 0 : i32
        %dma_wait3A_187 = tpu.memref_slice %arg3[%add3A, %add3A_171, %dma_wait3A_185, %dma_wait3A_186] : memref<32x80x2x128xi32, #tpu.memory_space<hbm>> -> memref<1x1x2x128xi32, #tpu.memory_space<hbm>>
        %dma_wait3A_188 = tpu.memref_squeeze %dma_wait3A_187 : memref<1x1x2x128xi32, #tpu.memory_space<hbm>> -> memref<2x128xi32, #tpu.memory_space<hbm>>
        tpu.wait_dma2 semaphore(%arg14 : memref<!tpu.dma_semaphore, #tpu.memory_space<semaphore_mem>>) src(%dma_wait3A_188 : memref<2x128xi32, #tpu.memory_space<hbm>>) dst(%dma_wait3A_184 : memref<2x128xi32, #tpu.memory_space<vmem>>)
        %dma_start3A_189 = arith.constant 0 : i32
        %dma_start3A_190 = arith.constant 0 : i32
        %dma_start3A_191 = arith.constant 0 : i32
        %dma_start3A_192 = tpu.memref_slice %arg8[%dma_start3A_189, %dma_start3A_190, %dma_start3A_191] : memref<4x2x128xi32, #tpu.memory_space<vmem>> -> memref<1x1x128xi32, #tpu.memory_space<vmem>>
        %dma_start3A_193 = tpu.memref_squeeze %dma_start3A_192 : memref<1x1x128xi32, #tpu.memory_space<vmem>> -> memref<128xi32, #tpu.memory_space<vmem>>
        %dma_start3A_194 = arith.constant 0 : i32
        %dma_start3A_195 = arith.constant 0 : i32
        %dma_start3A_196 = tpu.memref_slice %arg2[%dma_start3A_194, %dma_start3A_195] : memref<10000x128xf32, #tpu.memory_space<hbm>> -> memref<10000x128xf32, #tpu.memory_space<hbm>>
        tpu.enqueue_indirect_dma source(%dma_start3A_196 : memref<10000x128xf32, #tpu.memory_space<hbm>>) target(%arg9 : memref<128x128xf32, #tpu.memory_space<vmem>>) offsets(%dma_start3A_193 : memref<128xi32, #tpu.memory_space<vmem>>) semaphore(%arg12 : memref<!tpu.dma_semaphore, #tpu.memory_space<semaphore_mem>>)
      } else {
      }
      %add3A_144 = arith.constant 3 : i32
      %add3A_145 = arith.addi %mul3A_69, %add3A_144 : i32
      %dma_wait3A_146 = arith.constant 3 : i32
      %dma_wait3A_147 = arith.constant 0 : i32
      %dma_wait3A_148 = arith.constant 0 : i32
      %dma_wait3A_149 = tpu.memref_slice %arg8[%dma_wait3A_146, %dma_wait3A_147, %dma_wait3A_148] : memref<4x2x128xi32, #tpu.memory_space<vmem>> -> memref<1x1x128xi32, #tpu.memory_space<vmem>>
      %dma_wait3A_150 = tpu.memref_squeeze %dma_wait3A_149 : memref<1x1x128xi32, #tpu.memory_space<vmem>> -> memref<128xi32, #tpu.memory_space<vmem>>
      %dma_wait3A_151 = arith.constant 0 : i32
      %dma_wait3A_152 = arith.constant 0 : i32
      %dma_wait3A_153 = tpu.memref_slice %arg2[%dma_wait3A_151, %dma_wait3A_152] : memref<10000x128xf32, #tpu.memory_space<hbm>> -> memref<10000x128xf32, #tpu.memory_space<hbm>>
      tpu.wait_indirect_dma semaphore(%arg13 : memref<!tpu.dma_semaphore, #tpu.memory_space<semaphore_mem>>) src(%dma_wait3A_153 : memref<10000x128xf32, #tpu.memory_space<hbm>>) dst(%arg10 : memref<128x128xf32, #tpu.memory_space<vmem>>)
      %run_scoped3A_154 = arith.constant 3 : i32
      %run_scoped3A_155 = arith.constant 1 : i32
      "tpu.region"() ({
        %run_scoped3A_170 = tpu.sem_alloc : memref<!tpu.dma_semaphore, #tpu.memory_space<semaphore_mem>>
        %dma_start3A_171 = arith.constant 0 : i32
        %dma_start3A_172 = tpu.memref_slice %arg8[%run_scoped3A_154, %run_scoped3A_155, %dma_start3A_171] : memref<4x2x128xi32, #tpu.memory_space<vmem>> -> memref<1x1x128xi32, #tpu.memory_space<vmem>>
        %dma_start3A_173 = tpu.memref_squeeze %dma_start3A_172 : memref<1x1x128xi32, #tpu.memory_space<vmem>> -> memref<128xi32, #tpu.memory_space<vmem>>
        %dma_start3A_174 = arith.constant 0 : i32
        %dma_start3A_175 = arith.constant 0 : i32
        %dma_start3A_176 = tpu.memref_slice %arg11[%dma_start3A_174, %dma_start3A_175] : memref<10240x128xf32, #tpu.memory_space<vmem_shared>> -> memref<10240x128xf32, #tpu.memory_space<vmem_shared>>
        tpu.enqueue_indirect_dma source(%arg10 : memref<128x128xf32, #tpu.memory_space<vmem>>) target(%dma_start3A_176 : memref<10240x128xf32, #tpu.memory_space<vmem_shared>>) offsets(%dma_start3A_173 : memref<128xi32, #tpu.memory_space<vmem>>) semaphore(%run_scoped3A_170 : memref<!tpu.dma_semaphore, #tpu.memory_space<semaphore_mem>>) {add = true}
        %dma_wait3A_177 = arith.constant 0 : i32
        %dma_wait3A_178 = tpu.memref_slice %arg8[%run_scoped3A_154, %run_scoped3A_155, %dma_wait3A_177] : memref<4x2x128xi32, #tpu.memory_space<vmem>> -> memref<1x1x128xi32, #tpu.memory_space<vmem>>
        %dma_wait3A_179 = tpu.memref_squeeze %dma_wait3A_178 : memref<1x1x128xi32, #tpu.memory_space<vmem>> -> memref<128xi32, #tpu.memory_space<vmem>>
        %dma_wait3A_180 = arith.constant 0 : i32
        %dma_wait3A_181 = arith.constant 0 : i32
        %dma_wait3A_182 = tpu.memref_slice %arg11[%dma_wait3A_180, %dma_wait3A_181] : memref<10240x128xf32, #tpu.memory_space<vmem_shared>> -> memref<10240x128xf32, #tpu.memory_space<vmem_shared>>
        tpu.wait_indirect_dma semaphore(%run_scoped3A_170 : memref<!tpu.dma_semaphore, #tpu.memory_space<semaphore_mem>>) src(%arg10 : memref<128x128xf32, #tpu.memory_space<vmem>>) dst(%dma_wait3A_182 : memref<10240x128xf32, #tpu.memory_space<vmem_shared>>)
        tpu.yield
      }) : () -> ()
      %add3A_156 = arith.constant 4 : i32
      %add3A_157 = arith.addi %add3A_145, %add3A_156 : i32
      %lt3A_158 = arith.constant 80 : i32
      %lt3A_159 = arith.cmpi slt, %add3A_157, %lt3A_158 : i32
      %convert_element_type3A_160 = arith.extui %lt3A_159 : i1 to i32
      %cond3A_161 = arith.constant 0 : i32
      %cond3A_162 = arith.cmpi ne, %convert_element_type3A_160, %cond3A_161 : i32
      scf.if %cond3A_162 {
        %add3A_170 = arith.constant 4 : i32
        %add3A_171 = arith.addi %add3A_145, %add3A_170 : i32
        %dma_start3A_172 = arith.constant 3 : i32
        %dma_start3A_173 = arith.constant 0 : i32
        %dma_start3A_174 = arith.constant 0 : i32
        %dma_start3A_175 = tpu.memref_slice %arg8[%dma_start3A_172, %dma_start3A_173, %dma_start3A_174] : memref<4x2x128xi32, #tpu.memory_space<vmem>> -> memref<1x2x128xi32, #tpu.memory_space<vmem>>
        %dma_start3A_176 = tpu.memref_squeeze %dma_start3A_175 : memref<1x2x128xi32, #tpu.memory_space<vmem>> -> memref<2x128xi32, #tpu.memory_space<vmem>>
        %dma_start3A_177 = arith.constant 0 : i32
        %dma_start3A_178 = arith.constant 0 : i32
        %dma_start3A_179 = tpu.memref_slice %arg3[%add3A, %add3A_171, %dma_start3A_177, %dma_start3A_178] : memref<32x80x2x128xi32, #tpu.memory_space<hbm>> -> memref<1x1x2x128xi32, #tpu.memory_space<hbm>>
        %dma_start3A_180 = tpu.memref_squeeze %dma_start3A_179 : memref<1x1x2x128xi32, #tpu.memory_space<hbm>> -> memref<2x128xi32, #tpu.memory_space<hbm>>
        %dma_start3A_181 = arith.constant 0 : i32
        %dma_start3A_182 = arith.constant 0 : i32
        %dma_start3A_183 = tpu.memref_slice %arg8[%dma_start3A_172, %dma_start3A_181, %dma_start3A_182] : memref<4x2x128xi32, #tpu.memory_space<vmem>> -> memref<1x2x128xi32, #tpu.memory_space<vmem>>
        %dma_start3A_184 = tpu.memref_squeeze %dma_start3A_183 : memref<1x2x128xi32, #tpu.memory_space<vmem>> -> memref<2x128xi32, #tpu.memory_space<vmem>>
        %dma_start3A_185 = arith.constant 0 : i32
        %dma_start3A_186 = arith.constant 0 : i32
        %dma_start3A_187 = tpu.memref_slice %arg3[%add3A, %add3A_171, %dma_start3A_185, %dma_start3A_186] : memref<32x80x2x128xi32, #tpu.memory_space<hbm>> -> memref<1x1x2x128xi32, #tpu.memory_space<hbm>>
        %dma_start3A_188 = tpu.memref_squeeze %dma_start3A_187 : memref<1x1x2x128xi32, #tpu.memory_space<hbm>> -> memref<2x128xi32, #tpu.memory_space<hbm>>
        tpu.enqueue_dma source(%dma_start3A_188 : memref<2x128xi32, #tpu.memory_space<hbm>>) target(%dma_start3A_184 : memref<2x128xi32, #tpu.memory_space<vmem>>) target_semaphore(%arg17 : memref<!tpu.dma_semaphore, #tpu.memory_space<semaphore_mem>>)
      } else {
      }
      %add3A_163 = arith.constant 2 : i32
      %add3A_164 = arith.addi %add3A_145, %add3A_163 : i32
      %lt3A_165 = arith.constant 80 : i32
      %lt3A_166 = arith.cmpi slt, %add3A_164, %lt3A_165 : i32
      %convert_element_type3A_167 = arith.extui %lt3A_166 : i1 to i32
      %cond3A_168 = arith.constant 0 : i32
      %cond3A_169 = arith.cmpi ne, %convert_element_type3A_167, %cond3A_168 : i32
      scf.if %cond3A_169 {
        %add3A_170 = arith.constant 2 : i32
        %add3A_171 = arith.addi %add3A_145, %add3A_170 : i32
        %dma_wait3A_172 = arith.constant 1 : i32
        %dma_wait3A_173 = arith.constant 0 : i32
        %dma_wait3A_174 = arith.constant 0 : i32
        %dma_wait3A_175 = tpu.memref_slice %arg8[%dma_wait3A_172, %dma_wait3A_173, %dma_wait3A_174] : memref<4x2x128xi32, #tpu.memory_space<vmem>> -> memref<1x2x128xi32, #tpu.memory_space<vmem>>
        %dma_wait3A_176 = tpu.memref_squeeze %dma_wait3A_175 : memref<1x2x128xi32, #tpu.memory_space<vmem>> -> memref<2x128xi32, #tpu.memory_space<vmem>>
        %dma_wait3A_177 = arith.constant 0 : i32
        %dma_wait3A_178 = arith.constant 0 : i32
        %dma_wait3A_179 = tpu.memref_slice %arg3[%add3A, %add3A_171, %dma_wait3A_177, %dma_wait3A_178] : memref<32x80x2x128xi32, #tpu.memory_space<hbm>> -> memref<1x1x2x128xi32, #tpu.memory_space<hbm>>
        %dma_wait3A_180 = tpu.memref_squeeze %dma_wait3A_179 : memref<1x1x2x128xi32, #tpu.memory_space<hbm>> -> memref<2x128xi32, #tpu.memory_space<hbm>>
        %dma_wait3A_181 = arith.constant 0 : i32
        %dma_wait3A_182 = arith.constant 0 : i32
        %dma_wait3A_183 = tpu.memref_slice %arg8[%dma_wait3A_172, %dma_wait3A_181, %dma_wait3A_182] : memref<4x2x128xi32, #tpu.memory_space<vmem>> -> memref<1x2x128xi32, #tpu.memory_space<vmem>>
        %dma_wait3A_184 = tpu.memref_squeeze %dma_wait3A_183 : memref<1x2x128xi32, #tpu.memory_space<vmem>> -> memref<2x128xi32, #tpu.memory_space<vmem>>
        %dma_wait3A_185 = arith.constant 0 : i32
        %dma_wait3A_186 = arith.constant 0 : i32
        %dma_wait3A_187 = tpu.memref_slice %arg3[%add3A, %add3A_171, %dma_wait3A_185, %dma_wait3A_186] : memref<32x80x2x128xi32, #tpu.memory_space<hbm>> -> memref<1x1x2x128xi32, #tpu.memory_space<hbm>>
        %dma_wait3A_188 = tpu.memref_squeeze %dma_wait3A_187 : memref<1x1x2x128xi32, #tpu.memory_space<hbm>> -> memref<2x128xi32, #tpu.memory_space<hbm>>
        tpu.wait_dma2 semaphore(%arg15 : memref<!tpu.dma_semaphore, #tpu.memory_space<semaphore_mem>>) src(%dma_wait3A_188 : memref<2x128xi32, #tpu.memory_space<hbm>>) dst(%dma_wait3A_184 : memref<2x128xi32, #tpu.memory_space<vmem>>)
        %dma_start3A_189 = arith.constant 1 : i32
        %dma_start3A_190 = arith.constant 0 : i32
        %dma_start3A_191 = arith.constant 0 : i32
        %dma_start3A_192 = tpu.memref_slice %arg8[%dma_start3A_189, %dma_start3A_190, %dma_start3A_191] : memref<4x2x128xi32, #tpu.memory_space<vmem>> -> memref<1x1x128xi32, #tpu.memory_space<vmem>>
        %dma_start3A_193 = tpu.memref_squeeze %dma_start3A_192 : memref<1x1x128xi32, #tpu.memory_space<vmem>> -> memref<128xi32, #tpu.memory_space<vmem>>
        %dma_start3A_194 = arith.constant 0 : i32
        %dma_start3A_195 = arith.constant 0 : i32
        %dma_start3A_196 = tpu.memref_slice %arg2[%dma_start3A_194, %dma_start3A_195] : memref<10000x128xf32, #tpu.memory_space<hbm>> -> memref<10000x128xf32, #tpu.memory_space<hbm>>
        tpu.enqueue_indirect_dma source(%dma_start3A_196 : memref<10000x128xf32, #tpu.memory_space<hbm>>) target(%arg10 : memref<128x128xf32, #tpu.memory_space<vmem>>) offsets(%dma_start3A_193 : memref<128xi32, #tpu.memory_space<vmem>>) semaphore(%arg13 : memref<!tpu.dma_semaphore, #tpu.memory_space<semaphore_mem>>)
      } else {
      }
    }
    %scan3A_61 = arith.constant 20 : i32
    %barrier3A_62 = arith.constant 0 : index
    tpu.barrier barrier_id(%barrier3A_62)
    %mul3A_63 = arith.constant 640 : i32
    %mul3A_64 = arith.muli %arg1, %mul3A_63 : i32
    %mul3A_65 = arith.constant 640 : i32
    %mul3A_66 = arith.muli %arg1, %mul3A_65 : i32
    "tpu.region"() ({
      %run_scoped3A_67 = tpu.sem_alloc : memref<!tpu.dma_semaphore, #tpu.memory_space<semaphore_mem>>
      %dma_start3A_68 = arith.constant 0 : i32
      %dma_start3A_69 = tpu.memref_slice %arg7[%arg0, %mul3A_66, %dma_start3A_68] : memref<2x10240x128xf32, #tpu.memory_space<hbm>> -> memref<1x640x128xf32, #tpu.memory_space<hbm>>
      %dma_start3A_70 = tpu.memref_squeeze %dma_start3A_69 : memref<1x640x128xf32, #tpu.memory_space<hbm>> -> memref<640x128xf32, #tpu.memory_space<hbm>>
      %dma_start3A_71 = arith.constant 0 : i32
      %dma_start3A_72 = tpu.memref_slice %arg11[%mul3A_64, %dma_start3A_71] : memref<10240x128xf32, #tpu.memory_space<vmem_shared>> -> memref<640x128xf32, #tpu.memory_space<vmem_shared>>
      tpu.enqueue_dma source(%dma_start3A_72 : memref<640x128xf32, #tpu.memory_space<vmem_shared>>) target(%dma_start3A_70 : memref<640x128xf32, #tpu.memory_space<hbm>>) target_semaphore(%run_scoped3A_67 : memref<!tpu.dma_semaphore, #tpu.memory_space<semaphore_mem>>)
      %dma_wait3A = arith.constant 0 : i32
      %dma_wait3A_73 = tpu.memref_slice %arg7[%arg0, %mul3A_66, %dma_wait3A] : memref<2x10240x128xf32, #tpu.memory_space<hbm>> -> memref<1x640x128xf32, #tpu.memory_space<hbm>>
      %dma_wait3A_74 = tpu.memref_squeeze %dma_wait3A_73 : memref<1x640x128xf32, #tpu.memory_space<hbm>> -> memref<640x128xf32, #tpu.memory_space<hbm>>
      %dma_wait3A_75 = arith.constant 0 : i32
      %dma_wait3A_76 = tpu.memref_slice %arg11[%mul3A_64, %dma_wait3A_75] : memref<10240x128xf32, #tpu.memory_space<vmem_shared>> -> memref<640x128xf32, #tpu.memory_space<vmem_shared>>
      tpu.wait_dma2 semaphore(%run_scoped3A_67 : memref<!tpu.dma_semaphore, #tpu.memory_space<semaphore_mem>>) src(%dma_wait3A_76 : memref<640x128xf32, #tpu.memory_space<vmem_shared>>) dst(%dma_wait3A_74 : memref<640x128xf32, #tpu.memory_space<hbm>>)
      tpu.yield
    }) : () -> ()
    return
  }
}

#map = affine_map<(d0, d1) -> (0, 0)>
#map1 = affine_map<(d0, d1) -> (0, 0, 0, 0)>
#map2 = affine_map<(d0, d1) -> (0, 0, 0)>
module attributes {stable_mosaic.version = 14 : i64} {
  func.func @_sc_pass(%arg0: i32, %arg1: i32, %arg2: memref<10000x128xf32, #tpu.memory_space<hbm>>, %arg3: memref<32x80x2x128xi32, #tpu.memory_space<hbm>>, %arg4: memref<640x128xf32, #tpu.memory_space<hbm>>, %arg5: memref<640x16xf32, #tpu.memory_space<hbm>>, %arg6: memref<128x16xf32, #tpu.memory_space<hbm>>, %arg7: memref<2x10240x128xf32, #tpu.memory_space<hbm>>, %arg8: memref<2x10240x16xf32, #tpu.memory_space<hbm>>, %arg9: memref<4x2x128xi32, #tpu.memory_space<vmem>>, %arg10: memref<128x128xf32, #tpu.memory_space<vmem>>, %arg11: memref<128x128xf32, #tpu.memory_space<vmem>>, %arg12: memref<128x16xf32, #tpu.memory_space<vmem>>, %arg13: memref<10240x16xf32, #tpu.memory_space<vmem_shared>>, %arg14: memref<!tpu.dma_semaphore, #tpu.memory_space<semaphore_mem>>, %arg15: memref<10240x128xf32, #tpu.memory_space<vmem_shared>>, %arg16: memref<!tpu.dma_semaphore, #tpu.memory_space<semaphore_mem>>, %arg17: memref<!tpu.dma_semaphore, #tpu.memory_space<semaphore_mem>>, %arg18: memref<!tpu.dma_semaphore, #tpu.memory_space<semaphore_mem>>, %arg19: memref<!tpu.dma_semaphore, #tpu.memory_space<semaphore_mem>>, %arg20: memref<!tpu.dma_semaphore, #tpu.memory_space<semaphore_mem>>, %arg21: memref<!tpu.dma_semaphore, #tpu.memory_space<semaphore_mem>>) attributes {dimension_semantics = [#tpu.dimension_semantics<core_parallel>, #tpu.dimension_semantics<subcore_parallel>], iteration_bounds = array<i64: 2, 16>, scalar_prefetch = 0 : i64, scratch_operands = 13 : i64, tpu.core_type = #tpu.core_type<sc_vector_subcore>, window_params = [{transform_indices = #map}, {transform_indices = #map1}, {transform_indices = #map}, {transform_indices = #map}, {transform_indices = #map}, {transform_indices = #map2}, {transform_indices = #map2}]} {
    %mul3A = arith.constant 16 : i32
    %mul3A_0 = arith.muli %arg0, %mul3A : i32
    %add3A = arith.addi %mul3A_0, %arg1 : i32
    %run_scoped3A = arith.constant 0 : i32
    %run_scoped3A_1 = arith.constant 0 : i32
    "tpu.region"() ({
      %run_scoped3A_73 = tpu.sem_alloc : memref<!tpu.dma_semaphore, #tpu.memory_space<semaphore_mem>>
      %dma_start3A_74 = arith.constant 0 : i32
      %dma_start3A_75 = arith.constant 0 : i32
      %dma_start3A_76 = tpu.memref_slice %arg9[%run_scoped3A_1, %dma_start3A_74, %dma_start3A_75] : memref<4x2x128xi32, #tpu.memory_space<vmem>> -> memref<1x2x128xi32, #tpu.memory_space<vmem>>
      %dma_start3A_77 = tpu.memref_squeeze %dma_start3A_76 : memref<1x2x128xi32, #tpu.memory_space<vmem>> -> memref<2x128xi32, #tpu.memory_space<vmem>>
      %dma_start3A_78 = arith.constant 0 : i32
      %dma_start3A_79 = arith.constant 0 : i32
      %dma_start3A_80 = tpu.memref_slice %arg3[%add3A, %run_scoped3A, %dma_start3A_78, %dma_start3A_79] : memref<32x80x2x128xi32, #tpu.memory_space<hbm>> -> memref<1x1x2x128xi32, #tpu.memory_space<hbm>>
      %dma_start3A_81 = tpu.memref_squeeze %dma_start3A_80 : memref<1x1x2x128xi32, #tpu.memory_space<hbm>> -> memref<2x128xi32, #tpu.memory_space<hbm>>
      %dma_start3A_82 = arith.constant 0 : i32
      %dma_start3A_83 = arith.constant 0 : i32
      %dma_start3A_84 = tpu.memref_slice %arg9[%run_scoped3A_1, %dma_start3A_82, %dma_start3A_83] : memref<4x2x128xi32, #tpu.memory_space<vmem>> -> memref<1x2x128xi32, #tpu.memory_space<vmem>>
      %dma_start3A_85 = tpu.memref_squeeze %dma_start3A_84 : memref<1x2x128xi32, #tpu.memory_space<vmem>> -> memref<2x128xi32, #tpu.memory_space<vmem>>
      %dma_start3A_86 = arith.constant 0 : i32
      %dma_start3A_87 = arith.constant 0 : i32
      %dma_start3A_88 = tpu.memref_slice %arg3[%add3A, %run_scoped3A, %dma_start3A_86, %dma_start3A_87] : memref<32x80x2x128xi32, #tpu.memory_space<hbm>> -> memref<1x1x2x128xi32, #tpu.memory_space<hbm>>
      %dma_start3A_89 = tpu.memref_squeeze %dma_start3A_88 : memref<1x1x2x128xi32, #tpu.memory_space<hbm>> -> memref<2x128xi32, #tpu.memory_space<hbm>>
      tpu.enqueue_dma source(%dma_start3A_89 : memref<2x128xi32, #tpu.memory_space<hbm>>) target(%dma_start3A_85 : memref<2x128xi32, #tpu.memory_space<vmem>>) target_semaphore(%run_scoped3A_73 : memref<!tpu.dma_semaphore, #tpu.memory_space<semaphore_mem>>)
      %dma_wait3A = arith.constant 0 : i32
      %dma_wait3A_90 = arith.constant 0 : i32
      %dma_wait3A_91 = tpu.memref_slice %arg9[%run_scoped3A_1, %dma_wait3A, %dma_wait3A_90] : memref<4x2x128xi32, #tpu.memory_space<vmem>> -> memref<1x2x128xi32, #tpu.memory_space<vmem>>
      %dma_wait3A_92 = tpu.memref_squeeze %dma_wait3A_91 : memref<1x2x128xi32, #tpu.memory_space<vmem>> -> memref<2x128xi32, #tpu.memory_space<vmem>>
      %dma_wait3A_93 = arith.constant 0 : i32
      %dma_wait3A_94 = arith.constant 0 : i32
      %dma_wait3A_95 = tpu.memref_slice %arg3[%add3A, %run_scoped3A, %dma_wait3A_93, %dma_wait3A_94] : memref<32x80x2x128xi32, #tpu.memory_space<hbm>> -> memref<1x1x2x128xi32, #tpu.memory_space<hbm>>
      %dma_wait3A_96 = tpu.memref_squeeze %dma_wait3A_95 : memref<1x1x2x128xi32, #tpu.memory_space<hbm>> -> memref<2x128xi32, #tpu.memory_space<hbm>>
      %dma_wait3A_97 = arith.constant 0 : i32
      %dma_wait3A_98 = arith.constant 0 : i32
      %dma_wait3A_99 = tpu.memref_slice %arg9[%run_scoped3A_1, %dma_wait3A_97, %dma_wait3A_98] : memref<4x2x128xi32, #tpu.memory_space<vmem>> -> memref<1x2x128xi32, #tpu.memory_space<vmem>>
      %dma_wait3A_100 = tpu.memref_squeeze %dma_wait3A_99 : memref<1x2x128xi32, #tpu.memory_space<vmem>> -> memref<2x128xi32, #tpu.memory_space<vmem>>
      %dma_wait3A_101 = arith.constant 0 : i32
      %dma_wait3A_102 = arith.constant 0 : i32
      %dma_wait3A_103 = tpu.memref_slice %arg3[%add3A, %run_scoped3A, %dma_wait3A_101, %dma_wait3A_102] : memref<32x80x2x128xi32, #tpu.memory_space<hbm>> -> memref<1x1x2x128xi32, #tpu.memory_space<hbm>>
      %dma_wait3A_104 = tpu.memref_squeeze %dma_wait3A_103 : memref<1x1x2x128xi32, #tpu.memory_space<hbm>> -> memref<2x128xi32, #tpu.memory_space<hbm>>
      tpu.wait_dma2 semaphore(%run_scoped3A_73 : memref<!tpu.dma_semaphore, #tpu.memory_space<semaphore_mem>>) src(%dma_wait3A_104 : memref<2x128xi32, #tpu.memory_space<hbm>>) dst(%dma_wait3A_100 : memref<2x128xi32, #tpu.memory_space<vmem>>)
      tpu.yield
    }) : () -> ()
    %run_scoped3A_2 = arith.constant 1 : i32
    %run_scoped3A_3 = arith.constant 1 : i32
    "tpu.region"() ({
      %run_scoped3A_73 = tpu.sem_alloc : memref<!tpu.dma_semaphore, #tpu.memory_space<semaphore_mem>>
      %dma_start3A_74 = arith.constant 0 : i32
      %dma_start3A_75 = arith.constant 0 : i32
      %dma_start3A_76 = tpu.memref_slice %arg9[%run_scoped3A_3, %dma_start3A_74, %dma_start3A_75] : memref<4x2x128xi32, #tpu.memory_space<vmem>> -> memref<1x2x128xi32, #tpu.memory_space<vmem>>
      %dma_start3A_77 = tpu.memref_squeeze %dma_start3A_76 : memref<1x2x128xi32, #tpu.memory_space<vmem>> -> memref<2x128xi32, #tpu.memory_space<vmem>>
      %dma_start3A_78 = arith.constant 0 : i32
      %dma_start3A_79 = arith.constant 0 : i32
      %dma_start3A_80 = tpu.memref_slice %arg3[%add3A, %run_scoped3A_2, %dma_start3A_78, %dma_start3A_79] : memref<32x80x2x128xi32, #tpu.memory_space<hbm>> -> memref<1x1x2x128xi32, #tpu.memory_space<hbm>>
      %dma_start3A_81 = tpu.memref_squeeze %dma_start3A_80 : memref<1x1x2x128xi32, #tpu.memory_space<hbm>> -> memref<2x128xi32, #tpu.memory_space<hbm>>
      %dma_start3A_82 = arith.constant 0 : i32
      %dma_start3A_83 = arith.constant 0 : i32
      %dma_start3A_84 = tpu.memref_slice %arg9[%run_scoped3A_3, %dma_start3A_82, %dma_start3A_83] : memref<4x2x128xi32, #tpu.memory_space<vmem>> -> memref<1x2x128xi32, #tpu.memory_space<vmem>>
      %dma_start3A_85 = tpu.memref_squeeze %dma_start3A_84 : memref<1x2x128xi32, #tpu.memory_space<vmem>> -> memref<2x128xi32, #tpu.memory_space<vmem>>
      %dma_start3A_86 = arith.constant 0 : i32
      %dma_start3A_87 = arith.constant 0 : i32
      %dma_start3A_88 = tpu.memref_slice %arg3[%add3A, %run_scoped3A_2, %dma_start3A_86, %dma_start3A_87] : memref<32x80x2x128xi32, #tpu.memory_space<hbm>> -> memref<1x1x2x128xi32, #tpu.memory_space<hbm>>
      %dma_start3A_89 = tpu.memref_squeeze %dma_start3A_88 : memref<1x1x2x128xi32, #tpu.memory_space<hbm>> -> memref<2x128xi32, #tpu.memory_space<hbm>>
      tpu.enqueue_dma source(%dma_start3A_89 : memref<2x128xi32, #tpu.memory_space<hbm>>) target(%dma_start3A_85 : memref<2x128xi32, #tpu.memory_space<vmem>>) target_semaphore(%run_scoped3A_73 : memref<!tpu.dma_semaphore, #tpu.memory_space<semaphore_mem>>)
      %dma_wait3A = arith.constant 0 : i32
      %dma_wait3A_90 = arith.constant 0 : i32
      %dma_wait3A_91 = tpu.memref_slice %arg9[%run_scoped3A_3, %dma_wait3A, %dma_wait3A_90] : memref<4x2x128xi32, #tpu.memory_space<vmem>> -> memref<1x2x128xi32, #tpu.memory_space<vmem>>
      %dma_wait3A_92 = tpu.memref_squeeze %dma_wait3A_91 : memref<1x2x128xi32, #tpu.memory_space<vmem>> -> memref<2x128xi32, #tpu.memory_space<vmem>>
      %dma_wait3A_93 = arith.constant 0 : i32
      %dma_wait3A_94 = arith.constant 0 : i32
      %dma_wait3A_95 = tpu.memref_slice %arg3[%add3A, %run_scoped3A_2, %dma_wait3A_93, %dma_wait3A_94] : memref<32x80x2x128xi32, #tpu.memory_space<hbm>> -> memref<1x1x2x128xi32, #tpu.memory_space<hbm>>
      %dma_wait3A_96 = tpu.memref_squeeze %dma_wait3A_95 : memref<1x1x2x128xi32, #tpu.memory_space<hbm>> -> memref<2x128xi32, #tpu.memory_space<hbm>>
      %dma_wait3A_97 = arith.constant 0 : i32
      %dma_wait3A_98 = arith.constant 0 : i32
      %dma_wait3A_99 = tpu.memref_slice %arg9[%run_scoped3A_3, %dma_wait3A_97, %dma_wait3A_98] : memref<4x2x128xi32, #tpu.memory_space<vmem>> -> memref<1x2x128xi32, #tpu.memory_space<vmem>>
      %dma_wait3A_100 = tpu.memref_squeeze %dma_wait3A_99 : memref<1x2x128xi32, #tpu.memory_space<vmem>> -> memref<2x128xi32, #tpu.memory_space<vmem>>
      %dma_wait3A_101 = arith.constant 0 : i32
      %dma_wait3A_102 = arith.constant 0 : i32
      %dma_wait3A_103 = tpu.memref_slice %arg3[%add3A, %run_scoped3A_2, %dma_wait3A_101, %dma_wait3A_102] : memref<32x80x2x128xi32, #tpu.memory_space<hbm>> -> memref<1x1x2x128xi32, #tpu.memory_space<hbm>>
      %dma_wait3A_104 = tpu.memref_squeeze %dma_wait3A_103 : memref<1x1x2x128xi32, #tpu.memory_space<hbm>> -> memref<2x128xi32, #tpu.memory_space<hbm>>
      tpu.wait_dma2 semaphore(%run_scoped3A_73 : memref<!tpu.dma_semaphore, #tpu.memory_space<semaphore_mem>>) src(%dma_wait3A_104 : memref<2x128xi32, #tpu.memory_space<hbm>>) dst(%dma_wait3A_100 : memref<2x128xi32, #tpu.memory_space<vmem>>)
      tpu.yield
    }) : () -> ()
    %dma_start3A = arith.constant 2 : i32
    %dma_start3A_4 = arith.constant 2 : i32
    %dma_start3A_5 = arith.constant 0 : i32
    %dma_start3A_6 = arith.constant 0 : i32
    %dma_start3A_7 = tpu.memref_slice %arg9[%dma_start3A_4, %dma_start3A_5, %dma_start3A_6] : memref<4x2x128xi32, #tpu.memory_space<vmem>> -> memref<1x2x128xi32, #tpu.memory_space<vmem>>
    %dma_start3A_8 = tpu.memref_squeeze %dma_start3A_7 : memref<1x2x128xi32, #tpu.memory_space<vmem>> -> memref<2x128xi32, #tpu.memory_space<vmem>>
    %dma_start3A_9 = arith.constant 0 : i32
    %dma_start3A_10 = arith.constant 0 : i32
    %dma_start3A_11 = tpu.memref_slice %arg3[%add3A, %dma_start3A, %dma_start3A_9, %dma_start3A_10] : memref<32x80x2x128xi32, #tpu.memory_space<hbm>> -> memref<1x1x2x128xi32, #tpu.memory_space<hbm>>
    %dma_start3A_12 = tpu.memref_squeeze %dma_start3A_11 : memref<1x1x2x128xi32, #tpu.memory_space<hbm>> -> memref<2x128xi32, #tpu.memory_space<hbm>>
    %dma_start3A_13 = arith.constant 0 : i32
    %dma_start3A_14 = arith.constant 0 : i32
    %dma_start3A_15 = tpu.memref_slice %arg9[%dma_start3A_4, %dma_start3A_13, %dma_start3A_14] : memref<4x2x128xi32, #tpu.memory_space<vmem>> -> memref<1x2x128xi32, #tpu.memory_space<vmem>>
    %dma_start3A_16 = tpu.memref_squeeze %dma_start3A_15 : memref<1x2x128xi32, #tpu.memory_space<vmem>> -> memref<2x128xi32, #tpu.memory_space<vmem>>
    %dma_start3A_17 = arith.constant 0 : i32
    %dma_start3A_18 = arith.constant 0 : i32
    %dma_start3A_19 = tpu.memref_slice %arg3[%add3A, %dma_start3A, %dma_start3A_17, %dma_start3A_18] : memref<32x80x2x128xi32, #tpu.memory_space<hbm>> -> memref<1x1x2x128xi32, #tpu.memory_space<hbm>>
    %dma_start3A_20 = tpu.memref_squeeze %dma_start3A_19 : memref<1x1x2x128xi32, #tpu.memory_space<hbm>> -> memref<2x128xi32, #tpu.memory_space<hbm>>
    tpu.enqueue_dma source(%dma_start3A_20 : memref<2x128xi32, #tpu.memory_space<hbm>>) target(%dma_start3A_16 : memref<2x128xi32, #tpu.memory_space<vmem>>) target_semaphore(%arg20 : memref<!tpu.dma_semaphore, #tpu.memory_space<semaphore_mem>>)
    %dma_start3A_21 = arith.constant 3 : i32
    %dma_start3A_22 = arith.constant 3 : i32
    %dma_start3A_23 = arith.constant 0 : i32
    %dma_start3A_24 = arith.constant 0 : i32
    %dma_start3A_25 = tpu.memref_slice %arg9[%dma_start3A_22, %dma_start3A_23, %dma_start3A_24] : memref<4x2x128xi32, #tpu.memory_space<vmem>> -> memref<1x2x128xi32, #tpu.memory_space<vmem>>
    %dma_start3A_26 = tpu.memref_squeeze %dma_start3A_25 : memref<1x2x128xi32, #tpu.memory_space<vmem>> -> memref<2x128xi32, #tpu.memory_space<vmem>>
    %dma_start3A_27 = arith.constant 0 : i32
    %dma_start3A_28 = arith.constant 0 : i32
    %dma_start3A_29 = tpu.memref_slice %arg3[%add3A, %dma_start3A_21, %dma_start3A_27, %dma_start3A_28] : memref<32x80x2x128xi32, #tpu.memory_space<hbm>> -> memref<1x1x2x128xi32, #tpu.memory_space<hbm>>
    %dma_start3A_30 = tpu.memref_squeeze %dma_start3A_29 : memref<1x1x2x128xi32, #tpu.memory_space<hbm>> -> memref<2x128xi32, #tpu.memory_space<hbm>>
    %dma_start3A_31 = arith.constant 0 : i32
    %dma_start3A_32 = arith.constant 0 : i32
    %dma_start3A_33 = tpu.memref_slice %arg9[%dma_start3A_22, %dma_start3A_31, %dma_start3A_32] : memref<4x2x128xi32, #tpu.memory_space<vmem>> -> memref<1x2x128xi32, #tpu.memory_space<vmem>>
    %dma_start3A_34 = tpu.memref_squeeze %dma_start3A_33 : memref<1x2x128xi32, #tpu.memory_space<vmem>> -> memref<2x128xi32, #tpu.memory_space<vmem>>
    %dma_start3A_35 = arith.constant 0 : i32
    %dma_start3A_36 = arith.constant 0 : i32
    %dma_start3A_37 = tpu.memref_slice %arg3[%add3A, %dma_start3A_21, %dma_start3A_35, %dma_start3A_36] : memref<32x80x2x128xi32, #tpu.memory_space<hbm>> -> memref<1x1x2x128xi32, #tpu.memory_space<hbm>>
    %dma_start3A_38 = tpu.memref_squeeze %dma_start3A_37 : memref<1x1x2x128xi32, #tpu.memory_space<hbm>> -> memref<2x128xi32, #tpu.memory_space<hbm>>
    tpu.enqueue_dma source(%dma_start3A_38 : memref<2x128xi32, #tpu.memory_space<hbm>>) target(%dma_start3A_34 : memref<2x128xi32, #tpu.memory_space<vmem>>) target_semaphore(%arg21 : memref<!tpu.dma_semaphore, #tpu.memory_space<semaphore_mem>>)
    %dma_start3A_39 = arith.constant 0 : i32
    %dma_start3A_40 = arith.constant 0 : i32
    %dma_start3A_41 = arith.constant 0 : i32
    %dma_start3A_42 = tpu.memref_slice %arg9[%dma_start3A_39, %dma_start3A_40, %dma_start3A_41] : memref<4x2x128xi32, #tpu.memory_space<vmem>> -> memref<1x1x128xi32, #tpu.memory_space<vmem>>
    %dma_start3A_43 = tpu.memref_squeeze %dma_start3A_42 : memref<1x1x128xi32, #tpu.memory_space<vmem>> -> memref<128xi32, #tpu.memory_space<vmem>>
    %dma_start3A_44 = arith.constant 0 : i32
    %dma_start3A_45 = arith.constant 0 : i32
    %dma_start3A_46 = tpu.memref_slice %arg2[%dma_start3A_44, %dma_start3A_45] : memref<10000x128xf32, #tpu.memory_space<hbm>> -> memref<10000x128xf32, #tpu.memory_space<hbm>>
    tpu.enqueue_indirect_dma source(%dma_start3A_46 : memref<10000x128xf32, #tpu.memory_space<hbm>>) target(%arg10 : memref<128x128xf32, #tpu.memory_space<vmem>>) offsets(%dma_start3A_43 : memref<128xi32, #tpu.memory_space<vmem>>) semaphore(%arg16 : memref<!tpu.dma_semaphore, #tpu.memory_space<semaphore_mem>>)
    %dma_start3A_47 = arith.constant 1 : i32
    %dma_start3A_48 = arith.constant 0 : i32
    %dma_start3A_49 = arith.constant 0 : i32
    %dma_start3A_50 = tpu.memref_slice %arg9[%dma_start3A_47, %dma_start3A_48, %dma_start3A_49] : memref<4x2x128xi32, #tpu.memory_space<vmem>> -> memref<1x1x128xi32, #tpu.memory_space<vmem>>
    %dma_start3A_51 = tpu.memref_squeeze %dma_start3A_50 : memref<1x1x128xi32, #tpu.memory_space<vmem>> -> memref<128xi32, #tpu.memory_space<vmem>>
    %dma_start3A_52 = arith.constant 0 : i32
    %dma_start3A_53 = arith.constant 0 : i32
    %dma_start3A_54 = tpu.memref_slice %arg2[%dma_start3A_52, %dma_start3A_53] : memref<10000x128xf32, #tpu.memory_space<hbm>> -> memref<10000x128xf32, #tpu.memory_space<hbm>>
    tpu.enqueue_indirect_dma source(%dma_start3A_54 : memref<10000x128xf32, #tpu.memory_space<hbm>>) target(%arg11 : memref<128x128xf32, #tpu.memory_space<vmem>>) offsets(%dma_start3A_51 : memref<128xi32, #tpu.memory_space<vmem>>) semaphore(%arg17 : memref<!tpu.dma_semaphore, #tpu.memory_space<semaphore_mem>>)
    %mul3A_55 = arith.constant 640 : i32
    %mul3A_56 = arith.muli %arg1, %mul3A_55 : i32
    "tpu.region"() ({
      %run_scoped3A_73 = tpu.sem_alloc : memref<!tpu.dma_semaphore, #tpu.memory_space<semaphore_mem>>
      %dma_start3A_74 = arith.constant 0 : i32
      %dma_start3A_75 = tpu.memref_slice %arg15[%mul3A_56, %dma_start3A_74] : memref<10240x128xf32, #tpu.memory_space<vmem_shared>> -> memref<640x128xf32, #tpu.memory_space<vmem_shared>>
      tpu.enqueue_dma source(%arg4 : memref<640x128xf32, #tpu.memory_space<hbm>>) target(%dma_start3A_75 : memref<640x128xf32, #tpu.memory_space<vmem_shared>>) target_semaphore(%run_scoped3A_73 : memref<!tpu.dma_semaphore, #tpu.memory_space<semaphore_mem>>)
      %dma_wait3A = arith.constant 0 : i32
      %dma_wait3A_76 = tpu.memref_slice %arg15[%mul3A_56, %dma_wait3A] : memref<10240x128xf32, #tpu.memory_space<vmem_shared>> -> memref<640x128xf32, #tpu.memory_space<vmem_shared>>
      tpu.wait_dma2 semaphore(%run_scoped3A_73 : memref<!tpu.dma_semaphore, #tpu.memory_space<semaphore_mem>>) src(%arg4 : memref<640x128xf32, #tpu.memory_space<hbm>>) dst(%dma_wait3A_76 : memref<640x128xf32, #tpu.memory_space<vmem_shared>>)
      tpu.yield
    }) : () -> ()
    "tpu.region"() ({
      %run_scoped3A_73 = tpu.sem_alloc : memref<!tpu.dma_semaphore, #tpu.memory_space<semaphore_mem>>
      tpu.enqueue_dma source(%arg6 : memref<128x16xf32, #tpu.memory_space<hbm>>) target(%arg12 : memref<128x16xf32, #tpu.memory_space<vmem>>) target_semaphore(%run_scoped3A_73 : memref<!tpu.dma_semaphore, #tpu.memory_space<semaphore_mem>>)
      tpu.wait_dma2 semaphore(%run_scoped3A_73 : memref<!tpu.dma_semaphore, #tpu.memory_space<semaphore_mem>>) src(%arg6 : memref<128x16xf32, #tpu.memory_space<hbm>>) dst(%arg12 : memref<128x16xf32, #tpu.memory_space<vmem>>)
      tpu.yield
    }) : () -> ()
    %mul3A_57 = arith.constant 640 : i32
    %mul3A_58 = arith.muli %arg1, %mul3A_57 : i32
    "tpu.region"() ({
      %run_scoped3A_73 = tpu.sem_alloc : memref<!tpu.dma_semaphore, #tpu.memory_space<semaphore_mem>>
      %dma_start3A_74 = arith.constant 0 : i32
      %dma_start3A_75 = tpu.memref_slice %arg13[%mul3A_58, %dma_start3A_74] : memref<10240x16xf32, #tpu.memory_space<vmem_shared>> -> memref<640x16xf32, #tpu.memory_space<vmem_shared>>
      tpu.enqueue_dma source(%arg5 : memref<640x16xf32, #tpu.memory_space<hbm>>) target(%dma_start3A_75 : memref<640x16xf32, #tpu.memory_space<vmem_shared>>) target_semaphore(%run_scoped3A_73 : memref<!tpu.dma_semaphore, #tpu.memory_space<semaphore_mem>>)
      %dma_wait3A = arith.constant 0 : i32
      %dma_wait3A_76 = tpu.memref_slice %arg13[%mul3A_58, %dma_wait3A] : memref<10240x16xf32, #tpu.memory_space<vmem_shared>> -> memref<640x16xf32, #tpu.memory_space<vmem_shared>>
      tpu.wait_dma2 semaphore(%run_scoped3A_73 : memref<!tpu.dma_semaphore, #tpu.memory_space<semaphore_mem>>) src(%arg5 : memref<640x16xf32, #tpu.memory_space<hbm>>) dst(%dma_wait3A_76 : memref<640x16xf32, #tpu.memory_space<vmem_shared>>)
      tpu.yield
    }) : () -> ()
    %barrier3A = arith.constant 0 : index
    tpu.barrier barrier_id(%barrier3A)
    %scan3A = arith.constant 0 : i32
    %scan3A_59 = arith.constant 0 : i32
    %scan3A_60 = arith.constant 20 : i32
    %scan3A_61 = arith.addi %scan3A_59, %scan3A_60 : i32
    %scan3A_62 = arith.constant 1 : i32
    scf.for %scan3A_73 = %scan3A_59 to %scan3A_61 step %scan3A_62  : i32 {
      %mul3A_74 = arith.constant 4 : i32
      %mul3A_75 = arith.muli %scan3A_73, %mul3A_74 : i32
      %add3A_76 = arith.constant 0 : i32
      %add3A_77 = arith.addi %mul3A_75, %add3A_76 : i32
      %dma_wait3A = arith.constant 0 : i32
      %dma_wait3A_78 = arith.constant 0 : i32
      %dma_wait3A_79 = arith.constant 0 : i32
      %dma_wait3A_80 = tpu.memref_slice %arg9[%dma_wait3A, %dma_wait3A_78, %dma_wait3A_79] : memref<4x2x128xi32, #tpu.memory_space<vmem>> -> memref<1x1x128xi32, #tpu.memory_space<vmem>>
      %dma_wait3A_81 = tpu.memref_squeeze %dma_wait3A_80 : memref<1x1x128xi32, #tpu.memory_space<vmem>> -> memref<128xi32, #tpu.memory_space<vmem>>
      %dma_wait3A_82 = arith.constant 0 : i32
      %dma_wait3A_83 = arith.constant 0 : i32
      %dma_wait3A_84 = tpu.memref_slice %arg2[%dma_wait3A_82, %dma_wait3A_83] : memref<10000x128xf32, #tpu.memory_space<hbm>> -> memref<10000x128xf32, #tpu.memory_space<hbm>>
      tpu.wait_indirect_dma semaphore(%arg16 : memref<!tpu.dma_semaphore, #tpu.memory_space<semaphore_mem>>) src(%dma_wait3A_84 : memref<10000x128xf32, #tpu.memory_space<hbm>>) dst(%arg10 : memref<128x128xf32, #tpu.memory_space<vmem>>)
      %dma_start3A_85 = arith.constant 0 : i32
      %dma_start3A_86 = arith.constant 1 : i32
      %dma_start3A_87 = arith.constant 0 : i32
      %dma_start3A_88 = tpu.memref_slice %arg9[%dma_start3A_85, %dma_start3A_86, %dma_start3A_87] : memref<4x2x128xi32, #tpu.memory_space<vmem>> -> memref<1x1x128xi32, #tpu.memory_space<vmem>>
      %dma_start3A_89 = tpu.memref_squeeze %dma_start3A_88 : memref<1x1x128xi32, #tpu.memory_space<vmem>> -> memref<128xi32, #tpu.memory_space<vmem>>
      %dma_start3A_90 = arith.constant 0 : i32
      %dma_start3A_91 = arith.constant 0 : i32
      %dma_start3A_92 = tpu.memref_slice %arg13[%dma_start3A_90, %dma_start3A_91] : memref<10240x16xf32, #tpu.memory_space<vmem_shared>> -> memref<10240x16xf32, #tpu.memory_space<vmem_shared>>
      tpu.enqueue_indirect_dma source(%arg12 : memref<128x16xf32, #tpu.memory_space<vmem>>) target(%dma_start3A_92 : memref<10240x16xf32, #tpu.memory_space<vmem_shared>>) offsets(%dma_start3A_89 : memref<128xi32, #tpu.memory_space<vmem>>) semaphore(%arg14 : memref<!tpu.dma_semaphore, #tpu.memory_space<semaphore_mem>>) {add = true}
      %run_scoped3A_93 = arith.constant 0 : i32
      %run_scoped3A_94 = arith.constant 1 : i32
      "tpu.region"() ({
        %run_scoped3A_240 = tpu.sem_alloc : memref<!tpu.dma_semaphore, #tpu.memory_space<semaphore_mem>>
        %dma_start3A_241 = arith.constant 0 : i32
        %dma_start3A_242 = tpu.memref_slice %arg9[%run_scoped3A_93, %run_scoped3A_94, %dma_start3A_241] : memref<4x2x128xi32, #tpu.memory_space<vmem>> -> memref<1x1x128xi32, #tpu.memory_space<vmem>>
        %dma_start3A_243 = tpu.memref_squeeze %dma_start3A_242 : memref<1x1x128xi32, #tpu.memory_space<vmem>> -> memref<128xi32, #tpu.memory_space<vmem>>
        %dma_start3A_244 = arith.constant 0 : i32
        %dma_start3A_245 = arith.constant 0 : i32
        %dma_start3A_246 = tpu.memref_slice %arg15[%dma_start3A_244, %dma_start3A_245] : memref<10240x128xf32, #tpu.memory_space<vmem_shared>> -> memref<10240x128xf32, #tpu.memory_space<vmem_shared>>
        tpu.enqueue_indirect_dma source(%arg10 : memref<128x128xf32, #tpu.memory_space<vmem>>) target(%dma_start3A_246 : memref<10240x128xf32, #tpu.memory_space<vmem_shared>>) offsets(%dma_start3A_243 : memref<128xi32, #tpu.memory_space<vmem>>) semaphore(%run_scoped3A_240 : memref<!tpu.dma_semaphore, #tpu.memory_space<semaphore_mem>>) {add = true}
        %dma_wait3A_247 = arith.constant 0 : i32
        %dma_wait3A_248 = tpu.memref_slice %arg9[%run_scoped3A_93, %run_scoped3A_94, %dma_wait3A_247] : memref<4x2x128xi32, #tpu.memory_space<vmem>> -> memref<1x1x128xi32, #tpu.memory_space<vmem>>
        %dma_wait3A_249 = tpu.memref_squeeze %dma_wait3A_248 : memref<1x1x128xi32, #tpu.memory_space<vmem>> -> memref<128xi32, #tpu.memory_space<vmem>>
        %dma_wait3A_250 = arith.constant 0 : i32
        %dma_wait3A_251 = arith.constant 0 : i32
        %dma_wait3A_252 = tpu.memref_slice %arg15[%dma_wait3A_250, %dma_wait3A_251] : memref<10240x128xf32, #tpu.memory_space<vmem_shared>> -> memref<10240x128xf32, #tpu.memory_space<vmem_shared>>
        tpu.wait_indirect_dma semaphore(%run_scoped3A_240 : memref<!tpu.dma_semaphore, #tpu.memory_space<semaphore_mem>>) src(%arg10 : memref<128x128xf32, #tpu.memory_space<vmem>>) dst(%dma_wait3A_252 : memref<10240x128xf32, #tpu.memory_space<vmem_shared>>)
        tpu.yield
      }) : () -> ()
      %dma_wait3A_95 = arith.constant 0 : i32
      %dma_wait3A_96 = arith.constant 1 : i32
      %dma_wait3A_97 = arith.constant 0 : i32
      %dma_wait3A_98 = tpu.memref_slice %arg9[%dma_wait3A_95, %dma_wait3A_96, %dma_wait3A_97] : memref<4x2x128xi32, #tpu.memory_space<vmem>> -> memref<1x1x128xi32, #tpu.memory_space<vmem>>
      %dma_wait3A_99 = tpu.memref_squeeze %dma_wait3A_98 : memref<1x1x128xi32, #tpu.memory_space<vmem>> -> memref<128xi32, #tpu.memory_space<vmem>>
      %dma_wait3A_100 = arith.constant 0 : i32
      %dma_wait3A_101 = arith.constant 0 : i32
      %dma_wait3A_102 = tpu.memref_slice %arg13[%dma_wait3A_100, %dma_wait3A_101] : memref<10240x16xf32, #tpu.memory_space<vmem_shared>> -> memref<10240x16xf32, #tpu.memory_space<vmem_shared>>
      tpu.wait_indirect_dma semaphore(%arg14 : memref<!tpu.dma_semaphore, #tpu.memory_space<semaphore_mem>>) src(%arg12 : memref<128x16xf32, #tpu.memory_space<vmem>>) dst(%dma_wait3A_102 : memref<10240x16xf32, #tpu.memory_space<vmem_shared>>)
      %add3A_103 = arith.constant 4 : i32
      %add3A_104 = arith.addi %add3A_77, %add3A_103 : i32
      %lt3A = arith.constant 80 : i32
      %lt3A_105 = arith.cmpi slt, %add3A_104, %lt3A : i32
      %convert_element_type3A = arith.extui %lt3A_105 : i1 to i32
      %cond3A = arith.constant 0 : i32
      %cond3A_106 = arith.cmpi ne, %convert_element_type3A, %cond3A : i32
      scf.if %cond3A_106 {
        %add3A_240 = arith.constant 4 : i32
        %add3A_241 = arith.addi %add3A_77, %add3A_240 : i32
        %dma_start3A_242 = arith.constant 0 : i32
        %dma_start3A_243 = arith.constant 0 : i32
        %dma_start3A_244 = arith.constant 0 : i32
        %dma_start3A_245 = tpu.memref_slice %arg9[%dma_start3A_242, %dma_start3A_243, %dma_start3A_244] : memref<4x2x128xi32, #tpu.memory_space<vmem>> -> memref<1x2x128xi32, #tpu.memory_space<vmem>>
        %dma_start3A_246 = tpu.memref_squeeze %dma_start3A_245 : memref<1x2x128xi32, #tpu.memory_space<vmem>> -> memref<2x128xi32, #tpu.memory_space<vmem>>
        %dma_start3A_247 = arith.constant 0 : i32
        %dma_start3A_248 = arith.constant 0 : i32
        %dma_start3A_249 = tpu.memref_slice %arg3[%add3A, %add3A_241, %dma_start3A_247, %dma_start3A_248] : memref<32x80x2x128xi32, #tpu.memory_space<hbm>> -> memref<1x1x2x128xi32, #tpu.memory_space<hbm>>
        %dma_start3A_250 = tpu.memref_squeeze %dma_start3A_249 : memref<1x1x2x128xi32, #tpu.memory_space<hbm>> -> memref<2x128xi32, #tpu.memory_space<hbm>>
        %dma_start3A_251 = arith.constant 0 : i32
        %dma_start3A_252 = arith.constant 0 : i32
        %dma_start3A_253 = tpu.memref_slice %arg9[%dma_start3A_242, %dma_start3A_251, %dma_start3A_252] : memref<4x2x128xi32, #tpu.memory_space<vmem>> -> memref<1x2x128xi32, #tpu.memory_space<vmem>>
        %dma_start3A_254 = tpu.memref_squeeze %dma_start3A_253 : memref<1x2x128xi32, #tpu.memory_space<vmem>> -> memref<2x128xi32, #tpu.memory_space<vmem>>
        %dma_start3A_255 = arith.constant 0 : i32
        %dma_start3A_256 = arith.constant 0 : i32
        %dma_start3A_257 = tpu.memref_slice %arg3[%add3A, %add3A_241, %dma_start3A_255, %dma_start3A_256] : memref<32x80x2x128xi32, #tpu.memory_space<hbm>> -> memref<1x1x2x128xi32, #tpu.memory_space<hbm>>
        %dma_start3A_258 = tpu.memref_squeeze %dma_start3A_257 : memref<1x1x2x128xi32, #tpu.memory_space<hbm>> -> memref<2x128xi32, #tpu.memory_space<hbm>>
        tpu.enqueue_dma source(%dma_start3A_258 : memref<2x128xi32, #tpu.memory_space<hbm>>) target(%dma_start3A_254 : memref<2x128xi32, #tpu.memory_space<vmem>>) target_semaphore(%arg18 : memref<!tpu.dma_semaphore, #tpu.memory_space<semaphore_mem>>)
      } else {
      }
      %add3A_107 = arith.constant 2 : i32
      %add3A_108 = arith.addi %add3A_77, %add3A_107 : i32
      %lt3A_109 = arith.constant 80 : i32
      %lt3A_110 = arith.cmpi slt, %add3A_108, %lt3A_109 : i32
      %convert_element_type3A_111 = arith.extui %lt3A_110 : i1 to i32
      %cond3A_112 = arith.constant 0 : i32
      %cond3A_113 = arith.cmpi ne, %convert_element_type3A_111, %cond3A_112 : i32
      scf.if %cond3A_113 {
        %add3A_240 = arith.constant 2 : i32
        %add3A_241 = arith.addi %add3A_77, %add3A_240 : i32
        %dma_wait3A_242 = arith.constant 2 : i32
        %dma_wait3A_243 = arith.constant 0 : i32
        %dma_wait3A_244 = arith.constant 0 : i32
        %dma_wait3A_245 = tpu.memref_slice %arg9[%dma_wait3A_242, %dma_wait3A_243, %dma_wait3A_244] : memref<4x2x128xi32, #tpu.memory_space<vmem>> -> memref<1x2x128xi32, #tpu.memory_space<vmem>>
        %dma_wait3A_246 = tpu.memref_squeeze %dma_wait3A_245 : memref<1x2x128xi32, #tpu.memory_space<vmem>> -> memref<2x128xi32, #tpu.memory_space<vmem>>
        %dma_wait3A_247 = arith.constant 0 : i32
        %dma_wait3A_248 = arith.constant 0 : i32
        %dma_wait3A_249 = tpu.memref_slice %arg3[%add3A, %add3A_241, %dma_wait3A_247, %dma_wait3A_248] : memref<32x80x2x128xi32, #tpu.memory_space<hbm>> -> memref<1x1x2x128xi32, #tpu.memory_space<hbm>>
        %dma_wait3A_250 = tpu.memref_squeeze %dma_wait3A_249 : memref<1x1x2x128xi32, #tpu.memory_space<hbm>> -> memref<2x128xi32, #tpu.memory_space<hbm>>
        %dma_wait3A_251 = arith.constant 0 : i32
        %dma_wait3A_252 = arith.constant 0 : i32
        %dma_wait3A_253 = tpu.memref_slice %arg9[%dma_wait3A_242, %dma_wait3A_251, %dma_wait3A_252] : memref<4x2x128xi32, #tpu.memory_space<vmem>> -> memref<1x2x128xi32, #tpu.memory_space<vmem>>
        %dma_wait3A_254 = tpu.memref_squeeze %dma_wait3A_253 : memref<1x2x128xi32, #tpu.memory_space<vmem>> -> memref<2x128xi32, #tpu.memory_space<vmem>>
        %dma_wait3A_255 = arith.constant 0 : i32
        %dma_wait3A_256 = arith.constant 0 : i32
        %dma_wait3A_257 = tpu.memref_slice %arg3[%add3A, %add3A_241, %dma_wait3A_255, %dma_wait3A_256] : memref<32x80x2x128xi32, #tpu.memory_space<hbm>> -> memref<1x1x2x128xi32, #tpu.memory_space<hbm>>
        %dma_wait3A_258 = tpu.memref_squeeze %dma_wait3A_257 : memref<1x1x2x128xi32, #tpu.memory_space<hbm>> -> memref<2x128xi32, #tpu.memory_space<hbm>>
        tpu.wait_dma2 semaphore(%arg20 : memref<!tpu.dma_semaphore, #tpu.memory_space<semaphore_mem>>) src(%dma_wait3A_258 : memref<2x128xi32, #tpu.memory_space<hbm>>) dst(%dma_wait3A_254 : memref<2x128xi32, #tpu.memory_space<vmem>>)
        %dma_start3A_259 = arith.constant 2 : i32
        %dma_start3A_260 = arith.constant 0 : i32
        %dma_start3A_261 = arith.constant 0 : i32
        %dma_start3A_262 = tpu.memref_slice %arg9[%dma_start3A_259, %dma_start3A_260, %dma_start3A_261] : memref<4x2x128xi32, #tpu.memory_space<vmem>> -> memref<1x1x128xi32, #tpu.memory_space<vmem>>
        %dma_start3A_263 = tpu.memref_squeeze %dma_start3A_262 : memref<1x1x128xi32, #tpu.memory_space<vmem>> -> memref<128xi32, #tpu.memory_space<vmem>>
        %dma_start3A_264 = arith.constant 0 : i32
        %dma_start3A_265 = arith.constant 0 : i32
        %dma_start3A_266 = tpu.memref_slice %arg2[%dma_start3A_264, %dma_start3A_265] : memref<10000x128xf32, #tpu.memory_space<hbm>> -> memref<10000x128xf32, #tpu.memory_space<hbm>>
        tpu.enqueue_indirect_dma source(%dma_start3A_266 : memref<10000x128xf32, #tpu.memory_space<hbm>>) target(%arg10 : memref<128x128xf32, #tpu.memory_space<vmem>>) offsets(%dma_start3A_263 : memref<128xi32, #tpu.memory_space<vmem>>) semaphore(%arg16 : memref<!tpu.dma_semaphore, #tpu.memory_space<semaphore_mem>>)
      } else {
      }
      %add3A_114 = arith.constant 1 : i32
      %add3A_115 = arith.addi %mul3A_75, %add3A_114 : i32
      %dma_wait3A_116 = arith.constant 1 : i32
      %dma_wait3A_117 = arith.constant 0 : i32
      %dma_wait3A_118 = arith.constant 0 : i32
      %dma_wait3A_119 = tpu.memref_slice %arg9[%dma_wait3A_116, %dma_wait3A_117, %dma_wait3A_118] : memref<4x2x128xi32, #tpu.memory_space<vmem>> -> memref<1x1x128xi32, #tpu.memory_space<vmem>>
      %dma_wait3A_120 = tpu.memref_squeeze %dma_wait3A_119 : memref<1x1x128xi32, #tpu.memory_space<vmem>> -> memref<128xi32, #tpu.memory_space<vmem>>
      %dma_wait3A_121 = arith.constant 0 : i32
      %dma_wait3A_122 = arith.constant 0 : i32
      %dma_wait3A_123 = tpu.memref_slice %arg2[%dma_wait3A_121, %dma_wait3A_122] : memref<10000x128xf32, #tpu.memory_space<hbm>> -> memref<10000x128xf32, #tpu.memory_space<hbm>>
      tpu.wait_indirect_dma semaphore(%arg17 : memref<!tpu.dma_semaphore, #tpu.memory_space<semaphore_mem>>) src(%dma_wait3A_123 : memref<10000x128xf32, #tpu.memory_space<hbm>>) dst(%arg11 : memref<128x128xf32, #tpu.memory_space<vmem>>)
      %dma_start3A_124 = arith.constant 1 : i32
      %dma_start3A_125 = arith.constant 1 : i32
      %dma_start3A_126 = arith.constant 0 : i32
      %dma_start3A_127 = tpu.memref_slice %arg9[%dma_start3A_124, %dma_start3A_125, %dma_start3A_126] : memref<4x2x128xi32, #tpu.memory_space<vmem>> -> memref<1x1x128xi32, #tpu.memory_space<vmem>>
      %dma_start3A_128 = tpu.memref_squeeze %dma_start3A_127 : memref<1x1x128xi32, #tpu.memory_space<vmem>> -> memref<128xi32, #tpu.memory_space<vmem>>
      %dma_start3A_129 = arith.constant 0 : i32
      %dma_start3A_130 = arith.constant 0 : i32
      %dma_start3A_131 = tpu.memref_slice %arg13[%dma_start3A_129, %dma_start3A_130] : memref<10240x16xf32, #tpu.memory_space<vmem_shared>> -> memref<10240x16xf32, #tpu.memory_space<vmem_shared>>
      tpu.enqueue_indirect_dma source(%arg12 : memref<128x16xf32, #tpu.memory_space<vmem>>) target(%dma_start3A_131 : memref<10240x16xf32, #tpu.memory_space<vmem_shared>>) offsets(%dma_start3A_128 : memref<128xi32, #tpu.memory_space<vmem>>) semaphore(%arg14 : memref<!tpu.dma_semaphore, #tpu.memory_space<semaphore_mem>>) {add = true}
      %run_scoped3A_132 = arith.constant 1 : i32
      %run_scoped3A_133 = arith.constant 1 : i32
      "tpu.region"() ({
        %run_scoped3A_240 = tpu.sem_alloc : memref<!tpu.dma_semaphore, #tpu.memory_space<semaphore_mem>>
        %dma_start3A_241 = arith.constant 0 : i32
        %dma_start3A_242 = tpu.memref_slice %arg9[%run_scoped3A_132, %run_scoped3A_133, %dma_start3A_241] : memref<4x2x128xi32, #tpu.memory_space<vmem>> -> memref<1x1x128xi32, #tpu.memory_space<vmem>>
        %dma_start3A_243 = tpu.memref_squeeze %dma_start3A_242 : memref<1x1x128xi32, #tpu.memory_space<vmem>> -> memref<128xi32, #tpu.memory_space<vmem>>
        %dma_start3A_244 = arith.constant 0 : i32
        %dma_start3A_245 = arith.constant 0 : i32
        %dma_start3A_246 = tpu.memref_slice %arg15[%dma_start3A_244, %dma_start3A_245] : memref<10240x128xf32, #tpu.memory_space<vmem_shared>> -> memref<10240x128xf32, #tpu.memory_space<vmem_shared>>
        tpu.enqueue_indirect_dma source(%arg11 : memref<128x128xf32, #tpu.memory_space<vmem>>) target(%dma_start3A_246 : memref<10240x128xf32, #tpu.memory_space<vmem_shared>>) offsets(%dma_start3A_243 : memref<128xi32, #tpu.memory_space<vmem>>) semaphore(%run_scoped3A_240 : memref<!tpu.dma_semaphore, #tpu.memory_space<semaphore_mem>>) {add = true}
        %dma_wait3A_247 = arith.constant 0 : i32
        %dma_wait3A_248 = tpu.memref_slice %arg9[%run_scoped3A_132, %run_scoped3A_133, %dma_wait3A_247] : memref<4x2x128xi32, #tpu.memory_space<vmem>> -> memref<1x1x128xi32, #tpu.memory_space<vmem>>
        %dma_wait3A_249 = tpu.memref_squeeze %dma_wait3A_248 : memref<1x1x128xi32, #tpu.memory_space<vmem>> -> memref<128xi32, #tpu.memory_space<vmem>>
        %dma_wait3A_250 = arith.constant 0 : i32
        %dma_wait3A_251 = arith.constant 0 : i32
        %dma_wait3A_252 = tpu.memref_slice %arg15[%dma_wait3A_250, %dma_wait3A_251] : memref<10240x128xf32, #tpu.memory_space<vmem_shared>> -> memref<10240x128xf32, #tpu.memory_space<vmem_shared>>
        tpu.wait_indirect_dma semaphore(%run_scoped3A_240 : memref<!tpu.dma_semaphore, #tpu.memory_space<semaphore_mem>>) src(%arg11 : memref<128x128xf32, #tpu.memory_space<vmem>>) dst(%dma_wait3A_252 : memref<10240x128xf32, #tpu.memory_space<vmem_shared>>)
        tpu.yield
      }) : () -> ()
      %dma_wait3A_134 = arith.constant 1 : i32
      %dma_wait3A_135 = arith.constant 1 : i32
      %dma_wait3A_136 = arith.constant 0 : i32
      %dma_wait3A_137 = tpu.memref_slice %arg9[%dma_wait3A_134, %dma_wait3A_135, %dma_wait3A_136] : memref<4x2x128xi32, #tpu.memory_space<vmem>> -> memref<1x1x128xi32, #tpu.memory_space<vmem>>
      %dma_wait3A_138 = tpu.memref_squeeze %dma_wait3A_137 : memref<1x1x128xi32, #tpu.memory_space<vmem>> -> memref<128xi32, #tpu.memory_space<vmem>>
      %dma_wait3A_139 = arith.constant 0 : i32
      %dma_wait3A_140 = arith.constant 0 : i32
      %dma_wait3A_141 = tpu.memref_slice %arg13[%dma_wait3A_139, %dma_wait3A_140] : memref<10240x16xf32, #tpu.memory_space<vmem_shared>> -> memref<10240x16xf32, #tpu.memory_space<vmem_shared>>
      tpu.wait_indirect_dma semaphore(%arg14 : memref<!tpu.dma_semaphore, #tpu.memory_space<semaphore_mem>>) src(%arg12 : memref<128x16xf32, #tpu.memory_space<vmem>>) dst(%dma_wait3A_141 : memref<10240x16xf32, #tpu.memory_space<vmem_shared>>)
      %add3A_142 = arith.constant 4 : i32
      %add3A_143 = arith.addi %add3A_115, %add3A_142 : i32
      %lt3A_144 = arith.constant 80 : i32
      %lt3A_145 = arith.cmpi slt, %add3A_143, %lt3A_144 : i32
      %convert_element_type3A_146 = arith.extui %lt3A_145 : i1 to i32
      %cond3A_147 = arith.constant 0 : i32
      %cond3A_148 = arith.cmpi ne, %convert_element_type3A_146, %cond3A_147 : i32
      scf.if %cond3A_148 {
        %add3A_240 = arith.constant 4 : i32
        %add3A_241 = arith.addi %add3A_115, %add3A_240 : i32
        %dma_start3A_242 = arith.constant 1 : i32
        %dma_start3A_243 = arith.constant 0 : i32
        %dma_start3A_244 = arith.constant 0 : i32
        %dma_start3A_245 = tpu.memref_slice %arg9[%dma_start3A_242, %dma_start3A_243, %dma_start3A_244] : memref<4x2x128xi32, #tpu.memory_space<vmem>> -> memref<1x2x128xi32, #tpu.memory_space<vmem>>
        %dma_start3A_246 = tpu.memref_squeeze %dma_start3A_245 : memref<1x2x128xi32, #tpu.memory_space<vmem>> -> memref<2x128xi32, #tpu.memory_space<vmem>>
        %dma_start3A_247 = arith.constant 0 : i32
        %dma_start3A_248 = arith.constant 0 : i32
        %dma_start3A_249 = tpu.memref_slice %arg3[%add3A, %add3A_241, %dma_start3A_247, %dma_start3A_248] : memref<32x80x2x128xi32, #tpu.memory_space<hbm>> -> memref<1x1x2x128xi32, #tpu.memory_space<hbm>>
        %dma_start3A_250 = tpu.memref_squeeze %dma_start3A_249 : memref<1x1x2x128xi32, #tpu.memory_space<hbm>> -> memref<2x128xi32, #tpu.memory_space<hbm>>
        %dma_start3A_251 = arith.constant 0 : i32
        %dma_start3A_252 = arith.constant 0 : i32
        %dma_start3A_253 = tpu.memref_slice %arg9[%dma_start3A_242, %dma_start3A_251, %dma_start3A_252] : memref<4x2x128xi32, #tpu.memory_space<vmem>> -> memref<1x2x128xi32, #tpu.memory_space<vmem>>
        %dma_start3A_254 = tpu.memref_squeeze %dma_start3A_253 : memref<1x2x128xi32, #tpu.memory_space<vmem>> -> memref<2x128xi32, #tpu.memory_space<vmem>>
        %dma_start3A_255 = arith.constant 0 : i32
        %dma_start3A_256 = arith.constant 0 : i32
        %dma_start3A_257 = tpu.memref_slice %arg3[%add3A, %add3A_241, %dma_start3A_255, %dma_start3A_256] : memref<32x80x2x128xi32, #tpu.memory_space<hbm>> -> memref<1x1x2x128xi32, #tpu.memory_space<hbm>>
        %dma_start3A_258 = tpu.memref_squeeze %dma_start3A_257 : memref<1x1x2x128xi32, #tpu.memory_space<hbm>> -> memref<2x128xi32, #tpu.memory_space<hbm>>
        tpu.enqueue_dma source(%dma_start3A_258 : memref<2x128xi32, #tpu.memory_space<hbm>>) target(%dma_start3A_254 : memref<2x128xi32, #tpu.memory_space<vmem>>) target_semaphore(%arg19 : memref<!tpu.dma_semaphore, #tpu.memory_space<semaphore_mem>>)
      } else {
      }
      %add3A_149 = arith.constant 2 : i32
      %add3A_150 = arith.addi %add3A_115, %add3A_149 : i32
      %lt3A_151 = arith.constant 80 : i32
      %lt3A_152 = arith.cmpi slt, %add3A_150, %lt3A_151 : i32
      %convert_element_type3A_153 = arith.extui %lt3A_152 : i1 to i32
      %cond3A_154 = arith.constant 0 : i32
      %cond3A_155 = arith.cmpi ne, %convert_element_type3A_153, %cond3A_154 : i32
      scf.if %cond3A_155 {
        %add3A_240 = arith.constant 2 : i32
        %add3A_241 = arith.addi %add3A_115, %add3A_240 : i32
        %dma_wait3A_242 = arith.constant 3 : i32
        %dma_wait3A_243 = arith.constant 0 : i32
        %dma_wait3A_244 = arith.constant 0 : i32
        %dma_wait3A_245 = tpu.memref_slice %arg9[%dma_wait3A_242, %dma_wait3A_243, %dma_wait3A_244] : memref<4x2x128xi32, #tpu.memory_space<vmem>> -> memref<1x2x128xi32, #tpu.memory_space<vmem>>
        %dma_wait3A_246 = tpu.memref_squeeze %dma_wait3A_245 : memref<1x2x128xi32, #tpu.memory_space<vmem>> -> memref<2x128xi32, #tpu.memory_space<vmem>>
        %dma_wait3A_247 = arith.constant 0 : i32
        %dma_wait3A_248 = arith.constant 0 : i32
        %dma_wait3A_249 = tpu.memref_slice %arg3[%add3A, %add3A_241, %dma_wait3A_247, %dma_wait3A_248] : memref<32x80x2x128xi32, #tpu.memory_space<hbm>> -> memref<1x1x2x128xi32, #tpu.memory_space<hbm>>
        %dma_wait3A_250 = tpu.memref_squeeze %dma_wait3A_249 : memref<1x1x2x128xi32, #tpu.memory_space<hbm>> -> memref<2x128xi32, #tpu.memory_space<hbm>>
        %dma_wait3A_251 = arith.constant 0 : i32
        %dma_wait3A_252 = arith.constant 0 : i32
        %dma_wait3A_253 = tpu.memref_slice %arg9[%dma_wait3A_242, %dma_wait3A_251, %dma_wait3A_252] : memref<4x2x128xi32, #tpu.memory_space<vmem>> -> memref<1x2x128xi32, #tpu.memory_space<vmem>>
        %dma_wait3A_254 = tpu.memref_squeeze %dma_wait3A_253 : memref<1x2x128xi32, #tpu.memory_space<vmem>> -> memref<2x128xi32, #tpu.memory_space<vmem>>
        %dma_wait3A_255 = arith.constant 0 : i32
        %dma_wait3A_256 = arith.constant 0 : i32
        %dma_wait3A_257 = tpu.memref_slice %arg3[%add3A, %add3A_241, %dma_wait3A_255, %dma_wait3A_256] : memref<32x80x2x128xi32, #tpu.memory_space<hbm>> -> memref<1x1x2x128xi32, #tpu.memory_space<hbm>>
        %dma_wait3A_258 = tpu.memref_squeeze %dma_wait3A_257 : memref<1x1x2x128xi32, #tpu.memory_space<hbm>> -> memref<2x128xi32, #tpu.memory_space<hbm>>
        tpu.wait_dma2 semaphore(%arg21 : memref<!tpu.dma_semaphore, #tpu.memory_space<semaphore_mem>>) src(%dma_wait3A_258 : memref<2x128xi32, #tpu.memory_space<hbm>>) dst(%dma_wait3A_254 : memref<2x128xi32, #tpu.memory_space<vmem>>)
        %dma_start3A_259 = arith.constant 3 : i32
        %dma_start3A_260 = arith.constant 0 : i32
        %dma_start3A_261 = arith.constant 0 : i32
        %dma_start3A_262 = tpu.memref_slice %arg9[%dma_start3A_259, %dma_start3A_260, %dma_start3A_261] : memref<4x2x128xi32, #tpu.memory_space<vmem>> -> memref<1x1x128xi32, #tpu.memory_space<vmem>>
        %dma_start3A_263 = tpu.memref_squeeze %dma_start3A_262 : memref<1x1x128xi32, #tpu.memory_space<vmem>> -> memref<128xi32, #tpu.memory_space<vmem>>
        %dma_start3A_264 = arith.constant 0 : i32
        %dma_start3A_265 = arith.constant 0 : i32
        %dma_start3A_266 = tpu.memref_slice %arg2[%dma_start3A_264, %dma_start3A_265] : memref<10000x128xf32, #tpu.memory_space<hbm>> -> memref<10000x128xf32, #tpu.memory_space<hbm>>
        tpu.enqueue_indirect_dma source(%dma_start3A_266 : memref<10000x128xf32, #tpu.memory_space<hbm>>) target(%arg11 : memref<128x128xf32, #tpu.memory_space<vmem>>) offsets(%dma_start3A_263 : memref<128xi32, #tpu.memory_space<vmem>>) semaphore(%arg17 : memref<!tpu.dma_semaphore, #tpu.memory_space<semaphore_mem>>)
      } else {
      }
      %add3A_156 = arith.constant 2 : i32
      %add3A_157 = arith.addi %mul3A_75, %add3A_156 : i32
      %dma_wait3A_158 = arith.constant 2 : i32
      %dma_wait3A_159 = arith.constant 0 : i32
      %dma_wait3A_160 = arith.constant 0 : i32
      %dma_wait3A_161 = tpu.memref_slice %arg9[%dma_wait3A_158, %dma_wait3A_159, %dma_wait3A_160] : memref<4x2x128xi32, #tpu.memory_space<vmem>> -> memref<1x1x128xi32, #tpu.memory_space<vmem>>
      %dma_wait3A_162 = tpu.memref_squeeze %dma_wait3A_161 : memref<1x1x128xi32, #tpu.memory_space<vmem>> -> memref<128xi32, #tpu.memory_space<vmem>>
      %dma_wait3A_163 = arith.constant 0 : i32
      %dma_wait3A_164 = arith.constant 0 : i32
      %dma_wait3A_165 = tpu.memref_slice %arg2[%dma_wait3A_163, %dma_wait3A_164] : memref<10000x128xf32, #tpu.memory_space<hbm>> -> memref<10000x128xf32, #tpu.memory_space<hbm>>
      tpu.wait_indirect_dma semaphore(%arg16 : memref<!tpu.dma_semaphore, #tpu.memory_space<semaphore_mem>>) src(%dma_wait3A_165 : memref<10000x128xf32, #tpu.memory_space<hbm>>) dst(%arg10 : memref<128x128xf32, #tpu.memory_space<vmem>>)
      %dma_start3A_166 = arith.constant 2 : i32
      %dma_start3A_167 = arith.constant 1 : i32
      %dma_start3A_168 = arith.constant 0 : i32
      %dma_start3A_169 = tpu.memref_slice %arg9[%dma_start3A_166, %dma_start3A_167, %dma_start3A_168] : memref<4x2x128xi32, #tpu.memory_space<vmem>> -> memref<1x1x128xi32, #tpu.memory_space<vmem>>
      %dma_start3A_170 = tpu.memref_squeeze %dma_start3A_169 : memref<1x1x128xi32, #tpu.memory_space<vmem>> -> memref<128xi32, #tpu.memory_space<vmem>>
      %dma_start3A_171 = arith.constant 0 : i32
      %dma_start3A_172 = arith.constant 0 : i32
      %dma_start3A_173 = tpu.memref_slice %arg13[%dma_start3A_171, %dma_start3A_172] : memref<10240x16xf32, #tpu.memory_space<vmem_shared>> -> memref<10240x16xf32, #tpu.memory_space<vmem_shared>>
      tpu.enqueue_indirect_dma source(%arg12 : memref<128x16xf32, #tpu.memory_space<vmem>>) target(%dma_start3A_173 : memref<10240x16xf32, #tpu.memory_space<vmem_shared>>) offsets(%dma_start3A_170 : memref<128xi32, #tpu.memory_space<vmem>>) semaphore(%arg14 : memref<!tpu.dma_semaphore, #tpu.memory_space<semaphore_mem>>) {add = true}
      %run_scoped3A_174 = arith.constant 2 : i32
      %run_scoped3A_175 = arith.constant 1 : i32
      "tpu.region"() ({
        %run_scoped3A_240 = tpu.sem_alloc : memref<!tpu.dma_semaphore, #tpu.memory_space<semaphore_mem>>
        %dma_start3A_241 = arith.constant 0 : i32
        %dma_start3A_242 = tpu.memref_slice %arg9[%run_scoped3A_174, %run_scoped3A_175, %dma_start3A_241] : memref<4x2x128xi32, #tpu.memory_space<vmem>> -> memref<1x1x128xi32, #tpu.memory_space<vmem>>
        %dma_start3A_243 = tpu.memref_squeeze %dma_start3A_242 : memref<1x1x128xi32, #tpu.memory_space<vmem>> -> memref<128xi32, #tpu.memory_space<vmem>>
        %dma_start3A_244 = arith.constant 0 : i32
        %dma_start3A_245 = arith.constant 0 : i32
        %dma_start3A_246 = tpu.memref_slice %arg15[%dma_start3A_244, %dma_start3A_245] : memref<10240x128xf32, #tpu.memory_space<vmem_shared>> -> memref<10240x128xf32, #tpu.memory_space<vmem_shared>>
        tpu.enqueue_indirect_dma source(%arg10 : memref<128x128xf32, #tpu.memory_space<vmem>>) target(%dma_start3A_246 : memref<10240x128xf32, #tpu.memory_space<vmem_shared>>) offsets(%dma_start3A_243 : memref<128xi32, #tpu.memory_space<vmem>>) semaphore(%run_scoped3A_240 : memref<!tpu.dma_semaphore, #tpu.memory_space<semaphore_mem>>) {add = true}
        %dma_wait3A_247 = arith.constant 0 : i32
        %dma_wait3A_248 = tpu.memref_slice %arg9[%run_scoped3A_174, %run_scoped3A_175, %dma_wait3A_247] : memref<4x2x128xi32, #tpu.memory_space<vmem>> -> memref<1x1x128xi32, #tpu.memory_space<vmem>>
        %dma_wait3A_249 = tpu.memref_squeeze %dma_wait3A_248 : memref<1x1x128xi32, #tpu.memory_space<vmem>> -> memref<128xi32, #tpu.memory_space<vmem>>
        %dma_wait3A_250 = arith.constant 0 : i32
        %dma_wait3A_251 = arith.constant 0 : i32
        %dma_wait3A_252 = tpu.memref_slice %arg15[%dma_wait3A_250, %dma_wait3A_251] : memref<10240x128xf32, #tpu.memory_space<vmem_shared>> -> memref<10240x128xf32, #tpu.memory_space<vmem_shared>>
        tpu.wait_indirect_dma semaphore(%run_scoped3A_240 : memref<!tpu.dma_semaphore, #tpu.memory_space<semaphore_mem>>) src(%arg10 : memref<128x128xf32, #tpu.memory_space<vmem>>) dst(%dma_wait3A_252 : memref<10240x128xf32, #tpu.memory_space<vmem_shared>>)
        tpu.yield
      }) : () -> ()
      %dma_wait3A_176 = arith.constant 2 : i32
      %dma_wait3A_177 = arith.constant 1 : i32
      %dma_wait3A_178 = arith.constant 0 : i32
      %dma_wait3A_179 = tpu.memref_slice %arg9[%dma_wait3A_176, %dma_wait3A_177, %dma_wait3A_178] : memref<4x2x128xi32, #tpu.memory_space<vmem>> -> memref<1x1x128xi32, #tpu.memory_space<vmem>>
      %dma_wait3A_180 = tpu.memref_squeeze %dma_wait3A_179 : memref<1x1x128xi32, #tpu.memory_space<vmem>> -> memref<128xi32, #tpu.memory_space<vmem>>
      %dma_wait3A_181 = arith.constant 0 : i32
      %dma_wait3A_182 = arith.constant 0 : i32
      %dma_wait3A_183 = tpu.memref_slice %arg13[%dma_wait3A_181, %dma_wait3A_182] : memref<10240x16xf32, #tpu.memory_space<vmem_shared>> -> memref<10240x16xf32, #tpu.memory_space<vmem_shared>>
      tpu.wait_indirect_dma semaphore(%arg14 : memref<!tpu.dma_semaphore, #tpu.memory_space<semaphore_mem>>) src(%arg12 : memref<128x16xf32, #tpu.memory_space<vmem>>) dst(%dma_wait3A_183 : memref<10240x16xf32, #tpu.memory_space<vmem_shared>>)
      %add3A_184 = arith.constant 4 : i32
      %add3A_185 = arith.addi %add3A_157, %add3A_184 : i32
      %lt3A_186 = arith.constant 80 : i32
      %lt3A_187 = arith.cmpi slt, %add3A_185, %lt3A_186 : i32
      %convert_element_type3A_188 = arith.extui %lt3A_187 : i1 to i32
      %cond3A_189 = arith.constant 0 : i32
      %cond3A_190 = arith.cmpi ne, %convert_element_type3A_188, %cond3A_189 : i32
      scf.if %cond3A_190 {
        %add3A_240 = arith.constant 4 : i32
        %add3A_241 = arith.addi %add3A_157, %add3A_240 : i32
        %dma_start3A_242 = arith.constant 2 : i32
        %dma_start3A_243 = arith.constant 0 : i32
        %dma_start3A_244 = arith.constant 0 : i32
        %dma_start3A_245 = tpu.memref_slice %arg9[%dma_start3A_242, %dma_start3A_243, %dma_start3A_244] : memref<4x2x128xi32, #tpu.memory_space<vmem>> -> memref<1x2x128xi32, #tpu.memory_space<vmem>>
        %dma_start3A_246 = tpu.memref_squeeze %dma_start3A_245 : memref<1x2x128xi32, #tpu.memory_space<vmem>> -> memref<2x128xi32, #tpu.memory_space<vmem>>
        %dma_start3A_247 = arith.constant 0 : i32
        %dma_start3A_248 = arith.constant 0 : i32
        %dma_start3A_249 = tpu.memref_slice %arg3[%add3A, %add3A_241, %dma_start3A_247, %dma_start3A_248] : memref<32x80x2x128xi32, #tpu.memory_space<hbm>> -> memref<1x1x2x128xi32, #tpu.memory_space<hbm>>
        %dma_start3A_250 = tpu.memref_squeeze %dma_start3A_249 : memref<1x1x2x128xi32, #tpu.memory_space<hbm>> -> memref<2x128xi32, #tpu.memory_space<hbm>>
        %dma_start3A_251 = arith.constant 0 : i32
        %dma_start3A_252 = arith.constant 0 : i32
        %dma_start3A_253 = tpu.memref_slice %arg9[%dma_start3A_242, %dma_start3A_251, %dma_start3A_252] : memref<4x2x128xi32, #tpu.memory_space<vmem>> -> memref<1x2x128xi32, #tpu.memory_space<vmem>>
        %dma_start3A_254 = tpu.memref_squeeze %dma_start3A_253 : memref<1x2x128xi32, #tpu.memory_space<vmem>> -> memref<2x128xi32, #tpu.memory_space<vmem>>
        %dma_start3A_255 = arith.constant 0 : i32
        %dma_start3A_256 = arith.constant 0 : i32
        %dma_start3A_257 = tpu.memref_slice %arg3[%add3A, %add3A_241, %dma_start3A_255, %dma_start3A_256] : memref<32x80x2x128xi32, #tpu.memory_space<hbm>> -> memref<1x1x2x128xi32, #tpu.memory_space<hbm>>
        %dma_start3A_258 = tpu.memref_squeeze %dma_start3A_257 : memref<1x1x2x128xi32, #tpu.memory_space<hbm>> -> memref<2x128xi32, #tpu.memory_space<hbm>>
        tpu.enqueue_dma source(%dma_start3A_258 : memref<2x128xi32, #tpu.memory_space<hbm>>) target(%dma_start3A_254 : memref<2x128xi32, #tpu.memory_space<vmem>>) target_semaphore(%arg20 : memref<!tpu.dma_semaphore, #tpu.memory_space<semaphore_mem>>)
      } else {
      }
      %add3A_191 = arith.constant 2 : i32
      %add3A_192 = arith.addi %add3A_157, %add3A_191 : i32
      %lt3A_193 = arith.constant 80 : i32
      %lt3A_194 = arith.cmpi slt, %add3A_192, %lt3A_193 : i32
      %convert_element_type3A_195 = arith.extui %lt3A_194 : i1 to i32
      %cond3A_196 = arith.constant 0 : i32
      %cond3A_197 = arith.cmpi ne, %convert_element_type3A_195, %cond3A_196 : i32
      scf.if %cond3A_197 {
        %add3A_240 = arith.constant 2 : i32
        %add3A_241 = arith.addi %add3A_157, %add3A_240 : i32
        %dma_wait3A_242 = arith.constant 0 : i32
        %dma_wait3A_243 = arith.constant 0 : i32
        %dma_wait3A_244 = arith.constant 0 : i32
        %dma_wait3A_245 = tpu.memref_slice %arg9[%dma_wait3A_242, %dma_wait3A_243, %dma_wait3A_244] : memref<4x2x128xi32, #tpu.memory_space<vmem>> -> memref<1x2x128xi32, #tpu.memory_space<vmem>>
        %dma_wait3A_246 = tpu.memref_squeeze %dma_wait3A_245 : memref<1x2x128xi32, #tpu.memory_space<vmem>> -> memref<2x128xi32, #tpu.memory_space<vmem>>
        %dma_wait3A_247 = arith.constant 0 : i32
        %dma_wait3A_248 = arith.constant 0 : i32
        %dma_wait3A_249 = tpu.memref_slice %arg3[%add3A, %add3A_241, %dma_wait3A_247, %dma_wait3A_248] : memref<32x80x2x128xi32, #tpu.memory_space<hbm>> -> memref<1x1x2x128xi32, #tpu.memory_space<hbm>>
        %dma_wait3A_250 = tpu.memref_squeeze %dma_wait3A_249 : memref<1x1x2x128xi32, #tpu.memory_space<hbm>> -> memref<2x128xi32, #tpu.memory_space<hbm>>
        %dma_wait3A_251 = arith.constant 0 : i32
        %dma_wait3A_252 = arith.constant 0 : i32
        %dma_wait3A_253 = tpu.memref_slice %arg9[%dma_wait3A_242, %dma_wait3A_251, %dma_wait3A_252] : memref<4x2x128xi32, #tpu.memory_space<vmem>> -> memref<1x2x128xi32, #tpu.memory_space<vmem>>
        %dma_wait3A_254 = tpu.memref_squeeze %dma_wait3A_253 : memref<1x2x128xi32, #tpu.memory_space<vmem>> -> memref<2x128xi32, #tpu.memory_space<vmem>>
        %dma_wait3A_255 = arith.constant 0 : i32
        %dma_wait3A_256 = arith.constant 0 : i32
        %dma_wait3A_257 = tpu.memref_slice %arg3[%add3A, %add3A_241, %dma_wait3A_255, %dma_wait3A_256] : memref<32x80x2x128xi32, #tpu.memory_space<hbm>> -> memref<1x1x2x128xi32, #tpu.memory_space<hbm>>
        %dma_wait3A_258 = tpu.memref_squeeze %dma_wait3A_257 : memref<1x1x2x128xi32, #tpu.memory_space<hbm>> -> memref<2x128xi32, #tpu.memory_space<hbm>>
        tpu.wait_dma2 semaphore(%arg18 : memref<!tpu.dma_semaphore, #tpu.memory_space<semaphore_mem>>) src(%dma_wait3A_258 : memref<2x128xi32, #tpu.memory_space<hbm>>) dst(%dma_wait3A_254 : memref<2x128xi32, #tpu.memory_space<vmem>>)
        %dma_start3A_259 = arith.constant 0 : i32
        %dma_start3A_260 = arith.constant 0 : i32
        %dma_start3A_261 = arith.constant 0 : i32
        %dma_start3A_262 = tpu.memref_slice %arg9[%dma_start3A_259, %dma_start3A_260, %dma_start3A_261] : memref<4x2x128xi32, #tpu.memory_space<vmem>> -> memref<1x1x128xi32, #tpu.memory_space<vmem>>
        %dma_start3A_263 = tpu.memref_squeeze %dma_start3A_262 : memref<1x1x128xi32, #tpu.memory_space<vmem>> -> memref<128xi32, #tpu.memory_space<vmem>>
        %dma_start3A_264 = arith.constant 0 : i32
        %dma_start3A_265 = arith.constant 0 : i32
        %dma_start3A_266 = tpu.memref_slice %arg2[%dma_start3A_264, %dma_start3A_265] : memref<10000x128xf32, #tpu.memory_space<hbm>> -> memref<10000x128xf32, #tpu.memory_space<hbm>>
        tpu.enqueue_indirect_dma source(%dma_start3A_266 : memref<10000x128xf32, #tpu.memory_space<hbm>>) target(%arg10 : memref<128x128xf32, #tpu.memory_space<vmem>>) offsets(%dma_start3A_263 : memref<128xi32, #tpu.memory_space<vmem>>) semaphore(%arg16 : memref<!tpu.dma_semaphore, #tpu.memory_space<semaphore_mem>>)
      } else {
      }
      %add3A_198 = arith.constant 3 : i32
      %add3A_199 = arith.addi %mul3A_75, %add3A_198 : i32
      %dma_wait3A_200 = arith.constant 3 : i32
      %dma_wait3A_201 = arith.constant 0 : i32
      %dma_wait3A_202 = arith.constant 0 : i32
      %dma_wait3A_203 = tpu.memref_slice %arg9[%dma_wait3A_200, %dma_wait3A_201, %dma_wait3A_202] : memref<4x2x128xi32, #tpu.memory_space<vmem>> -> memref<1x1x128xi32, #tpu.memory_space<vmem>>
      %dma_wait3A_204 = tpu.memref_squeeze %dma_wait3A_203 : memref<1x1x128xi32, #tpu.memory_space<vmem>> -> memref<128xi32, #tpu.memory_space<vmem>>
      %dma_wait3A_205 = arith.constant 0 : i32
      %dma_wait3A_206 = arith.constant 0 : i32
      %dma_wait3A_207 = tpu.memref_slice %arg2[%dma_wait3A_205, %dma_wait3A_206] : memref<10000x128xf32, #tpu.memory_space<hbm>> -> memref<10000x128xf32, #tpu.memory_space<hbm>>
      tpu.wait_indirect_dma semaphore(%arg17 : memref<!tpu.dma_semaphore, #tpu.memory_space<semaphore_mem>>) src(%dma_wait3A_207 : memref<10000x128xf32, #tpu.memory_space<hbm>>) dst(%arg11 : memref<128x128xf32, #tpu.memory_space<vmem>>)
      %dma_start3A_208 = arith.constant 3 : i32
      %dma_start3A_209 = arith.constant 1 : i32
      %dma_start3A_210 = arith.constant 0 : i32
      %dma_start3A_211 = tpu.memref_slice %arg9[%dma_start3A_208, %dma_start3A_209, %dma_start3A_210] : memref<4x2x128xi32, #tpu.memory_space<vmem>> -> memref<1x1x128xi32, #tpu.memory_space<vmem>>
      %dma_start3A_212 = tpu.memref_squeeze %dma_start3A_211 : memref<1x1x128xi32, #tpu.memory_space<vmem>> -> memref<128xi32, #tpu.memory_space<vmem>>
      %dma_start3A_213 = arith.constant 0 : i32
      %dma_start3A_214 = arith.constant 0 : i32
      %dma_start3A_215 = tpu.memref_slice %arg13[%dma_start3A_213, %dma_start3A_214] : memref<10240x16xf32, #tpu.memory_space<vmem_shared>> -> memref<10240x16xf32, #tpu.memory_space<vmem_shared>>
      tpu.enqueue_indirect_dma source(%arg12 : memref<128x16xf32, #tpu.memory_space<vmem>>) target(%dma_start3A_215 : memref<10240x16xf32, #tpu.memory_space<vmem_shared>>) offsets(%dma_start3A_212 : memref<128xi32, #tpu.memory_space<vmem>>) semaphore(%arg14 : memref<!tpu.dma_semaphore, #tpu.memory_space<semaphore_mem>>) {add = true}
      %run_scoped3A_216 = arith.constant 3 : i32
      %run_scoped3A_217 = arith.constant 1 : i32
      "tpu.region"() ({
        %run_scoped3A_240 = tpu.sem_alloc : memref<!tpu.dma_semaphore, #tpu.memory_space<semaphore_mem>>
        %dma_start3A_241 = arith.constant 0 : i32
        %dma_start3A_242 = tpu.memref_slice %arg9[%run_scoped3A_216, %run_scoped3A_217, %dma_start3A_241] : memref<4x2x128xi32, #tpu.memory_space<vmem>> -> memref<1x1x128xi32, #tpu.memory_space<vmem>>
        %dma_start3A_243 = tpu.memref_squeeze %dma_start3A_242 : memref<1x1x128xi32, #tpu.memory_space<vmem>> -> memref<128xi32, #tpu.memory_space<vmem>>
        %dma_start3A_244 = arith.constant 0 : i32
        %dma_start3A_245 = arith.constant 0 : i32
        %dma_start3A_246 = tpu.memref_slice %arg15[%dma_start3A_244, %dma_start3A_245] : memref<10240x128xf32, #tpu.memory_space<vmem_shared>> -> memref<10240x128xf32, #tpu.memory_space<vmem_shared>>
        tpu.enqueue_indirect_dma source(%arg11 : memref<128x128xf32, #tpu.memory_space<vmem>>) target(%dma_start3A_246 : memref<10240x128xf32, #tpu.memory_space<vmem_shared>>) offsets(%dma_start3A_243 : memref<128xi32, #tpu.memory_space<vmem>>) semaphore(%run_scoped3A_240 : memref<!tpu.dma_semaphore, #tpu.memory_space<semaphore_mem>>) {add = true}
        %dma_wait3A_247 = arith.constant 0 : i32
        %dma_wait3A_248 = tpu.memref_slice %arg9[%run_scoped3A_216, %run_scoped3A_217, %dma_wait3A_247] : memref<4x2x128xi32, #tpu.memory_space<vmem>> -> memref<1x1x128xi32, #tpu.memory_space<vmem>>
        %dma_wait3A_249 = tpu.memref_squeeze %dma_wait3A_248 : memref<1x1x128xi32, #tpu.memory_space<vmem>> -> memref<128xi32, #tpu.memory_space<vmem>>
        %dma_wait3A_250 = arith.constant 0 : i32
        %dma_wait3A_251 = arith.constant 0 : i32
        %dma_wait3A_252 = tpu.memref_slice %arg15[%dma_wait3A_250, %dma_wait3A_251] : memref<10240x128xf32, #tpu.memory_space<vmem_shared>> -> memref<10240x128xf32, #tpu.memory_space<vmem_shared>>
        tpu.wait_indirect_dma semaphore(%run_scoped3A_240 : memref<!tpu.dma_semaphore, #tpu.memory_space<semaphore_mem>>) src(%arg11 : memref<128x128xf32, #tpu.memory_space<vmem>>) dst(%dma_wait3A_252 : memref<10240x128xf32, #tpu.memory_space<vmem_shared>>)
        tpu.yield
      }) : () -> ()
      %dma_wait3A_218 = arith.constant 3 : i32
      %dma_wait3A_219 = arith.constant 1 : i32
      %dma_wait3A_220 = arith.constant 0 : i32
      %dma_wait3A_221 = tpu.memref_slice %arg9[%dma_wait3A_218, %dma_wait3A_219, %dma_wait3A_220] : memref<4x2x128xi32, #tpu.memory_space<vmem>> -> memref<1x1x128xi32, #tpu.memory_space<vmem>>
      %dma_wait3A_222 = tpu.memref_squeeze %dma_wait3A_221 : memref<1x1x128xi32, #tpu.memory_space<vmem>> -> memref<128xi32, #tpu.memory_space<vmem>>
      %dma_wait3A_223 = arith.constant 0 : i32
      %dma_wait3A_224 = arith.constant 0 : i32
      %dma_wait3A_225 = tpu.memref_slice %arg13[%dma_wait3A_223, %dma_wait3A_224] : memref<10240x16xf32, #tpu.memory_space<vmem_shared>> -> memref<10240x16xf32, #tpu.memory_space<vmem_shared>>
      tpu.wait_indirect_dma semaphore(%arg14 : memref<!tpu.dma_semaphore, #tpu.memory_space<semaphore_mem>>) src(%arg12 : memref<128x16xf32, #tpu.memory_space<vmem>>) dst(%dma_wait3A_225 : memref<10240x16xf32, #tpu.memory_space<vmem_shared>>)
      %add3A_226 = arith.constant 4 : i32
      %add3A_227 = arith.addi %add3A_199, %add3A_226 : i32
      %lt3A_228 = arith.constant 80 : i32
      %lt3A_229 = arith.cmpi slt, %add3A_227, %lt3A_228 : i32
      %convert_element_type3A_230 = arith.extui %lt3A_229 : i1 to i32
      %cond3A_231 = arith.constant 0 : i32
      %cond3A_232 = arith.cmpi ne, %convert_element_type3A_230, %cond3A_231 : i32
      scf.if %cond3A_232 {
        %add3A_240 = arith.constant 4 : i32
        %add3A_241 = arith.addi %add3A_199, %add3A_240 : i32
        %dma_start3A_242 = arith.constant 3 : i32
        %dma_start3A_243 = arith.constant 0 : i32
        %dma_start3A_244 = arith.constant 0 : i32
        %dma_start3A_245 = tpu.memref_slice %arg9[%dma_start3A_242, %dma_start3A_243, %dma_start3A_244] : memref<4x2x128xi32, #tpu.memory_space<vmem>> -> memref<1x2x128xi32, #tpu.memory_space<vmem>>
        %dma_start3A_246 = tpu.memref_squeeze %dma_start3A_245 : memref<1x2x128xi32, #tpu.memory_space<vmem>> -> memref<2x128xi32, #tpu.memory_space<vmem>>
        %dma_start3A_247 = arith.constant 0 : i32
        %dma_start3A_248 = arith.constant 0 : i32
        %dma_start3A_249 = tpu.memref_slice %arg3[%add3A, %add3A_241, %dma_start3A_247, %dma_start3A_248] : memref<32x80x2x128xi32, #tpu.memory_space<hbm>> -> memref<1x1x2x128xi32, #tpu.memory_space<hbm>>
        %dma_start3A_250 = tpu.memref_squeeze %dma_start3A_249 : memref<1x1x2x128xi32, #tpu.memory_space<hbm>> -> memref<2x128xi32, #tpu.memory_space<hbm>>
        %dma_start3A_251 = arith.constant 0 : i32
        %dma_start3A_252 = arith.constant 0 : i32
        %dma_start3A_253 = tpu.memref_slice %arg9[%dma_start3A_242, %dma_start3A_251, %dma_start3A_252] : memref<4x2x128xi32, #tpu.memory_space<vmem>> -> memref<1x2x128xi32, #tpu.memory_space<vmem>>
        %dma_start3A_254 = tpu.memref_squeeze %dma_start3A_253 : memref<1x2x128xi32, #tpu.memory_space<vmem>> -> memref<2x128xi32, #tpu.memory_space<vmem>>
        %dma_start3A_255 = arith.constant 0 : i32
        %dma_start3A_256 = arith.constant 0 : i32
        %dma_start3A_257 = tpu.memref_slice %arg3[%add3A, %add3A_241, %dma_start3A_255, %dma_start3A_256] : memref<32x80x2x128xi32, #tpu.memory_space<hbm>> -> memref<1x1x2x128xi32, #tpu.memory_space<hbm>>
        %dma_start3A_258 = tpu.memref_squeeze %dma_start3A_257 : memref<1x1x2x128xi32, #tpu.memory_space<hbm>> -> memref<2x128xi32, #tpu.memory_space<hbm>>
        tpu.enqueue_dma source(%dma_start3A_258 : memref<2x128xi32, #tpu.memory_space<hbm>>) target(%dma_start3A_254 : memref<2x128xi32, #tpu.memory_space<vmem>>) target_semaphore(%arg21 : memref<!tpu.dma_semaphore, #tpu.memory_space<semaphore_mem>>)
      } else {
      }
      %add3A_233 = arith.constant 2 : i32
      %add3A_234 = arith.addi %add3A_199, %add3A_233 : i32
      %lt3A_235 = arith.constant 80 : i32
      %lt3A_236 = arith.cmpi slt, %add3A_234, %lt3A_235 : i32
      %convert_element_type3A_237 = arith.extui %lt3A_236 : i1 to i32
      %cond3A_238 = arith.constant 0 : i32
      %cond3A_239 = arith.cmpi ne, %convert_element_type3A_237, %cond3A_238 : i32
      scf.if %cond3A_239 {
        %add3A_240 = arith.constant 2 : i32
        %add3A_241 = arith.addi %add3A_199, %add3A_240 : i32
        %dma_wait3A_242 = arith.constant 1 : i32
        %dma_wait3A_243 = arith.constant 0 : i32
        %dma_wait3A_244 = arith.constant 0 : i32
        %dma_wait3A_245 = tpu.memref_slice %arg9[%dma_wait3A_242, %dma_wait3A_243, %dma_wait3A_244] : memref<4x2x128xi32, #tpu.memory_space<vmem>> -> memref<1x2x128xi32, #tpu.memory_space<vmem>>
        %dma_wait3A_246 = tpu.memref_squeeze %dma_wait3A_245 : memref<1x2x128xi32, #tpu.memory_space<vmem>> -> memref<2x128xi32, #tpu.memory_space<vmem>>
        %dma_wait3A_247 = arith.constant 0 : i32
        %dma_wait3A_248 = arith.constant 0 : i32
        %dma_wait3A_249 = tpu.memref_slice %arg3[%add3A, %add3A_241, %dma_wait3A_247, %dma_wait3A_248] : memref<32x80x2x128xi32, #tpu.memory_space<hbm>> -> memref<1x1x2x128xi32, #tpu.memory_space<hbm>>
        %dma_wait3A_250 = tpu.memref_squeeze %dma_wait3A_249 : memref<1x1x2x128xi32, #tpu.memory_space<hbm>> -> memref<2x128xi32, #tpu.memory_space<hbm>>
        %dma_wait3A_251 = arith.constant 0 : i32
        %dma_wait3A_252 = arith.constant 0 : i32
        %dma_wait3A_253 = tpu.memref_slice %arg9[%dma_wait3A_242, %dma_wait3A_251, %dma_wait3A_252] : memref<4x2x128xi32, #tpu.memory_space<vmem>> -> memref<1x2x128xi32, #tpu.memory_space<vmem>>
        %dma_wait3A_254 = tpu.memref_squeeze %dma_wait3A_253 : memref<1x2x128xi32, #tpu.memory_space<vmem>> -> memref<2x128xi32, #tpu.memory_space<vmem>>
        %dma_wait3A_255 = arith.constant 0 : i32
        %dma_wait3A_256 = arith.constant 0 : i32
        %dma_wait3A_257 = tpu.memref_slice %arg3[%add3A, %add3A_241, %dma_wait3A_255, %dma_wait3A_256] : memref<32x80x2x128xi32, #tpu.memory_space<hbm>> -> memref<1x1x2x128xi32, #tpu.memory_space<hbm>>
        %dma_wait3A_258 = tpu.memref_squeeze %dma_wait3A_257 : memref<1x1x2x128xi32, #tpu.memory_space<hbm>> -> memref<2x128xi32, #tpu.memory_space<hbm>>
        tpu.wait_dma2 semaphore(%arg19 : memref<!tpu.dma_semaphore, #tpu.memory_space<semaphore_mem>>) src(%dma_wait3A_258 : memref<2x128xi32, #tpu.memory_space<hbm>>) dst(%dma_wait3A_254 : memref<2x128xi32, #tpu.memory_space<vmem>>)
        %dma_start3A_259 = arith.constant 1 : i32
        %dma_start3A_260 = arith.constant 0 : i32
        %dma_start3A_261 = arith.constant 0 : i32
        %dma_start3A_262 = tpu.memref_slice %arg9[%dma_start3A_259, %dma_start3A_260, %dma_start3A_261] : memref<4x2x128xi32, #tpu.memory_space<vmem>> -> memref<1x1x128xi32, #tpu.memory_space<vmem>>
        %dma_start3A_263 = tpu.memref_squeeze %dma_start3A_262 : memref<1x1x128xi32, #tpu.memory_space<vmem>> -> memref<128xi32, #tpu.memory_space<vmem>>
        %dma_start3A_264 = arith.constant 0 : i32
        %dma_start3A_265 = arith.constant 0 : i32
        %dma_start3A_266 = tpu.memref_slice %arg2[%dma_start3A_264, %dma_start3A_265] : memref<10000x128xf32, #tpu.memory_space<hbm>> -> memref<10000x128xf32, #tpu.memory_space<hbm>>
        tpu.enqueue_indirect_dma source(%dma_start3A_266 : memref<10000x128xf32, #tpu.memory_space<hbm>>) target(%arg11 : memref<128x128xf32, #tpu.memory_space<vmem>>) offsets(%dma_start3A_263 : memref<128xi32, #tpu.memory_space<vmem>>) semaphore(%arg17 : memref<!tpu.dma_semaphore, #tpu.memory_space<semaphore_mem>>)
      } else {
      }
    }
    %scan3A_63 = arith.constant 20 : i32
    %barrier3A_64 = arith.constant 0 : index
    tpu.barrier barrier_id(%barrier3A_64)
    %mul3A_65 = arith.constant 640 : i32
    %mul3A_66 = arith.muli %arg1, %mul3A_65 : i32
    %mul3A_67 = arith.constant 640 : i32
    %mul3A_68 = arith.muli %arg1, %mul3A_67 : i32
    "tpu.region"() ({
      %run_scoped3A_73 = tpu.sem_alloc : memref<!tpu.dma_semaphore, #tpu.memory_space<semaphore_mem>>
      %dma_start3A_74 = arith.constant 0 : i32
      %dma_start3A_75 = tpu.memref_slice %arg7[%arg0, %mul3A_68, %dma_start3A_74] : memref<2x10240x128xf32, #tpu.memory_space<hbm>> -> memref<1x640x128xf32, #tpu.memory_space<hbm>>
      %dma_start3A_76 = tpu.memref_squeeze %dma_start3A_75 : memref<1x640x128xf32, #tpu.memory_space<hbm>> -> memref<640x128xf32, #tpu.memory_space<hbm>>
      %dma_start3A_77 = arith.constant 0 : i32
      %dma_start3A_78 = tpu.memref_slice %arg15[%mul3A_66, %dma_start3A_77] : memref<10240x128xf32, #tpu.memory_space<vmem_shared>> -> memref<640x128xf32, #tpu.memory_space<vmem_shared>>
      tpu.enqueue_dma source(%dma_start3A_78 : memref<640x128xf32, #tpu.memory_space<vmem_shared>>) target(%dma_start3A_76 : memref<640x128xf32, #tpu.memory_space<hbm>>) target_semaphore(%run_scoped3A_73 : memref<!tpu.dma_semaphore, #tpu.memory_space<semaphore_mem>>)
      %dma_wait3A = arith.constant 0 : i32
      %dma_wait3A_79 = tpu.memref_slice %arg7[%arg0, %mul3A_68, %dma_wait3A] : memref<2x10240x128xf32, #tpu.memory_space<hbm>> -> memref<1x640x128xf32, #tpu.memory_space<hbm>>
      %dma_wait3A_80 = tpu.memref_squeeze %dma_wait3A_79 : memref<1x640x128xf32, #tpu.memory_space<hbm>> -> memref<640x128xf32, #tpu.memory_space<hbm>>
      %dma_wait3A_81 = arith.constant 0 : i32
      %dma_wait3A_82 = tpu.memref_slice %arg15[%mul3A_66, %dma_wait3A_81] : memref<10240x128xf32, #tpu.memory_space<vmem_shared>> -> memref<640x128xf32, #tpu.memory_space<vmem_shared>>
      tpu.wait_dma2 semaphore(%run_scoped3A_73 : memref<!tpu.dma_semaphore, #tpu.memory_space<semaphore_mem>>) src(%dma_wait3A_82 : memref<640x128xf32, #tpu.memory_space<vmem_shared>>) dst(%dma_wait3A_80 : memref<640x128xf32, #tpu.memory_space<hbm>>)
      tpu.yield
    }) : () -> ()
    %mul3A_69 = arith.constant 640 : i32
    %mul3A_70 = arith.muli %arg1, %mul3A_69 : i32
    %mul3A_71 = arith.constant 640 : i32
    %mul3A_72 = arith.muli %arg1, %mul3A_71 : i32
    "tpu.region"() ({
      %run_scoped3A_73 = tpu.sem_alloc : memref<!tpu.dma_semaphore, #tpu.memory_space<semaphore_mem>>
      %dma_start3A_74 = arith.constant 0 : i32
      %dma_start3A_75 = tpu.memref_slice %arg8[%arg0, %mul3A_72, %dma_start3A_74] : memref<2x10240x16xf32, #tpu.memory_space<hbm>> -> memref<1x640x16xf32, #tpu.memory_space<hbm>>
      %dma_start3A_76 = tpu.memref_squeeze %dma_start3A_75 : memref<1x640x16xf32, #tpu.memory_space<hbm>> -> memref<640x16xf32, #tpu.memory_space<hbm>>
      %dma_start3A_77 = arith.constant 0 : i32
      %dma_start3A_78 = tpu.memref_slice %arg13[%mul3A_70, %dma_start3A_77] : memref<10240x16xf32, #tpu.memory_space<vmem_shared>> -> memref<640x16xf32, #tpu.memory_space<vmem_shared>>
      tpu.enqueue_dma source(%dma_start3A_78 : memref<640x16xf32, #tpu.memory_space<vmem_shared>>) target(%dma_start3A_76 : memref<640x16xf32, #tpu.memory_space<hbm>>) target_semaphore(%run_scoped3A_73 : memref<!tpu.dma_semaphore, #tpu.memory_space<semaphore_mem>>)
      %dma_wait3A = arith.constant 0 : i32
      %dma_wait3A_79 = tpu.memref_slice %arg8[%arg0, %mul3A_72, %dma_wait3A] : memref<2x10240x16xf32, #tpu.memory_space<hbm>> -> memref<1x640x16xf32, #tpu.memory_space<hbm>>
      %dma_wait3A_80 = tpu.memref_squeeze %dma_wait3A_79 : memref<1x640x16xf32, #tpu.memory_space<hbm>> -> memref<640x16xf32, #tpu.memory_space<hbm>>
      %dma_wait3A_81 = arith.constant 0 : i32
      %dma_wait3A_82 = tpu.memref_slice %arg13[%mul3A_70, %dma_wait3A_81] : memref<10240x16xf32, #tpu.memory_space<vmem_shared>> -> memref<640x16xf32, #tpu.memory_space<vmem_shared>>
      tpu.wait_dma2 semaphore(%run_scoped3A_73 : memref<!tpu.dma_semaphore, #tpu.memory_space<semaphore_mem>>) src(%dma_wait3A_82 : memref<640x16xf32, #tpu.memory_space<vmem_shared>>) dst(%dma_wait3A_80 : memref<640x16xf32, #tpu.memory_space<hbm>>)
      tpu.yield
    }) : () -> ()
    return
  }
}

module attributes {stable_mosaic.version = 14 : i64} {
  func.func @_prep_body(%arg0: i32, %arg1: memref<5000x128xf32, #tpu.memory_space<vmem>>, %arg2: memref<128x128xf32, #tpu.memory_space<vmem>>, %arg3: memref<1x128xf32, #tpu.memory_space<vmem>>, %arg4: memref<128x128xf32, #tpu.memory_space<vmem>>, %arg5: memref<5000x128xf32, #tpu.memory_space<vmem>>) attributes {dimension_semantics = [#tpu.dimension_semantics<arbitrary>], iteration_bounds = array<i64: 2>, scalar_prefetch = 0 : i64, scratch_operands = 0 : i64, tpu.core_type = #tpu.core_type<tc>, window_params = [{transform_indices = @transform_0, window_bounds = array<i64: 5000, 128>}, {pipeline_mode = #tpu.pipeline_mode<synchronous>, transform_indices = @transform_1, window_bounds = array<i64: 128, 128>}, {pipeline_mode = #tpu.pipeline_mode<synchronous>, transform_indices = @transform_2, window_bounds = array<i64: 1, 128>}, {pipeline_mode = #tpu.pipeline_mode<synchronous>, transform_indices = @transform_3, window_bounds = array<i64: 128, 128>}, {transform_indices = @transform_4, window_bounds = array<i64: 5000, 128>}]} {
    %get3A = arith.constant 0 : index
    %get3A_0 = arith.constant 0 : index
    %get3A_1 = vector.load %arg1[%get3A, %get3A_0] : memref<5000x128xf32, #tpu.memory_space<vmem>>, vector<5000x128xf32>
    %get3A_2 = arith.constant 0 : index
    %get3A_3 = arith.constant 0 : index
    %get3A_4 = vector.load %arg2[%get3A_2, %get3A_3] : memref<128x128xf32, #tpu.memory_space<vmem>>, vector<128x128xf32>
    %dot_general3A = arith.constant dense<0.000000e+00> : vector<5000x128xf32>
    %dot_general3A_5 = tpu.matmul %get3A_1, %get3A_4, %dot_general3A {dimension_numbers = #tpu.dot_dimension_numbers<[1], [0], [0], [1], [0, 0, 1, 1], [], []>, transpose_lhs_hint = false} : vector<5000x128xf32>, vector<128x128xf32>, vector<5000x128xf32> -> vector<5000x128xf32>
    %get3A_6 = arith.constant 0 : index
    %get3A_7 = arith.constant 0 : index
    %get3A_8 = vector.load %arg3[%get3A_6, %get3A_7] : memref<1x128xf32, #tpu.memory_space<vmem>>, vector<1x128xf32>
    %add3A = vector.broadcast %get3A_8 : vector<1x128xf32> to vector<5000x128xf32>
    %add3A_9 = arith.addf %dot_general3A_5, %add3A : vector<5000x128xf32>
    %max3A = arith.constant 0.000000e+00 : f32
    %max3A_10 = vector.broadcast %max3A : f32 to vector<5000x128xf32>
    %max3A_11 = arith.maximumf %add3A_9, %max3A_10 : vector<5000x128xf32>
    %get3A_12 = arith.constant 0 : index
    %get3A_13 = arith.constant 0 : index
    %get3A_14 = vector.load %arg4[%get3A_12, %get3A_13] : memref<128x128xf32, #tpu.memory_space<vmem>>, vector<128x128xf32>
    %dot_general3A_15 = arith.constant dense<0.000000e+00> : vector<5000x128xf32>
    %dot_general3A_16 = tpu.matmul %max3A_11, %get3A_14, %dot_general3A_15 {dimension_numbers = #tpu.dot_dimension_numbers<[1], [0], [0], [1], [0, 0, 1, 1], [], []>, transpose_lhs_hint = false} : vector<5000x128xf32>, vector<128x128xf32>, vector<5000x128xf32> -> vector<5000x128xf32>
    %swap3A = arith.constant 0 : index
    %swap3A_17 = arith.constant 0 : index
    %swap3A_18 = vector.load %arg5[%swap3A, %swap3A_17] : memref<5000x128xf32, #tpu.memory_space<vmem>>, vector<5000x128xf32>
    tpu.vector_store %arg5[%swap3A, %swap3A_17], %dot_general3A_16 {strides = array<i32>} : memref<5000x128xf32, #tpu.memory_space<vmem>>, vector<5000x128xf32>,
    return
  }
  func.func @transform_0(%arg0: i32) -> (i32, i32) {
    %c0_i32 = arith.constant 0 : i32
    %c0_i32_0 = arith.constant 0 : i32
    return %arg0, %c0_i32 : i32, i32
  }
  func.func @transform_1(%arg0: i32) -> (i32, i32) {
    %c0_i32 = arith.constant 0 : i32
    %c0_i32_0 = arith.constant 0 : i32
    %c0_i32_1 = arith.constant 0 : i32
    return %c0_i32, %c0_i32_0 : i32, i32
  }
  func.func @transform_2(%arg0: i32) -> (i32, i32) {
    %c0_i32 = arith.constant 0 : i32
    %c0_i32_0 = arith.constant 0 : i32
    %c0_i32_1 = arith.constant 0 : i32
    return %c0_i32, %c0_i32_0 : i32, i32
  }
  func.func @transform_3(%arg0: i32) -> (i32, i32) {
    %c0_i32 = arith.constant 0 : i32
    %c0_i32_0 = arith.constant 0 : i32
    %c0_i32_1 = arith.constant 0 : i32
    return %c0_i32, %c0_i32_0 : i32, i32
  }
  func.func @transform_4(%arg0: i32) -> (i32, i32) {
    %c0_i32 = arith.constant 0 : i32
    %c0_i32_0 = arith.constant 0 : i32
    return %arg0, %c0_i32 : i32, i32
  }
}

module attributes {stable_mosaic.version = 14 : i64} {
  func.func @_combine_body(%arg0: i32, %arg1: memref<2x5000x128xf32, #tpu.memory_space<vmem>>, %arg2: memref<2x5000x16xf32, #tpu.memory_space<vmem>>, %arg3: memref<5000x128xf32, #tpu.memory_space<vmem>>) attributes {dimension_semantics = [#tpu.dimension_semantics<arbitrary>], iteration_bounds = array<i64: 2>, scalar_prefetch = 0 : i64, scratch_operands = 0 : i64, tpu.core_type = #tpu.core_type<tc>, window_params = [{transform_indices = @transform_0, window_bounds = array<i64: 2, 5000, 128>}, {transform_indices = @transform_1, window_bounds = array<i64: 2, 5000, 16>}, {transform_indices = @transform_2, window_bounds = array<i64: 5000, 128>}]} {
    %get3A = arith.constant 0 : index
    %get3A_0 = arith.constant 0 : index
    %get3A_1 = arith.constant 0 : index
    %get3A_2 = vector.load %arg1[%get3A, %get3A_0, %get3A_1] : memref<2x5000x128xf32, #tpu.memory_space<vmem>>, vector<1x5000x128xf32>
    %get3A_3 = vector.shape_cast %get3A_2 : vector<1x5000x128xf32> to vector<5000x128xf32>
    %get3A_4 = arith.constant 1 : index
    %get3A_5 = arith.constant 0 : index
    %get3A_6 = arith.constant 0 : index
    %get3A_7 = vector.load %arg1[%get3A_4, %get3A_5, %get3A_6] : memref<2x5000x128xf32, #tpu.memory_space<vmem>>, vector<1x5000x128xf32>
    %get3A_8 = vector.shape_cast %get3A_7 : vector<1x5000x128xf32> to vector<5000x128xf32>
    %add3A = arith.addf %get3A_3, %get3A_8 : vector<5000x128xf32>
    %get3A_9 = arith.constant 0 : index
    %get3A_10 = arith.constant 0 : index
    %get3A_11 = arith.constant 0 : index
    %get3A_12 = vector.load %arg2[%get3A_9, %get3A_10, %get3A_11] : memref<2x5000x16xf32, #tpu.memory_space<vmem>>, vector<1x5000x16xf32>
    %get3A_13 = vector.shape_cast %get3A_12 : vector<1x5000x16xf32> to vector<5000x16xf32>
    %get3A_14 = arith.constant 1 : index
    %get3A_15 = arith.constant 0 : index
    %get3A_16 = arith.constant 0 : index
    %get3A_17 = vector.load %arg2[%get3A_14, %get3A_15, %get3A_16] : memref<2x5000x16xf32, #tpu.memory_space<vmem>>, vector<1x5000x16xf32>
    %get3A_18 = vector.shape_cast %get3A_17 : vector<1x5000x16xf32> to vector<5000x16xf32>
    %add3A_19 = arith.addf %get3A_13, %get3A_18 : vector<5000x16xf32>
    %slice3A = vector.extract_strided_slice %add3A_19 {offsets = [0, 0], sizes = [5000, 1], strides = [1, 1]} : vector<5000x16xf32> to vector<5000x1xf32>
    %gt3A = arith.constant 0.000000e+00 : f32
    %gt3A_20 = vector.broadcast %gt3A : f32 to vector<5000x1xf32>
    %gt3A_21 = arith.cmpf ogt, %slice3A, %gt3A_20 : vector<5000x1xf32>
    %gt3A_22 = arith.constant 0.000000e+00 : f32
    %gt3A_23 = vector.broadcast %gt3A_22 : f32 to vector<5000x1xf32>
    %gt3A_24 = arith.cmpf ogt, %slice3A, %gt3A_23 : vector<5000x1xf32>
    %jit3A = arith.constant 1.000000e+00 : f32
    %broadcast_in_dim3A = vector.broadcast %jit3A : f32 to vector<5000x1xf32>
    %select_n3A = arith.select %gt3A_24, %slice3A, %broadcast_in_dim3A : vector<5000x1xi1>, vector<5000x1xf32>
    %div3A = arith.constant 1.000000e+00 : f32
    %div3A_25 = vector.broadcast %div3A : f32 to vector<5000x1xf32>
    %div3A_26 = arith.divf %div3A_25, %select_n3A : vector<5000x1xf32>
    %jit3A_27 = arith.constant 0.000000e+00 : f32
    %broadcast_in_dim3A_28 = vector.broadcast %jit3A_27 : f32 to vector<5000x1xf32>
    %select_n3A_29 = arith.select %gt3A_21, %div3A_26, %broadcast_in_dim3A_28 : vector<5000x1xi1>, vector<5000x1xf32>
    %mul3A = vector.broadcast %select_n3A_29 : vector<5000x1xf32> to vector<5000x128xf32>
    %mul3A_30 = arith.mulf %add3A, %mul3A : vector<5000x128xf32>
    %swap3A = arith.constant 0 : index
    %swap3A_31 = arith.constant 0 : index
    %swap3A_32 = vector.load %arg3[%swap3A, %swap3A_31] : memref<5000x128xf32, #tpu.memory_space<vmem>>, vector<5000x128xf32>
    tpu.vector_store %arg3[%swap3A, %swap3A_31], %mul3A_30 {strides = array<i32>} : memref<5000x128xf32, #tpu.memory_space<vmem>>, vector<5000x128xf32>,
    return
  }
  func.func @transform_0(%arg0: i32) -> (i32, i32, i32) {
    %c0_i32 = arith.constant 0 : i32
    %c0_i32_0 = arith.constant 0 : i32
    %c0_i32_1 = arith.constant 0 : i32
    return %c0_i32, %arg0, %c0_i32_0 : i32, i32, i32
  }
  func.func @transform_1(%arg0: i32) -> (i32, i32, i32) {
    %c0_i32 = arith.constant 0 : i32
    %c0_i32_0 = arith.constant 0 : i32
    %c0_i32_1 = arith.constant 0 : i32
    return %c0_i32, %arg0, %c0_i32_0 : i32, i32, i32
  }
  func.func @transform_2(%arg0: i32) -> (i32, i32) {
    %c0_i32 = arith.constant 0 : i32
    %c0_i32_0 = arith.constant 0 : i32
    return %arg0, %c0_i32 : i32, i32
  }
}

module attributes {stable_mosaic.version = 14 : i64} {
  func.func @_post1_body(%arg0: i32, %arg1: memref<2x5000x128xf32, #tpu.memory_space<vmem>>, %arg2: memref<2x5000x16xf32, #tpu.memory_space<vmem>>, %arg3: memref<1x128xf32, #tpu.memory_space<vmem>>, %arg4: memref<128x128xf32, #tpu.memory_space<vmem>>, %arg5: memref<1x1x5000xi32, #tpu.memory_space<vmem>>, %arg6: memref<5000x128xf32, #tpu.memory_space<vmem>>, %arg7: memref<8x128xf32, #tpu.memory_space<vmem>>, %arg8: memref<8x1xf32, #tpu.memory_space<vmem>>) attributes {dimension_semantics = [#tpu.dimension_semantics<arbitrary>], iteration_bounds = array<i64: 2>, scalar_prefetch = 0 : i64, scratch_operands = 0 : i64, tpu.core_type = #tpu.core_type<tc>, window_params = [{transform_indices = @transform_0, window_bounds = array<i64: 2, 5000, 128>}, {transform_indices = @transform_1, window_bounds = array<i64: 2, 5000, 16>}, {pipeline_mode = #tpu.pipeline_mode<synchronous>, transform_indices = @transform_2, window_bounds = array<i64: 1, 128>}, {pipeline_mode = #tpu.pipeline_mode<synchronous>, transform_indices = @transform_3, window_bounds = array<i64: 128, 128>}, {transform_indices = @transform_4, window_bounds = array<i64: 1, 1, 5000>}, {transform_indices = @transform_5, window_bounds = array<i64: 5000, 128>}, {pipeline_mode = #tpu.pipeline_mode<synchronous>, transform_indices = @transform_6, window_bounds = array<i64: 8, 128>}, {pipeline_mode = #tpu.pipeline_mode<synchronous>, transform_indices = @transform_7, window_bounds = array<i64: 8, 1>}]} {
    %get3A = arith.constant 0 : index
    %get3A_0 = arith.constant 0 : index
    %get3A_1 = arith.constant 0 : index
    %get3A_2 = vector.load %arg1[%get3A, %get3A_0, %get3A_1] : memref<2x5000x128xf32, #tpu.memory_space<vmem>>, vector<1x5000x128xf32>
    %get3A_3 = vector.shape_cast %get3A_2 : vector<1x5000x128xf32> to vector<5000x128xf32>
    %get3A_4 = arith.constant 1 : index
    %get3A_5 = arith.constant 0 : index
    %get3A_6 = arith.constant 0 : index
    %get3A_7 = vector.load %arg1[%get3A_4, %get3A_5, %get3A_6] : memref<2x5000x128xf32, #tpu.memory_space<vmem>>, vector<1x5000x128xf32>
    %get3A_8 = vector.shape_cast %get3A_7 : vector<1x5000x128xf32> to vector<5000x128xf32>
    %add3A = arith.addf %get3A_3, %get3A_8 : vector<5000x128xf32>
    %get3A_9 = arith.constant 0 : index
    %get3A_10 = arith.constant 0 : index
    %get3A_11 = arith.constant 0 : index
    %get3A_12 = vector.load %arg2[%get3A_9, %get3A_10, %get3A_11] : memref<2x5000x16xf32, #tpu.memory_space<vmem>>, vector<1x5000x16xf32>
    %get3A_13 = vector.shape_cast %get3A_12 : vector<1x5000x16xf32> to vector<5000x16xf32>
    %get3A_14 = arith.constant 1 : index
    %get3A_15 = arith.constant 0 : index
    %get3A_16 = arith.constant 0 : index
    %get3A_17 = vector.load %arg2[%get3A_14, %get3A_15, %get3A_16] : memref<2x5000x16xf32, #tpu.memory_space<vmem>>, vector<1x5000x16xf32>
    %get3A_18 = vector.shape_cast %get3A_17 : vector<1x5000x16xf32> to vector<5000x16xf32>
    %add3A_19 = arith.addf %get3A_13, %get3A_18 : vector<5000x16xf32>
    %slice3A = vector.extract_strided_slice %add3A_19 {offsets = [0, 0], sizes = [5000, 1], strides = [1, 1]} : vector<5000x16xf32> to vector<5000x1xf32>
    %gt3A = arith.constant 0.000000e+00 : f32
    %gt3A_20 = vector.broadcast %gt3A : f32 to vector<5000x1xf32>
    %gt3A_21 = arith.cmpf ogt, %slice3A, %gt3A_20 : vector<5000x1xf32>
    %gt3A_22 = arith.constant 0.000000e+00 : f32
    %gt3A_23 = vector.broadcast %gt3A_22 : f32 to vector<5000x1xf32>
    %gt3A_24 = arith.cmpf ogt, %slice3A, %gt3A_23 : vector<5000x1xf32>
    %jit3A = arith.constant 1.000000e+00 : f32
    %broadcast_in_dim3A = vector.broadcast %jit3A : f32 to vector<5000x1xf32>
    %select_n3A = arith.select %gt3A_24, %slice3A, %broadcast_in_dim3A : vector<5000x1xi1>, vector<5000x1xf32>
    %div3A = arith.constant 1.000000e+00 : f32
    %div3A_25 = vector.broadcast %div3A : f32 to vector<5000x1xf32>
    %div3A_26 = arith.divf %div3A_25, %select_n3A : vector<5000x1xf32>
    %jit3A_27 = arith.constant 0.000000e+00 : f32
    %broadcast_in_dim3A_28 = vector.broadcast %jit3A_27 : f32 to vector<5000x1xf32>
    %select_n3A_29 = arith.select %gt3A_21, %div3A_26, %broadcast_in_dim3A_28 : vector<5000x1xi1>, vector<5000x1xf32>
    %mul3A = vector.broadcast %select_n3A_29 : vector<5000x1xf32> to vector<5000x128xf32>
    %mul3A_30 = arith.mulf %add3A, %mul3A : vector<5000x128xf32>
    %get3A_31 = arith.constant 0 : index
    %get3A_32 = arith.constant 0 : index
    %get3A_33 = vector.load %arg3[%get3A_31, %get3A_32] : memref<1x128xf32, #tpu.memory_space<vmem>>, vector<1x128xf32>
    %add3A_34 = vector.broadcast %get3A_33 : vector<1x128xf32> to vector<5000x128xf32>
    %add3A_35 = arith.addf %mul3A_30, %add3A_34 : vector<5000x128xf32>
    %max3A = arith.constant 0.000000e+00 : f32
    %max3A_36 = vector.broadcast %max3A : f32 to vector<5000x128xf32>
    %max3A_37 = arith.maximumf %add3A_35, %max3A_36 : vector<5000x128xf32>
    %get3A_38 = arith.constant 0 : index
    %get3A_39 = arith.constant 0 : index
    %get3A_40 = vector.load %arg4[%get3A_38, %get3A_39] : memref<128x128xf32, #tpu.memory_space<vmem>>, vector<128x128xf32>
    %dot_general3A = arith.constant dense<0.000000e+00> : vector<5000x128xf32>
    %dot_general3A_41 = tpu.matmul %max3A_37, %get3A_40, %dot_general3A {dimension_numbers = #tpu.dot_dimension_numbers<[1], [0], [0], [1], [0, 0, 1, 1], [], []>, transpose_lhs_hint = false} : vector<5000x128xf32>, vector<128x128xf32>, vector<5000x128xf32> -> vector<5000x128xf32>
    %swap3A = arith.constant 0 : index
    %swap3A_42 = arith.constant 0 : index
    %swap3A_43 = vector.load %arg6[%swap3A, %swap3A_42] : memref<5000x128xf32, #tpu.memory_space<vmem>>, vector<5000x128xf32>
    tpu.vector_store %arg6[%swap3A, %swap3A_42], %dot_general3A_41 {strides = array<i32>} : memref<5000x128xf32, #tpu.memory_space<vmem>>, vector<5000x128xf32>,
    %get3A_44 = arith.constant 0 : index
    %get3A_45 = arith.constant 0 : index
    %get3A_46 = arith.constant 0 : index
    %get3A_47 = vector.load %arg5[%get3A_44, %get3A_45, %get3A_46] : memref<1x1x5000xi32, #tpu.memory_space<vmem>>, vector<1x1x5000xi32>
    %get3A_48 = vector.shape_cast %get3A_47 : vector<1x1x5000xi32> to vector<1x5000xi32>
    %iota3A = tpu.iota {dimensions = array<i32: 0>} : vector<8x5000xi32>
    %eq3A = vector.broadcast %get3A_48 : vector<1x5000xi32> to vector<8x5000xi32>
    %eq3A_49 = arith.cmpi eq, %iota3A, %eq3A : vector<8x5000xi32>
    %convert_element_type3A = arith.extui %eq3A_49 : vector<8x5000xi1> to vector<8x5000xi32>
    %convert_element_type3A_50 = arith.sitofp %convert_element_type3A : vector<8x5000xi32> to vector<8x5000xf32>
    %eq3A_51 = arith.constant 0 : i32
    %eq3A_52 = arith.cmpi eq, %arg0, %eq3A_51 : i32
    %convert_element_type3A_53 = arith.extui %eq3A_52 : i1 to i32
    %cond3A = arith.constant 0 : i32
    %cond3A_54 = arith.cmpi ne, %convert_element_type3A_53, %cond3A : i32
    scf.if %cond3A_54 {
      %broadcast_in_dim3A_73 = arith.constant 0.000000e+00 : f32
      %broadcast_in_dim3A_74 = vector.broadcast %broadcast_in_dim3A_73 : f32 to vector<8x128xf32>
      %swap3A_75 = arith.constant 0 : index
      %swap3A_76 = arith.constant 0 : index
      %swap3A_77 = vector.load %arg7[%swap3A_75, %swap3A_76] : memref<8x128xf32, #tpu.memory_space<vmem>>, vector<8x128xf32>
      tpu.vector_store %arg7[%swap3A_75, %swap3A_76], %broadcast_in_dim3A_74 {strides = array<i32>} : memref<8x128xf32, #tpu.memory_space<vmem>>, vector<8x128xf32>,
      %broadcast_in_dim3A_78 = arith.constant 0.000000e+00 : f32
      %broadcast_in_dim3A_79 = vector.broadcast %broadcast_in_dim3A_78 : f32 to vector<8x1xf32>
      %swap3A_80 = arith.constant 0 : index
      %swap3A_81 = arith.constant 0 : index
      %swap3A_82 = vector.load %arg8[%swap3A_80, %swap3A_81] : memref<8x1xf32, #tpu.memory_space<vmem>>, vector<8x1xf32>
      tpu.vector_store %arg8[%swap3A_80, %swap3A_81], %broadcast_in_dim3A_79 {strides = array<i32>} : memref<8x1xf32, #tpu.memory_space<vmem>>, vector<8x1xf32>,
    } else {
    }
    %get3A_55 = arith.constant 0 : index
    %get3A_56 = arith.constant 0 : index
    %get3A_57 = vector.load %arg7[%get3A_55, %get3A_56] : memref<8x128xf32, #tpu.memory_space<vmem>>, vector<8x128xf32>
    %dot_general3A_58 = arith.constant dense<0.000000e+00> : vector<8x128xf32>
    %dot_general3A_59 = tpu.matmul %convert_element_type3A_50, %max3A_37, %dot_general3A_58 {dimension_numbers = #tpu.dot_dimension_numbers<[1], [0], [0], [1], [0, 0, 1, 1], [], []>, transpose_lhs_hint = false} : vector<8x5000xf32>, vector<5000x128xf32>, vector<8x128xf32> -> vector<8x128xf32>
    %add3A_60 = arith.addf %get3A_57, %dot_general3A_59 : vector<8x128xf32>
    %swap3A_61 = arith.constant 0 : index
    %swap3A_62 = arith.constant 0 : index
    %swap3A_63 = vector.load %arg7[%swap3A_61, %swap3A_62] : memref<8x128xf32, #tpu.memory_space<vmem>>, vector<8x128xf32>
    tpu.vector_store %arg7[%swap3A_61, %swap3A_62], %add3A_60 {strides = array<i32>} : memref<8x128xf32, #tpu.memory_space<vmem>>, vector<8x128xf32>,
    %get3A_64 = arith.constant 0 : index
    %get3A_65 = arith.constant 0 : index
    %get3A_66 = vector.load %arg8[%get3A_64, %get3A_65] : memref<8x1xf32, #tpu.memory_space<vmem>>, vector<8x1xf32>
    %reduce_sum3A = arith.constant dense<0.000000e+00> : vector<8xf32>
    %reduce_sum3A_67 = vector.multi_reduction <add>, %convert_element_type3A_50, %reduce_sum3A [1] : vector<8x5000xf32> to vector<8xf32>
    %broadcast_in_dim3A_68 = vector.shape_cast %reduce_sum3A_67 : vector<8xf32> to vector<8x1xf32>
    %add3A_69 = arith.addf %get3A_66, %broadcast_in_dim3A_68 : vector<8x1xf32>
    %swap3A_70 = arith.constant 0 : index
    %swap3A_71 = arith.constant 0 : index
    %swap3A_72 = vector.load %arg8[%swap3A_70, %swap3A_71] : memref<8x1xf32, #tpu.memory_space<vmem>>, vector<8x1xf32>
    tpu.vector_store %arg8[%swap3A_70, %swap3A_71], %add3A_69 {strides = array<i32>} : memref<8x1xf32, #tpu.memory_space<vmem>>, vector<8x1xf32>,
    return
  }
  func.func @transform_0(%arg0: i32) -> (i32, i32, i32) {
    %c0_i32 = arith.constant 0 : i32
    %c0_i32_0 = arith.constant 0 : i32
    %c0_i32_1 = arith.constant 0 : i32
    return %c0_i32, %arg0, %c0_i32_0 : i32, i32, i32
  }
  func.func @transform_1(%arg0: i32) -> (i32, i32, i32) {
    %c0_i32 = arith.constant 0 : i32
    %c0_i32_0 = arith.constant 0 : i32
    %c0_i32_1 = arith.constant 0 : i32
    return %c0_i32, %arg0, %c0_i32_0 : i32, i32, i32
  }
  func.func @transform_2(%arg0: i32) -> (i32, i32) {
    %c0_i32 = arith.constant 0 : i32
    %c0_i32_0 = arith.constant 0 : i32
    %c0_i32_1 = arith.constant 0 : i32
    return %c0_i32, %c0_i32_0 : i32, i32
  }
  func.func @transform_3(%arg0: i32) -> (i32, i32) {
    %c0_i32 = arith.constant 0 : i32
    %c0_i32_0 = arith.constant 0 : i32
    %c0_i32_1 = arith.constant 0 : i32
    return %c0_i32, %c0_i32_0 : i32, i32
  }
  func.func @transform_4(%arg0: i32) -> (i32, i32, i32) {
    %c0_i32 = arith.constant 0 : i32
    %c0_i32_0 = arith.constant 0 : i32
    %c0_i32_1 = arith.constant 0 : i32
    return %arg0, %c0_i32, %c0_i32_0 : i32, i32, i32
  }
  func.func @transform_5(%arg0: i32) -> (i32, i32) {
    %c0_i32 = arith.constant 0 : i32
    %c0_i32_0 = arith.constant 0 : i32
    return %arg0, %c0_i32 : i32, i32
  }
  func.func @transform_6(%arg0: i32) -> (i32, i32) {
    %c0_i32 = arith.constant 0 : i32
    %c0_i32_0 = arith.constant 0 : i32
    %c0_i32_1 = arith.constant 0 : i32
    return %c0_i32, %c0_i32_0 : i32, i32
  }
  func.func @transform_7(%arg0: i32) -> (i32, i32) {
    %c0_i32 = arith.constant 0 : i32
    %c0_i32_0 = arith.constant 0 : i32
    %c0_i32_1 = arith.constant 0 : i32
    return %c0_i32, %c0_i32_0 : i32, i32
  }
}

module attributes {stable_mosaic.version = 14 : i64} {
  func.func @_post2_body(%arg0: i32, %arg1: memref<2x5000x128xf32, #tpu.memory_space<vmem>>, %arg2: memref<2x5000x16xf32, #tpu.memory_space<vmem>>, %arg3: memref<1x128xf32, #tpu.memory_space<vmem>>, %arg4: memref<1x1x5000xi32, #tpu.memory_space<vmem>>, %arg5: memref<8x128xf32, #tpu.memory_space<vmem>>, %arg6: memref<8x1xf32, #tpu.memory_space<vmem>>, %arg7: memref<256x128xf32, #tpu.memory_space<vmem>>, %arg8: memref<1x128xf32, #tpu.memory_space<vmem>>, %arg9: memref<128x64xf32, #tpu.memory_space<vmem>>, %arg10: memref<1x64xf32, #tpu.memory_space<vmem>>, %arg11: memref<1x64xf32, #tpu.memory_space<vmem>>, %arg12: memref<1x64xf32, #tpu.memory_space<vmem>>, %arg13: memref<64x32xf32, #tpu.memory_space<vmem>>, %arg14: memref<1x32xf32, #tpu.memory_space<vmem>>, %arg15: memref<1x32xf32, #tpu.memory_space<vmem>>, %arg16: memref<1x32xf32, #tpu.memory_space<vmem>>, %arg17: memref<32x4xf32, #tpu.memory_space<vmem>>, %arg18: memref<8x128xf32, #tpu.memory_space<vmem>>, %arg19: memref<8x4xf32, #tpu.memory_space<vmem>>) attributes {dimension_semantics = [#tpu.dimension_semantics<arbitrary>], iteration_bounds = array<i64: 2>, scalar_prefetch = 0 : i64, scratch_operands = 0 : i64, tpu.core_type = #tpu.core_type<tc>, window_params = [{transform_indices = @transform_0, window_bounds = array<i64: 2, 5000, 128>}, {transform_indices = @transform_1, window_bounds = array<i64: 2, 5000, 16>}, {pipeline_mode = #tpu.pipeline_mode<synchronous>, transform_indices = @transform_2, window_bounds = array<i64: 1, 128>}, {transform_indices = @transform_3, window_bounds = array<i64: 1, 1, 5000>}, {pipeline_mode = #tpu.pipeline_mode<synchronous>, transform_indices = @transform_4, window_bounds = array<i64: 8, 128>}, {pipeline_mode = #tpu.pipeline_mode<synchronous>, transform_indices = @transform_5, window_bounds = array<i64: 8, 1>}, {pipeline_mode = #tpu.pipeline_mode<synchronous>, transform_indices = @transform_6, window_bounds = array<i64: 256, 128>}, {pipeline_mode = #tpu.pipeline_mode<synchronous>, transform_indices = @transform_7, window_bounds = array<i64: 1, 128>}, {pipeline_mode = #tpu.pipeline_mode<synchronous>, transform_indices = @transform_8, window_bounds = array<i64: 128, 64>}, {pipeline_mode = #tpu.pipeline_mode<synchronous>, transform_indices = @transform_9, window_bounds = array<i64: 1, 64>}, {pipeline_mode = #tpu.pipeline_mode<synchronous>, transform_indices = @transform_10, window_bounds = array<i64: 1, 64>}, {pipeline_mode = #tpu.pipeline_mode<synchronous>, transform_indices = @transform_11, window_bounds = array<i64: 1, 64>}, {pipeline_mode = #tpu.pipeline_mode<synchronous>, transform_indices = @transform_12, window_bounds = array<i64: 64, 32>}, {pipeline_mode = #tpu.pipeline_mode<synchronous>, transform_indices = @transform_13, window_bounds = array<i64: 1, 32>}, {pipeline_mode = #tpu.pipeline_mode<synchronous>, transform_indices = @transform_14, window_bounds = array<i64: 1, 32>}, {pipeline_mode = #tpu.pipeline_mode<synchronous>, transform_indices = @transform_15, window_bounds = array<i64: 1, 32>}, {pipeline_mode = #tpu.pipeline_mode<synchronous>, transform_indices = @transform_16, window_bounds = array<i64: 32, 4>}, {pipeline_mode = #tpu.pipeline_mode<synchronous>, transform_indices = @transform_17, window_bounds = array<i64: 8, 128>}, {pipeline_mode = #tpu.pipeline_mode<synchronous>, transform_indices = @transform_18, window_bounds = array<i64: 8, 4>}]} {
    %get3A = arith.constant 0 : index
    %get3A_0 = arith.constant 0 : index
    %get3A_1 = arith.constant 0 : index
    %get3A_2 = vector.load %arg1[%get3A, %get3A_0, %get3A_1] : memref<2x5000x128xf32, #tpu.memory_space<vmem>>, vector<1x5000x128xf32>
    %get3A_3 = vector.shape_cast %get3A_2 : vector<1x5000x128xf32> to vector<5000x128xf32>
    %get3A_4 = arith.constant 1 : index
    %get3A_5 = arith.constant 0 : index
    %get3A_6 = arith.constant 0 : index
    %get3A_7 = vector.load %arg1[%get3A_4, %get3A_5, %get3A_6] : memref<2x5000x128xf32, #tpu.memory_space<vmem>>, vector<1x5000x128xf32>
    %get3A_8 = vector.shape_cast %get3A_7 : vector<1x5000x128xf32> to vector<5000x128xf32>
    %add3A = arith.addf %get3A_3, %get3A_8 : vector<5000x128xf32>
    %get3A_9 = arith.constant 0 : index
    %get3A_10 = arith.constant 0 : index
    %get3A_11 = arith.constant 0 : index
    %get3A_12 = vector.load %arg2[%get3A_9, %get3A_10, %get3A_11] : memref<2x5000x16xf32, #tpu.memory_space<vmem>>, vector<1x5000x16xf32>
    %get3A_13 = vector.shape_cast %get3A_12 : vector<1x5000x16xf32> to vector<5000x16xf32>
    %get3A_14 = arith.constant 1 : index
    %get3A_15 = arith.constant 0 : index
    %get3A_16 = arith.constant 0 : index
    %get3A_17 = vector.load %arg2[%get3A_14, %get3A_15, %get3A_16] : memref<2x5000x16xf32, #tpu.memory_space<vmem>>, vector<1x5000x16xf32>
    %get3A_18 = vector.shape_cast %get3A_17 : vector<1x5000x16xf32> to vector<5000x16xf32>
    %add3A_19 = arith.addf %get3A_13, %get3A_18 : vector<5000x16xf32>
    %slice3A = vector.extract_strided_slice %add3A_19 {offsets = [0, 0], sizes = [5000, 1], strides = [1, 1]} : vector<5000x16xf32> to vector<5000x1xf32>
    %gt3A = arith.constant 0.000000e+00 : f32
    %gt3A_20 = vector.broadcast %gt3A : f32 to vector<5000x1xf32>
    %gt3A_21 = arith.cmpf ogt, %slice3A, %gt3A_20 : vector<5000x1xf32>
    %gt3A_22 = arith.constant 0.000000e+00 : f32
    %gt3A_23 = vector.broadcast %gt3A_22 : f32 to vector<5000x1xf32>
    %gt3A_24 = arith.cmpf ogt, %slice3A, %gt3A_23 : vector<5000x1xf32>
    %jit3A = arith.constant 1.000000e+00 : f32
    %broadcast_in_dim3A = vector.broadcast %jit3A : f32 to vector<5000x1xf32>
    %select_n3A = arith.select %gt3A_24, %slice3A, %broadcast_in_dim3A : vector<5000x1xi1>, vector<5000x1xf32>
    %div3A = arith.constant 1.000000e+00 : f32
    %div3A_25 = vector.broadcast %div3A : f32 to vector<5000x1xf32>
    %div3A_26 = arith.divf %div3A_25, %select_n3A : vector<5000x1xf32>
    %jit3A_27 = arith.constant 0.000000e+00 : f32
    %broadcast_in_dim3A_28 = vector.broadcast %jit3A_27 : f32 to vector<5000x1xf32>
    %select_n3A_29 = arith.select %gt3A_21, %div3A_26, %broadcast_in_dim3A_28 : vector<5000x1xi1>, vector<5000x1xf32>
    %mul3A = vector.broadcast %select_n3A_29 : vector<5000x1xf32> to vector<5000x128xf32>
    %mul3A_30 = arith.mulf %add3A, %mul3A : vector<5000x128xf32>
    %get3A_31 = arith.constant 0 : index
    %get3A_32 = arith.constant 0 : index
    %get3A_33 = vector.load %arg3[%get3A_31, %get3A_32] : memref<1x128xf32, #tpu.memory_space<vmem>>, vector<1x128xf32>
    %add3A_34 = vector.broadcast %get3A_33 : vector<1x128xf32> to vector<5000x128xf32>
    %add3A_35 = arith.addf %mul3A_30, %add3A_34 : vector<5000x128xf32>
    %max3A = arith.constant 0.000000e+00 : f32
    %max3A_36 = vector.broadcast %max3A : f32 to vector<5000x128xf32>
    %max3A_37 = arith.maximumf %add3A_35, %max3A_36 : vector<5000x128xf32>
    %get3A_38 = arith.constant 0 : index
    %get3A_39 = arith.constant 0 : index
    %get3A_40 = arith.constant 0 : index
    %get3A_41 = vector.load %arg4[%get3A_38, %get3A_39, %get3A_40] : memref<1x1x5000xi32, #tpu.memory_space<vmem>>, vector<1x1x5000xi32>
    %get3A_42 = vector.shape_cast %get3A_41 : vector<1x1x5000xi32> to vector<1x5000xi32>
    %iota3A = tpu.iota {dimensions = array<i32: 0>} : vector<8x5000xi32>
    %eq3A = vector.broadcast %get3A_42 : vector<1x5000xi32> to vector<8x5000xi32>
    %eq3A_43 = arith.cmpi eq, %iota3A, %eq3A : vector<8x5000xi32>
    %convert_element_type3A = arith.extui %eq3A_43 : vector<8x5000xi1> to vector<8x5000xi32>
    %convert_element_type3A_44 = arith.sitofp %convert_element_type3A : vector<8x5000xi32> to vector<8x5000xf32>
    %eq3A_45 = arith.constant 0 : i32
    %eq3A_46 = arith.cmpi eq, %arg0, %eq3A_45 : i32
    %convert_element_type3A_47 = arith.extui %eq3A_46 : i1 to i32
    %cond3A = arith.constant 0 : i32
    %cond3A_48 = arith.cmpi ne, %convert_element_type3A_47, %cond3A : i32
    scf.if %cond3A_48 {
      %broadcast_in_dim3A_61 = arith.constant 0.000000e+00 : f32
      %broadcast_in_dim3A_62 = vector.broadcast %broadcast_in_dim3A_61 : f32 to vector<8x128xf32>
      %swap3A_63 = arith.constant 0 : index
      %swap3A_64 = arith.constant 0 : index
      %swap3A_65 = vector.load %arg18[%swap3A_63, %swap3A_64] : memref<8x128xf32, #tpu.memory_space<vmem>>, vector<8x128xf32>
      tpu.vector_store %arg18[%swap3A_63, %swap3A_64], %broadcast_in_dim3A_62 {strides = array<i32>} : memref<8x128xf32, #tpu.memory_space<vmem>>, vector<8x128xf32>,
    } else {
    }
    %get3A_49 = arith.constant 0 : index
    %get3A_50 = arith.constant 0 : index
    %get3A_51 = vector.load %arg18[%get3A_49, %get3A_50] : memref<8x128xf32, #tpu.memory_space<vmem>>, vector<8x128xf32>
    %dot_general3A = arith.constant dense<0.000000e+00> : vector<8x128xf32>
    %dot_general3A_52 = tpu.matmul %convert_element_type3A_44, %max3A_37, %dot_general3A {dimension_numbers = #tpu.dot_dimension_numbers<[1], [0], [0], [1], [0, 0, 1, 1], [], []>, transpose_lhs_hint = false} : vector<8x5000xf32>, vector<5000x128xf32>, vector<8x128xf32> -> vector<8x128xf32>
    %add3A_53 = arith.addf %get3A_51, %dot_general3A_52 : vector<8x128xf32>
    %swap3A = arith.constant 0 : index
    %swap3A_54 = arith.constant 0 : index
    %swap3A_55 = vector.load %arg18[%swap3A, %swap3A_54] : memref<8x128xf32, #tpu.memory_space<vmem>>, vector<8x128xf32>
    tpu.vector_store %arg18[%swap3A, %swap3A_54], %add3A_53 {strides = array<i32>} : memref<8x128xf32, #tpu.memory_space<vmem>>, vector<8x128xf32>,
    %eq3A_56 = arith.constant 1 : i32
    %eq3A_57 = arith.cmpi eq, %arg0, %eq3A_56 : i32
    %convert_element_type3A_58 = arith.extui %eq3A_57 : i1 to i32
    %cond3A_59 = arith.constant 0 : i32
    %cond3A_60 = arith.cmpi ne, %convert_element_type3A_58, %cond3A_59 : i32
    scf.if %cond3A_60 {
      %get3A_61 = arith.constant 0 : index
      %get3A_62 = arith.constant 0 : index
      %get3A_63 = vector.load %arg6[%get3A_61, %get3A_62] : memref<8x1xf32, #tpu.memory_space<vmem>>, vector<8x1xf32>
      %max3A_64 = arith.constant 1.000000e+00 : f32
      %max3A_65 = vector.broadcast %max3A_64 : f32 to vector<8x1xf32>
      %max3A_66 = arith.maximumf %get3A_63, %max3A_65 : vector<8x1xf32>
      %get3A_67 = arith.constant 0 : index
      %get3A_68 = arith.constant 0 : index
      %get3A_69 = vector.load %arg5[%get3A_67, %get3A_68] : memref<8x128xf32, #tpu.memory_space<vmem>>, vector<8x128xf32>
      %div3A_70 = vector.broadcast %max3A_66 : vector<8x1xf32> to vector<8x128xf32>
      %div3A_71 = arith.divf %get3A_69, %div3A_70 : vector<8x128xf32>
      %get3A_72 = arith.constant 0 : index
      %get3A_73 = arith.constant 0 : index
      %get3A_74 = vector.load %arg18[%get3A_72, %get3A_73] : memref<8x128xf32, #tpu.memory_space<vmem>>, vector<8x128xf32>
      %div3A_75 = vector.broadcast %max3A_66 : vector<8x1xf32> to vector<8x128xf32>
      %div3A_76 = arith.divf %get3A_74, %div3A_75 : vector<8x128xf32>
      %concatenate3A = tpu.concatenate %div3A_71, %div3A_76 in 1 : vector<8x128xf32>, vector<8x128xf32> -> vector<8x256xf32>
      %get3A_77 = arith.constant 0 : index
      %get3A_78 = arith.constant 0 : index
      %get3A_79 = vector.load %arg7[%get3A_77, %get3A_78] : memref<256x128xf32, #tpu.memory_space<vmem>>, vector<256x128xf32>
      %dot_general3A_80 = arith.constant dense<0.000000e+00> : vector<8x128xf32>
      %dot_general3A_81 = tpu.matmul %concatenate3A, %get3A_79, %dot_general3A_80 {dimension_numbers = #tpu.dot_dimension_numbers<[1], [0], [0], [1], [0, 0, 1, 1], [], []>, transpose_lhs_hint = false} : vector<8x256xf32>, vector<256x128xf32>, vector<8x128xf32> -> vector<8x128xf32>
      %get3A_82 = arith.constant 0 : index
      %get3A_83 = arith.constant 0 : index
      %get3A_84 = vector.load %arg8[%get3A_82, %get3A_83] : memref<1x128xf32, #tpu.memory_space<vmem>>, vector<1x128xf32>
      %add3A_85 = vector.broadcast %get3A_84 : vector<1x128xf32> to vector<8x128xf32>
      %add3A_86 = arith.addf %dot_general3A_81, %add3A_85 : vector<8x128xf32>
      %get3A_87 = arith.constant 0 : index
      %get3A_88 = arith.constant 0 : index
      %get3A_89 = vector.load %arg9[%get3A_87, %get3A_88] : memref<128x64xf32, #tpu.memory_space<vmem>>, vector<128x64xf32>
      %dot_general3A_90 = arith.constant dense<0.000000e+00> : vector<8x64xf32>
      %dot_general3A_91 = tpu.matmul %add3A_86, %get3A_89, %dot_general3A_90 {dimension_numbers = #tpu.dot_dimension_numbers<[1], [0], [0], [1], [0, 0, 1, 1], [], []>, transpose_lhs_hint = false} : vector<8x128xf32>, vector<128x64xf32>, vector<8x64xf32> -> vector<8x64xf32>
      %get3A_92 = arith.constant 0 : index
      %get3A_93 = arith.constant 0 : index
      %get3A_94 = vector.load %arg10[%get3A_92, %get3A_93] : memref<1x64xf32, #tpu.memory_space<vmem>>, vector<1x64xf32>
      %add3A_95 = vector.broadcast %get3A_94 : vector<1x64xf32> to vector<8x64xf32>
      %add3A_96 = arith.addf %dot_general3A_91, %add3A_95 : vector<8x64xf32>
      %mul3A_97 = arith.constant 0.999994993 : f32
      %mul3A_98 = vector.broadcast %mul3A_97 : f32 to vector<8x64xf32>
      %mul3A_99 = arith.mulf %add3A_96, %mul3A_98 : vector<8x64xf32>
      %get3A_100 = arith.constant 0 : index
      %get3A_101 = arith.constant 0 : index
      %get3A_102 = vector.load %arg11[%get3A_100, %get3A_101] : memref<1x64xf32, #tpu.memory_space<vmem>>, vector<1x64xf32>
      %mul3A_103 = vector.broadcast %get3A_102 : vector<1x64xf32> to vector<8x64xf32>
      %mul3A_104 = arith.mulf %mul3A_99, %mul3A_103 : vector<8x64xf32>
      %get3A_105 = arith.constant 0 : index
      %get3A_106 = arith.constant 0 : index
      %get3A_107 = vector.load %arg12[%get3A_105, %get3A_106] : memref<1x64xf32, #tpu.memory_space<vmem>>, vector<1x64xf32>
      %add3A_108 = vector.broadcast %get3A_107 : vector<1x64xf32> to vector<8x64xf32>
      %add3A_109 = arith.addf %mul3A_104, %add3A_108 : vector<8x64xf32>
      %max3A_110 = arith.constant 0.000000e+00 : f32
      %max3A_111 = vector.broadcast %max3A_110 : f32 to vector<8x64xf32>
      %max3A_112 = arith.maximumf %add3A_109, %max3A_111 : vector<8x64xf32>
      %get3A_113 = arith.constant 0 : index
      %get3A_114 = arith.constant 0 : index
      %get3A_115 = vector.load %arg13[%get3A_113, %get3A_114] : memref<64x32xf32, #tpu.memory_space<vmem>>, vector<64x32xf32>
      %dot_general3A_116 = arith.constant dense<0.000000e+00> : vector<8x32xf32>
      %dot_general3A_117 = tpu.matmul %max3A_112, %get3A_115, %dot_general3A_116 {dimension_numbers = #tpu.dot_dimension_numbers<[1], [0], [0], [1], [0, 0, 1, 1], [], []>, transpose_lhs_hint = false} : vector<8x64xf32>, vector<64x32xf32>, vector<8x32xf32> -> vector<8x32xf32>
      %get3A_118 = arith.constant 0 : index
      %get3A_119 = arith.constant 0 : index
      %get3A_120 = vector.load %arg14[%get3A_118, %get3A_119] : memref<1x32xf32, #tpu.memory_space<vmem>>, vector<1x32xf32>
      %add3A_121 = vector.broadcast %get3A_120 : vector<1x32xf32> to vector<8x32xf32>
      %add3A_122 = arith.addf %dot_general3A_117, %add3A_121 : vector<8x32xf32>
      %mul3A_123 = arith.constant 0.999994993 : f32
      %mul3A_124 = vector.broadcast %mul3A_123 : f32 to vector<8x32xf32>
      %mul3A_125 = arith.mulf %add3A_122, %mul3A_124 : vector<8x32xf32>
      %get3A_126 = arith.constant 0 : index
      %get3A_127 = arith.constant 0 : index
      %get3A_128 = vector.load %arg15[%get3A_126, %get3A_127] : memref<1x32xf32, #tpu.memory_space<vmem>>, vector<1x32xf32>
      %mul3A_129 = vector.broadcast %get3A_128 : vector<1x32xf32> to vector<8x32xf32>
      %mul3A_130 = arith.mulf %mul3A_125, %mul3A_129 : vector<8x32xf32>
      %get3A_131 = arith.constant 0 : index
      %get3A_132 = arith.constant 0 : index
      %get3A_133 = vector.load %arg16[%get3A_131, %get3A_132] : memref<1x32xf32, #tpu.memory_space<vmem>>, vector<1x32xf32>
      %add3A_134 = vector.broadcast %get3A_133 : vector<1x32xf32> to vector<8x32xf32>
      %add3A_135 = arith.addf %mul3A_130, %add3A_134 : vector<8x32xf32>
      %max3A_136 = arith.constant 0.000000e+00 : f32
      %max3A_137 = vector.broadcast %max3A_136 : f32 to vector<8x32xf32>
      %max3A_138 = arith.maximumf %add3A_135, %max3A_137 : vector<8x32xf32>
      %get3A_139 = arith.constant 0 : index
      %get3A_140 = arith.constant 0 : index
      %get3A_141 = vector.load %arg17[%get3A_139, %get3A_140] : memref<32x4xf32, #tpu.memory_space<vmem>>, vector<32x4xf32>
      %dot_general3A_142 = arith.constant dense<0.000000e+00> : vector<8x4xf32>
      %dot_general3A_143 = tpu.matmul %max3A_138, %get3A_141, %dot_general3A_142 {dimension_numbers = #tpu.dot_dimension_numbers<[1], [0], [0], [1], [0, 0, 1, 1], [], []>, transpose_lhs_hint = false} : vector<8x32xf32>, vector<32x4xf32>, vector<8x4xf32> -> vector<8x4xf32>
      %swap3A_144 = arith.constant 0 : index
      %swap3A_145 = arith.constant 0 : index
      %swap3A_146 = vector.load %arg19[%swap3A_144, %swap3A_145] : memref<8x4xf32, #tpu.memory_space<vmem>>, vector<8x4xf32>
      tpu.vector_store %arg19[%swap3A_144, %swap3A_145], %dot_general3A_143 {strides = array<i32>} : memref<8x4xf32, #tpu.memory_space<vmem>>, vector<8x4xf32>,
    } else {
    }
    return
  }
  func.func @transform_0(%arg0: i32) -> (i32, i32, i32) {
    %c0_i32 = arith.constant 0 : i32
    %c0_i32_0 = arith.constant 0 : i32
    %c0_i32_1 = arith.constant 0 : i32
    return %c0_i32, %arg0, %c0_i32_0 : i32, i32, i32
  }
  func.func @transform_1(%arg0: i32) -> (i32, i32, i32) {
    %c0_i32 = arith.constant 0 : i32
    %c0_i32_0 = arith.constant 0 : i32
    %c0_i32_1 = arith.constant 0 : i32
    return %c0_i32, %arg0, %c0_i32_0 : i32, i32, i32
  }
  func.func @transform_2(%arg0: i32) -> (i32, i32) {
    %c0_i32 = arith.constant 0 : i32
    %c0_i32_0 = arith.constant 0 : i32
    %c0_i32_1 = arith.constant 0 : i32
    return %c0_i32, %c0_i32_0 : i32, i32
  }
  func.func @transform_3(%arg0: i32) -> (i32, i32, i32) {
    %c0_i32 = arith.constant 0 : i32
    %c0_i32_0 = arith.constant 0 : i32
    %c0_i32_1 = arith.constant 0 : i32
    return %arg0, %c0_i32, %c0_i32_0 : i32, i32, i32
  }
  func.func @transform_4(%arg0: i32) -> (i32, i32) {
    %c0_i32 = arith.constant 0 : i32
    %c0_i32_0 = arith.constant 0 : i32
    %c0_i32_1 = arith.constant 0 : i32
    return %c0_i32, %c0_i32_0 : i32, i32
  }
  func.func @transform_5(%arg0: i32) -> (i32, i32) {
    %c0_i32 = arith.constant 0 : i32
    %c0_i32_0 = arith.constant 0 : i32
    %c0_i32_1 = arith.constant 0 : i32
    return %c0_i32, %c0_i32_0 : i32, i32
  }
  func.func @transform_6(%arg0: i32) -> (i32, i32) {
    %c0_i32 = arith.constant 0 : i32
    %c0_i32_0 = arith.constant 0 : i32
    %c0_i32_1 = arith.constant 0 : i32
    return %c0_i32, %c0_i32_0 : i32, i32
  }
  func.func @transform_7(%arg0: i32) -> (i32, i32) {
    %c0_i32 = arith.constant 0 : i32
    %c0_i32_0 = arith.constant 0 : i32
    %c0_i32_1 = arith.constant 0 : i32
    return %c0_i32, %c0_i32_0 : i32, i32
  }
  func.func @transform_8(%arg0: i32) -> (i32, i32) {
    %c0_i32 = arith.constant 0 : i32
    %c0_i32_0 = arith.constant 0 : i32
    %c0_i32_1 = arith.constant 0 : i32
    return %c0_i32, %c0_i32_0 : i32, i32
  }
  func.func @transform_9(%arg0: i32) -> (i32, i32) {
    %c0_i32 = arith.constant 0 : i32
    %c0_i32_0 = arith.constant 0 : i32
    %c0_i32_1 = arith.constant 0 : i32
    return %c0_i32, %c0_i32_0 : i32, i32
  }
  func.func @transform_10(%arg0: i32) -> (i32, i32) {
    %c0_i32 = arith.constant 0 : i32
    %c0_i32_0 = arith.constant 0 : i32
    %c0_i32_1 = arith.constant 0 : i32
    return %c0_i32, %c0_i32_0 : i32, i32
  }
  func.func @transform_11(%arg0: i32) -> (i32, i32) {
    %c0_i32 = arith.constant 0 : i32
    %c0_i32_0 = arith.constant 0 : i32
    %c0_i32_1 = arith.constant 0 : i32
    return %c0_i32, %c0_i32_0 : i32, i32
  }
  func.func @transform_12(%arg0: i32) -> (i32, i32) {
    %c0_i32 = arith.constant 0 : i32
    %c0_i32_0 = arith.constant 0 : i32
    %c0_i32_1 = arith.constant 0 : i32
    return %c0_i32, %c0_i32_0 : i32, i32
  }
  func.func @transform_13(%arg0: i32) -> (i32, i32) {
    %c0_i32 = arith.constant 0 : i32
    %c0_i32_0 = arith.constant 0 : i32
    %c0_i32_1 = arith.constant 0 : i32
    return %c0_i32, %c0_i32_0 : i32, i32
  }
  func.func @transform_14(%arg0: i32) -> (i32, i32) {
    %c0_i32 = arith.constant 0 : i32
    %c0_i32_0 = arith.constant 0 : i32
    %c0_i32_1 = arith.constant 0 : i32
    return %c0_i32, %c0_i32_0 : i32, i32
  }
  func.func @transform_15(%arg0: i32) -> (i32, i32) {
    %c0_i32 = arith.constant 0 : i32
    %c0_i32_0 = arith.constant 0 : i32
    %c0_i32_1 = arith.constant 0 : i32
    return %c0_i32, %c0_i32_0 : i32, i32
  }
  func.func @transform_16(%arg0: i32) -> (i32, i32) {
    %c0_i32 = arith.constant 0 : i32
    %c0_i32_0 = arith.constant 0 : i32
    %c0_i32_1 = arith.constant 0 : i32
    return %c0_i32, %c0_i32_0 : i32, i32
  }
  func.func @transform_17(%arg0: i32) -> (i32, i32) {
    %c0_i32 = arith.constant 0 : i32
    %c0_i32_0 = arith.constant 0 : i32
    %c0_i32_1 = arith.constant 0 : i32
    return %c0_i32, %c0_i32_0 : i32, i32
  }
  func.func @transform_18(%arg0: i32) -> (i32, i32) {
    %c0_i32 = arith.constant 0 : i32
    %c0_i32_0 = arith.constant 0 : i32
    %c0_i32_1 = arith.constant 0 : i32
    return %c0_i32, %c0_i32_0 : i32, i32
  }
}

</mosaic_0001>

<sc_bundles>
// kernel: kernel.11.cloned.1.call-start
scs
__scs_entry_jumppad:
0x0: {  	(pc) =	sbr.rel $0x88, $3  }
0x1: {  	(tag) =	ssettag $0x0;
	lr =	simm.s32 $0x1  }
0x2: {  	[smem:$0x3F8D] =	sst lr;
	_ =	strace $0xD0000000  }
0x3: {  	_ = 	snop  }
0x4: {  	_ = 	snop  }
0x5: {  	_ = 	snop  }
0x6: {  	_ = 	snop  }
0x7: {  	_ = 	snop  }
__scs_overlays_trampoline_lowered:
0x8: {  	[smem:$0x3F9C] =	sst s0  }
0x9: {  	[smem:$0x3F9D] =	sst s1  }
0xa: {  	[smem:$0x3F9E] =	sst s2  }
0xb: {  	[smem:$0x3F9F] =	sst s3  }
0xc: {  	[smem:$0x3FA0] =	sst s4  }
0xd: {  	[smem:$0x3FA1] =	sst s5  }
0xe: {  	[smem:$0x3FA2] =	sst s6  }
0xf: {  	[smem:$0x3FA3] =	sst s7  }
0x10: {  	[smem:$0x3FA4] =	sst s8  }
0x11: {  	[smem:$0x3FA5] =	sst s9;
	s0 =	simm.s32 @!p0 $0x0  }
0x12: {  	s1 =	sld [smem:$0x3F8B];
	s0 =	simm.s32 @p0 $0x1  }
0x13: {  	[smem:$0x3FA6] =	sst s0;
	s0 =	simm.s32 @!p1 $0x0  }
0x14: {  	s2 =	sld [smem:$0x3F8A];
	s0 =	simm.s32 @p1 $0x1  }
0x15: {  	[smem:$0x3FA7] =	sst s0;
	s0 =	simm.s32 @!p2 $0x0  }
0x16: {  	s3 =	sld [smem:$0x3FDB];
	s0 =	simm.s32 @p2 $0x1  }
0x17: {  	s4 =	simm.s32 $0x1BF5;
	[smem:$0x3FA9] =	sst s0  }
0x18: {  	s0 =	sld [smem:$0x3F8C];
	_ =	swait.ge [sflag:s4], $0x0  }
0x19: {  	s7 =	sld [smem:$0x3F8D]  }
0x1a: {  	s8 =	sadd.s32 $0xFFFFE003, lr  }
0x1b: {  	s9 =	sadd.s32 $0xFFFFFEF7, lr;
	s5 =	simm.s32 $0xFFFFFFFF;
	p2 =	slt.u32 s8, $0xFFFFF086  }
0x1c: {  	p1 =	slt.u32 s9, $0xF7A;
	s5 =	simm.s32 @!p2 $0x0  }
0x1d: {  	s5 =	simm.s32 @p1 $0x1;
	p0 =	seq.s32 s7, s2  }
0x1e: {  	s7 =	smul.u32 @!p0 $0xF7A, s2;
	p2 =	seq.s32 @!p0 s5, $0x0  }
0x1f: {  	s9 =	smul.u32 $0xF7A, s1;
	s8 =	simm.s32 @!p0 $0x1BF5;
	p2 =	por !p2, p0  }
0x20: {  	[sflag:s8] =	ssyncset.s32 @!p0 $0xFFFFF086;
	s6 =	sadd.s32 @!p0 s3, s7;
	s7 =	simm.s32 @!p0 $0x108  }
0x21: {  	s3 =	sadd.s32 s3, s9;
	s6 =	sadd.s32 @!p0 $0x88, s6;
	s7 =	simm.s32 @p2 $0x1082  }
0x22: {  	[simem:s7], [sflag:s8] =	dma.local @!p0 [hbm:s6], $0xF7A  }
0x23: {  	s9 =	sor.u32 $0xD0000000, s2;
	s6 =	simm.s32 $0x108;
	_ =	swait.ge @!p0 [sflag:s8], $0x0  }
0x24: {  	s3 =	sadd.s32 $0x88, s3;
	s6 =	simm.s32 @!p1 $0x1082;
	[sflag:s4] =	ssyncset.s32 $0xFFFFF086  }
0x25: {  	[simem:s6], [sflag:s4] =	dma.local [hbm:s3], $0xF7A  }
0x26: {  	[smem:$0x3F8D] =	sst s1;
	(tag) =	ssettag s2;
	_ =	strace s9  }
0x27: {  	s1 =	sld [smem:$0x3F9D]  }
0x28: {  	s2 =	sld [smem:$0x3F9E]  }
0x29: {  	s4 =	sld [smem:$0x3FA0]  }
0x2a: {  	p0 =	seq.s32 s5, $0x0;
	s5 =	sld [smem:$0x3FA1]  }
0x2b: {  	s6 =	sld [smem:$0x3FA2]  }
0x2c: {  	s7 =	sld [smem:$0x3FA3]  }
0x2d: {  	s3 =	simm.s32 $0x108;
	s8 =	sld [smem:$0x3FA4]  }
0x2e: {  	s3 =	simm.s32 @!p0 $0x1082;
	s9 =	sld [smem:$0x3FA5]  }
0x2f: {  	lr =	sadd.s32 s0, s3;
	s0 =	sld [smem:$0x3F9C]  }
0x30: {  	s3 =	sld [smem:$0x3F9F]  }
0x31: {  	[smem:$0x3FA8] =	sst s10  }
0x32: {  	s10 =	sld [smem:$0x3FA6];
	_ =	sdelay $0x3  }
0x33: {  	p0 =	seq.s32 s10, $0x1;
	s10 =	sld [smem:$0x3FA8];
	_ =	sdelay $0x3  }
0x34: {  	[smem:$0x3FA8] =	sst s10  }
0x35: {  	s10 =	sld [smem:$0x3FA7];
	_ =	sdelay $0x3  }
0x36: {  	p1 =	seq.s32 s10, $0x1;
	s10 =	sld [smem:$0x3FA8];
	_ =	sdelay $0x3  }
0x37: {  	[smem:$0x3FA8] =	sst s10  }
0x38: {  	s10 =	sld [smem:$0x3FA9]  }
0x39: {  	_ = 	snop;
	(pc) =	sbr.ind lr, $3  }
0x3a: {  	_ = 	snop  }
0x3b: {  	_ = 	snop  }
0x3c: {  	p2 =	seq.s32 s10, $0x1;
	s10 =	sld [smem:$0x3FA8]  }
0x3d: {  	_ =	shalt  }
0x3e: {  	_ =	shalt  }
0x3f: {  	_ =	shalt  }
0x40: {  	_ =	shalt  }
0x41: {  	_ =	shalt  }
0x42: {  	_ =	shalt  }
0x43: {  	_ =	shalt  }
0x44: {  	_ =	shalt  }
0x45: {  	_ =	shalt  }
0x46: {  	_ =	shalt  }
0x47: {  	_ =	shalt  }
0x48: {  	_ =	shalt  }
0x49: {  	_ =	shalt  }
0x4a: {  	_ =	shalt  }
0x4b: {  	_ =	shalt  }
0x4c: {  	_ =	shalt  }
0x4d: {  	_ =	shalt  }
0x4e: {  	_ =	shalt  }
0x4f: {  	_ =	shalt  }
0x50: {  	_ =	shalt  }
0x51: {  	_ =	shalt  }
0x52: {  	_ =	shalt  }
0x53: {  	_ =	shalt  }
0x54: {  	_ =	shalt  }
0x55: {  	_ =	shalt  }
0x56: {  	_ =	shalt  }
0x57: {  	_ =	shalt  }
0x58: {  	_ =	shalt  }
0x59: {  	_ =	shalt  }
0x5a: {  	_ =	shalt  }
0x5b: {  	_ =	shalt  }
0x5c: {  	_ =	shalt  }
0x5d: {  	_ =	shalt  }
0x5e: {  	_ =	shalt  }
0x5f: {  	_ =	shalt  }
0x60: {  	_ =	shalt  }
0x61: {  	_ =	shalt  }
0x62: {  	_ =	shalt  }
0x63: {  	_ =	shalt  }
0x64: {  	_ =	shalt  }
0x65: {  	_ =	shalt  }
0x66: {  	_ =	shalt  }
0x67: {  	_ =	shalt  }
0x68: {  	_ =	shalt  }
0x69: {  	_ =	shalt  }
0x6a: {  	_ =	shalt  }
0x6b: {  	_ =	shalt  }
0x6c: {  	_ =	shalt  }
0x6d: {  	_ =	shalt  }
0x6e: {  	_ =	shalt  }
0x6f: {  	_ =	shalt  }
0x70: {  	_ =	shalt  }
0x71: {  	_ =	shalt  }
0x72: {  	_ =	shalt  }
0x73: {  	_ =	shalt  }
0x74: {  	_ =	shalt  }
0x75: {  	_ =	shalt  }
0x76: {  	_ =	shalt  }
0x77: {  	_ =	shalt  }
0x78: {  	_ =	shalt  }
0x79: {  	_ =	shalt  }
0x7a: {  	_ =	shalt  }
0x7b: {  	_ =	shalt  }
0x7c: {  	_ =	shalt  }
0x7d: {  	_ =	shalt  }
0x7e: {  	_ =	shalt  }
0x7f: {  	_ =	shalt  }
0x80: {  	_ =	shalt  }
0x81: {  	_ =	shalt  }
0x82: {  	_ =	shalt  }
0x83: {  	_ =	shalt  }
0x84: {  	_ =	shalt  }
0x85: {  	_ =	shalt  }
0x86: {  	_ =	shalt  }
0x87: {  	_ =	shalt  }
.Lfunc_end0:
.L_simem_size_0:
called_computation_lowered:
.L_overlay_start_0:
0x88: {  	s2 =	sld [smem:$0x3FD9]  }
0x89: {  	s3 =	sld [smem:$0x3FFE];
	_ =	sdelay $0x1  }
0x8a: {  	s1 =	srdreg.scid  }
0x8b: {  	s0 =	sand.u32 $0x1, s1  }
0x8c: {  	s16 =	sshll.u32 s0, $0xA;
	s2 =	sadd.s32 s3, s2  }
0x8d: {  	s2 =	sadd.s32 s2, s16  }
0x8e: {  	[smem:$0x3FB4] =	sst s2  }
0x8f: {  	_ = 	snop  }
0x90: {  	(tm) =	ssettm $0x1  }
0x91: {  	s17 =	sld [smem:$0x3FFB];
	_ =	sdelay $0x3  }
0x92: {  	_ =	strace s17  }
0x93: {  	s2 =	sld [smem:$0x3FFC];
	_ =	sdelay $0x3  }
0x94: {  	_ =	strace s2  }
0x95: {  	s2 =	sld [smem:$0x3FFD];
	_ =	sdelay $0x3  }
0x96: {  	_ =	strace s2  }
0x97: {  	_ =	strace $0x8FFFFFFF  }
0x98: {  	s18 =	sld [smem:$0x3FDB];
	_ =	sdelay $0x1  }
0x99: {  	s19 =	simm.s32 $_scs_section_size  }
0x9a: {  	s4 =	simm.s32 $_size__tile_overlayer_lowered;
	s5 =	simm.s32 $_tile_overlayer_lowered  }
0x9b: {  	s22 =	simm.s32 $0x1BFF;
	s21 =	sshll.u32 s5, $0x1;
	s2 =	sadd.s32 s19, s18  }
0x9c: {  	s6 =	simm.s32 $0x0;
	s20 =	sshll.u32 s4, $0x1;
	s4 =	sadd.s32 s21, s2  }
0x9d: {  	[timem:s6], [sflag:s22] =	dma.local [hbm:s4], s20  }
0x9e: {  	_ =	swait.ge [sflag:s22], s20  }
0x9f: {  	s3 =	ssub.s32 $0x0, s20;
	[sflag:s22] =	ssyncset.done $0x0  }
0xa0: {  	[sflag:s22] =	ssyncadd.s32 s3;
	_ =	sdelay $0x1  }
0xa1: {  	s23 =	simm.s32 $0x1B8B  }
0xa2: {  	_ =	swait.ge [sflag:s23], $0x1  }
0xa3: {  	[sflag:s23] =	ssyncset.done $0x0  }
0xa4: {  	s25 =	simm.s32 $0x1B8E;
	s24 =	sld [smem:$0x3FFE];
	[sflag:s23] =	ssyncadd.s32 $0xFFFFFFFF  }
0xa5: {  	s26 =	simm.s32 $execute0_lowered;
	[smem:$0x3FD2] =	sst s25  }
0xa6: {  	s4 =	sshll.u32 s26, $0x1;
	_ =	strace $0x80000046;
	[dreg:$0x1] =	wrdreg $0xFFFFFFFF  }
0xa7: {  	s28 =	simm.s32 $_size_execute0_lowered;
	s2 =	sadd.s32 s2, s4;
	[dreg:$0x0] =	wrdreg $0x0  }
0xa8: {  	s4 =	sshll.u32 s28, $0x1;
	[dreg:$0x2] =	wrdreg s2  }
0xa9: {  	[dreg:$0x3] =	wrdreg s4  }
0xaa: {  	[dreg:$0x4] =	wrdreg $0xC0  }
0xab: {  	_ =	task [dreg:s6], $0x5FFFF  }
0xac: {  	[dreg:$0x1] =	wrdreg $0xFFFFFFFF  }
0xad: {  	[dreg:$0x0] =	wrdreg $0x60  }
0xae: {  	[dreg:$0x2] =	wrdreg s24  }
0xaf: {  	[dreg:$0x3] =	wrdreg $0xB4000  }
0xb0: {  	[dreg:$0x4] =	wrdreg $0x8C000  }
0xb1: {  	[dreg:$0x5] =	wrdreg $0x9  }
0xb2: {  	_ =	task.clear_ibuf [dreg:s6], $0x6FFFF;
	_ =	strace $0x90000046  }
0xb3: {  	s29 =	simm.s32 $0x9;
	_ =	strace $0x80000048  }
0xb4: {  	_ =	swait.ge [sflag:s29], $0x1  }
0xb5: {  	[sflag:s29] =	ssyncadd.s32 $0xFFFFFFFF  }
0xb6: {  	_ =	strace $0x90000048  }
0xb7: {  	_ =	sfence  }
0xb8: {  	s30 =	sld [smem:$0x0];
	_ =	sdelay $0x2  }
0xb9: {  	s31 =	sshll.u32 s1, $0xD;
	s1 =	sshrl.u32 s1, $0x2  }
0xba: {  	s3 =	sand.u32 $0x4000, s31;
	s1 =	sadd.s32 s1, s30  }
0xbb: {  	s0 =	sor.u32 s3, s0;
	s1 =	sshll.u32 s1, $0x11  }
0xbc: {  	s0 =	sor.u32 s1, s0  }
0xbd: {  	s0 =	sadd.s32 $0x8F2B, s0  }
0xbe: {  	[sflag:s0] =	ssyncadd.remote.s32 $0x1  }
0xbf: {  	_ =	sfence.sel $0xFFFF  }
0xc0: {  	[dreg:$0x0] =	wrdreg $0xFFFFFFFF;
	(pc) =	sbr.abs _section_cstart, $3  }
0xc1: {  	[dreg:$0x1] =	wrdreg $0xFFFFFFFF  }
0xc2: {  	_ =	task.clear_ibuf [dreg:s6], $0x2FFFF;
	_ =	strace $0x9FFFFFFF  }
0xc3: {  	(tm) =	ssettm $0x7FFFFFFF  }
tec
execute0_lowered:
.L_overlay_start_1:
0x0: {  	(tag) =	ssettag $0x1  }
0x1: {  	s0 =	rddreg [dreg:$0x0]  }
0x2: {  	s1 =	rddreg [dreg:$0x1]  }
0x3: {  	s2 =	rddreg [dreg:$0x2];
	s4 =	simm.s32 $0x0;
	s3 =	srdreg.scid  }
0x4: {  	s14 =	stileid.u32;
	s28 =	simm.s32 $0x400;
	s29 =	simm.s32 $0x4400  }
0x5: {  	s30 =	simm.s32 $0x8400;
	s31 =	simm.s32 $0x2;
	[smem:$0x7FF] =	sst s4  }
0x6: {  	s3 =	sand.u32 $0x1, s3;
	s6 =	smul.u32 $0x14000, s14;
	s5 =	sadd.s32 $0x1A000, s0  }
0x7: {  	s7 =	sadd.s32 $0x6000, s0;
	s9 =	sadd.s32 $0x41200, s0;
	s17 =	sadd.s32 $0x43A00, s0  }
0x8: {  	s10 =	smul.u32 $0x2800, s14;
	_ =	strace $0x80000047;
	[dreg:$0x4] =	wrdreg s9  }
0x9: {  	s12 =	sadd.s32 $0x44000, s0;
	s8 =	smul.u32 $0x140000, s3;
	[dreg:$0x5] =	wrdreg s17  }
0xa: {  	s18 =	smul.u32 $0x28000, s3;
	s11 =	sshll.u32 s3, $0x4;
	[dreg:$0x6] =	wrdreg s12  }
0xb: {  	s19 =	ssub.s32 $0x2, s3;
	s3 =	smul.u32 $0x50000, s3;
	s11 =	sor.u32 s14, s11  }
0xc: {  	s13 =	sshrl.u32 s19, $0x1;
	s14 =	smul.u32 $0x5000, s14;
	s23 =	sadd.s32 s10, s2  }
0xd: {  	s8 =	sadd.s32 s6, s8;
	s9 =	sadd.s32 s10, s18;
	s11 =	smul.u32 $0x5000, s11  }
0xe: {  	s12 =	ssub.s32 s19, s13;
	s6 =	sadd.s32 s6, s1;
	[dreg:$0xc] =	wrdreg s23  }
0xf: {  	s23 =	simm.s32 $0x100;
	s10 =	simm.s32 $0x280;
	s13 =	simm.s32 $0x0  }
0x10: {  	s8 =	sshrl.u32 s8, $0x3;
	s9 =	sshrl.u32 s9, $0x3;
	s3 =	sadd.s32 s14, s3  }
0x11: {  	[dreg:$0xb] =	wrdreg s6;
	s24 =	smax.u32 s12, $0x1;
	s12 =	simm.s32 $0x5  }
0x12: {  	s8 =	sadd.s32 s8, s0;
	s11 =	sshrl.u32 s11, $0x3;
	s0 =	sadd.s32 s9, s0  }
0x13: {  	s22 =	sor.u32 $0x700, s3;
	[dreg:$0xf] =	wrdreg s24;
	s25 =	sor.u32 $0x600, s3  }
0x14: {  	s26 =	sor.u32 $0x500, s3;
	s3 =	sor.u32 $0x400, s3;
	s24 =	simm.s32 $0x200  }
0x15: {  	s20 =	sadd.s32 s7, s11;
	s8 =	sadd.s32 $0x4E200, s8;
	s6 =	sshrl.u32 s22, $0x3  }
0x16: {  	s0 =	sadd.s32 $0x44200, s0;
	s3 =	sshrl.u32 s3, $0x3;
	[dreg:$0x7] =	wrdreg s20  }
0x17: {  	s22 =	simm.s32 $0x8;
	s11 =	sadd.s32 $0x20, s20;
	[dreg:$0xd] =	wrdreg s8  }
0x18: {  	s21 =	sadd.s32 $0x40, s20;
	s9 =	sadd.s32 $0x60, s20;
	[dreg:$0xe] =	wrdreg s0  }
0x19: {  	s18 =	sadd.s32 s6, s7;
	s0 =	sshrl.u32 s25, $0x3;
	s6 =	sshrl.u32 s26, $0x3  }
.Ltmp0:
0x1a: {  	s25 =	simm.s32 $0x300;
	[dreg:$0x8] =	wrdreg s11;
	(pc) =	sbr.rel .LBB2_1-.Ltmp0, $4  }
0x1b: {  	s26 =	simm.s32 $0x80;
	s8 =	simm.s32 $0x7;
	[dreg:$0x9] =	wrdreg s21  }
0x1c: {  	[dreg:$0xa] =	wrdreg s9;
	s19 =	sadd.s32 s0, s7;
	s20 =	sadd.s32 s6, s7  }
0x1d: {  	s21 =	sadd.s32 s3, s7;
	s0 =	simm.s32 $0x1;
	s3 =	simm.s32 $0x6  }
0x1e: {  	s6 =	simm.s32 $0x3;
	s7 =	simm.s32 $0x180;
	s11 =	simm.s32 $0x380  }
.LBB2_4:
0x1f: {  	[bflag:$0x0] =	sbarrier.arrive $0xFFFF  }
0x20: {  	s9 =	rddreg [dreg:$0xd]  }
0x21: {  	s15 =	rddreg [dreg:$0x10]  }
0x22: {  	[hbm:s9], [sflag:s14] =	dma.local [spmem:s15], $0x2800  }
0x23: {  	_ =	swait.ge [sflag:s22], $0x2800  }
0x24: {  	[sflag:s22] =	ssyncset.done $0x0;
	s15 =	rddreg [dreg:$0xe]  }
0x25: {  	s16 =	rddreg [dreg:$0x11];
	[sflag:s22] =	ssyncadd.s32 $0xFFFFD800  }
0x26: {  	[hbm:s15], [sflag:s14] =	dma.local [spmem:s16], $0x500  }
0x27: {  	_ =	swait.ge [sflag:s22], $0x500  }
0x28: {  	s13 =	sadd.s32 $0x1, s13;
	s17 =	rddreg [dreg:$0xf]  }
0x29: {  	p0 =	sne.s32 s13, s17  }
.Ltmp1:
0x2a: {  	_ = 	snop;
	(pc) =	sbr.rel @!p0 .LBB2_5-.Ltmp1, $3  }
0x2b: {  	_ =	sdelay $0x1  }
0x2c: {  	[sflag:s22] =	ssyncset.done $0x0  }
0x2d: {  	[sflag:s22] =	ssyncadd.s32 $0xFFFFFB00  }
.LBB2_1:
0x2e: {  	s9 =	rddreg [dreg:$0x7]  }
0x2f: {  	[tilespmem:s4], [sflag:$0x8] =	stream.linear.gather [hbm4b:s9+s4], $0x100, $0x38;
	[tilespmem:$0x1F400] =	vst v63  }
0x30: {  	_ =	swait.ge [sflag:s22], $0x100  }
0x31: {  	[sflag:s22] =	ssyncset.done $0x0  }
0x32: {  	s15 =	rddreg [dreg:$0x8];
	[sflag:s22] =	ssyncadd.s32 $0xFFFFFF00  }
0x33: {  	[tilespmem:s23], [sflag:$0x8] =	stream.linear.gather [hbm4b:s15+s4], $0x100, $0x38;
	[tilespmem:$0x1F400] =	vst v63  }
0x34: {  	_ =	swait.ge [sflag:s22], $0x100  }
0x35: {  	[sflag:s22] =	ssyncset.done $0x0;
	s16 =	rddreg [dreg:$0x9]  }
0x36: {  	s17 =	rddreg [dreg:$0xa];
	[sflag:s22] =	ssyncadd.s32 $0xFFFFFF00  }
0x37: {  	[tilespmem:s24], [sflag:$0x6] =	stream.linear.gather [hbm4b:s16+s4], $0x100, $0x38;
	[tilespmem:$0x1F400] =	vst v63  }
0x38: {  	s14 =	stileid.u32;
	s15 =	rddreg [dreg:$0xb]  }
0x39: {  	[tilespmem:s25], [sflag:$0x7] =	stream.linear.gather [hbm4b:s17+s4], $0x100, $0x38;
	[tilespmem:$0x1F400] =	vst v63  }
0x3a: {  	s14 =	sshll.u32 s14, $0x6;
	s15 =	sshrl.u32 s15, $0x3;
	s16 =	rddreg [dreg:$0x4]  }
0x3b: {  	[tilespmem:s28], [sflag:$0x2] =	stream.indirect.gather [hbm4b:s5+s26], $0x80, s4, s26, $0xb8;
	[tilespmem:$0x1F400] =	vst v63  }
0x3c: {  	s14 =	sor.u32 $0x1C08, s14;
	[dreg:$0x10] =	wrdreg s15  }
0x3d: {  	[tilespmem:s29], [sflag:$0x3] =	stream.indirect.gather [hbm4b:s5+s26], $0x80, s23, s26, $0xb8;
	[tilespmem:$0x1F400] =	vst v63  }
0x3e: {  	[spmem:s15], [sflag:s14] =	dma.local [hbm:s16], $0x2800  }
0x3f: {  	_ =	swait.ge [sflag:s22], $0x2800  }
0x40: {  	[sflag:s22] =	ssyncset.done $0x0  }
0x41: {  	s17 =	rddreg [dreg:$0x6];
	[sflag:s22] =	ssyncadd.s32 $0xFFFFD800  }
0x42: {  	[tilespmem:s30], [sflag:$0x8] =	stream.linear.gather [hbm4b:s17+s4], $0x800, $0x38;
	[tilespmem:$0x1F400] =	vst v63  }
0x43: {  	_ =	swait.ge [sflag:s22], $0x800  }
0x44: {  	s15 =	rddreg [dreg:$0xc]  }
0x45: {  	[sflag:s22] =	ssyncset.done $0x0;
	s17 =	rddreg [dreg:$0x5];
	s16 =	sshrl.u32 s15, $0x3  }
0x46: {  	[sflag:s22] =	ssyncadd.s32 $0xFFFFF800;
	[dreg:$0x11] =	wrdreg s16  }
0x47: {  	[spmem:s16], [sflag:s14] =	dma.local [hbm:s17], $0x500  }
0x48: {  	_ =	swait.ge [sflag:s22], $0x500  }
0x49: {  	[sflag:s22] =	ssyncset.done $0x0  }
0x4a: {  	[sflag:s22] =	ssyncadd.s32 $0xFFFFFB00  }
0x4b: {  	s17 =	simm.s32 $0x0;
	[bflag:$0x0] =	sbarrier.arrive $0xFFFF  }
.LBB2_2:
0x4c: {  	_ =	swait.ge [sflag:s31], $0x4000  }
0x4d: {  	[sflag:s31] =	ssyncset.done $0x0  }
0x4e: {  	[sflag:s31] =	ssyncadd.s32 $0xFFFFC000  }
0x4f: {  	[spmem:s2] =	stream.indirect.scatter.add.f32 [tilespmem:s30], [sflag:$0x1], $0x10, s26, s26, $0xb8;
	[tilespmem:$0x1F400] =	vst v63  }
0x50: {  	_ = 	snop  }
0x51: {  	[spmem:s1] =	stream.indirect.scatter.add.f32 [tilespmem:s28], [sflag:$0x8], $0x80, s26, s26, $0xb8;
	[tilespmem:$0x1F400] =	vst v63  }
0x52: {  	_ =	swait.ge [sflag:s22], $0x4000  }
0x53: {  	[sflag:s22] =	ssyncset.done $0x0  }
0x54: {  	[sflag:s22] =	ssyncadd.s32 $0xFFFFC000  }
0x55: {  	_ =	swait.ge [sflag:s0], $0x800  }
0x56: {  	p0 =	seq.s32 s17, $0x980;
	[sflag:s0] =	ssyncset.done $0x0  }
0x57: {  	s9 =	sadd.s32 @!p0 s17, s21;
	s15 =	simm.s32 @!p0 $0x0;
	[sflag:s0] =	ssyncadd.s32 $0xFFFFF800  }
0x58: {  	[tilespmem:s15], [sflag:$0x4] =	stream.linear.gather @!p0 [hbm4b:s9+s15], $0x100, $0x38;
	[tilespmem:$0x1F400] =	vst v63  }
0x59: {  	_ =	swait.ge [sflag:s3], $0x100  }
0x5a: {  	[sflag:s3] =	ssyncset.done $0x0  }
0x5b: {  	[sflag:s3] =	ssyncadd.s32 $0xFFFFFF00  }
0x5c: {  	[tilespmem:s28], [sflag:$0x2] =	stream.indirect.gather [hbm4b:s5+s26], $0x80, s24, s26, $0xb8;
	[tilespmem:$0x1F400] =	vst v63  }
0x5d: {  	_ =	swait.ge [sflag:s6], $0x4000  }
0x5e: {  	[sflag:s6] =	ssyncset.done $0x0  }
0x5f: {  	[sflag:s6] =	ssyncadd.s32 $0xFFFFC000  }
0x60: {  	[spmem:s2] =	stream.indirect.scatter.add.f32 [tilespmem:s30], [sflag:$0x1], $0x10, s7, s26, $0xb8;
	[tilespmem:$0x1F400] =	vst v63  }
0x61: {  	_ = 	snop  }
0x62: {  	[spmem:s1] =	stream.indirect.scatter.add.f32 [tilespmem:s29], [sflag:$0x8], $0x80, s7, s26, $0xb8;
	[tilespmem:$0x1F400] =	vst v63  }
0x63: {  	_ =	swait.ge [sflag:s22], $0x4000  }
0x64: {  	[sflag:s22] =	ssyncset.done $0x0  }
0x65: {  	[sflag:s22] =	ssyncadd.s32 $0xFFFFC000  }
0x66: {  	_ =	swait.ge [sflag:s0], $0x800  }
0x67: {  	[sflag:s0] =	ssyncset.done $0x0  }
0x68: {  	s16 =	simm.s32 @!p0 $0x100;
	s9 =	sadd.s32 @!p0 s17, s20;
	[sflag:s0] =	ssyncadd.s32 $0xFFFFF800  }
0x69: {  	[tilespmem:s16], [sflag:$0x5] =	stream.linear.gather @!p0 [hbm4b:s9+s15], $0x100, $0x38;
	[tilespmem:$0x1F400] =	vst v63  }
0x6a: {  	_ =	swait.ge [sflag:s8], $0x100  }
0x6b: {  	[sflag:s8] =	ssyncset.done $0x0  }
0x6c: {  	[sflag:s8] =	ssyncadd.s32 $0xFFFFFF00  }
0x6d: {  	[tilespmem:s29], [sflag:$0x3] =	stream.indirect.gather [hbm4b:s5+s26], $0x80, s25, s26, $0xb8;
	[tilespmem:$0x1F400] =	vst v63  }
0x6e: {  	_ =	swait.ge [sflag:s31], $0x4000  }
0x6f: {  	[sflag:s31] =	ssyncset.done $0x0  }
0x70: {  	[sflag:s31] =	ssyncadd.s32 $0xFFFFC000  }
0x71: {  	[spmem:s2] =	stream.indirect.scatter.add.f32 [tilespmem:s30], [sflag:$0x1], $0x10, s10, s26, $0xb8;
	[tilespmem:$0x1F400] =	vst v63  }
0x72: {  	_ = 	snop  }
0x73: {  	[spmem:s1] =	stream.indirect.scatter.add.f32 [tilespmem:s28], [sflag:$0x8], $0x80, s10, s26, $0xb8;
	[tilespmem:$0x1F400] =	vst v63  }
0x74: {  	_ =	swait.ge [sflag:s22], $0x4000  }
0x75: {  	[sflag:s22] =	ssyncset.done $0x0  }
0x76: {  	[sflag:s22] =	ssyncadd.s32 $0xFFFFC000  }
0x77: {  	_ =	swait.ge [sflag:s0], $0x800  }
0x78: {  	[sflag:s0] =	ssyncset.done $0x0  }
0x79: {  	s9 =	sadd.s32 @!p0 s17, s19;
	s16 =	simm.s32 @!p0 $0x200;
	[sflag:s0] =	ssyncadd.s32 $0xFFFFF800  }
0x7a: {  	[tilespmem:s16], [sflag:$0x6] =	stream.linear.gather @!p0 [hbm4b:s9+s15], $0x100, $0x38;
	[tilespmem:$0x1F400] =	vst v63  }
0x7b: {  	s9 =	simm.s32 @!p0 $0x4  }
0x7c: {  	_ =	swait.ge @!p0 [sflag:s9], $0x100  }
0x7d: {  	[sflag:s9] =	ssyncset.done @!p0 $0x0  }
0x7e: {  	s16 =	simm.s32 @!p0 $0x400;
	[sflag:s9] =	ssyncadd.s32 @!p0 $0xFFFFFF00;
	s9 =	simm.s32 @!p0 $0x80  }
0x7f: {  	[tilespmem:s16], [sflag:$0x2] =	stream.indirect.gather @!p0 [hbm4b:s5+s9], $0x80, s15, s9, $0xb8;
	[tilespmem:$0x1F400] =	vst v63  }
0x80: {  	_ =	swait.ge [sflag:s6], $0x4000  }
0x81: {  	[sflag:s6] =	ssyncset.done $0x0  }
0x82: {  	[sflag:s6] =	ssyncadd.s32 $0xFFFFC000  }
0x83: {  	[spmem:s2] =	stream.indirect.scatter.add.f32 [tilespmem:s30], [sflag:$0x1], $0x10, s11, s26, $0xb8;
	[tilespmem:$0x1F400] =	vst v63  }
0x84: {  	_ = 	snop  }
0x85: {  	[spmem:s1] =	stream.indirect.scatter.add.f32 [tilespmem:s29], [sflag:$0x8], $0x80, s11, s26, $0xb8;
	[tilespmem:$0x1F400] =	vst v63  }
0x86: {  	_ =	swait.ge [sflag:s22], $0x4000  }
.Ltmp2:
0x87: {  	[sflag:s22] =	ssyncset.done $0x0;
	(pc) =	sbr.rel @p0 .LBB2_4-.Ltmp2, $4  }
0x88: {  	[sflag:s22] =	ssyncadd.s32 $0xFFFFC000  }
0x89: {  	_ =	swait.ge [sflag:s0], $0x800  }
0x8a: {  	[sflag:s0] =	ssyncset.done $0x0  }
0x8b: {  	[sflag:s0] =	ssyncadd.s32 $0xFFFFF800  }
0x8c: {  	s9 =	sadd.s32 s17, s18  }
0x8d: {  	[tilespmem:s25], [sflag:$0x7] =	stream.linear.gather [hbm4b:s9+s4], $0x100, $0x38;
	[tilespmem:$0x1F400] =	vst v63  }
.Ltmp3:
0x8e: {  	_ = 	snop;
	(pc) =	sbr.rel .LBB2_2-.Ltmp3, $4  }
0x8f: {  	_ =	swait.ge [sflag:s12], $0x100  }
0x90: {  	[sflag:s12] =	ssyncset.done $0x0  }
0x91: {  	s17 =	sadd.s32 $0x80, s17;
	[sflag:s12] =	ssyncadd.s32 $0xFFFFFF00  }
0x92: {  	[tilespmem:s29], [sflag:$0x3] =	stream.indirect.gather [hbm4b:s5+s26], $0x80, s23, s26, $0xb8;
	[tilespmem:$0x1F400] =	vst v63  }
.LBB2_5:
0x93: {  	_ =	sfence.sel $0x180000  }
0x94: {  	[bflag:$0x0] =	sbarrier.arrive $0xFFFF  }
0x95: {  	_ =	strace $0x90000047  }
0x96: {  	s0 =	stileid.u32;
	[bflag:$0x2] =	sbarrier.arrive $0xFFFF  }
0x97: {  	p0 =	sne.s32 s0, $0x0;
	s0 =	rddreg [dreg:$0x3]  }
0x98: {  	s0 =	sadd.s32 @!p0 $0x100000, s0  }
0x99: {  	[sflag:s0] =	ssyncadd.tile.s32 @!p0 $0x1;
	_ =	shalt  }
.Lfunc_end2:
_tile_overlayer_lowered:
.L_overlay_start_2:
0x9a: {  	(tag) =	ssettag $0x2  }
0x9b: {  	s0 =	rddreg [dreg:$0x0];
	s2 =	stileid.u32  }
0x9c: {  	s1 =	rddreg [dreg:$0x1];
	p0 =	sne.s32 s2, $0x0  }
0x9d: {  	s3 =	rddreg [dreg:$0x2];
	[bflag:$0x3] =	sbarrier.arrive $0xFFFF;
	s2 =	simm.s32 @!p0 $0x1C08  }
0x9e: {  	[timem:s3], [sflag:s2] =	dma.local @!p0 [hbm:s0], s1  }
0x9f: {  	s0 =	simm.s32 @!p0 $0x8  }
0xa0: {  	_ =	swait.ge @!p0 [sflag:s0], s1  }
0xa1: {  	s1 =	ssub.s32 @!p0 $0x0, s1;
	[sflag:s0] =	ssyncset.done @!p0 $0x0  }
0xa2: {  	[sflag:s0] =	ssyncadd.s32 @!p0 s1  }
0xa3: {  	[bflag:$0x3] =	sbarrier.arrive $0xFFFF  }
0xa4: {  	_ =	shalt  }

// kernel: kernel.14.cloned.1.call-start
scs
__scs_entry_jumppad:
0x0: {  	(pc) =	sbr.rel $0x88, $3  }
0x1: {  	(tag) =	ssettag $0x0;
	lr =	simm.s32 $0x1  }
0x2: {  	[smem:$0x3F8D] =	sst lr;
	_ =	strace $0xD0000000  }
0x3: {  	_ = 	snop  }
0x4: {  	_ = 	snop  }
0x5: {  	_ = 	snop  }
0x6: {  	_ = 	snop  }
0x7: {  	_ = 	snop  }
__scs_overlays_trampoline_lowered:
0x8: {  	[smem:$0x3F9C] =	sst s0  }
0x9: {  	[smem:$0x3F9D] =	sst s1  }
0xa: {  	[smem:$0x3F9E] =	sst s2  }
0xb: {  	[smem:$0x3F9F] =	sst s3  }
0xc: {  	[smem:$0x3FA0] =	sst s4  }
0xd: {  	[smem:$0x3FA1] =	sst s5  }
0xe: {  	[smem:$0x3FA2] =	sst s6  }
0xf: {  	[smem:$0x3FA3] =	sst s7  }
0x10: {  	[smem:$0x3FA4] =	sst s8  }
0x11: {  	[smem:$0x3FA5] =	sst s9;
	s0 =	simm.s32 @!p0 $0x0  }
0x12: {  	s1 =	sld [smem:$0x3F8B];
	s0 =	simm.s32 @p0 $0x1  }
0x13: {  	[smem:$0x3FA6] =	sst s0;
	s0 =	simm.s32 @!p1 $0x0  }
0x14: {  	s2 =	sld [smem:$0x3F8A];
	s0 =	simm.s32 @p1 $0x1  }
0x15: {  	[smem:$0x3FA7] =	sst s0;
	s0 =	simm.s32 @!p2 $0x0  }
0x16: {  	s3 =	sld [smem:$0x3FDB];
	s0 =	simm.s32 @p2 $0x1  }
0x17: {  	s4 =	simm.s32 $0x1BF5;
	[smem:$0x3FA9] =	sst s0  }
0x18: {  	s0 =	sld [smem:$0x3F8C];
	_ =	swait.ge [sflag:s4], $0x0  }
0x19: {  	s7 =	sld [smem:$0x3F8D]  }
0x1a: {  	s8 =	sadd.s32 $0xFFFFE003, lr  }
0x1b: {  	s9 =	sadd.s32 $0xFFFFFEF7, lr;
	s5 =	simm.s32 $0xFFFFFFFF;
	p2 =	slt.u32 s8, $0xFFFFF086  }
0x1c: {  	p1 =	slt.u32 s9, $0xF7A;
	s5 =	simm.s32 @!p2 $0x0  }
0x1d: {  	s5 =	simm.s32 @p1 $0x1;
	p0 =	seq.s32 s7, s2  }
0x1e: {  	s7 =	smul.u32 @!p0 $0xF7A, s2;
	p2 =	seq.s32 @!p0 s5, $0x0  }
0x1f: {  	s9 =	smul.u32 $0xF7A, s1;
	s8 =	simm.s32 @!p0 $0x1BF5;
	p2 =	por !p2, p0  }
0x20: {  	[sflag:s8] =	ssyncset.s32 @!p0 $0xFFFFF086;
	s6 =	sadd.s32 @!p0 s3, s7;
	s7 =	simm.s32 @!p0 $0x108  }
0x21: {  	s3 =	sadd.s32 s3, s9;
	s6 =	sadd.s32 @!p0 $0x88, s6;
	s7 =	simm.s32 @p2 $0x1082  }
0x22: {  	[simem:s7], [sflag:s8] =	dma.local @!p0 [hbm:s6], $0xF7A  }
0x23: {  	s9 =	sor.u32 $0xD0000000, s2;
	s6 =	simm.s32 $0x108;
	_ =	swait.ge @!p0 [sflag:s8], $0x0  }
0x24: {  	s3 =	sadd.s32 $0x88, s3;
	s6 =	simm.s32 @!p1 $0x1082;
	[sflag:s4] =	ssyncset.s32 $0xFFFFF086  }
0x25: {  	[simem:s6], [sflag:s4] =	dma.local [hbm:s3], $0xF7A  }
0x26: {  	[smem:$0x3F8D] =	sst s1;
	(tag) =	ssettag s2;
	_ =	strace s9  }
0x27: {  	s1 =	sld [smem:$0x3F9D]  }
0x28: {  	s2 =	sld [smem:$0x3F9E]  }
0x29: {  	s4 =	sld [smem:$0x3FA0]  }
0x2a: {  	p0 =	seq.s32 s5, $0x0;
	s5 =	sld [smem:$0x3FA1]  }
0x2b: {  	s6 =	sld [smem:$0x3FA2]  }
0x2c: {  	s7 =	sld [smem:$0x3FA3]  }
0x2d: {  	s3 =	simm.s32 $0x108;
	s8 =	sld [smem:$0x3FA4]  }
0x2e: {  	s3 =	simm.s32 @!p0 $0x1082;
	s9 =	sld [smem:$0x3FA5]  }
0x2f: {  	lr =	sadd.s32 s0, s3;
	s0 =	sld [smem:$0x3F9C]  }
0x30: {  	s3 =	sld [smem:$0x3F9F]  }
0x31: {  	[smem:$0x3FA8] =	sst s10  }
0x32: {  	s10 =	sld [smem:$0x3FA6];
	_ =	sdelay $0x3  }
0x33: {  	p0 =	seq.s32 s10, $0x1;
	s10 =	sld [smem:$0x3FA8];
	_ =	sdelay $0x3  }
0x34: {  	[smem:$0x3FA8] =	sst s10  }
0x35: {  	s10 =	sld [smem:$0x3FA7];
	_ =	sdelay $0x3  }
0x36: {  	p1 =	seq.s32 s10, $0x1;
	s10 =	sld [smem:$0x3FA8];
	_ =	sdelay $0x3  }
0x37: {  	[smem:$0x3FA8] =	sst s10  }
0x38: {  	s10 =	sld [smem:$0x3FA9]  }
0x39: {  	_ = 	snop;
	(pc) =	sbr.ind lr, $3  }
0x3a: {  	_ = 	snop  }
0x3b: {  	_ = 	snop  }
0x3c: {  	p2 =	seq.s32 s10, $0x1;
	s10 =	sld [smem:$0x3FA8]  }
0x3d: {  	_ =	shalt  }
0x3e: {  	_ =	shalt  }
0x3f: {  	_ =	shalt  }
0x40: {  	_ =	shalt  }
0x41: {  	_ =	shalt  }
0x42: {  	_ =	shalt  }
0x43: {  	_ =	shalt  }
0x44: {  	_ =	shalt  }
0x45: {  	_ =	shalt  }
0x46: {  	_ =	shalt  }
0x47: {  	_ =	shalt  }
0x48: {  	_ =	shalt  }
0x49: {  	_ =	shalt  }
0x4a: {  	_ =	shalt  }
0x4b: {  	_ =	shalt  }
0x4c: {  	_ =	shalt  }
0x4d: {  	_ =	shalt  }
0x4e: {  	_ =	shalt  }
0x4f: {  	_ =	shalt  }
0x50: {  	_ =	shalt  }
0x51: {  	_ =	shalt  }
0x52: {  	_ =	shalt  }
0x53: {  	_ =	shalt  }
0x54: {  	_ =	shalt  }
0x55: {  	_ =	shalt  }
0x56: {  	_ =	shalt  }
0x57: {  	_ =	shalt  }
0x58: {  	_ =	shalt  }
0x59: {  	_ =	shalt  }
0x5a: {  	_ =	shalt  }
0x5b: {  	_ =	shalt  }
0x5c: {  	_ =	shalt  }
0x5d: {  	_ =	shalt  }
0x5e: {  	_ =	shalt  }
0x5f: {  	_ =	shalt  }
0x60: {  	_ =	shalt  }
0x61: {  	_ =	shalt  }
0x62: {  	_ =	shalt  }
0x63: {  	_ =	shalt  }
0x64: {  	_ =	shalt  }
0x65: {  	_ =	shalt  }
0x66: {  	_ =	shalt  }
0x67: {  	_ =	shalt  }
0x68: {  	_ =	shalt  }
0x69: {  	_ =	shalt  }
0x6a: {  	_ =	shalt  }
0x6b: {  	_ =	shalt  }
0x6c: {  	_ =	shalt  }
0x6d: {  	_ =	shalt  }
0x6e: {  	_ =	shalt  }
0x6f: {  	_ =	shalt  }
0x70: {  	_ =	shalt  }
0x71: {  	_ =	shalt  }
0x72: {  	_ =	shalt  }
0x73: {  	_ =	shalt  }
0x74: {  	_ =	shalt  }
0x75: {  	_ =	shalt  }
0x76: {  	_ =	shalt  }
0x77: {  	_ =	shalt  }
0x78: {  	_ =	shalt  }
0x79: {  	_ =	shalt  }
0x7a: {  	_ =	shalt  }
0x7b: {  	_ =	shalt  }
0x7c: {  	_ =	shalt  }
0x7d: {  	_ =	shalt  }
0x7e: {  	_ =	shalt  }
0x7f: {  	_ =	shalt  }
0x80: {  	_ =	shalt  }
0x81: {  	_ =	shalt  }
0x82: {  	_ =	shalt  }
0x83: {  	_ =	shalt  }
0x84: {  	_ =	shalt  }
0x85: {  	_ =	shalt  }
0x86: {  	_ =	shalt  }
0x87: {  	_ =	shalt  }
.Lfunc_end0:
.L_simem_size_0:
called_computation.1_lowered:
.L_overlay_start_0:
0x88: {  	s2 =	sld [smem:$0x3FD9]  }
0x89: {  	s3 =	sld [smem:$0x3FFE];
	_ =	sdelay $0x1  }
0x8a: {  	s1 =	srdreg.scid  }
0x8b: {  	s0 =	sand.u32 $0x1, s1  }
0x8c: {  	s16 =	sshll.u32 s0, $0xA;
	s2 =	sadd.s32 s3, s2  }
0x8d: {  	s2 =	sadd.s32 s2, s16  }
0x8e: {  	[smem:$0x3FB4] =	sst s2  }
0x8f: {  	_ = 	snop  }
0x90: {  	(tm) =	ssettm $0x1  }
0x91: {  	s17 =	sld [smem:$0x3FFB];
	_ =	sdelay $0x3  }
0x92: {  	_ =	strace s17  }
0x93: {  	s2 =	sld [smem:$0x3FFC];
	_ =	sdelay $0x3  }
0x94: {  	_ =	strace s2  }
0x95: {  	s2 =	sld [smem:$0x3FFD];
	_ =	sdelay $0x3  }
0x96: {  	_ =	strace s2  }
0x97: {  	_ =	strace $0x8FFFFFFF  }
0x98: {  	s18 =	sld [smem:$0x3FDB];
	_ =	sdelay $0x1  }
0x99: {  	s19 =	simm.s32 $_scs_section_size  }
0x9a: {  	s4 =	simm.s32 $_size__tile_overlayer_lowered;
	s5 =	simm.s32 $_tile_overlayer_lowered  }
0x9b: {  	s22 =	simm.s32 $0x1BFF;
	s21 =	sshll.u32 s5, $0x1;
	s2 =	sadd.s32 s19, s18  }
0x9c: {  	s6 =	simm.s32 $0x0;
	s20 =	sshll.u32 s4, $0x1;
	s4 =	sadd.s32 s21, s2  }
0x9d: {  	[timem:s6], [sflag:s22] =	dma.local [hbm:s4], s20  }
0x9e: {  	_ =	swait.ge [sflag:s22], s20  }
0x9f: {  	s3 =	ssub.s32 $0x0, s20;
	[sflag:s22] =	ssyncset.done $0x0  }
0xa0: {  	[sflag:s22] =	ssyncadd.s32 s3;
	_ =	sdelay $0x1  }
0xa1: {  	s23 =	simm.s32 $0x1B8B  }
0xa2: {  	_ =	swait.ge [sflag:s23], $0x1  }
0xa3: {  	[sflag:s23] =	ssyncset.done $0x0  }
0xa4: {  	s25 =	simm.s32 $0x1B8E;
	s24 =	sld [smem:$0x3FFE];
	[sflag:s23] =	ssyncadd.s32 $0xFFFFFFFF  }
0xa5: {  	s26 =	simm.s32 $execute0_lowered;
	[smem:$0x3FD2] =	sst s25  }
0xa6: {  	s4 =	sshll.u32 s26, $0x1;
	_ =	strace $0x80000049;
	[dreg:$0x1] =	wrdreg $0xFFFFFFFF  }
0xa7: {  	s28 =	simm.s32 $_size_execute0_lowered;
	s2 =	sadd.s32 s2, s4;
	[dreg:$0x0] =	wrdreg $0x0  }
0xa8: {  	s4 =	sshll.u32 s28, $0x1;
	[dreg:$0x2] =	wrdreg s2  }
0xa9: {  	[dreg:$0x3] =	wrdreg s4  }
0xaa: {  	[dreg:$0x4] =	wrdreg $0xC0  }
0xab: {  	_ =	task [dreg:s6], $0x5FFFF  }
0xac: {  	[dreg:$0x1] =	wrdreg $0xFFFFFFFF  }
0xad: {  	[dreg:$0x0] =	wrdreg $0x60  }
0xae: {  	[dreg:$0x2] =	wrdreg s24  }
0xaf: {  	[dreg:$0x3] =	wrdreg $0xB4000  }
0xb0: {  	[dreg:$0x4] =	wrdreg $0x8C000  }
0xb1: {  	[dreg:$0x5] =	wrdreg $0x9  }
0xb2: {  	_ =	task.clear_ibuf [dreg:s6], $0x6FFFF;
	_ =	strace $0x90000049  }
0xb3: {  	s29 =	simm.s32 $0x9;
	_ =	strace $0x8000004B  }
0xb4: {  	_ =	swait.ge [sflag:s29], $0x1  }
0xb5: {  	[sflag:s29] =	ssyncadd.s32 $0xFFFFFFFF  }
0xb6: {  	_ =	strace $0x9000004B  }
0xb7: {  	_ =	sfence  }
0xb8: {  	s30 =	sld [smem:$0x0];
	_ =	sdelay $0x2  }
0xb9: {  	s31 =	sshll.u32 s1, $0xD;
	s1 =	sshrl.u32 s1, $0x2  }
0xba: {  	s3 =	sand.u32 $0x4000, s31;
	s1 =	sadd.s32 s1, s30  }
0xbb: {  	s0 =	sor.u32 s3, s0;
	s1 =	sshll.u32 s1, $0x11  }
0xbc: {  	s0 =	sor.u32 s1, s0  }
0xbd: {  	s0 =	sadd.s32 $0x8F2B, s0  }
0xbe: {  	[sflag:s0] =	ssyncadd.remote.s32 $0x1  }
0xbf: {  	_ =	sfence.sel $0xFFFF  }
0xc0: {  	[dreg:$0x0] =	wrdreg $0xFFFFFFFF;
	(pc) =	sbr.abs _section_cstart, $3  }
0xc1: {  	[dreg:$0x1] =	wrdreg $0xFFFFFFFF  }
0xc2: {  	_ =	task.clear_ibuf [dreg:s6], $0x2FFFF;
	_ =	strace $0x9FFFFFFF  }
0xc3: {  	(tm) =	ssettm $0x7FFFFFFF  }
tec
execute0_lowered:
.L_overlay_start_1:
0x0: {  	(tag) =	ssettag $0x1  }
0x1: {  	s0 =	rddreg [dreg:$0x0]  }
0x2: {  	s1 =	rddreg [dreg:$0x1]  }
0x3: {  	s2 =	rddreg [dreg:$0x2];
	s4 =	simm.s32 $0x0;
	s3 =	srdreg.scid  }
0x4: {  	s14 =	stileid.u32;
	s28 =	simm.s32 $0x400;
	s29 =	simm.s32 $0x4400  }
0x5: {  	s30 =	simm.s32 $0x8400;
	s31 =	simm.s32 $0x2;
	[smem:$0x7FF] =	sst s4  }
0x6: {  	s3 =	sand.u32 $0x1, s3;
	s6 =	smul.u32 $0x14000, s14;
	s5 =	sadd.s32 $0x1A000, s0  }
0x7: {  	s7 =	sadd.s32 $0x9E200, s0;
	s9 =	sadd.s32 $0x41200, s0;
	s17 =	sadd.s32 $0x43A00, s0  }
0x8: {  	s10 =	smul.u32 $0x2800, s14;
	_ =	strace $0x8000004A;
	[dreg:$0x4] =	wrdreg s9  }
0x9: {  	s12 =	sadd.s32 $0x44000, s0;
	s8 =	smul.u32 $0x140000, s3;
	[dreg:$0x5] =	wrdreg s17  }
0xa: {  	s18 =	smul.u32 $0x28000, s3;
	s11 =	sshll.u32 s3, $0x4;
	[dreg:$0x6] =	wrdreg s12  }
0xb: {  	s19 =	ssub.s32 $0x2, s3;
	s3 =	smul.u32 $0x50000, s3;
	s11 =	sor.u32 s14, s11  }
0xc: {  	s13 =	sshrl.u32 s19, $0x1;
	s14 =	smul.u32 $0x5000, s14;
	s23 =	sadd.s32 s10, s2  }
0xd: {  	s8 =	sadd.s32 s6, s8;
	s9 =	sadd.s32 s10, s18;
	s11 =	smul.u32 $0x5000, s11  }
0xe: {  	s12 =	ssub.s32 s19, s13;
	s6 =	sadd.s32 s6, s1;
	[dreg:$0xc] =	wrdreg s23  }
0xf: {  	s23 =	simm.s32 $0x100;
	s10 =	simm.s32 $0x280;
	s13 =	simm.s32 $0x0  }
0x10: {  	s8 =	sshrl.u32 s8, $0x3;
	s9 =	sshrl.u32 s9, $0x3;
	s3 =	sadd.s32 s14, s3  }
0x11: {  	[dreg:$0xb] =	wrdreg s6;
	s24 =	smax.u32 s12, $0x1;
	s12 =	simm.s32 $0x5  }
0x12: {  	s8 =	sadd.s32 s8, s0;
	s11 =	sshrl.u32 s11, $0x3;
	s0 =	sadd.s32 s9, s0  }
0x13: {  	s22 =	sor.u32 $0x700, s3;
	[dreg:$0xf] =	wrdreg s24;
	s25 =	sor.u32 $0x600, s3  }
0x14: {  	s26 =	sor.u32 $0x500, s3;
	s3 =	sor.u32 $0x400, s3;
	s24 =	simm.s32 $0x200  }
0x15: {  	s20 =	sadd.s32 s7, s11;
	s8 =	sadd.s32 $0x4E200, s8;
	s6 =	sshrl.u32 s22, $0x3  }
0x16: {  	s0 =	sadd.s32 $0x44200, s0;
	s3 =	sshrl.u32 s3, $0x3;
	[dreg:$0x7] =	wrdreg s20  }
0x17: {  	s22 =	simm.s32 $0x8;
	s11 =	sadd.s32 $0x20, s20;
	[dreg:$0xd] =	wrdreg s8  }
0x18: {  	s21 =	sadd.s32 $0x40, s20;
	s9 =	sadd.s32 $0x60, s20;
	[dreg:$0xe] =	wrdreg s0  }
0x19: {  	s18 =	sadd.s32 s6, s7;
	s0 =	sshrl.u32 s25, $0x3;
	s6 =	sshrl.u32 s26, $0x3  }
.Ltmp0:
0x1a: {  	s25 =	simm.s32 $0x300;
	[dreg:$0x8] =	wrdreg s11;
	(pc) =	sbr.rel .LBB2_1-.Ltmp0, $4  }
0x1b: {  	s26 =	simm.s32 $0x80;
	s8 =	simm.s32 $0x7;
	[dreg:$0x9] =	wrdreg s21  }
0x1c: {  	[dreg:$0xa] =	wrdreg s9;
	s19 =	sadd.s32 s0, s7;
	s20 =	sadd.s32 s6, s7  }
0x1d: {  	s21 =	sadd.s32 s3, s7;
	s0 =	simm.s32 $0x1;
	s3 =	simm.s32 $0x6  }
0x1e: {  	s6 =	simm.s32 $0x3;
	s7 =	simm.s32 $0x180;
	s11 =	simm.s32 $0x380  }
.LBB2_4:
0x1f: {  	[bflag:$0x0] =	sbarrier.arrive $0xFFFF  }
0x20: {  	s9 =	rddreg [dreg:$0xd]  }
0x21: {  	s15 =	rddreg [dreg:$0x10]  }
0x22: {  	[hbm:s9], [sflag:s14] =	dma.local [spmem:s15], $0x2800  }
0x23: {  	_ =	swait.ge [sflag:s22], $0x2800  }
0x24: {  	[sflag:s22] =	ssyncset.done $0x0;
	s15 =	rddreg [dreg:$0xe]  }
0x25: {  	s16 =	rddreg [dreg:$0x11];
	[sflag:s22] =	ssyncadd.s32 $0xFFFFD800  }
0x26: {  	[hbm:s15], [sflag:s14] =	dma.local [spmem:s16], $0x500  }
0x27: {  	_ =	swait.ge [sflag:s22], $0x500  }
0x28: {  	s13 =	sadd.s32 $0x1, s13;
	s17 =	rddreg [dreg:$0xf]  }
0x29: {  	p0 =	sne.s32 s13, s17  }
.Ltmp1:
0x2a: {  	_ = 	snop;
	(pc) =	sbr.rel @!p0 .LBB2_5-.Ltmp1, $3  }
0x2b: {  	_ =	sdelay $0x1  }
0x2c: {  	[sflag:s22] =	ssyncset.done $0x0  }
0x2d: {  	[sflag:s22] =	ssyncadd.s32 $0xFFFFFB00  }
.LBB2_1:
0x2e: {  	s9 =	rddreg [dreg:$0x7]  }
0x2f: {  	[tilespmem:s4], [sflag:$0x8] =	stream.linear.gather [hbm4b:s9+s4], $0x100, $0x38;
	[tilespmem:$0x1F400] =	vst v63  }
0x30: {  	_ =	swait.ge [sflag:s22], $0x100  }
0x31: {  	[sflag:s22] =	ssyncset.done $0x0  }
0x32: {  	s15 =	rddreg [dreg:$0x8];
	[sflag:s22] =	ssyncadd.s32 $0xFFFFFF00  }
0x33: {  	[tilespmem:s23], [sflag:$0x8] =	stream.linear.gather [hbm4b:s15+s4], $0x100, $0x38;
	[tilespmem:$0x1F400] =	vst v63  }
0x34: {  	_ =	swait.ge [sflag:s22], $0x100  }
0x35: {  	[sflag:s22] =	ssyncset.done $0x0;
	s16 =	rddreg [dreg:$0x9]  }
0x36: {  	s17 =	rddreg [dreg:$0xa];
	[sflag:s22] =	ssyncadd.s32 $0xFFFFFF00  }
0x37: {  	[tilespmem:s24], [sflag:$0x6] =	stream.linear.gather [hbm4b:s16+s4], $0x100, $0x38;
	[tilespmem:$0x1F400] =	vst v63  }
0x38: {  	s14 =	stileid.u32;
	s15 =	rddreg [dreg:$0xb]  }
0x39: {  	[tilespmem:s25], [sflag:$0x7] =	stream.linear.gather [hbm4b:s17+s4], $0x100, $0x38;
	[tilespmem:$0x1F400] =	vst v63  }
0x3a: {  	s14 =	sshll.u32 s14, $0x6;
	s15 =	sshrl.u32 s15, $0x3;
	s16 =	rddreg [dreg:$0x4]  }
0x3b: {  	[tilespmem:s28], [sflag:$0x2] =	stream.indirect.gather [hbm4b:s5+s26], $0x80, s4, s26, $0xb8;
	[tilespmem:$0x1F400] =	vst v63  }
0x3c: {  	s14 =	sor.u32 $0x1C08, s14;
	[dreg:$0x10] =	wrdreg s15  }
0x3d: {  	[tilespmem:s29], [sflag:$0x3] =	stream.indirect.gather [hbm4b:s5+s26], $0x80, s23, s26, $0xb8;
	[tilespmem:$0x1F400] =	vst v63  }
0x3e: {  	[spmem:s15], [sflag:s14] =	dma.local [hbm:s16], $0x2800  }
0x3f: {  	_ =	swait.ge [sflag:s22], $0x2800  }
0x40: {  	[sflag:s22] =	ssyncset.done $0x0  }
0x41: {  	s17 =	rddreg [dreg:$0x6];
	[sflag:s22] =	ssyncadd.s32 $0xFFFFD800  }
0x42: {  	[tilespmem:s30], [sflag:$0x8] =	stream.linear.gather [hbm4b:s17+s4], $0x800, $0x38;
	[tilespmem:$0x1F400] =	vst v63  }
0x43: {  	_ =	swait.ge [sflag:s22], $0x800  }
0x44: {  	s15 =	rddreg [dreg:$0xc]  }
0x45: {  	[sflag:s22] =	ssyncset.done $0x0;
	s17 =	rddreg [dreg:$0x5];
	s16 =	sshrl.u32 s15, $0x3  }
0x46: {  	[sflag:s22] =	ssyncadd.s32 $0xFFFFF800;
	[dreg:$0x11] =	wrdreg s16  }
0x47: {  	[spmem:s16], [sflag:s14] =	dma.local [hbm:s17], $0x500  }
0x48: {  	_ =	swait.ge [sflag:s22], $0x500  }
0x49: {  	[sflag:s22] =	ssyncset.done $0x0  }
0x4a: {  	[sflag:s22] =	ssyncadd.s32 $0xFFFFFB00  }
0x4b: {  	s17 =	simm.s32 $0x0;
	[bflag:$0x0] =	sbarrier.arrive $0xFFFF  }
.LBB2_2:
0x4c: {  	_ =	swait.ge [sflag:s31], $0x4000  }
0x4d: {  	[sflag:s31] =	ssyncset.done $0x0  }
0x4e: {  	[sflag:s31] =	ssyncadd.s32 $0xFFFFC000  }
0x4f: {  	[spmem:s2] =	stream.indirect.scatter.add.f32 [tilespmem:s30], [sflag:$0x1], $0x10, s26, s26, $0xb8;
	[tilespmem:$0x1F400] =	vst v63  }
0x50: {  	_ = 	snop  }
0x51: {  	[spmem:s1] =	stream.indirect.scatter.add.f32 [tilespmem:s28], [sflag:$0x8], $0x80, s26, s26, $0xb8;
	[tilespmem:$0x1F400] =	vst v63  }
0x52: {  	_ =	swait.ge [sflag:s22], $0x4000  }
0x53: {  	[sflag:s22] =	ssyncset.done $0x0  }
0x54: {  	[sflag:s22] =	ssyncadd.s32 $0xFFFFC000  }
0x55: {  	_ =	swait.ge [sflag:s0], $0x800  }
0x56: {  	p0 =	seq.s32 s17, $0x980;
	[sflag:s0] =	ssyncset.done $0x0  }
0x57: {  	s9 =	sadd.s32 @!p0 s17, s21;
	s15 =	simm.s32 @!p0 $0x0;
	[sflag:s0] =	ssyncadd.s32 $0xFFFFF800  }
0x58: {  	[tilespmem:s15], [sflag:$0x4] =	stream.linear.gather @!p0 [hbm4b:s9+s15], $0x100, $0x38;
	[tilespmem:$0x1F400] =	vst v63  }
0x59: {  	_ =	swait.ge [sflag:s3], $0x100  }
0x5a: {  	[sflag:s3] =	ssyncset.done $0x0  }
0x5b: {  	[sflag:s3] =	ssyncadd.s32 $0xFFFFFF00  }
0x5c: {  	[tilespmem:s28], [sflag:$0x2] =	stream.indirect.gather [hbm4b:s5+s26], $0x80, s24, s26, $0xb8;
	[tilespmem:$0x1F400] =	vst v63  }
0x5d: {  	_ =	swait.ge [sflag:s6], $0x4000  }
0x5e: {  	[sflag:s6] =	ssyncset.done $0x0  }
0x5f: {  	[sflag:s6] =	ssyncadd.s32 $0xFFFFC000  }
0x60: {  	[spmem:s2] =	stream.indirect.scatter.add.f32 [tilespmem:s30], [sflag:$0x1], $0x10, s7, s26, $0xb8;
	[tilespmem:$0x1F400] =	vst v63  }
0x61: {  	_ = 	snop  }
0x62: {  	[spmem:s1] =	stream.indirect.scatter.add.f32 [tilespmem:s29], [sflag:$0x8], $0x80, s7, s26, $0xb8;
	[tilespmem:$0x1F400] =	vst v63  }
0x63: {  	_ =	swait.ge [sflag:s22], $0x4000  }
0x64: {  	[sflag:s22] =	ssyncset.done $0x0  }
0x65: {  	[sflag:s22] =	ssyncadd.s32 $0xFFFFC000  }
0x66: {  	_ =	swait.ge [sflag:s0], $0x800  }
0x67: {  	[sflag:s0] =	ssyncset.done $0x0  }
0x68: {  	s16 =	simm.s32 @!p0 $0x100;
	s9 =	sadd.s32 @!p0 s17, s20;
	[sflag:s0] =	ssyncadd.s32 $0xFFFFF800  }
0x69: {  	[tilespmem:s16], [sflag:$0x5] =	stream.linear.gather @!p0 [hbm4b:s9+s15], $0x100, $0x38;
	[tilespmem:$0x1F400] =	vst v63  }
0x6a: {  	_ =	swait.ge [sflag:s8], $0x100  }
0x6b: {  	[sflag:s8] =	ssyncset.done $0x0  }
0x6c: {  	[sflag:s8] =	ssyncadd.s32 $0xFFFFFF00  }
0x6d: {  	[tilespmem:s29], [sflag:$0x3] =	stream.indirect.gather [hbm4b:s5+s26], $0x80, s25, s26, $0xb8;
	[tilespmem:$0x1F400] =	vst v63  }
0x6e: {  	_ =	swait.ge [sflag:s31], $0x4000  }
0x6f: {  	[sflag:s31] =	ssyncset.done $0x0  }
0x70: {  	[sflag:s31] =	ssyncadd.s32 $0xFFFFC000  }
0x71: {  	[spmem:s2] =	stream.indirect.scatter.add.f32 [tilespmem:s30], [sflag:$0x1], $0x10, s10, s26, $0xb8;
	[tilespmem:$0x1F400] =	vst v63  }
0x72: {  	_ = 	snop  }
0x73: {  	[spmem:s1] =	stream.indirect.scatter.add.f32 [tilespmem:s28], [sflag:$0x8], $0x80, s10, s26, $0xb8;
	[tilespmem:$0x1F400] =	vst v63  }
0x74: {  	_ =	swait.ge [sflag:s22], $0x4000  }
0x75: {  	[sflag:s22] =	ssyncset.done $0x0  }
0x76: {  	[sflag:s22] =	ssyncadd.s32 $0xFFFFC000  }
0x77: {  	_ =	swait.ge [sflag:s0], $0x800  }
0x78: {  	[sflag:s0] =	ssyncset.done $0x0  }
0x79: {  	s9 =	sadd.s32 @!p0 s17, s19;
	s16 =	simm.s32 @!p0 $0x200;
	[sflag:s0] =	ssyncadd.s32 $0xFFFFF800  }
0x7a: {  	[tilespmem:s16], [sflag:$0x6] =	stream.linear.gather @!p0 [hbm4b:s9+s15], $0x100, $0x38;
	[tilespmem:$0x1F400] =	vst v63  }
0x7b: {  	s9 =	simm.s32 @!p0 $0x4  }
0x7c: {  	_ =	swait.ge @!p0 [sflag:s9], $0x100  }
0x7d: {  	[sflag:s9] =	ssyncset.done @!p0 $0x0  }
0x7e: {  	s16 =	simm.s32 @!p0 $0x400;
	[sflag:s9] =	ssyncadd.s32 @!p0 $0xFFFFFF00;
	s9 =	simm.s32 @!p0 $0x80  }
0x7f: {  	[tilespmem:s16], [sflag:$0x2] =	stream.indirect.gather @!p0 [hbm4b:s5+s9], $0x80, s15, s9, $0xb8;
	[tilespmem:$0x1F400] =	vst v63  }
0x80: {  	_ =	swait.ge [sflag:s6], $0x4000  }
0x81: {  	[sflag:s6] =	ssyncset.done $0x0  }
0x82: {  	[sflag:s6] =	ssyncadd.s32 $0xFFFFC000  }
0x83: {  	[spmem:s2] =	stream.indirect.scatter.add.f32 [tilespmem:s30], [sflag:$0x1], $0x10, s11, s26, $0xb8;
	[tilespmem:$0x1F400] =	vst v63  }
0x84: {  	_ = 	snop  }
0x85: {  	[spmem:s1] =	stream.indirect.scatter.add.f32 [tilespmem:s29], [sflag:$0x8], $0x80, s11, s26, $0xb8;
	[tilespmem:$0x1F400] =	vst v63  }
0x86: {  	_ =	swait.ge [sflag:s22], $0x4000  }
.Ltmp2:
0x87: {  	[sflag:s22] =	ssyncset.done $0x0;
	(pc) =	sbr.rel @p0 .LBB2_4-.Ltmp2, $4  }
0x88: {  	[sflag:s22] =	ssyncadd.s32 $0xFFFFC000  }
0x89: {  	_ =	swait.ge [sflag:s0], $0x800  }
0x8a: {  	[sflag:s0] =	ssyncset.done $0x0  }
0x8b: {  	[sflag:s0] =	ssyncadd.s32 $0xFFFFF800  }
0x8c: {  	s9 =	sadd.s32 s17, s18  }
0x8d: {  	[tilespmem:s25], [sflag:$0x7] =	stream.linear.gather [hbm4b:s9+s4], $0x100, $0x38;
	[tilespmem:$0x1F400] =	vst v63  }
.Ltmp3:
0x8e: {  	_ = 	snop;
	(pc) =	sbr.rel .LBB2_2-.Ltmp3, $4  }
0x8f: {  	_ =	swait.ge [sflag:s12], $0x100  }
0x90: {  	[sflag:s12] =	ssyncset.done $0x0  }
0x91: {  	s17 =	sadd.s32 $0x80, s17;
	[sflag:s12] =	ssyncadd.s32 $0xFFFFFF00  }
0x92: {  	[tilespmem:s29], [sflag:$0x3] =	stream.indirect.gather [hbm4b:s5+s26], $0x80, s23, s26, $0xb8;
	[tilespmem:$0x1F400] =	vst v63  }
.LBB2_5:
0x93: {  	_ =	sfence.sel $0x180000  }
0x94: {  	[bflag:$0x0] =	sbarrier.arrive $0xFFFF  }
0x95: {  	_ =	strace $0x9000004A  }
0x96: {  	s0 =	stileid.u32;
	[bflag:$0x2] =	sbarrier.arrive $0xFFFF  }
0x97: {  	p0 =	sne.s32 s0, $0x0;
	s0 =	rddreg [dreg:$0x3]  }
0x98: {  	s0 =	sadd.s32 @!p0 $0x100000, s0  }
0x99: {  	[sflag:s0] =	ssyncadd.tile.s32 @!p0 $0x1;
	_ =	shalt  }
.Lfunc_end2:
_tile_overlayer_lowered:
.L_overlay_start_2:
0x9a: {  	(tag) =	ssettag $0x2  }
0x9b: {  	s0 =	rddreg [dreg:$0x0];
	s2 =	stileid.u32  }
0x9c: {  	s1 =	rddreg [dreg:$0x1];
	p0 =	sne.s32 s2, $0x0  }
0x9d: {  	s3 =	rddreg [dreg:$0x2];
	[bflag:$0x3] =	sbarrier.arrive $0xFFFF;
	s2 =	simm.s32 @!p0 $0x1C08  }
0x9e: {  	[timem:s3], [sflag:s2] =	dma.local @!p0 [hbm:s0], s1  }
0x9f: {  	s0 =	simm.s32 @!p0 $0x8  }
0xa0: {  	_ =	swait.ge @!p0 [sflag:s0], s1  }
0xa1: {  	s1 =	ssub.s32 @!p0 $0x0, s1;
	[sflag:s0] =	ssyncset.done @!p0 $0x0  }
0xa2: {  	[sflag:s0] =	ssyncadd.s32 @!p0 s1  }
0xa3: {  	[bflag:$0x3] =	sbarrier.arrive $0xFFFF  }
0xa4: {  	_ =	shalt  }

// kernel: kernel.17.cloned.1.call-start
scs
__scs_entry_jumppad:
0x0: {  	(pc) =	sbr.rel $0x88, $3  }
0x1: {  	(tag) =	ssettag $0x0;
	lr =	simm.s32 $0x1  }
0x2: {  	[smem:$0x3F8D] =	sst lr;
	_ =	strace $0xD0000000  }
0x3: {  	_ = 	snop  }
0x4: {  	_ = 	snop  }
0x5: {  	_ = 	snop  }
0x6: {  	_ = 	snop  }
0x7: {  	_ = 	snop  }
__scs_overlays_trampoline_lowered:
0x8: {  	[smem:$0x3F9C] =	sst s0  }
0x9: {  	[smem:$0x3F9D] =	sst s1  }
0xa: {  	[smem:$0x3F9E] =	sst s2  }
0xb: {  	[smem:$0x3F9F] =	sst s3  }
0xc: {  	[smem:$0x3FA0] =	sst s4  }
0xd: {  	[smem:$0x3FA1] =	sst s5  }
0xe: {  	[smem:$0x3FA2] =	sst s6  }
0xf: {  	[smem:$0x3FA3] =	sst s7  }
0x10: {  	[smem:$0x3FA4] =	sst s8  }
0x11: {  	[smem:$0x3FA5] =	sst s9;
	s0 =	simm.s32 @!p0 $0x0  }
0x12: {  	s1 =	sld [smem:$0x3F8B];
	s0 =	simm.s32 @p0 $0x1  }
0x13: {  	[smem:$0x3FA6] =	sst s0;
	s0 =	simm.s32 @!p1 $0x0  }
0x14: {  	s2 =	sld [smem:$0x3F8A];
	s0 =	simm.s32 @p1 $0x1  }
0x15: {  	[smem:$0x3FA7] =	sst s0;
	s0 =	simm.s32 @!p2 $0x0  }
0x16: {  	s3 =	sld [smem:$0x3FDB];
	s0 =	simm.s32 @p2 $0x1  }
0x17: {  	s4 =	simm.s32 $0x1BF5;
	[smem:$0x3FA9] =	sst s0  }
0x18: {  	s0 =	sld [smem:$0x3F8C];
	_ =	swait.ge [sflag:s4], $0x0  }
0x19: {  	s7 =	sld [smem:$0x3F8D]  }
0x1a: {  	s8 =	sadd.s32 $0xFFFFE003, lr  }
0x1b: {  	s9 =	sadd.s32 $0xFFFFFEF7, lr;
	s5 =	simm.s32 $0xFFFFFFFF;
	p2 =	slt.u32 s8, $0xFFFFF086  }
0x1c: {  	p1 =	slt.u32 s9, $0xF7A;
	s5 =	simm.s32 @!p2 $0x0  }
0x1d: {  	s5 =	simm.s32 @p1 $0x1;
	p0 =	seq.s32 s7, s2  }
0x1e: {  	s7 =	smul.u32 @!p0 $0xF7A, s2;
	p2 =	seq.s32 @!p0 s5, $0x0  }
0x1f: {  	s9 =	smul.u32 $0xF7A, s1;
	s8 =	simm.s32 @!p0 $0x1BF5;
	p2 =	por !p2, p0  }
0x20: {  	[sflag:s8] =	ssyncset.s32 @!p0 $0xFFFFF086;
	s6 =	sadd.s32 @!p0 s3, s7;
	s7 =	simm.s32 @!p0 $0x108  }
0x21: {  	s3 =	sadd.s32 s3, s9;
	s6 =	sadd.s32 @!p0 $0x88, s6;
	s7 =	simm.s32 @p2 $0x1082  }
0x22: {  	[simem:s7], [sflag:s8] =	dma.local @!p0 [hbm:s6], $0xF7A  }
0x23: {  	s9 =	sor.u32 $0xD0000000, s2;
	s6 =	simm.s32 $0x108;
	_ =	swait.ge @!p0 [sflag:s8], $0x0  }
0x24: {  	s3 =	sadd.s32 $0x88, s3;
	s6 =	simm.s32 @!p1 $0x1082;
	[sflag:s4] =	ssyncset.s32 $0xFFFFF086  }
0x25: {  	[simem:s6], [sflag:s4] =	dma.local [hbm:s3], $0xF7A  }
0x26: {  	[smem:$0x3F8D] =	sst s1;
	(tag) =	ssettag s2;
	_ =	strace s9  }
0x27: {  	s1 =	sld [smem:$0x3F9D]  }
0x28: {  	s2 =	sld [smem:$0x3F9E]  }
0x29: {  	s4 =	sld [smem:$0x3FA0]  }
0x2a: {  	p0 =	seq.s32 s5, $0x0;
	s5 =	sld [smem:$0x3FA1]  }
0x2b: {  	s6 =	sld [smem:$0x3FA2]  }
0x2c: {  	s7 =	sld [smem:$0x3FA3]  }
0x2d: {  	s3 =	simm.s32 $0x108;
	s8 =	sld [smem:$0x3FA4]  }
0x2e: {  	s3 =	simm.s32 @!p0 $0x1082;
	s9 =	sld [smem:$0x3FA5]  }
0x2f: {  	lr =	sadd.s32 s0, s3;
	s0 =	sld [smem:$0x3F9C]  }
0x30: {  	s3 =	sld [smem:$0x3F9F]  }
0x31: {  	[smem:$0x3FA8] =	sst s10  }
0x32: {  	s10 =	sld [smem:$0x3FA6];
	_ =	sdelay $0x3  }
0x33: {  	p0 =	seq.s32 s10, $0x1;
	s10 =	sld [smem:$0x3FA8];
	_ =	sdelay $0x3  }
0x34: {  	[smem:$0x3FA8] =	sst s10  }
0x35: {  	s10 =	sld [smem:$0x3FA7];
	_ =	sdelay $0x3  }
0x36: {  	p1 =	seq.s32 s10, $0x1;
	s10 =	sld [smem:$0x3FA8];
	_ =	sdelay $0x3  }
0x37: {  	[smem:$0x3FA8] =	sst s10  }
0x38: {  	s10 =	sld [smem:$0x3FA9]  }
0x39: {  	_ = 	snop;
	(pc) =	sbr.ind lr, $3  }
0x3a: {  	_ = 	snop  }
0x3b: {  	_ = 	snop  }
0x3c: {  	p2 =	seq.s32 s10, $0x1;
	s10 =	sld [smem:$0x3FA8]  }
0x3d: {  	_ =	shalt  }
0x3e: {  	_ =	shalt  }
0x3f: {  	_ =	shalt  }
0x40: {  	_ =	shalt  }
0x41: {  	_ =	shalt  }
0x42: {  	_ =	shalt  }
0x43: {  	_ =	shalt  }
0x44: {  	_ =	shalt  }
0x45: {  	_ =	shalt  }
0x46: {  	_ =	shalt  }
0x47: {  	_ =	shalt  }
0x48: {  	_ =	shalt  }
0x49: {  	_ =	shalt  }
0x4a: {  	_ =	shalt  }
0x4b: {  	_ =	shalt  }
0x4c: {  	_ =	shalt  }
0x4d: {  	_ =	shalt  }
0x4e: {  	_ =	shalt  }
0x4f: {  	_ =	shalt  }
0x50: {  	_ =	shalt  }
0x51: {  	_ =	shalt  }
0x52: {  	_ =	shalt  }
0x53: {  	_ =	shalt  }
0x54: {  	_ =	shalt  }
0x55: {  	_ =	shalt  }
0x56: {  	_ =	shalt  }
0x57: {  	_ =	shalt  }
0x58: {  	_ =	shalt  }
0x59: {  	_ =	shalt  }
0x5a: {  	_ =	shalt  }
0x5b: {  	_ =	shalt  }
0x5c: {  	_ =	shalt  }
0x5d: {  	_ =	shalt  }
0x5e: {  	_ =	shalt  }
0x5f: {  	_ =	shalt  }
0x60: {  	_ =	shalt  }
0x61: {  	_ =	shalt  }
0x62: {  	_ =	shalt  }
0x63: {  	_ =	shalt  }
0x64: {  	_ =	shalt  }
0x65: {  	_ =	shalt  }
0x66: {  	_ =	shalt  }
0x67: {  	_ =	shalt  }
0x68: {  	_ =	shalt  }
0x69: {  	_ =	shalt  }
0x6a: {  	_ =	shalt  }
0x6b: {  	_ =	shalt  }
0x6c: {  	_ =	shalt  }
0x6d: {  	_ =	shalt  }
0x6e: {  	_ =	shalt  }
0x6f: {  	_ =	shalt  }
0x70: {  	_ =	shalt  }
0x71: {  	_ =	shalt  }
0x72: {  	_ =	shalt  }
0x73: {  	_ =	shalt  }
0x74: {  	_ =	shalt  }
0x75: {  	_ =	shalt  }
0x76: {  	_ =	shalt  }
0x77: {  	_ =	shalt  }
0x78: {  	_ =	shalt  }
0x79: {  	_ =	shalt  }
0x7a: {  	_ =	shalt  }
0x7b: {  	_ =	shalt  }
0x7c: {  	_ =	shalt  }
0x7d: {  	_ =	shalt  }
0x7e: {  	_ =	shalt  }
0x7f: {  	_ =	shalt  }
0x80: {  	_ =	shalt  }
0x81: {  	_ =	shalt  }
0x82: {  	_ =	shalt  }
0x83: {  	_ =	shalt  }
0x84: {  	_ =	shalt  }
0x85: {  	_ =	shalt  }
0x86: {  	_ =	shalt  }
0x87: {  	_ =	shalt  }
.Lfunc_end0:
.L_simem_size_0:
called_computation.2_lowered:
.L_overlay_start_0:
0x88: {  	s2 =	sld [smem:$0x3FD9]  }
0x89: {  	s3 =	sld [smem:$0x3FFE];
	_ =	sdelay $0x1  }
0x8a: {  	s1 =	srdreg.scid  }
0x8b: {  	s0 =	sand.u32 $0x1, s1  }
0x8c: {  	s16 =	sshll.u32 s0, $0xA;
	s2 =	sadd.s32 s3, s2  }
0x8d: {  	s2 =	sadd.s32 s2, s16  }
0x8e: {  	[smem:$0x3FB4] =	sst s2  }
0x8f: {  	_ = 	snop  }
0x90: {  	(tm) =	ssettm $0x1  }
0x91: {  	s17 =	sld [smem:$0x3FFB];
	_ =	sdelay $0x3  }
0x92: {  	_ =	strace s17  }
0x93: {  	s2 =	sld [smem:$0x3FFC];
	_ =	sdelay $0x3  }
0x94: {  	_ =	strace s2  }
0x95: {  	s2 =	sld [smem:$0x3FFD];
	_ =	sdelay $0x3  }
0x96: {  	_ =	strace s2  }
0x97: {  	_ =	strace $0x8FFFFFFF  }
0x98: {  	s18 =	sld [smem:$0x3FDB];
	_ =	sdelay $0x1  }
0x99: {  	s19 =	simm.s32 $_scs_section_size  }
0x9a: {  	s4 =	simm.s32 $_size__tile_overlayer_lowered;
	s5 =	simm.s32 $_tile_overlayer_lowered  }
0x9b: {  	s22 =	simm.s32 $0x1BFF;
	s21 =	sshll.u32 s5, $0x1;
	s2 =	sadd.s32 s19, s18  }
0x9c: {  	s6 =	simm.s32 $0x0;
	s20 =	sshll.u32 s4, $0x1;
	s4 =	sadd.s32 s21, s2  }
0x9d: {  	[timem:s6], [sflag:s22] =	dma.local [hbm:s4], s20  }
0x9e: {  	_ =	swait.ge [sflag:s22], s20  }
0x9f: {  	s3 =	ssub.s32 $0x0, s20;
	[sflag:s22] =	ssyncset.done $0x0  }
0xa0: {  	[sflag:s22] =	ssyncadd.s32 s3;
	_ =	sdelay $0x1  }
0xa1: {  	s23 =	simm.s32 $0x1B8B  }
0xa2: {  	_ =	swait.ge [sflag:s23], $0x1  }
0xa3: {  	[sflag:s23] =	ssyncset.done $0x0  }
0xa4: {  	s25 =	simm.s32 $0x1B8E;
	s24 =	sld [smem:$0x3FFE];
	[sflag:s23] =	ssyncadd.s32 $0xFFFFFFFF  }
0xa5: {  	s26 =	simm.s32 $execute0_lowered;
	[smem:$0x3FD2] =	sst s25  }
0xa6: {  	s4 =	sshll.u32 s26, $0x1;
	_ =	strace $0x8000004C;
	[dreg:$0x1] =	wrdreg $0xFFFFFFFF  }
0xa7: {  	s28 =	simm.s32 $_size_execute0_lowered;
	s2 =	sadd.s32 s2, s4;
	[dreg:$0x0] =	wrdreg $0x0  }
0xa8: {  	s4 =	sshll.u32 s28, $0x1;
	[dreg:$0x2] =	wrdreg s2  }
0xa9: {  	[dreg:$0x3] =	wrdreg s4  }
0xaa: {  	[dreg:$0x4] =	wrdreg $0xC0  }
0xab: {  	_ =	task [dreg:s6], $0x5FFFF  }
0xac: {  	[dreg:$0x1] =	wrdreg $0xFFFFFFFF  }
0xad: {  	[dreg:$0x0] =	wrdreg $0x60  }
0xae: {  	[dreg:$0x2] =	wrdreg s24  }
0xaf: {  	[dreg:$0x3] =	wrdreg $0x84000  }
0xb0: {  	[dreg:$0x4] =	wrdreg $0x9  }
0xb1: {  	_ =	task.clear_ibuf [dreg:s6], $0x5FFFF;
	_ =	strace $0x9000004C  }
0xb2: {  	s29 =	simm.s32 $0x9;
	_ =	strace $0x8000004E  }
0xb3: {  	_ =	swait.ge [sflag:s29], $0x1  }
0xb4: {  	[sflag:s29] =	ssyncadd.s32 $0xFFFFFFFF  }
0xb5: {  	_ =	strace $0x9000004E  }
0xb6: {  	_ =	sfence  }
0xb7: {  	s30 =	sld [smem:$0x0];
	_ =	sdelay $0x2  }
0xb8: {  	s31 =	sshll.u32 s1, $0xD;
	s1 =	sshrl.u32 s1, $0x2  }
0xb9: {  	s3 =	sand.u32 $0x4000, s31;
	s1 =	sadd.s32 s1, s30  }
0xba: {  	s0 =	sor.u32 s3, s0;
	s1 =	sshll.u32 s1, $0x11  }
0xbb: {  	s0 =	sor.u32 s1, s0  }
0xbc: {  	s0 =	sadd.s32 $0x8F2B, s0  }
0xbd: {  	[sflag:s0] =	ssyncadd.remote.s32 $0x1  }
0xbe: {  	_ =	sfence.sel $0xFFFF  }
0xbf: {  	[dreg:$0x0] =	wrdreg $0xFFFFFFFF;
	(pc) =	sbr.abs _section_cstart, $3  }
0xc0: {  	[dreg:$0x1] =	wrdreg $0xFFFFFFFF  }
0xc1: {  	_ =	task.clear_ibuf [dreg:s6], $0x2FFFF;
	_ =	strace $0x9FFFFFFF  }
0xc2: {  	(tm) =	ssettm $0x7FFFFFFF  }
0xc3: {  	_ =	shalt  }
tec
execute0_lowered:
.L_overlay_start_1:
0x0: {  	(tag) =	ssettag $0x1  }
0x1: {  	s0 =	rddreg [dreg:$0x0]  }
0x2: {  	s2 =	rddreg [dreg:$0x1];
	s1 =	srdreg.scid  }
0x3: {  	s12 =	stileid.u32;
	s3 =	simm.s32 $0x0;
	s28 =	simm.s32 $0x2  }
0x4: {  	s29 =	simm.s32 $0x180;
	s30 =	simm.s32 $0x6;
	s31 =	simm.s32 $0x280  }
0x5: {  	s1 =	sand.u32 $0x1, s1;
	s5 =	smul.u32 $0x14000, s12;
	[smem:$0x7FF] =	sst s3  }
0x6: {  	s4 =	sadd.s32 $0x1A000, s0;
	s8 =	sadd.s32 $0x6000, s0;
	s10 =	smul.u32 $0x5000, s12  }
0x7: {  	s9 =	sadd.s32 $0x41200, s0;
	s26 =	sshll.u32 s12, $0x6;
	s6 =	smul.u32 $0x140000, s1  }
0x8: {  	s7 =	sshll.u32 s1, $0x4;
	_ =	strace $0x8000004D;
	[dreg:$0x3] =	wrdreg s9  }
0x9: {  	s15 =	smul.u32 $0x50000, s1;
	s1 =	ssub.s32 $0x2, s1;
	s7 =	sor.u32 s12, s7  }
0xa: {  	s11 =	sshrl.u32 s1, $0x1;
	s6 =	sadd.s32 s5, s6;
	s7 =	smul.u32 $0x5000, s7  }
0xb: {  	s1 =	ssub.s32 s1, s11;
	s16 =	sadd.s32 s10, s15;
	s5 =	sadd.s32 s5, s2  }
0xc: {  	s6 =	sshrl.u32 s6, $0x3;
	s19 =	sor.u32 $0x700, s16;
	[dreg:$0x7] =	wrdreg s5  }
0xd: {  	s1 =	smax.u32 s1, $0x1;
	s21 =	sor.u32 $0x600, s16;
	s22 =	sor.u32 $0x500, s16  }
0xe: {  	s23 =	sor.u32 $0x400, s16;
	s5 =	simm.s32 $0x4;
	s7 =	sshrl.u32 s7, $0x3  }
0xf: {  	s0 =	sadd.s32 s6, s0;
	s20 =	sshrl.u32 s19, $0x3;
	[dreg:$0x9] =	wrdreg s1  }
0x10: {  	s24 =	sshrl.u32 s22, $0x3;
	s25 =	sshrl.u32 s23, $0x3;
	s19 =	simm.s32 $0x200  }
0x11: {  	s22 =	simm.s32 $0x400;
	s23 =	simm.s32 $0x4400;
	s1 =	simm.s32 $0x3  }
0x12: {  	s6 =	sadd.s32 s8, s7;
	s0 =	sadd.s32 $0x44200, s0;
	s13 =	sadd.s32 s20, s8  }
0x13: {  	s15 =	sadd.s32 s24, s8;
	s16 =	sadd.s32 s25, s8;
	s20 =	simm.s32 $0x300  }
0x14: {  	s24 =	sor.u32 $0x1C07, s26;
	s25 =	simm.s32 $0x1;
	s26 =	simm.s32 $0x5  }
.Ltmp0:
0x15: {  	s7 =	sadd.s32 $0x20, s6;
	[dreg:$0x8] =	wrdreg s0;
	(pc) =	sbr.rel .LBB2_1-.Ltmp0, $4  }
0x16: {  	s17 =	sadd.s32 $0x40, s6;
	s18 =	sadd.s32 $0x60, s6;
	[dreg:$0x4] =	wrdreg s7  }
0x17: {  	s0 =	sshrl.u32 s21, $0x3;
	s21 =	simm.s32 $0x80;
	[dreg:$0x5] =	wrdreg s17  }
0x18: {  	[dreg:$0x6] =	wrdreg s18;
	s14 =	sadd.s32 s0, s8;
	s17 =	simm.s32 $0x7  }
0x19: {  	s18 =	simm.s32 $0x100;
	s0 =	simm.s32 $0x380;
	s7 =	simm.s32 $0x0  }
.LBB2_4:
0x1a: {  	_ =	swait.ge [sflag:s28], $0x4000  }
0x1b: {  	[sflag:s28] =	ssyncset.done $0x0  }
0x1c: {  	[sflag:s28] =	ssyncadd.s32 $0xFFFFC000  }
0x1d: {  	[spmem:s2] =	stream.indirect.scatter.add.f32 [tilespmem:s23], [sflag:$0x7], $0x80, s0, s21, $0xb8;
	[tilespmem:$0x1C400] =	vst v63  }
0x1e: {  	_ =	swait.ge [sflag:s17], $0x4000  }
0x1f: {  	[sflag:s17] =	ssyncset.done $0x0  }
0x20: {  	[sflag:s17] =	ssyncadd.s32 $0xFFFFC000  }
0x21: {  	[bflag:$0x0] =	sbarrier.arrive $0xFFFF  }
0x22: {  	s9 =	rddreg [dreg:$0x8]  }
0x23: {  	[hbm:s9], [sflag:s24] =	dma.local [spmem:s8], $0x2800  }
0x24: {  	_ =	swait.ge [sflag:s17], $0x2800  }
0x25: {  	s7 =	sadd.s32 $0x1, s7;
	s12 =	rddreg [dreg:$0x9]  }
0x26: {  	p0 =	sne.s32 s7, s12  }
.Ltmp1:
0x27: {  	_ = 	snop;
	(pc) =	sbr.rel @!p0 .LBB2_5-.Ltmp1, $3  }
0x28: {  	_ =	sdelay $0x1  }
0x29: {  	[sflag:s17] =	ssyncset.done $0x0  }
0x2a: {  	[sflag:s17] =	ssyncadd.s32 $0xFFFFD800  }
.LBB2_1:
0x2b: {  	[tilespmem:s3], [sflag:$0x7] =	stream.linear.gather [hbm4b:s6+s3], $0x100, $0x38;
	[tilespmem:$0x1C400] =	vst v63  }
0x2c: {  	_ =	swait.ge [sflag:s17], $0x100  }
0x2d: {  	[sflag:s17] =	ssyncset.done $0x0  }
0x2e: {  	s8 =	rddreg [dreg:$0x4];
	[sflag:s17] =	ssyncadd.s32 $0xFFFFFF00  }
0x2f: {  	[tilespmem:s18], [sflag:$0x7] =	stream.linear.gather [hbm4b:s8+s3], $0x100, $0x38;
	[tilespmem:$0x1C400] =	vst v63  }
0x30: {  	_ =	swait.ge [sflag:s17], $0x100  }
0x31: {  	[sflag:s17] =	ssyncset.done $0x0  }
0x32: {  	s10 =	rddreg [dreg:$0x5];
	[sflag:s17] =	ssyncadd.s32 $0xFFFFFF00  }
0x33: {  	[tilespmem:s19], [sflag:$0x5] =	stream.linear.gather [hbm4b:s10+s3], $0x100, $0x38;
	[tilespmem:$0x1C400] =	vst v63  }
0x34: {  	s11 =	rddreg [dreg:$0x6]  }
0x35: {  	[tilespmem:s20], [sflag:$0x6] =	stream.linear.gather [hbm4b:s11+s3], $0x100, $0x38;
	[tilespmem:$0x1C400] =	vst v63  }
0x36: {  	s12 =	rddreg [dreg:$0x7]  }
0x37: {  	[tilespmem:s22], [sflag:$0x1] =	stream.indirect.gather [hbm4b:s4+s21], $0x80, s3, s21, $0xb8;
	[tilespmem:$0x1C400] =	vst v63  }
0x38: {  	s9 =	rddreg [dreg:$0x3];
	s8 =	sshrl.u32 s12, $0x3  }
0x39: {  	[tilespmem:s23], [sflag:$0x2] =	stream.indirect.gather [hbm4b:s4+s21], $0x80, s18, s21, $0xb8;
	[tilespmem:$0x1C400] =	vst v63  }
0x3a: {  	[spmem:s8], [sflag:s24] =	dma.local [hbm:s9], $0x2800  }
0x3b: {  	_ =	swait.ge [sflag:s17], $0x2800  }
0x3c: {  	[sflag:s17] =	ssyncset.done $0x0  }
0x3d: {  	[sflag:s17] =	ssyncadd.s32 $0xFFFFD800  }
0x3e: {  	s9 =	simm.s32 $0x0;
	[bflag:$0x0] =	sbarrier.arrive $0xFFFF  }
.LBB2_2:
0x3f: {  	_ =	swait.ge [sflag:s25], $0x4000  }
0x40: {  	[sflag:s25] =	ssyncset.done $0x0  }
0x41: {  	[sflag:s25] =	ssyncadd.s32 $0xFFFFC000  }
0x42: {  	[spmem:s2] =	stream.indirect.scatter.add.f32 [tilespmem:s22], [sflag:$0x7], $0x80, s21, s21, $0xb8;
	[tilespmem:$0x1C400] =	vst v63  }
0x43: {  	_ =	swait.ge [sflag:s17], $0x4000  }
0x44: {  	p0 =	seq.s32 s9, $0x980;
	[sflag:s17] =	ssyncset.done $0x0  }
0x45: {  	s10 =	sadd.s32 @!p0 s9, s16;
	s11 =	simm.s32 @!p0 $0x0;
	[sflag:s17] =	ssyncadd.s32 $0xFFFFC000  }
0x46: {  	[tilespmem:s11], [sflag:$0x3] =	stream.linear.gather @!p0 [hbm4b:s10+s11], $0x100, $0x38;
	[tilespmem:$0x1C400] =	vst v63  }
0x47: {  	_ =	swait.ge [sflag:s26], $0x100  }
0x48: {  	[sflag:s26] =	ssyncset.done $0x0  }
0x49: {  	[sflag:s26] =	ssyncadd.s32 $0xFFFFFF00  }
0x4a: {  	[tilespmem:s22], [sflag:$0x1] =	stream.indirect.gather [hbm4b:s4+s21], $0x80, s19, s21, $0xb8;
	[tilespmem:$0x1C400] =	vst v63  }
0x4b: {  	_ =	swait.ge [sflag:s28], $0x4000  }
0x4c: {  	[sflag:s28] =	ssyncset.done $0x0  }
0x4d: {  	[sflag:s28] =	ssyncadd.s32 $0xFFFFC000  }
0x4e: {  	[spmem:s2] =	stream.indirect.scatter.add.f32 [tilespmem:s23], [sflag:$0x7], $0x80, s29, s21, $0xb8;
	[tilespmem:$0x1C400] =	vst v63  }
0x4f: {  	_ =	swait.ge [sflag:s17], $0x4000  }
0x50: {  	[sflag:s17] =	ssyncset.done $0x0  }
0x51: {  	s12 =	simm.s32 @!p0 $0x100;
	s10 =	sadd.s32 @!p0 s9, s15;
	[sflag:s17] =	ssyncadd.s32 $0xFFFFC000  }
0x52: {  	[tilespmem:s12], [sflag:$0x4] =	stream.linear.gather @!p0 [hbm4b:s10+s11], $0x100, $0x38;
	[tilespmem:$0x1C400] =	vst v63  }
0x53: {  	_ =	swait.ge [sflag:s30], $0x100  }
0x54: {  	[sflag:s30] =	ssyncset.done $0x0  }
0x55: {  	[sflag:s30] =	ssyncadd.s32 $0xFFFFFF00  }
0x56: {  	[tilespmem:s23], [sflag:$0x2] =	stream.indirect.gather [hbm4b:s4+s21], $0x80, s20, s21, $0xb8;
	[tilespmem:$0x1C400] =	vst v63  }
0x57: {  	_ =	swait.ge [sflag:s25], $0x4000  }
0x58: {  	[sflag:s25] =	ssyncset.done $0x0  }
.Ltmp2:
0x59: {  	[sflag:s25] =	ssyncadd.s32 $0xFFFFC000;
	(pc) =	sbr.rel @p0 .LBB2_4-.Ltmp2, $4  }
0x5a: {  	[spmem:s2] =	stream.indirect.scatter.add.f32 [tilespmem:s22], [sflag:$0x7], $0x80, s31, s21, $0xb8;
	[tilespmem:$0x1C400] =	vst v63  }
0x5b: {  	_ =	swait.ge [sflag:s17], $0x4000  }
0x5c: {  	[sflag:s17] =	ssyncset.done $0x0  }
0x5d: {  	[sflag:s17] =	ssyncadd.s32 $0xFFFFC000  }
0x5e: {  	s10 =	sadd.s32 s9, s14  }
0x5f: {  	[tilespmem:s19], [sflag:$0x5] =	stream.linear.gather [hbm4b:s10+s3], $0x100, $0x38;
	[tilespmem:$0x1C400] =	vst v63  }
0x60: {  	_ =	swait.ge [sflag:s1], $0x100  }
0x61: {  	[sflag:s1] =	ssyncset.done $0x0  }
0x62: {  	[sflag:s1] =	ssyncadd.s32 $0xFFFFFF00  }
0x63: {  	[tilespmem:s22], [sflag:$0x1] =	stream.indirect.gather [hbm4b:s4+s21], $0x80, s3, s21, $0xb8;
	[tilespmem:$0x1C400] =	vst v63  }
0x64: {  	_ =	swait.ge [sflag:s28], $0x4000  }
0x65: {  	[sflag:s28] =	ssyncset.done $0x0  }
0x66: {  	[sflag:s28] =	ssyncadd.s32 $0xFFFFC000  }
0x67: {  	[spmem:s2] =	stream.indirect.scatter.add.f32 [tilespmem:s23], [sflag:$0x7], $0x80, s0, s21, $0xb8;
	[tilespmem:$0x1C400] =	vst v63  }
0x68: {  	_ =	swait.ge [sflag:s17], $0x4000  }
0x69: {  	[sflag:s17] =	ssyncset.done $0x0  }
0x6a: {  	s12 =	sadd.s32 s9, s13;
	[sflag:s17] =	ssyncadd.s32 $0xFFFFC000  }
0x6b: {  	[tilespmem:s20], [sflag:$0x6] =	stream.linear.gather [hbm4b:s12+s3], $0x100, $0x38;
	[tilespmem:$0x1C400] =	vst v63  }
.Ltmp3:
0x6c: {  	_ = 	snop;
	(pc) =	sbr.rel .LBB2_2-.Ltmp3, $4  }
0x6d: {  	_ =	swait.ge [sflag:s5], $0x100  }
0x6e: {  	[sflag:s5] =	ssyncset.done $0x0  }
0x6f: {  	s9 =	sadd.s32 $0x80, s9;
	[sflag:s5] =	ssyncadd.s32 $0xFFFFFF00  }
0x70: {  	[tilespmem:s23], [sflag:$0x2] =	stream.indirect.gather [hbm4b:s4+s21], $0x80, s18, s21, $0xb8;
	[tilespmem:$0x1C400] =	vst v63  }
.LBB2_5:
0x71: {  	_ =	sfence.sel $0x180000  }
0x72: {  	[bflag:$0x0] =	sbarrier.arrive $0xFFFF  }
0x73: {  	_ =	strace $0x9000004D  }
0x74: {  	s0 =	stileid.u32;
	[bflag:$0x2] =	sbarrier.arrive $0xFFFF  }
0x75: {  	p0 =	sne.s32 s0, $0x0;
	s0 =	rddreg [dreg:$0x2]  }
0x76: {  	s0 =	sadd.s32 @!p0 $0x100000, s0  }
0x77: {  	[sflag:s0] =	ssyncadd.tile.s32 @!p0 $0x1;
	_ =	shalt  }
.Lfunc_end2:
_tile_overlayer_lowered:
.L_overlay_start_2:
0x78: {  	(tag) =	ssettag $0x2  }
0x79: {  	s0 =	rddreg [dreg:$0x0];
	s2 =	stileid.u32  }
0x7a: {  	s1 =	rddreg [dreg:$0x1];
	p0 =	sne.s32 s2, $0x0  }
0x7b: {  	s3 =	rddreg [dreg:$0x2];
	[bflag:$0x3] =	sbarrier.arrive $0xFFFF;
	s2 =	simm.s32 @!p0 $0x1C07  }
0x7c: {  	[timem:s3], [sflag:s2] =	dma.local @!p0 [hbm:s0], s1  }
0x7d: {  	s0 =	simm.s32 @!p0 $0x7  }
0x7e: {  	_ =	swait.ge @!p0 [sflag:s0], s1  }
0x7f: {  	s1 =	ssub.s32 @!p0 $0x0, s1;
	[sflag:s0] =	ssyncset.done @!p0 $0x0  }
0x80: {  	[sflag:s0] =	ssyncadd.s32 @!p0 s1  }
0x81: {  	[bflag:$0x3] =	sbarrier.arrive $0xFFFF  }
0x82: {  	_ =	shalt  }

// kernel: kernel.20.cloned.1.call-start
scs
__scs_entry_jumppad:
0x0: {  	(pc) =	sbr.rel $0x88, $3  }
0x1: {  	(tag) =	ssettag $0x0;
	lr =	simm.s32 $0x1  }
0x2: {  	[smem:$0x3F8D] =	sst lr;
	_ =	strace $0xD0000000  }
0x3: {  	_ = 	snop  }
0x4: {  	_ = 	snop  }
0x5: {  	_ = 	snop  }
0x6: {  	_ = 	snop  }
0x7: {  	_ = 	snop  }
__scs_overlays_trampoline_lowered:
0x8: {  	[smem:$0x3F9C] =	sst s0  }
0x9: {  	[smem:$0x3F9D] =	sst s1  }
0xa: {  	[smem:$0x3F9E] =	sst s2  }
0xb: {  	[smem:$0x3F9F] =	sst s3  }
0xc: {  	[smem:$0x3FA0] =	sst s4  }
0xd: {  	[smem:$0x3FA1] =	sst s5  }
0xe: {  	[smem:$0x3FA2] =	sst s6  }
0xf: {  	[smem:$0x3FA3] =	sst s7  }
0x10: {  	[smem:$0x3FA4] =	sst s8  }
0x11: {  	[smem:$0x3FA5] =	sst s9;
	s0 =	simm.s32 @!p0 $0x0  }
0x12: {  	s1 =	sld [smem:$0x3F8B];
	s0 =	simm.s32 @p0 $0x1  }
0x13: {  	[smem:$0x3FA6] =	sst s0;
	s0 =	simm.s32 @!p1 $0x0  }
0x14: {  	s2 =	sld [smem:$0x3F8A];
	s0 =	simm.s32 @p1 $0x1  }
0x15: {  	[smem:$0x3FA7] =	sst s0;
	s0 =	simm.s32 @!p2 $0x0  }
0x16: {  	s3 =	sld [smem:$0x3FDB];
	s0 =	simm.s32 @p2 $0x1  }
0x17: {  	s4 =	simm.s32 $0x1BF5;
	[smem:$0x3FA9] =	sst s0  }
0x18: {  	s0 =	sld [smem:$0x3F8C];
	_ =	swait.ge [sflag:s4], $0x0  }
0x19: {  	s7 =	sld [smem:$0x3F8D]  }
0x1a: {  	s8 =	sadd.s32 $0xFFFFE003, lr  }
0x1b: {  	s9 =	sadd.s32 $0xFFFFFEF7, lr;
	s5 =	simm.s32 $0xFFFFFFFF;
	p2 =	slt.u32 s8, $0xFFFFF086  }
0x1c: {  	p1 =	slt.u32 s9, $0xF7A;
	s5 =	simm.s32 @!p2 $0x0  }
0x1d: {  	s5 =	simm.s32 @p1 $0x1;
	p0 =	seq.s32 s7, s2  }
0x1e: {  	s7 =	smul.u32 @!p0 $0xF7A, s2;
	p2 =	seq.s32 @!p0 s5, $0x0  }
0x1f: {  	s9 =	smul.u32 $0xF7A, s1;
	s8 =	simm.s32 @!p0 $0x1BF5;
	p2 =	por !p2, p0  }
0x20: {  	[sflag:s8] =	ssyncset.s32 @!p0 $0xFFFFF086;
	s6 =	sadd.s32 @!p0 s3, s7;
	s7 =	simm.s32 @!p0 $0x108  }
0x21: {  	s3 =	sadd.s32 s3, s9;
	s6 =	sadd.s32 @!p0 $0x88, s6;
	s7 =	simm.s32 @p2 $0x1082  }
0x22: {  	[simem:s7], [sflag:s8] =	dma.local @!p0 [hbm:s6], $0xF7A  }
0x23: {  	s9 =	sor.u32 $0xD0000000, s2;
	s6 =	simm.s32 $0x108;
	_ =	swait.ge @!p0 [sflag:s8], $0x0  }
0x24: {  	s3 =	sadd.s32 $0x88, s3;
	s6 =	simm.s32 @!p1 $0x1082;
	[sflag:s4] =	ssyncset.s32 $0xFFFFF086  }
0x25: {  	[simem:s6], [sflag:s4] =	dma.local [hbm:s3], $0xF7A  }
0x26: {  	[smem:$0x3F8D] =	sst s1;
	(tag) =	ssettag s2;
	_ =	strace s9  }
0x27: {  	s1 =	sld [smem:$0x3F9D]  }
0x28: {  	s2 =	sld [smem:$0x3F9E]  }
0x29: {  	s4 =	sld [smem:$0x3FA0]  }
0x2a: {  	p0 =	seq.s32 s5, $0x0;
	s5 =	sld [smem:$0x3FA1]  }
0x2b: {  	s6 =	sld [smem:$0x3FA2]  }
0x2c: {  	s7 =	sld [smem:$0x3FA3]  }
0x2d: {  	s3 =	simm.s32 $0x108;
	s8 =	sld [smem:$0x3FA4]  }
0x2e: {  	s3 =	simm.s32 @!p0 $0x1082;
	s9 =	sld [smem:$0x3FA5]  }
0x2f: {  	lr =	sadd.s32 s0, s3;
	s0 =	sld [smem:$0x3F9C]  }
0x30: {  	s3 =	sld [smem:$0x3F9F]  }
0x31: {  	[smem:$0x3FA8] =	sst s10  }
0x32: {  	s10 =	sld [smem:$0x3FA6];
	_ =	sdelay $0x3  }
0x33: {  	p0 =	seq.s32 s10, $0x1;
	s10 =	sld [smem:$0x3FA8];
	_ =	sdelay $0x3  }
0x34: {  	[smem:$0x3FA8] =	sst s10  }
0x35: {  	s10 =	sld [smem:$0x3FA7];
	_ =	sdelay $0x3  }
0x36: {  	p1 =	seq.s32 s10, $0x1;
	s10 =	sld [smem:$0x3FA8];
	_ =	sdelay $0x3  }
0x37: {  	[smem:$0x3FA8] =	sst s10  }
0x38: {  	s10 =	sld [smem:$0x3FA9]  }
0x39: {  	_ = 	snop;
	(pc) =	sbr.ind lr, $3  }
0x3a: {  	_ = 	snop  }
0x3b: {  	_ = 	snop  }
0x3c: {  	p2 =	seq.s32 s10, $0x1;
	s10 =	sld [smem:$0x3FA8]  }
0x3d: {  	_ =	shalt  }
0x3e: {  	_ =	shalt  }
0x3f: {  	_ =	shalt  }
0x40: {  	_ =	shalt  }
0x41: {  	_ =	shalt  }
0x42: {  	_ =	shalt  }
0x43: {  	_ =	shalt  }
0x44: {  	_ =	shalt  }
0x45: {  	_ =	shalt  }
0x46: {  	_ =	shalt  }
0x47: {  	_ =	shalt  }
0x48: {  	_ =	shalt  }
0x49: {  	_ =	shalt  }
0x4a: {  	_ =	shalt  }
0x4b: {  	_ =	shalt  }
0x4c: {  	_ =	shalt  }
0x4d: {  	_ =	shalt  }
0x4e: {  	_ =	shalt  }
0x4f: {  	_ =	shalt  }
0x50: {  	_ =	shalt  }
0x51: {  	_ =	shalt  }
0x52: {  	_ =	shalt  }
0x53: {  	_ =	shalt  }
0x54: {  	_ =	shalt  }
0x55: {  	_ =	shalt  }
0x56: {  	_ =	shalt  }
0x57: {  	_ =	shalt  }
0x58: {  	_ =	shalt  }
0x59: {  	_ =	shalt  }
0x5a: {  	_ =	shalt  }
0x5b: {  	_ =	shalt  }
0x5c: {  	_ =	shalt  }
0x5d: {  	_ =	shalt  }
0x5e: {  	_ =	shalt  }
0x5f: {  	_ =	shalt  }
0x60: {  	_ =	shalt  }
0x61: {  	_ =	shalt  }
0x62: {  	_ =	shalt  }
0x63: {  	_ =	shalt  }
0x64: {  	_ =	shalt  }
0x65: {  	_ =	shalt  }
0x66: {  	_ =	shalt  }
0x67: {  	_ =	shalt  }
0x68: {  	_ =	shalt  }
0x69: {  	_ =	shalt  }
0x6a: {  	_ =	shalt  }
0x6b: {  	_ =	shalt  }
0x6c: {  	_ =	shalt  }
0x6d: {  	_ =	shalt  }
0x6e: {  	_ =	shalt  }
0x6f: {  	_ =	shalt  }
0x70: {  	_ =	shalt  }
0x71: {  	_ =	shalt  }
0x72: {  	_ =	shalt  }
0x73: {  	_ =	shalt  }
0x74: {  	_ =	shalt  }
0x75: {  	_ =	shalt  }
0x76: {  	_ =	shalt  }
0x77: {  	_ =	shalt  }
0x78: {  	_ =	shalt  }
0x79: {  	_ =	shalt  }
0x7a: {  	_ =	shalt  }
0x7b: {  	_ =	shalt  }
0x7c: {  	_ =	shalt  }
0x7d: {  	_ =	shalt  }
0x7e: {  	_ =	shalt  }
0x7f: {  	_ =	shalt  }
0x80: {  	_ =	shalt  }
0x81: {  	_ =	shalt  }
0x82: {  	_ =	shalt  }
0x83: {  	_ =	shalt  }
0x84: {  	_ =	shalt  }
0x85: {  	_ =	shalt  }
0x86: {  	_ =	shalt  }
0x87: {  	_ =	shalt  }
.Lfunc_end0:
.L_simem_size_0:
called_computation.3_lowered:
.L_overlay_start_0:
0x88: {  	s2 =	sld [smem:$0x3FD9]  }
0x89: {  	s3 =	sld [smem:$0x3FFE];
	_ =	sdelay $0x1  }
0x8a: {  	s1 =	srdreg.scid  }
0x8b: {  	s0 =	sand.u32 $0x1, s1  }
0x8c: {  	s16 =	sshll.u32 s0, $0xA;
	s2 =	sadd.s32 s3, s2  }
0x8d: {  	s2 =	sadd.s32 s2, s16  }
0x8e: {  	[smem:$0x3FB4] =	sst s2  }
0x8f: {  	_ = 	snop  }
0x90: {  	(tm) =	ssettm $0x1  }
0x91: {  	s17 =	sld [smem:$0x3FFB];
	_ =	sdelay $0x3  }
0x92: {  	_ =	strace s17  }
0x93: {  	s2 =	sld [smem:$0x3FFC];
	_ =	sdelay $0x3  }
0x94: {  	_ =	strace s2  }
0x95: {  	s2 =	sld [smem:$0x3FFD];
	_ =	sdelay $0x3  }
0x96: {  	_ =	strace s2  }
0x97: {  	_ =	strace $0x8FFFFFFF  }
0x98: {  	s18 =	sld [smem:$0x3FDB];
	_ =	sdelay $0x1  }
0x99: {  	s19 =	simm.s32 $_scs_section_size  }
0x9a: {  	s4 =	simm.s32 $_size__tile_overlayer_lowered;
	s5 =	simm.s32 $_tile_overlayer_lowered  }
0x9b: {  	s22 =	simm.s32 $0x1BFF;
	s21 =	sshll.u32 s5, $0x1;
	s2 =	sadd.s32 s19, s18  }
0x9c: {  	s6 =	simm.s32 $0x0;
	s20 =	sshll.u32 s4, $0x1;
	s4 =	sadd.s32 s21, s2  }
0x9d: {  	[timem:s6], [sflag:s22] =	dma.local [hbm:s4], s20  }
0x9e: {  	_ =	swait.ge [sflag:s22], s20  }
0x9f: {  	s3 =	ssub.s32 $0x0, s20;
	[sflag:s22] =	ssyncset.done $0x0  }
0xa0: {  	[sflag:s22] =	ssyncadd.s32 s3;
	_ =	sdelay $0x1  }
0xa1: {  	s23 =	simm.s32 $0x1B8B  }
0xa2: {  	_ =	swait.ge [sflag:s23], $0x1  }
0xa3: {  	[sflag:s23] =	ssyncset.done $0x0  }
0xa4: {  	s25 =	simm.s32 $0x1B8E;
	s24 =	sld [smem:$0x3FFE];
	[sflag:s23] =	ssyncadd.s32 $0xFFFFFFFF  }
0xa5: {  	s26 =	simm.s32 $execute0_lowered;
	[smem:$0x3FD2] =	sst s25  }
0xa6: {  	s4 =	sshll.u32 s26, $0x1;
	_ =	strace $0x8000004F;
	[dreg:$0x1] =	wrdreg $0xFFFFFFFF  }
0xa7: {  	s28 =	simm.s32 $_size_execute0_lowered;
	s2 =	sadd.s32 s2, s4;
	[dreg:$0x0] =	wrdreg $0x0  }
0xa8: {  	s4 =	sshll.u32 s28, $0x1;
	[dreg:$0x2] =	wrdreg s2  }
0xa9: {  	[dreg:$0x3] =	wrdreg s4  }
0xaa: {  	[dreg:$0x4] =	wrdreg $0xC0  }
0xab: {  	_ =	task [dreg:s6], $0x5FFFF  }
0xac: {  	[dreg:$0x1] =	wrdreg $0xFFFFFFFF  }
0xad: {  	[dreg:$0x0] =	wrdreg $0x60  }
0xae: {  	[dreg:$0x2] =	wrdreg s24  }
0xaf: {  	[dreg:$0x3] =	wrdreg $0x84000  }
0xb0: {  	[dreg:$0x4] =	wrdreg $0x9  }
0xb1: {  	_ =	task.clear_ibuf [dreg:s6], $0x5FFFF;
	_ =	strace $0x9000004F  }
0xb2: {  	s29 =	simm.s32 $0x9;
	_ =	strace $0x80000051  }
0xb3: {  	_ =	swait.ge [sflag:s29], $0x1  }
0xb4: {  	[sflag:s29] =	ssyncadd.s32 $0xFFFFFFFF  }
0xb5: {  	_ =	strace $0x90000051  }
0xb6: {  	_ =	sfence  }
0xb7: {  	s30 =	sld [smem:$0x0];
	_ =	sdelay $0x2  }
0xb8: {  	s31 =	sshll.u32 s1, $0xD;
	s1 =	sshrl.u32 s1, $0x2  }
0xb9: {  	s3 =	sand.u32 $0x4000, s31;
	s1 =	sadd.s32 s1, s30  }
0xba: {  	s0 =	sor.u32 s3, s0;
	s1 =	sshll.u32 s1, $0x11  }
0xbb: {  	s0 =	sor.u32 s1, s0  }
0xbc: {  	s0 =	sadd.s32 $0x8F2B, s0  }
0xbd: {  	[sflag:s0] =	ssyncadd.remote.s32 $0x1  }
0xbe: {  	_ =	sfence.sel $0xFFFF  }
0xbf: {  	[dreg:$0x0] =	wrdreg $0xFFFFFFFF;
	(pc) =	sbr.abs _section_cstart, $3  }
0xc0: {  	[dreg:$0x1] =	wrdreg $0xFFFFFFFF  }
0xc1: {  	_ =	task.clear_ibuf [dreg:s6], $0x2FFFF;
	_ =	strace $0x9FFFFFFF  }
0xc2: {  	(tm) =	ssettm $0x7FFFFFFF  }
0xc3: {  	_ =	shalt  }
tec
execute0_lowered:
.L_overlay_start_1:
0x0: {  	(tag) =	ssettag $0x1  }
0x1: {  	s0 =	rddreg [dreg:$0x0]  }
0x2: {  	s2 =	rddreg [dreg:$0x1];
	s1 =	srdreg.scid  }
0x3: {  	s12 =	stileid.u32;
	s3 =	simm.s32 $0x0;
	s28 =	simm.s32 $0x2  }
0x4: {  	s29 =	simm.s32 $0x180;
	s30 =	simm.s32 $0x6;
	s31 =	simm.s32 $0x280  }
0x5: {  	s1 =	sand.u32 $0x1, s1;
	s5 =	smul.u32 $0x14000, s12;
	[smem:$0x7FF] =	sst s3  }
0x6: {  	s4 =	sadd.s32 $0x6000, s0;
	s8 =	sadd.s32 $0x9E200, s0;
	s10 =	smul.u32 $0x5000, s12  }
0x7: {  	s9 =	sadd.s32 $0x41200, s0;
	s26 =	sshll.u32 s12, $0x6;
	s6 =	smul.u32 $0x140000, s1  }
0x8: {  	s7 =	sshll.u32 s1, $0x4;
	_ =	strace $0x80000050;
	[dreg:$0x3] =	wrdreg s9  }
0x9: {  	s15 =	smul.u32 $0x50000, s1;
	s1 =	ssub.s32 $0x2, s1;
	s7 =	sor.u32 s12, s7  }
0xa: {  	s11 =	sshrl.u32 s1, $0x1;
	s6 =	sadd.s32 s5, s6;
	s7 =	smul.u32 $0x5000, s7  }
0xb: {  	s1 =	ssub.s32 s1, s11;
	s16 =	sadd.s32 s10, s15;
	s5 =	sadd.s32 s5, s2  }
0xc: {  	s6 =	sshrl.u32 s6, $0x3;
	s19 =	sor.u32 $0x700, s16;
	[dreg:$0x7] =	wrdreg s5  }
0xd: {  	s1 =	smax.u32 s1, $0x1;
	s21 =	sor.u32 $0x600, s16;
	s22 =	sor.u32 $0x500, s16  }
0xe: {  	s23 =	sor.u32 $0x400, s16;
	s5 =	simm.s32 $0x4;
	s7 =	sshrl.u32 s7, $0x3  }
0xf: {  	s0 =	sadd.s32 s6, s0;
	s20 =	sshrl.u32 s19, $0x3;
	[dreg:$0x9] =	wrdreg s1  }
0x10: {  	s24 =	sshrl.u32 s22, $0x3;
	s25 =	sshrl.u32 s23, $0x3;
	s19 =	simm.s32 $0x200  }
0x11: {  	s22 =	simm.s32 $0x400;
	s23 =	simm.s32 $0x4400;
	s1 =	simm.s32 $0x3  }
0x12: {  	s6 =	sadd.s32 s8, s7;
	s0 =	sadd.s32 $0xB2200, s0;
	s13 =	sadd.s32 s20, s8  }
0x13: {  	s15 =	sadd.s32 s24, s8;
	s16 =	sadd.s32 s25, s8;
	s20 =	simm.s32 $0x300  }
0x14: {  	s24 =	sor.u32 $0x1C07, s26;
	s25 =	simm.s32 $0x1;
	s26 =	simm.s32 $0x5  }
.Ltmp0:
0x15: {  	s7 =	sadd.s32 $0x20, s6;
	[dreg:$0x8] =	wrdreg s0;
	(pc) =	sbr.rel .LBB2_1-.Ltmp0, $4  }
0x16: {  	s17 =	sadd.s32 $0x40, s6;
	s18 =	sadd.s32 $0x60, s6;
	[dreg:$0x4] =	wrdreg s7  }
0x17: {  	s0 =	sshrl.u32 s21, $0x3;
	s21 =	simm.s32 $0x80;
	[dreg:$0x5] =	wrdreg s17  }
0x18: {  	[dreg:$0x6] =	wrdreg s18;
	s14 =	sadd.s32 s0, s8;
	s17 =	simm.s32 $0x7  }
0x19: {  	s18 =	simm.s32 $0x100;
	s0 =	simm.s32 $0x380;
	s7 =	simm.s32 $0x0  }
.LBB2_4:
0x1a: {  	_ =	swait.ge [sflag:s28], $0x4000  }
0x1b: {  	[sflag:s28] =	ssyncset.done $0x0  }
0x1c: {  	[sflag:s28] =	ssyncadd.s32 $0xFFFFC000  }
0x1d: {  	[spmem:s2] =	stream.indirect.scatter.add.f32 [tilespmem:s23], [sflag:$0x7], $0x80, s0, s21, $0xb8;
	[tilespmem:$0x1C400] =	vst v63  }
0x1e: {  	_ =	swait.ge [sflag:s17], $0x4000  }
0x1f: {  	[sflag:s17] =	ssyncset.done $0x0  }
0x20: {  	[sflag:s17] =	ssyncadd.s32 $0xFFFFC000  }
0x21: {  	[bflag:$0x0] =	sbarrier.arrive $0xFFFF  }
0x22: {  	s9 =	rddreg [dreg:$0x8]  }
0x23: {  	[hbm:s9], [sflag:s24] =	dma.local [spmem:s8], $0x2800  }
0x24: {  	_ =	swait.ge [sflag:s17], $0x2800  }
0x25: {  	s7 =	sadd.s32 $0x1, s7;
	s12 =	rddreg [dreg:$0x9]  }
0x26: {  	p0 =	sne.s32 s7, s12  }
.Ltmp1:
0x27: {  	_ = 	snop;
	(pc) =	sbr.rel @!p0 .LBB2_5-.Ltmp1, $3  }
0x28: {  	_ =	sdelay $0x1  }
0x29: {  	[sflag:s17] =	ssyncset.done $0x0  }
0x2a: {  	[sflag:s17] =	ssyncadd.s32 $0xFFFFD800  }
.LBB2_1:
0x2b: {  	[tilespmem:s3], [sflag:$0x7] =	stream.linear.gather [hbm4b:s6+s3], $0x100, $0x38;
	[tilespmem:$0x1C400] =	vst v63  }
0x2c: {  	_ =	swait.ge [sflag:s17], $0x100  }
0x2d: {  	[sflag:s17] =	ssyncset.done $0x0  }
0x2e: {  	s8 =	rddreg [dreg:$0x4];
	[sflag:s17] =	ssyncadd.s32 $0xFFFFFF00  }
0x2f: {  	[tilespmem:s18], [sflag:$0x7] =	stream.linear.gather [hbm4b:s8+s3], $0x100, $0x38;
	[tilespmem:$0x1C400] =	vst v63  }
0x30: {  	_ =	swait.ge [sflag:s17], $0x100  }
0x31: {  	[sflag:s17] =	ssyncset.done $0x0  }
0x32: {  	s10 =	rddreg [dreg:$0x5];
	[sflag:s17] =	ssyncadd.s32 $0xFFFFFF00  }
0x33: {  	[tilespmem:s19], [sflag:$0x5] =	stream.linear.gather [hbm4b:s10+s3], $0x100, $0x38;
	[tilespmem:$0x1C400] =	vst v63  }
0x34: {  	s11 =	rddreg [dreg:$0x6]  }
0x35: {  	[tilespmem:s20], [sflag:$0x6] =	stream.linear.gather [hbm4b:s11+s3], $0x100, $0x38;
	[tilespmem:$0x1C400] =	vst v63  }
0x36: {  	s12 =	rddreg [dreg:$0x7]  }
0x37: {  	[tilespmem:s22], [sflag:$0x1] =	stream.indirect.gather [hbm4b:s4+s21], $0x80, s3, s21, $0xb8;
	[tilespmem:$0x1C400] =	vst v63  }
0x38: {  	s9 =	rddreg [dreg:$0x3];
	s8 =	sshrl.u32 s12, $0x3  }
0x39: {  	[tilespmem:s23], [sflag:$0x2] =	stream.indirect.gather [hbm4b:s4+s21], $0x80, s18, s21, $0xb8;
	[tilespmem:$0x1C400] =	vst v63  }
0x3a: {  	[spmem:s8], [sflag:s24] =	dma.local [hbm:s9], $0x2800  }
0x3b: {  	_ =	swait.ge [sflag:s17], $0x2800  }
0x3c: {  	[sflag:s17] =	ssyncset.done $0x0  }
0x3d: {  	[sflag:s17] =	ssyncadd.s32 $0xFFFFD800  }
0x3e: {  	s9 =	simm.s32 $0x0;
	[bflag:$0x0] =	sbarrier.arrive $0xFFFF  }
.LBB2_2:
0x3f: {  	_ =	swait.ge [sflag:s25], $0x4000  }
0x40: {  	[sflag:s25] =	ssyncset.done $0x0  }
0x41: {  	[sflag:s25] =	ssyncadd.s32 $0xFFFFC000  }
0x42: {  	[spmem:s2] =	stream.indirect.scatter.add.f32 [tilespmem:s22], [sflag:$0x7], $0x80, s21, s21, $0xb8;
	[tilespmem:$0x1C400] =	vst v63  }
0x43: {  	_ =	swait.ge [sflag:s17], $0x4000  }
0x44: {  	p0 =	seq.s32 s9, $0x980;
	[sflag:s17] =	ssyncset.done $0x0  }
0x45: {  	s10 =	sadd.s32 @!p0 s9, s16;
	s11 =	simm.s32 @!p0 $0x0;
	[sflag:s17] =	ssyncadd.s32 $0xFFFFC000  }
0x46: {  	[tilespmem:s11], [sflag:$0x3] =	stream.linear.gather @!p0 [hbm4b:s10+s11], $0x100, $0x38;
	[tilespmem:$0x1C400] =	vst v63  }
0x47: {  	_ =	swait.ge [sflag:s26], $0x100  }
0x48: {  	[sflag:s26] =	ssyncset.done $0x0  }
0x49: {  	[sflag:s26] =	ssyncadd.s32 $0xFFFFFF00  }
0x4a: {  	[tilespmem:s22], [sflag:$0x1] =	stream.indirect.gather [hbm4b:s4+s21], $0x80, s19, s21, $0xb8;
	[tilespmem:$0x1C400] =	vst v63  }
0x4b: {  	_ =	swait.ge [sflag:s28], $0x4000  }
0x4c: {  	[sflag:s28] =	ssyncset.done $0x0  }
0x4d: {  	[sflag:s28] =	ssyncadd.s32 $0xFFFFC000  }
0x4e: {  	[spmem:s2] =	stream.indirect.scatter.add.f32 [tilespmem:s23], [sflag:$0x7], $0x80, s29, s21, $0xb8;
	[tilespmem:$0x1C400] =	vst v63  }
0x4f: {  	_ =	swait.ge [sflag:s17], $0x4000  }
0x50: {  	[sflag:s17] =	ssyncset.done $0x0  }
0x51: {  	s12 =	simm.s32 @!p0 $0x100;
	s10 =	sadd.s32 @!p0 s9, s15;
	[sflag:s17] =	ssyncadd.s32 $0xFFFFC000  }
0x52: {  	[tilespmem:s12], [sflag:$0x4] =	stream.linear.gather @!p0 [hbm4b:s10+s11], $0x100, $0x38;
	[tilespmem:$0x1C400] =	vst v63  }
0x53: {  	_ =	swait.ge [sflag:s30], $0x100  }
0x54: {  	[sflag:s30] =	ssyncset.done $0x0  }
0x55: {  	[sflag:s30] =	ssyncadd.s32 $0xFFFFFF00  }
0x56: {  	[tilespmem:s23], [sflag:$0x2] =	stream.indirect.gather [hbm4b:s4+s21], $0x80, s20, s21, $0xb8;
	[tilespmem:$0x1C400] =	vst v63  }
0x57: {  	_ =	swait.ge [sflag:s25], $0x4000  }
0x58: {  	[sflag:s25] =	ssyncset.done $0x0  }
.Ltmp2:
0x59: {  	[sflag:s25] =	ssyncadd.s32 $0xFFFFC000;
	(pc) =	sbr.rel @p0 .LBB2_4-.Ltmp2, $4  }
0x5a: {  	[spmem:s2] =	stream.indirect.scatter.add.f32 [tilespmem:s22], [sflag:$0x7], $0x80, s31, s21, $0xb8;
	[tilespmem:$0x1C400] =	vst v63  }
0x5b: {  	_ =	swait.ge [sflag:s17], $0x4000  }
0x5c: {  	[sflag:s17] =	ssyncset.done $0x0  }
0x5d: {  	[sflag:s17] =	ssyncadd.s32 $0xFFFFC000  }
0x5e: {  	s10 =	sadd.s32 s9, s14  }
0x5f: {  	[tilespmem:s19], [sflag:$0x5] =	stream.linear.gather [hbm4b:s10+s3], $0x100, $0x38;
	[tilespmem:$0x1C400] =	vst v63  }
0x60: {  	_ =	swait.ge [sflag:s1], $0x100  }
0x61: {  	[sflag:s1] =	ssyncset.done $0x0  }
0x62: {  	[sflag:s1] =	ssyncadd.s32 $0xFFFFFF00  }
0x63: {  	[tilespmem:s22], [sflag:$0x1] =	stream.indirect.gather [hbm4b:s4+s21], $0x80, s3, s21, $0xb8;
	[tilespmem:$0x1C400] =	vst v63  }
0x64: {  	_ =	swait.ge [sflag:s28], $0x4000  }
0x65: {  	[sflag:s28] =	ssyncset.done $0x0  }
0x66: {  	[sflag:s28] =	ssyncadd.s32 $0xFFFFC000  }
0x67: {  	[spmem:s2] =	stream.indirect.scatter.add.f32 [tilespmem:s23], [sflag:$0x7], $0x80, s0, s21, $0xb8;
	[tilespmem:$0x1C400] =	vst v63  }
0x68: {  	_ =	swait.ge [sflag:s17], $0x4000  }
0x69: {  	[sflag:s17] =	ssyncset.done $0x0  }
0x6a: {  	s12 =	sadd.s32 s9, s13;
	[sflag:s17] =	ssyncadd.s32 $0xFFFFC000  }
0x6b: {  	[tilespmem:s20], [sflag:$0x6] =	stream.linear.gather [hbm4b:s12+s3], $0x100, $0x38;
	[tilespmem:$0x1C400] =	vst v63  }
.Ltmp3:
0x6c: {  	_ = 	snop;
	(pc) =	sbr.rel .LBB2_2-.Ltmp3, $4  }
0x6d: {  	_ =	swait.ge [sflag:s5], $0x100  }
0x6e: {  	[sflag:s5] =	ssyncset.done $0x0  }
0x6f: {  	s9 =	sadd.s32 $0x80, s9;
	[sflag:s5] =	ssyncadd.s32 $0xFFFFFF00  }
0x70: {  	[tilespmem:s23], [sflag:$0x2] =	stream.indirect.gather [hbm4b:s4+s21], $0x80, s18, s21, $0xb8;
	[tilespmem:$0x1C400] =	vst v63  }
.LBB2_5:
0x71: {  	_ =	sfence.sel $0x180000  }
0x72: {  	[bflag:$0x0] =	sbarrier.arrive $0xFFFF  }
0x73: {  	_ =	strace $0x90000050  }
0x74: {  	s0 =	stileid.u32;
	[bflag:$0x2] =	sbarrier.arrive $0xFFFF  }
0x75: {  	p0 =	sne.s32 s0, $0x0;
	s0 =	rddreg [dreg:$0x2]  }
0x76: {  	s0 =	sadd.s32 @!p0 $0x100000, s0  }
0x77: {  	[sflag:s0] =	ssyncadd.tile.s32 @!p0 $0x1;
	_ =	shalt  }
.Lfunc_end2:
_tile_overlayer_lowered:
.L_overlay_start_2:
0x78: {  	(tag) =	ssettag $0x2  }
0x79: {  	s0 =	rddreg [dreg:$0x0];
	s2 =	stileid.u32  }
0x7a: {  	s1 =	rddreg [dreg:$0x1];
	p0 =	sne.s32 s2, $0x0  }
0x7b: {  	s3 =	rddreg [dreg:$0x2];
	[bflag:$0x3] =	sbarrier.arrive $0xFFFF;
	s2 =	simm.s32 @!p0 $0x1C07  }
0x7c: {  	[timem:s3], [sflag:s2] =	dma.local @!p0 [hbm:s0], s1  }
0x7d: {  	s0 =	simm.s32 @!p0 $0x7  }
0x7e: {  	_ =	swait.ge @!p0 [sflag:s0], s1  }
0x7f: {  	s1 =	ssub.s32 @!p0 $0x0, s1;
	[sflag:s0] =	ssyncset.done @!p0 $0x0  }
0x80: {  	[sflag:s0] =	ssyncadd.s32 @!p0 s1  }
0x81: {  	[bflag:$0x3] =	sbarrier.arrive $0xFFFF  }
0x82: {  	_ =	shalt  }

</sc_bundles>
